<compile_context>
chip_gen: v7x
topology: tpu7x:2x2x1
jax: 0.10.2.dev20260603
libtpu: 0.0.44.dev20260713+nightly
codegen_flags: <defaults>
</compile_context>

<pallas_src>
import jax
import jax.numpy as jnp
from jax import lax
from jax.experimental import pallas as pl
from jax.experimental.pallas import tpu as pltpu
from jax.experimental.pallas import tpu_sc as plsc

N_RAYS = 131072
N_BINS = 128
N_SAMPLES = 128
OUT_N = N_BINS + N_SAMPLES
EPS = 1e-5
L = 16
NCHUNK = N_BINS // L

NUM_CORES = 2
NUM_SUBCORES = 16
NWORK = NUM_CORES * NUM_SUBCORES
RAYS_PER_W = N_RAYS // NWORK
CH = 64
NCH = RAYS_PER_W // CH
NBUF = 2


def _ray_body(r, b, w_v, ts_v, u_v, u_c8, lane, rampf, cdf_v, hist_v, out_v):
    jsplat = jnp.full((L,), 0, jnp.int32)
    bsplat = jnp.full((L,), b, jnp.int32)
    wv = [w_v[b, r, pl.ds(L * i, L)] for i in range(NCHUNK)]
    wv[NCHUNK - 1] = jnp.where(lane < L - 1, wv[NCHUNK - 1], 0.0)

    tot = [jnp.sum(wv[i]) for i in range(NCHUNK)]
    ws0 = tot[0]
    for i in range(1, NCHUNK):
        ws0 = ws0 + tot[i]
    pad = jnp.maximum(EPS - ws0, 0.0)
    padj = pad * (1.0 / (N_BINS - 1))
    inv = 1.0 / jnp.full((L,), ws0 + pad, jnp.float32)

    hist_v[0, pl.ds(0, L)] = jnp.where(lane == 0, 1, 0).astype(jnp.int32)
    for i in range(1, 9):
        hist_v[0, pl.ds(L * i, L)] = jnp.zeros((L,), jnp.int32)

    carry = jnp.float32(0.0)
    ones = jnp.full((L,), 1, jnp.int32)
    for i in range(NCHUNK):
        cs = plsc.cumsum(wv[i]) + (padj * rampf + (carry + (L * i) * padj))
        if i < NCHUNK - 1:
            carry = carry + tot[i]
        cdfc = jnp.minimum(cs * inv, 1.0)
        plsc.store_scatter(cdf_v, [jsplat, lane + (L * i + 1)], cdfc)
        z = cdfc * jnp.float32(N_SAMPLES - 1)
        kt = z.astype(jnp.int32)
        kt = kt + (kt.astype(jnp.float32) < z).astype(jnp.int32)
        g0 = plsc.load_gather(u_v, [jnp.maximum(kt - 1, 0)])
        g1 = plsc.load_gather(u_v, [kt])
        k_rank = (kt - 1) + (g0 < cdfc).astype(jnp.int32) + (
            g1 < cdfc
        ).astype(jnp.int32)
        k_rank = jnp.maximum(k_rank, 0)
        if i == NCHUNK - 1:
            plsc.addupdate_scatter(hist_v, [jsplat, k_rank], ones,
                                   mask=lane < L - 1)
        else:
            plsc.addupdate_scatter(hist_v, [jsplat, k_rank], ones)

    hv = [hist_v[0, pl.ds(L * i, L)] for i in range(NCHUNK)]
    htot = [jnp.sum(hv[i]) for i in range(NCHUNK)]
    new = []
    rsplat = jnp.full((L,), r, jnp.int32)
    icarry = jnp.int32(0)
    for si in range(NCHUNK):
        u_c = u_c8[si]
        lo = plsc.cumsum(hv[si]) + icarry
        if si < NCHUNK - 1:
            icarry = icarry + htot[si]
        below = jnp.maximum(lo - 1, 0)
        above = jnp.minimum(lo, N_BINS - 1)
        c0 = plsc.load_gather(cdf_v, [jsplat, below])
        c1 = plsc.load_gather(cdf_v, [jsplat, above])
        b0 = plsc.load_gather(ts_v, [bsplat, rsplat, below])
        b1 = plsc.load_gather(ts_v, [bsplat, rsplat, above])
        denom = c1 - c0
        denom = jnp.where(denom < EPS, 1.0, denom)
        t = (u_c - c0) / denom
        new.append(b0 + t * (b1 - b0))

    x = [ts_v[b, r, pl.ds(L * i, L)] for i in range(NCHUNK)]
    x += [lax.rev(new[NCHUNK - 1 - i], (0,)) for i in range(NCHUNK)]
    nv = len(x)
    stride = nv // 2
    while stride >= 1:
        for base in range(0, nv, 2 * stride):
            for off in range(stride):
                p, q = base + off, base + off + stride
                av, bv = x[p], x[q]
                x[p] = jnp.minimum(av, bv)
                x[q] = jnp.maximum(av, bv)
        stride //= 2
    for i in range(nv):
        out_v[b, r, pl.ds(L * i, L)] = jnp.sort(x[i])


def _sc_kernel(w_hbm, ts_hbm, u_hbm, out_hbm, w_v, ts_v, out_v, u_v, cdf_v,
               hist_v, sem_w, sem_t, sem_o):
    wid = lax.axis_index("s") * NUM_CORES + lax.axis_index("c")
    base0 = wid * RAYS_PER_W
    pltpu.sync_copy(u_hbm, u_v)
    lane = lax.iota(jnp.int32, L)
    rampf = (lane + 1).astype(jnp.float32)
    plsc.store_scatter(cdf_v, [jnp.full((L,), 0, jnp.int32), lane],
                       jnp.zeros((L,), jnp.float32))
    u_c8 = [u_v[pl.ds(L * i, L)] for i in range(NCHUNK)]

    def start_in(c, b):
        base = base0 + c * CH
        pltpu.make_async_copy(
            w_hbm.at[pl.ds(base, CH)], w_v.at[b], sem_w.at[b]).start()
        pltpu.make_async_copy(
            ts_hbm.at[pl.ds(base, CH)], ts_v.at[b], sem_t.at[b]).start()

    def wait_in(c, b):
        base = base0 + c * CH
        pltpu.make_async_copy(
            w_hbm.at[pl.ds(base, CH)], w_v.at[b], sem_w.at[b]).wait()
        pltpu.make_async_copy(
            ts_hbm.at[pl.ds(base, CH)], ts_v.at[b], sem_t.at[b]).wait()

    for b in range(NBUF):
        start_in(b, b)

    def group_body(g, _):
        for b in range(NBUF):
            c = g * NBUF + b
            base = base0 + c * CH
            wait_in(c, b)

            @pl.when(g > 0)
            def _drain():
                pltpu.make_async_copy(
                    out_v.at[b], out_hbm.at[pl.ds(base, CH)],
                    sem_o.at[b]).wait()

            def ray_body(rr, carry):
                _ray_body(rr, b, w_v, ts_v, u_v, u_c8, lane, rampf,
                          cdf_v, hist_v, out_v)
                return carry

            lax.fori_loop(0, CH, ray_body, 0, unroll=False)
            pltpu.make_async_copy(
                out_v.at[b], out_hbm.at[pl.ds(base, CH)], sem_o.at[b]).start()

            @pl.when(g < NCH // NBUF - 1)
            def _prefetch():
                start_in(c + NBUF, b)
        return _

    lax.fori_loop(0, NCH // NBUF, group_body, 0, unroll=False)
    for b in range(NBUF):
        pltpu.make_async_copy(
            out_v.at[b], out_hbm.at[pl.ds(base0, CH)], sem_o.at[b]).wait()


@jax.jit
def kernel(weights, ts):
    u = jnp.linspace(0.0, 1.0, N_SAMPLES, dtype=jnp.float32)
    mesh = plsc.VectorSubcoreMesh(
        core_axis_name="c", subcore_axis_name="s"
    )
    f = pl.kernel(
        _sc_kernel,
        out_type=jax.ShapeDtypeStruct((N_RAYS, OUT_N), jnp.float32),
        mesh=mesh,
        scratch_types=[
            pltpu.VMEM((NBUF, CH, N_BINS), jnp.float32),
            pltpu.VMEM((NBUF, CH, N_BINS), jnp.float32),
            pltpu.VMEM((NBUF, CH, OUT_N), jnp.float32),
            pltpu.VMEM((N_SAMPLES,), jnp.float32),
            pltpu.VMEM((1, 144), jnp.float32),
            pltpu.VMEM((1, 144), jnp.int32),
            pltpu.SemaphoreType.DMA((NBUF,)),
            pltpu.SemaphoreType.DMA((NBUF,)),
            pltpu.SemaphoreType.DMA((NBUF,)),
        ],
        compiler_params=pltpu.CompilerParams(needs_layout_passes=False),
    )
    return f(weights, ts, u)

# --- scband reference (transcript-rebuilt; emitter-appended) ---
"""Pipeline reference for scband-pdfsampler-54099408060632 (READ-ONLY COPY).

The authoritative reference and input builder live on the scoring server;
editing this copy changes nothing except your own understanding.
"""

import jax, jax.numpy as jnp
import numpy as np

N_RAYS = 131072
N_BINS = 128
NUM_SAMPLES = 128
EPS = 1e-5


def setup_inputs(seed: int = 0) -> dict:
    key = jax.random.key(seed)
    k1, k2 = jax.random.split(key)
    # ts must be sorted along the last axis (monotone sample depths along each ray)
    ts = jnp.sort(jax.random.uniform(k1, (N_RAYS, N_BINS), dtype=jnp.float32) * 6.0 + 2.0, axis=-1)
    weights = jax.random.uniform(k2, (N_RAYS, N_BINS), dtype=jnp.float32)
    return {"weights": weights, "ts": ts}


def reference(weights, ts):
    # PDFSampler.generate_ray_samples, eval path (deterministic linspace u),
    # include_original=True. Returns the sorted merged sample positions ts.
    w = weights[..., :-1]
    ws = jnp.sum(w, axis=-1, keepdims=True)
    padding = jax.nn.relu(EPS - ws)
    w = w + padding / w.shape[-1]
    ws = ws + padding
    pdf = w / ws
    cdf = jnp.minimum(jnp.ones_like(pdf), jnp.cumsum(pdf, axis=-1))
    cdf = jnp.concatenate([jnp.zeros_like(cdf[..., :1]), cdf], axis=-1)  # [N, N_BINS]
    u = jnp.linspace(0.0, 1.0, NUM_SAMPLES, dtype=jnp.float32)
    u = jnp.broadcast_to(u, (cdf.shape[0], NUM_SAMPLES))
    inds = jax.vmap(lambda c, uu: jnp.searchsorted(c, uu, side='right'))(cdf, u)
    below = jnp.maximum(jnp.zeros_like(inds), inds - 1)
    above = jnp.minimum((cdf.shape[-1] - 1) * jnp.ones_like(inds), inds)
    cdf_g0 = jnp.take_along_axis(cdf, below, axis=-1)
    cdf_g1 = jnp.take_along_axis(cdf, above, axis=-1)
    bins_g0 = jnp.take_along_axis(ts, below, axis=-1)
    bins_g1 = jnp.take_along_axis(ts, above, axis=-1)
    denom = cdf_g1 - cdf_g0
    denom = jnp.where(denom < EPS, jnp.ones_like(denom), denom)
    t = (u - cdf_g0) / denom
    new_ts = bins_g0 + t * (bins_g1 - bins_g0)
    out = jnp.sort(jnp.concatenate([ts, new_ts], axis=-1), axis=-1)
    return out

if __name__ == "__main__":
    import jax
    _d = setup_inputs()
    print(jax.jit(kernel)(*tuple(_d.values())))

</pallas_src>

<mosaic_0001>
#map = affine_map<(d0, d1) -> (0, 0)>
#map1 = affine_map<(d0, d1) -> (0)>
module attributes {stable_mosaic.version = 14 : i64} {
  func.func @_sc_kernel(%arg0: i32, %arg1: i32, %arg2: memref<131072x128xf32, #tpu.memory_space<hbm>>, %arg3: memref<131072x128xf32, #tpu.memory_space<hbm>>, %arg4: memref<128xf32, #tpu.memory_space<hbm>>, %arg5: memref<131072x256xf32, #tpu.memory_space<hbm>>, %arg6: memref<2x64x128xf32, #tpu.memory_space<vmem>>, %arg7: memref<2x64x128xf32, #tpu.memory_space<vmem>>, %arg8: memref<2x64x256xf32, #tpu.memory_space<vmem>>, %arg9: memref<128xf32, #tpu.memory_space<vmem>>, %arg10: memref<1x144xf32, #tpu.memory_space<vmem>>, %arg11: memref<1x144xi32, #tpu.memory_space<vmem>>, %arg12: memref<2x!tpu.dma_semaphore, #tpu.memory_space<semaphore_mem>>, %arg13: memref<2x!tpu.dma_semaphore, #tpu.memory_space<semaphore_mem>>, %arg14: memref<2x!tpu.dma_semaphore, #tpu.memory_space<semaphore_mem>>) attributes {dimension_semantics = [#tpu.dimension_semantics<core_parallel>, #tpu.dimension_semantics<subcore_parallel>], iteration_bounds = array<i64: 2, 16>, scalar_prefetch = 0 : i64, scratch_operands = 9 : i64, tpu.core_type = #tpu.core_type<sc_vector_subcore>, window_params = [{transform_indices = #map}, {transform_indices = #map}, {transform_indices = #map1}, {transform_indices = #map}]} {
    %mul3A = arith.constant 2 : i32
    %mul3A_0 = arith.muli %arg1, %mul3A : i32
    %add3A = arith.addi %mul3A_0, %arg0 : i32
    %mul3A_1 = arith.constant 4096 : i32
    %mul3A_2 = arith.muli %add3A, %mul3A_1 : i32
    "tpu.region"() ({
      %run_scoped3A = tpu.sem_alloc : memref<!tpu.dma_semaphore, #tpu.memory_space<semaphore_mem>>
      tpu.enqueue_dma source(%arg4 : memref<128xf32, #tpu.memory_space<hbm>>) target(%arg9 : memref<128xf32, #tpu.memory_space<vmem>>) target_semaphore(%run_scoped3A : memref<!tpu.dma_semaphore, #tpu.memory_space<semaphore_mem>>)
      tpu.wait_dma2 semaphore(%run_scoped3A : memref<!tpu.dma_semaphore, #tpu.memory_space<semaphore_mem>>) src(%arg4 : memref<128xf32, #tpu.memory_space<hbm>>) dst(%arg9 : memref<128xf32, #tpu.memory_space<vmem>>)
      tpu.yield
    }) : () -> ()
    %iota3A = tpu.iota {dimensions = array<i32: 0>} : vector<16xi32>
    %add3A_3 = arith.constant 1 : i32
    %add3A_4 = vector.broadcast %add3A_3 : i32 to vector<16xi32>
    %add3A_5 = arith.addi %iota3A, %add3A_4 : vector<16xi32>
    %convert_element_type3A = arith.sitofp %add3A_5 : vector<16xi32> to vector<16xf32>
    %broadcast_in_dim3A = arith.constant 0 : i32
    %broadcast_in_dim3A_6 = vector.broadcast %broadcast_in_dim3A : i32 to vector<16xi32>
    %broadcast_in_dim3A_7 = arith.constant 0.000000e+00 : f32
    %broadcast_in_dim3A_8 = vector.broadcast %broadcast_in_dim3A_7 : f32 to vector<16xf32>
    tpu.vector_store_idx %arg10[%broadcast_in_dim3A_6, %iota3A], %broadcast_in_dim3A_8 : memref<1x144xf32, #tpu.memory_space<vmem>>[vector<16xi32>, vector<16xi32>], vector<16xf32>,
    %get3A = arith.constant 0 : index
    %get3A_9 = tpu.vector_load %arg9[%get3A] {strides = array<i32>} : memref<128xf32, #tpu.memory_space<vmem>>, vector<16xf32>,
    %get3A_10 = arith.constant 16 : index
    %get3A_11 = tpu.vector_load %arg9[%get3A_10] {strides = array<i32>} : memref<128xf32, #tpu.memory_space<vmem>>, vector<16xf32>,
    %get3A_12 = arith.constant 32 : index
    %get3A_13 = tpu.vector_load %arg9[%get3A_12] {strides = array<i32>} : memref<128xf32, #tpu.memory_space<vmem>>, vector<16xf32>,
    %get3A_14 = arith.constant 48 : index
    %get3A_15 = tpu.vector_load %arg9[%get3A_14] {strides = array<i32>} : memref<128xf32, #tpu.memory_space<vmem>>, vector<16xf32>,
    %get3A_16 = arith.constant 64 : index
    %get3A_17 = tpu.vector_load %arg9[%get3A_16] {strides = array<i32>} : memref<128xf32, #tpu.memory_space<vmem>>, vector<16xf32>,
    %get3A_18 = arith.constant 80 : index
    %get3A_19 = tpu.vector_load %arg9[%get3A_18] {strides = array<i32>} : memref<128xf32, #tpu.memory_space<vmem>>, vector<16xf32>,
    %get3A_20 = arith.constant 96 : index
    %get3A_21 = tpu.vector_load %arg9[%get3A_20] {strides = array<i32>} : memref<128xf32, #tpu.memory_space<vmem>>, vector<16xf32>,
    %get3A_22 = arith.constant 112 : index
    %get3A_23 = tpu.vector_load %arg9[%get3A_22] {strides = array<i32>} : memref<128xf32, #tpu.memory_space<vmem>>, vector<16xf32>,
    %add3A_24 = arith.constant 0 : i32
    %add3A_25 = arith.addi %mul3A_2, %add3A_24 : i32
    %dma_start3A = arith.constant 0 : i32
    %dma_start3A_26 = arith.constant 0 : i32
    %dma_start3A_27 = arith.constant 0 : i32
    %dma_start3A_28 = arith.constant 0 : i32
    %dma_start3A_29 = tpu.memref_slice %arg6[%dma_start3A, %dma_start3A_27, %dma_start3A_28] : memref<2x64x128xf32, #tpu.memory_space<vmem>> -> memref<1x64x128xf32, #tpu.memory_space<vmem>>
    %dma_start3A_30 = tpu.memref_squeeze %dma_start3A_29 : memref<1x64x128xf32, #tpu.memory_space<vmem>> -> memref<64x128xf32, #tpu.memory_space<vmem>>
    %dma_start3A_31 = arith.constant 0 : i32
    %dma_start3A_32 = tpu.memref_slice %arg2[%add3A_25, %dma_start3A_31] : memref<131072x128xf32, #tpu.memory_space<hbm>> -> memref<64x128xf32, #tpu.memory_space<hbm>>
    %dma_start3A_33 = tpu.memref_slice %arg12[%dma_start3A_26] : memref<2x!tpu.dma_semaphore, #tpu.memory_space<semaphore_mem>> -> memref<1x!tpu.dma_semaphore, #tpu.memory_space<semaphore_mem>>
    %dma_start3A_34 = tpu.memref_squeeze %dma_start3A_33 : memref<1x!tpu.dma_semaphore, #tpu.memory_space<semaphore_mem>> -> memref<!tpu.dma_semaphore, #tpu.memory_space<semaphore_mem>>
    %dma_start3A_35 = arith.constant 0 : i32
    %dma_start3A_36 = arith.constant 0 : i32
    %dma_start3A_37 = tpu.memref_slice %arg6[%dma_start3A, %dma_start3A_35, %dma_start3A_36] : memref<2x64x128xf32, #tpu.memory_space<vmem>> -> memref<1x64x128xf32, #tpu.memory_space<vmem>>
    %dma_start3A_38 = tpu.memref_squeeze %dma_start3A_37 : memref<1x64x128xf32, #tpu.memory_space<vmem>> -> memref<64x128xf32, #tpu.memory_space<vmem>>
    %dma_start3A_39 = arith.constant 0 : i32
    %dma_start3A_40 = tpu.memref_slice %arg2[%add3A_25, %dma_start3A_39] : memref<131072x128xf32, #tpu.memory_space<hbm>> -> memref<64x128xf32, #tpu.memory_space<hbm>>
    tpu.enqueue_dma source(%dma_start3A_40 : memref<64x128xf32, #tpu.memory_space<hbm>>) target(%dma_start3A_38 : memref<64x128xf32, #tpu.memory_space<vmem>>) target_semaphore(%dma_start3A_34 : memref<!tpu.dma_semaphore, #tpu.memory_space<semaphore_mem>>)
    %dma_start3A_41 = arith.constant 0 : i32
    %dma_start3A_42 = arith.constant 0 : i32
    %dma_start3A_43 = arith.constant 0 : i32
    %dma_start3A_44 = arith.constant 0 : i32
    %dma_start3A_45 = tpu.memref_slice %arg7[%dma_start3A_41, %dma_start3A_43, %dma_start3A_44] : memref<2x64x128xf32, #tpu.memory_space<vmem>> -> memref<1x64x128xf32, #tpu.memory_space<vmem>>
    %dma_start3A_46 = tpu.memref_squeeze %dma_start3A_45 : memref<1x64x128xf32, #tpu.memory_space<vmem>> -> memref<64x128xf32, #tpu.memory_space<vmem>>
    %dma_start3A_47 = arith.constant 0 : i32
    %dma_start3A_48 = tpu.memref_slice %arg3[%add3A_25, %dma_start3A_47] : memref<131072x128xf32, #tpu.memory_space<hbm>> -> memref<64x128xf32, #tpu.memory_space<hbm>>
    %dma_start3A_49 = tpu.memref_slice %arg13[%dma_start3A_42] : memref<2x!tpu.dma_semaphore, #tpu.memory_space<semaphore_mem>> -> memref<1x!tpu.dma_semaphore, #tpu.memory_space<semaphore_mem>>
    %dma_start3A_50 = tpu.memref_squeeze %dma_start3A_49 : memref<1x!tpu.dma_semaphore, #tpu.memory_space<semaphore_mem>> -> memref<!tpu.dma_semaphore, #tpu.memory_space<semaphore_mem>>
    %dma_start3A_51 = arith.constant 0 : i32
    %dma_start3A_52 = arith.constant 0 : i32
    %dma_start3A_53 = tpu.memref_slice %arg7[%dma_start3A_41, %dma_start3A_51, %dma_start3A_52] : memref<2x64x128xf32, #tpu.memory_space<vmem>> -> memref<1x64x128xf32, #tpu.memory_space<vmem>>
    %dma_start3A_54 = tpu.memref_squeeze %dma_start3A_53 : memref<1x64x128xf32, #tpu.memory_space<vmem>> -> memref<64x128xf32, #tpu.memory_space<vmem>>
    %dma_start3A_55 = arith.constant 0 : i32
    %dma_start3A_56 = tpu.memref_slice %arg3[%add3A_25, %dma_start3A_55] : memref<131072x128xf32, #tpu.memory_space<hbm>> -> memref<64x128xf32, #tpu.memory_space<hbm>>
    tpu.enqueue_dma source(%dma_start3A_56 : memref<64x128xf32, #tpu.memory_space<hbm>>) target(%dma_start3A_54 : memref<64x128xf32, #tpu.memory_space<vmem>>) target_semaphore(%dma_start3A_50 : memref<!tpu.dma_semaphore, #tpu.memory_space<semaphore_mem>>)
    %add3A_57 = arith.constant 64 : i32
    %add3A_58 = arith.addi %mul3A_2, %add3A_57 : i32
    %dma_start3A_59 = arith.constant 1 : i32
    %dma_start3A_60 = arith.constant 1 : i32
    %dma_start3A_61 = arith.constant 0 : i32
    %dma_start3A_62 = arith.constant 0 : i32
    %dma_start3A_63 = tpu.memref_slice %arg6[%dma_start3A_59, %dma_start3A_61, %dma_start3A_62] : memref<2x64x128xf32, #tpu.memory_space<vmem>> -> memref<1x64x128xf32, #tpu.memory_space<vmem>>
    %dma_start3A_64 = tpu.memref_squeeze %dma_start3A_63 : memref<1x64x128xf32, #tpu.memory_space<vmem>> -> memref<64x128xf32, #tpu.memory_space<vmem>>
    %dma_start3A_65 = arith.constant 0 : i32
    %dma_start3A_66 = tpu.memref_slice %arg2[%add3A_58, %dma_start3A_65] : memref<131072x128xf32, #tpu.memory_space<hbm>> -> memref<64x128xf32, #tpu.memory_space<hbm>>
    %dma_start3A_67 = tpu.memref_slice %arg12[%dma_start3A_60] : memref<2x!tpu.dma_semaphore, #tpu.memory_space<semaphore_mem>> -> memref<1x!tpu.dma_semaphore, #tpu.memory_space<semaphore_mem>>
    %dma_start3A_68 = tpu.memref_squeeze %dma_start3A_67 : memref<1x!tpu.dma_semaphore, #tpu.memory_space<semaphore_mem>> -> memref<!tpu.dma_semaphore, #tpu.memory_space<semaphore_mem>>
    %dma_start3A_69 = arith.constant 0 : i32
    %dma_start3A_70 = arith.constant 0 : i32
    %dma_start3A_71 = tpu.memref_slice %arg6[%dma_start3A_59, %dma_start3A_69, %dma_start3A_70] : memref<2x64x128xf32, #tpu.memory_space<vmem>> -> memref<1x64x128xf32, #tpu.memory_space<vmem>>
    %dma_start3A_72 = tpu.memref_squeeze %dma_start3A_71 : memref<1x64x128xf32, #tpu.memory_space<vmem>> -> memref<64x128xf32, #tpu.memory_space<vmem>>
    %dma_start3A_73 = arith.constant 0 : i32
    %dma_start3A_74 = tpu.memref_slice %arg2[%add3A_58, %dma_start3A_73] : memref<131072x128xf32, #tpu.memory_space<hbm>> -> memref<64x128xf32, #tpu.memory_space<hbm>>
    tpu.enqueue_dma source(%dma_start3A_74 : memref<64x128xf32, #tpu.memory_space<hbm>>) target(%dma_start3A_72 : memref<64x128xf32, #tpu.memory_space<vmem>>) target_semaphore(%dma_start3A_68 : memref<!tpu.dma_semaphore, #tpu.memory_space<semaphore_mem>>)
    %dma_start3A_75 = arith.constant 1 : i32
    %dma_start3A_76 = arith.constant 1 : i32
    %dma_start3A_77 = arith.constant 0 : i32
    %dma_start3A_78 = arith.constant 0 : i32
    %dma_start3A_79 = tpu.memref_slice %arg7[%dma_start3A_75, %dma_start3A_77, %dma_start3A_78] : memref<2x64x128xf32, #tpu.memory_space<vmem>> -> memref<1x64x128xf32, #tpu.memory_space<vmem>>
    %dma_start3A_80 = tpu.memref_squeeze %dma_start3A_79 : memref<1x64x128xf32, #tpu.memory_space<vmem>> -> memref<64x128xf32, #tpu.memory_space<vmem>>
    %dma_start3A_81 = arith.constant 0 : i32
    %dma_start3A_82 = tpu.memref_slice %arg3[%add3A_58, %dma_start3A_81] : memref<131072x128xf32, #tpu.memory_space<hbm>> -> memref<64x128xf32, #tpu.memory_space<hbm>>
    %dma_start3A_83 = tpu.memref_slice %arg13[%dma_start3A_76] : memref<2x!tpu.dma_semaphore, #tpu.memory_space<semaphore_mem>> -> memref<1x!tpu.dma_semaphore, #tpu.memory_space<semaphore_mem>>
    %dma_start3A_84 = tpu.memref_squeeze %dma_start3A_83 : memref<1x!tpu.dma_semaphore, #tpu.memory_space<semaphore_mem>> -> memref<!tpu.dma_semaphore, #tpu.memory_space<semaphore_mem>>
    %dma_start3A_85 = arith.constant 0 : i32
    %dma_start3A_86 = arith.constant 0 : i32
    %dma_start3A_87 = tpu.memref_slice %arg7[%dma_start3A_75, %dma_start3A_85, %dma_start3A_86] : memref<2x64x128xf32, #tpu.memory_space<vmem>> -> memref<1x64x128xf32, #tpu.memory_space<vmem>>
    %dma_start3A_88 = tpu.memref_squeeze %dma_start3A_87 : memref<1x64x128xf32, #tpu.memory_space<vmem>> -> memref<64x128xf32, #tpu.memory_space<vmem>>
    %dma_start3A_89 = arith.constant 0 : i32
    %dma_start3A_90 = tpu.memref_slice %arg3[%add3A_58, %dma_start3A_89] : memref<131072x128xf32, #tpu.memory_space<hbm>> -> memref<64x128xf32, #tpu.memory_space<hbm>>
    tpu.enqueue_dma source(%dma_start3A_90 : memref<64x128xf32, #tpu.memory_space<hbm>>) target(%dma_start3A_88 : memref<64x128xf32, #tpu.memory_space<vmem>>) target_semaphore(%dma_start3A_84 : memref<!tpu.dma_semaphore, #tpu.memory_space<semaphore_mem>>)
    %scan3A = arith.constant 0 : i32
    %scan3A_91 = arith.constant 0 : i32
    %scan3A_92 = arith.constant 32 : i32
    %scan3A_93 = arith.addi %scan3A_91, %scan3A_92 : i32
    %scan3A_94 = arith.constant 1 : i32
    scf.for %scan3A_127 = %scan3A_91 to %scan3A_93 step %scan3A_94  : i32 {
      %mul3A_128 = arith.constant 2 : i32
      %mul3A_129 = arith.muli %scan3A_127, %mul3A_128 : i32
      %add3A_130 = arith.constant 0 : i32
      %add3A_131 = arith.addi %mul3A_129, %add3A_130 : i32
      %mul3A_132 = arith.constant 64 : i32
      %mul3A_133 = arith.muli %add3A_131, %mul3A_132 : i32
      %add3A_134 = arith.addi %mul3A_2, %mul3A_133 : i32
      %mul3A_135 = arith.constant 64 : i32
      %mul3A_136 = arith.muli %add3A_131, %mul3A_135 : i32
      %add3A_137 = arith.addi %mul3A_2, %mul3A_136 : i32
      %dma_wait3A_138 = arith.constant 0 : i32
      %dma_wait3A_139 = arith.constant 0 : i32
      %dma_wait3A_140 = arith.constant 0 : i32
      %dma_wait3A_141 = arith.constant 0 : i32
      %dma_wait3A_142 = tpu.memref_slice %arg6[%dma_wait3A_138, %dma_wait3A_140, %dma_wait3A_141] : memref<2x64x128xf32, #tpu.memory_space<vmem>> -> memref<1x64x128xf32, #tpu.memory_space<vmem>>
      %dma_wait3A_143 = tpu.memref_squeeze %dma_wait3A_142 : memref<1x64x128xf32, #tpu.memory_space<vmem>> -> memref<64x128xf32, #tpu.memory_space<vmem>>
      %dma_wait3A_144 = arith.constant 0 : i32
      %dma_wait3A_145 = tpu.memref_slice %arg2[%add3A_137, %dma_wait3A_144] : memref<131072x128xf32, #tpu.memory_space<hbm>> -> memref<64x128xf32, #tpu.memory_space<hbm>>
      %dma_wait3A_146 = tpu.memref_slice %arg12[%dma_wait3A_139] : memref<2x!tpu.dma_semaphore, #tpu.memory_space<semaphore_mem>> -> memref<1x!tpu.dma_semaphore, #tpu.memory_space<semaphore_mem>>
      %dma_wait3A_147 = tpu.memref_squeeze %dma_wait3A_146 : memref<1x!tpu.dma_semaphore, #tpu.memory_space<semaphore_mem>> -> memref<!tpu.dma_semaphore, #tpu.memory_space<semaphore_mem>>
      %dma_wait3A_148 = arith.constant 0 : i32
      %dma_wait3A_149 = arith.constant 0 : i32
      %dma_wait3A_150 = tpu.memref_slice %arg6[%dma_wait3A_138, %dma_wait3A_148, %dma_wait3A_149] : memref<2x64x128xf32, #tpu.memory_space<vmem>> -> memref<1x64x128xf32, #tpu.memory_space<vmem>>
      %dma_wait3A_151 = tpu.memref_squeeze %dma_wait3A_150 : memref<1x64x128xf32, #tpu.memory_space<vmem>> -> memref<64x128xf32, #tpu.memory_space<vmem>>
      %dma_wait3A_152 = arith.constant 0 : i32
      %dma_wait3A_153 = tpu.memref_slice %arg2[%add3A_137, %dma_wait3A_152] : memref<131072x128xf32, #tpu.memory_space<hbm>> -> memref<64x128xf32, #tpu.memory_space<hbm>>
      tpu.wait_dma2 semaphore(%dma_wait3A_147 : memref<!tpu.dma_semaphore, #tpu.memory_space<semaphore_mem>>) src(%dma_wait3A_153 : memref<64x128xf32, #tpu.memory_space<hbm>>) dst(%dma_wait3A_151 : memref<64x128xf32, #tpu.memory_space<vmem>>)
      %dma_wait3A_154 = arith.constant 0 : i32
      %dma_wait3A_155 = arith.constant 0 : i32
      %dma_wait3A_156 = arith.constant 0 : i32
      %dma_wait3A_157 = arith.constant 0 : i32
      %dma_wait3A_158 = tpu.memref_slice %arg7[%dma_wait3A_154, %dma_wait3A_156, %dma_wait3A_157] : memref<2x64x128xf32, #tpu.memory_space<vmem>> -> memref<1x64x128xf32, #tpu.memory_space<vmem>>
      %dma_wait3A_159 = tpu.memref_squeeze %dma_wait3A_158 : memref<1x64x128xf32, #tpu.memory_space<vmem>> -> memref<64x128xf32, #tpu.memory_space<vmem>>
      %dma_wait3A_160 = arith.constant 0 : i32
      %dma_wait3A_161 = tpu.memref_slice %arg3[%add3A_137, %dma_wait3A_160] : memref<131072x128xf32, #tpu.memory_space<hbm>> -> memref<64x128xf32, #tpu.memory_space<hbm>>
      %dma_wait3A_162 = tpu.memref_slice %arg13[%dma_wait3A_155] : memref<2x!tpu.dma_semaphore, #tpu.memory_space<semaphore_mem>> -> memref<1x!tpu.dma_semaphore, #tpu.memory_space<semaphore_mem>>
      %dma_wait3A_163 = tpu.memref_squeeze %dma_wait3A_162 : memref<1x!tpu.dma_semaphore, #tpu.memory_space<semaphore_mem>> -> memref<!tpu.dma_semaphore, #tpu.memory_space<semaphore_mem>>
      %dma_wait3A_164 = arith.constant 0 : i32
      %dma_wait3A_165 = arith.constant 0 : i32
      %dma_wait3A_166 = tpu.memref_slice %arg7[%dma_wait3A_154, %dma_wait3A_164, %dma_wait3A_165] : memref<2x64x128xf32, #tpu.memory_space<vmem>> -> memref<1x64x128xf32, #tpu.memory_space<vmem>>
      %dma_wait3A_167 = tpu.memref_squeeze %dma_wait3A_166 : memref<1x64x128xf32, #tpu.memory_space<vmem>> -> memref<64x128xf32, #tpu.memory_space<vmem>>
      %dma_wait3A_168 = arith.constant 0 : i32
      %dma_wait3A_169 = tpu.memref_slice %arg3[%add3A_137, %dma_wait3A_168] : memref<131072x128xf32, #tpu.memory_space<hbm>> -> memref<64x128xf32, #tpu.memory_space<hbm>>
      tpu.wait_dma2 semaphore(%dma_wait3A_163 : memref<!tpu.dma_semaphore, #tpu.memory_space<semaphore_mem>>) src(%dma_wait3A_169 : memref<64x128xf32, #tpu.memory_space<hbm>>) dst(%dma_wait3A_167 : memref<64x128xf32, #tpu.memory_space<vmem>>)
      %gt3A = arith.constant 0 : i32
      %gt3A_170 = arith.cmpi sgt, %scan3A_127, %gt3A : i32
      %convert_element_type3A_171 = arith.extui %gt3A_170 : i1 to i32
      %cond3A = arith.constant 0 : i32
      %cond3A_172 = arith.cmpi ne, %convert_element_type3A_171, %cond3A : i32
      scf.if %cond3A_172 {
        %dma_wait3A_273 = arith.constant 0 : i32
        %dma_wait3A_274 = arith.constant 0 : i32
        %dma_wait3A_275 = arith.constant 0 : i32
        %dma_wait3A_276 = arith.constant 0 : i32
        %dma_wait3A_277 = tpu.memref_slice %arg8[%dma_wait3A_273, %dma_wait3A_275, %dma_wait3A_276] : memref<2x64x256xf32, #tpu.memory_space<vmem>> -> memref<1x64x256xf32, #tpu.memory_space<vmem>>
        %dma_wait3A_278 = tpu.memref_squeeze %dma_wait3A_277 : memref<1x64x256xf32, #tpu.memory_space<vmem>> -> memref<64x256xf32, #tpu.memory_space<vmem>>
        %dma_wait3A_279 = arith.constant 0 : i32
        %dma_wait3A_280 = tpu.memref_slice %arg5[%add3A_134, %dma_wait3A_279] : memref<131072x256xf32, #tpu.memory_space<hbm>> -> memref<64x256xf32, #tpu.memory_space<hbm>>
        %dma_wait3A_281 = tpu.memref_slice %arg14[%dma_wait3A_274] : memref<2x!tpu.dma_semaphore, #tpu.memory_space<semaphore_mem>> -> memref<1x!tpu.dma_semaphore, #tpu.memory_space<semaphore_mem>>
        %dma_wait3A_282 = tpu.memref_squeeze %dma_wait3A_281 : memref<1x!tpu.dma_semaphore, #tpu.memory_space<semaphore_mem>> -> memref<!tpu.dma_semaphore, #tpu.memory_space<semaphore_mem>>
        %dma_wait3A_283 = arith.constant 0 : i32
        %dma_wait3A_284 = tpu.memref_slice %arg5[%add3A_134, %dma_wait3A_283] : memref<131072x256xf32, #tpu.memory_space<hbm>> -> memref<64x256xf32, #tpu.memory_space<hbm>>
        %dma_wait3A_285 = arith.constant 0 : i32
        %dma_wait3A_286 = arith.constant 0 : i32
        %dma_wait3A_287 = tpu.memref_slice %arg8[%dma_wait3A_273, %dma_wait3A_285, %dma_wait3A_286] : memref<2x64x256xf32, #tpu.memory_space<vmem>> -> memref<1x64x256xf32, #tpu.memory_space<vmem>>
        %dma_wait3A_288 = tpu.memref_squeeze %dma_wait3A_287 : memref<1x64x256xf32, #tpu.memory_space<vmem>> -> memref<64x256xf32, #tpu.memory_space<vmem>>
        tpu.wait_dma2 semaphore(%dma_wait3A_282 : memref<!tpu.dma_semaphore, #tpu.memory_space<semaphore_mem>>) src(%dma_wait3A_288 : memref<64x256xf32, #tpu.memory_space<vmem>>) dst(%dma_wait3A_284 : memref<64x256xf32, #tpu.memory_space<hbm>>)
      } else {
      }
      %scan3A_173 = arith.constant 0 : i32
      %scan3A_174 = arith.constant 0 : i32
      %scan3A_175 = arith.constant 64 : i32
      %scan3A_176 = arith.addi %scan3A_174, %scan3A_175 : i32
      %scan3A_177 = arith.constant 1 : i32
      scf.for %scan3A_273 = %scan3A_174 to %scan3A_176 step %scan3A_177  : i32 {
        %broadcast_in_dim3A_274 = arith.constant 0 : i32
        %broadcast_in_dim3A_275 = vector.broadcast %broadcast_in_dim3A_274 : i32 to vector<16xi32>
        %broadcast_in_dim3A_276 = arith.constant 0 : i32
        %broadcast_in_dim3A_277 = vector.broadcast %broadcast_in_dim3A_276 : i32 to vector<16xi32>
        %get3A_278 = arith.constant 0 : i32
        %get3A_279 = arith.index_cast %get3A_278 : i32 to index
        %get3A_280 = arith.index_cast %scan3A_273 : i32 to index
        %get3A_281 = arith.constant 0 : index
        %get3A_282 = tpu.vector_load %arg6[%get3A_279, %get3A_280, %get3A_281] {strides = array<i32>} : memref<2x64x128xf32, #tpu.memory_space<vmem>>, vector<16xf32>,
        %get3A_283 = arith.constant 0 : i32
        %get3A_284 = arith.index_cast %get3A_283 : i32 to index
        %get3A_285 = arith.index_cast %scan3A_273 : i32 to index
        %get3A_286 = arith.constant 16 : index
        %get3A_287 = tpu.vector_load %arg6[%get3A_284, %get3A_285, %get3A_286] {strides = array<i32>} : memref<2x64x128xf32, #tpu.memory_space<vmem>>, vector<16xf32>,
        %get3A_288 = arith.constant 0 : i32
        %get3A_289 = arith.index_cast %get3A_288 : i32 to index
        %get3A_290 = arith.index_cast %scan3A_273 : i32 to index
        %get3A_291 = arith.constant 32 : index
        %get3A_292 = tpu.vector_load %arg6[%get3A_289, %get3A_290, %get3A_291] {strides = array<i32>} : memref<2x64x128xf32, #tpu.memory_space<vmem>>, vector<16xf32>,
        %get3A_293 = arith.constant 0 : i32
        %get3A_294 = arith.index_cast %get3A_293 : i32 to index
        %get3A_295 = arith.index_cast %scan3A_273 : i32 to index
        %get3A_296 = arith.constant 48 : index
        %get3A_297 = tpu.vector_load %arg6[%get3A_294, %get3A_295, %get3A_296] {strides = array<i32>} : memref<2x64x128xf32, #tpu.memory_space<vmem>>, vector<16xf32>,
        %get3A_298 = arith.constant 0 : i32
        %get3A_299 = arith.index_cast %get3A_298 : i32 to index
        %get3A_300 = arith.index_cast %scan3A_273 : i32 to index
        %get3A_301 = arith.constant 64 : index
        %get3A_302 = tpu.vector_load %arg6[%get3A_299, %get3A_300, %get3A_301] {strides = array<i32>} : memref<2x64x128xf32, #tpu.memory_space<vmem>>, vector<16xf32>,
        %get3A_303 = arith.constant 0 : i32
        %get3A_304 = arith.index_cast %get3A_303 : i32 to index
        %get3A_305 = arith.index_cast %scan3A_273 : i32 to index
        %get3A_306 = arith.constant 80 : index
        %get3A_307 = tpu.vector_load %arg6[%get3A_304, %get3A_305, %get3A_306] {strides = array<i32>} : memref<2x64x128xf32, #tpu.memory_space<vmem>>, vector<16xf32>,
        %get3A_308 = arith.constant 0 : i32
        %get3A_309 = arith.index_cast %get3A_308 : i32 to index
        %get3A_310 = arith.index_cast %scan3A_273 : i32 to index
        %get3A_311 = arith.constant 96 : index
        %get3A_312 = tpu.vector_load %arg6[%get3A_309, %get3A_310, %get3A_311] {strides = array<i32>} : memref<2x64x128xf32, #tpu.memory_space<vmem>>, vector<16xf32>,
        %get3A_313 = arith.constant 0 : i32
        %get3A_314 = arith.index_cast %get3A_313 : i32 to index
        %get3A_315 = arith.index_cast %scan3A_273 : i32 to index
        %get3A_316 = arith.constant 112 : index
        %get3A_317 = tpu.vector_load %arg6[%get3A_314, %get3A_315, %get3A_316] {strides = array<i32>} : memref<2x64x128xf32, #tpu.memory_space<vmem>>, vector<16xf32>,
        %lt3A_318 = arith.constant 15 : i32
        %lt3A_319 = vector.broadcast %lt3A_318 : i32 to vector<16xi32>
        %lt3A_320 = arith.cmpi slt, %iota3A, %lt3A_319 : vector<16xi32>
        %jit3A = arith.constant 0.000000e+00 : f32
        %broadcast_in_dim3A_321 = vector.broadcast %jit3A : f32 to vector<16xf32>
        %select_n3A = arith.select %lt3A_320, %get3A_317, %broadcast_in_dim3A_321 : vector<16xi1>, vector<16xf32>
        %reduce_sum3A = arith.constant true
        %reduce_sum3A_322 = vector.broadcast %reduce_sum3A : i1 to vector<16xi1>
        %reduce_sum3A_323 = tpu.scan <sum>, %get3A_282 masked %reduce_sum3A_322 : vector<16xf32>, vector<16xi1> -> vector<16xf32>
        %reduce_sum3A_324 = vector.extract %reduce_sum3A_323[15] : f32 from vector<16xf32>
        %reduce_sum3A_325 = arith.constant true
        %reduce_sum3A_326 = vector.broadcast %reduce_sum3A_325 : i1 to vector<16xi1>
        %reduce_sum3A_327 = tpu.scan <sum>, %get3A_287 masked %reduce_sum3A_326 : vector<16xf32>, vector<16xi1> -> vector<16xf32>
        %reduce_sum3A_328 = vector.extract %reduce_sum3A_327[15] : f32 from vector<16xf32>
        %reduce_sum3A_329 = arith.constant true
        %reduce_sum3A_330 = vector.broadcast %reduce_sum3A_329 : i1 to vector<16xi1>
        %reduce_sum3A_331 = tpu.scan <sum>, %get3A_292 masked %reduce_sum3A_330 : vector<16xf32>, vector<16xi1> -> vector<16xf32>
        %reduce_sum3A_332 = vector.extract %reduce_sum3A_331[15] : f32 from vector<16xf32>
        %reduce_sum3A_333 = arith.constant true
        %reduce_sum3A_334 = vector.broadcast %reduce_sum3A_333 : i1 to vector<16xi1>
        %reduce_sum3A_335 = tpu.scan <sum>, %get3A_297 masked %reduce_sum3A_334 : vector<16xf32>, vector<16xi1> -> vector<16xf32>
        %reduce_sum3A_336 = vector.extract %reduce_sum3A_335[15] : f32 from vector<16xf32>
        %reduce_sum3A_337 = arith.constant true
        %reduce_sum3A_338 = vector.broadcast %reduce_sum3A_337 : i1 to vector<16xi1>
        %reduce_sum3A_339 = tpu.scan <sum>, %get3A_302 masked %reduce_sum3A_338 : vector<16xf32>, vector<16xi1> -> vector<16xf32>
        %reduce_sum3A_340 = vector.extract %reduce_sum3A_339[15] : f32 from vector<16xf32>
        %reduce_sum3A_341 = arith.constant true
        %reduce_sum3A_342 = vector.broadcast %reduce_sum3A_341 : i1 to vector<16xi1>
        %reduce_sum3A_343 = tpu.scan <sum>, %get3A_307 masked %reduce_sum3A_342 : vector<16xf32>, vector<16xi1> -> vector<16xf32>
        %reduce_sum3A_344 = vector.extract %reduce_sum3A_343[15] : f32 from vector<16xf32>
        %reduce_sum3A_345 = arith.constant true
        %reduce_sum3A_346 = vector.broadcast %reduce_sum3A_345 : i1 to vector<16xi1>
        %reduce_sum3A_347 = tpu.scan <sum>, %get3A_312 masked %reduce_sum3A_346 : vector<16xf32>, vector<16xi1> -> vector<16xf32>
        %reduce_sum3A_348 = vector.extract %reduce_sum3A_347[15] : f32 from vector<16xf32>
        %reduce_sum3A_349 = arith.constant true
        %reduce_sum3A_350 = vector.broadcast %reduce_sum3A_349 : i1 to vector<16xi1>
        %reduce_sum3A_351 = tpu.scan <sum>, %select_n3A masked %reduce_sum3A_350 : vector<16xf32>, vector<16xi1> -> vector<16xf32>
        %reduce_sum3A_352 = vector.extract %reduce_sum3A_351[15] : f32 from vector<16xf32>
        %add3A_353 = arith.addf %reduce_sum3A_324, %reduce_sum3A_328 : f32
        %add3A_354 = arith.addf %add3A_353, %reduce_sum3A_332 : f32
        %add3A_355 = arith.addf %add3A_354, %reduce_sum3A_336 : f32
        %add3A_356 = arith.addf %add3A_355, %reduce_sum3A_340 : f32
        %add3A_357 = arith.addf %add3A_356, %reduce_sum3A_344 : f32
        %add3A_358 = arith.addf %add3A_357, %reduce_sum3A_348 : f32
        %add3A_359 = arith.addf %add3A_358, %reduce_sum3A_352 : f32
        %sub3A = arith.constant 9.99999974E-6 : f32
        %sub3A_360 = arith.subf %sub3A, %add3A_359 : f32
        %max3A = arith.constant 0.000000e+00 : f32
        %max3A_361 = arith.maximumf %sub3A_360, %max3A : f32
        %mul3A_362 = arith.constant 0.00787401571 : f32
        %mul3A_363 = arith.mulf %max3A_361, %mul3A_362 : f32
        %add3A_364 = arith.addf %add3A_359, %max3A_361 : f32
        %broadcast_in_dim3A_365 = vector.broadcast %add3A_364 : f32 to vector<16xf32>
        %div3A = arith.constant 1.000000e+00 : f32
        %div3A_366 = vector.broadcast %div3A : f32 to vector<16xf32>
        %div3A_367 = arith.divf %div3A_366, %broadcast_in_dim3A_365 : vector<16xf32>
        %eq3A = arith.constant 0 : i32
        %eq3A_368 = vector.broadcast %eq3A : i32 to vector<16xi32>
        %eq3A_369 = arith.cmpi eq, %iota3A, %eq3A_368 : vector<16xi32>
        %jit3A_370 = arith.constant 1 : i32
        %jit3A_371 = arith.constant 0 : i32
        %broadcast_in_dim3A_372 = vector.broadcast %jit3A_370 : i32 to vector<16xi32>
        %broadcast_in_dim3A_373 = vector.broadcast %jit3A_371 : i32 to vector<16xi32>
        %select_n3A_374 = arith.select %eq3A_369, %broadcast_in_dim3A_372, %broadcast_in_dim3A_373 : vector<16xi1>, vector<16xi32>
        %swap3A = arith.constant 0 : i32
        %swap3A_375 = arith.index_cast %swap3A : i32 to index
        %swap3A_376 = arith.constant 0 : index
        %swap3A_377 = tpu.vector_load %arg11[%swap3A_375, %swap3A_376] {strides = array<i32>} : memref<1x144xi32, #tpu.memory_space<vmem>>, vector<16xi32>,
        tpu.vector_store %arg11[%swap3A_375, %swap3A_376], %select_n3A_374 {strides = array<i32>} : memref<1x144xi32, #tpu.memory_space<vmem>>, vector<16xi32>,
        %broadcast_in_dim3A_378 = arith.constant 0 : i32
        %broadcast_in_dim3A_379 = vector.broadcast %broadcast_in_dim3A_378 : i32 to vector<16xi32>
        %swap3A_380 = arith.constant 0 : i32
        %swap3A_381 = arith.index_cast %swap3A_380 : i32 to index
        %swap3A_382 = arith.constant 16 : index
        %swap3A_383 = tpu.vector_load %arg11[%swap3A_381, %swap3A_382] {strides = array<i32>} : memref<1x144xi32, #tpu.memory_space<vmem>>, vector<16xi32>,
        tpu.vector_store %arg11[%swap3A_381, %swap3A_382], %broadcast_in_dim3A_379 {strides = array<i32>} : memref<1x144xi32, #tpu.memory_space<vmem>>, vector<16xi32>,
        %broadcast_in_dim3A_384 = arith.constant 0 : i32
        %broadcast_in_dim3A_385 = vector.broadcast %broadcast_in_dim3A_384 : i32 to vector<16xi32>
        %swap3A_386 = arith.constant 0 : i32
        %swap3A_387 = arith.index_cast %swap3A_386 : i32 to index
        %swap3A_388 = arith.constant 32 : index
        %swap3A_389 = tpu.vector_load %arg11[%swap3A_387, %swap3A_388] {strides = array<i32>} : memref<1x144xi32, #tpu.memory_space<vmem>>, vector<16xi32>,
        tpu.vector_store %arg11[%swap3A_387, %swap3A_388], %broadcast_in_dim3A_385 {strides = array<i32>} : memref<1x144xi32, #tpu.memory_space<vmem>>, vector<16xi32>,
        %broadcast_in_dim3A_390 = arith.constant 0 : i32
        %broadcast_in_dim3A_391 = vector.broadcast %broadcast_in_dim3A_390 : i32 to vector<16xi32>
        %swap3A_392 = arith.constant 0 : i32
        %swap3A_393 = arith.index_cast %swap3A_392 : i32 to index
        %swap3A_394 = arith.constant 48 : index
        %swap3A_395 = tpu.vector_load %arg11[%swap3A_393, %swap3A_394] {strides = array<i32>} : memref<1x144xi32, #tpu.memory_space<vmem>>, vector<16xi32>,
        tpu.vector_store %arg11[%swap3A_393, %swap3A_394], %broadcast_in_dim3A_391 {strides = array<i32>} : memref<1x144xi32, #tpu.memory_space<vmem>>, vector<16xi32>,
        %broadcast_in_dim3A_396 = arith.constant 0 : i32
        %broadcast_in_dim3A_397 = vector.broadcast %broadcast_in_dim3A_396 : i32 to vector<16xi32>
        %swap3A_398 = arith.constant 0 : i32
        %swap3A_399 = arith.index_cast %swap3A_398 : i32 to index
        %swap3A_400 = arith.constant 64 : index
        %swap3A_401 = tpu.vector_load %arg11[%swap3A_399, %swap3A_400] {strides = array<i32>} : memref<1x144xi32, #tpu.memory_space<vmem>>, vector<16xi32>,
        tpu.vector_store %arg11[%swap3A_399, %swap3A_400], %broadcast_in_dim3A_397 {strides = array<i32>} : memref<1x144xi32, #tpu.memory_space<vmem>>, vector<16xi32>,
        %broadcast_in_dim3A_402 = arith.constant 0 : i32
        %broadcast_in_dim3A_403 = vector.broadcast %broadcast_in_dim3A_402 : i32 to vector<16xi32>
        %swap3A_404 = arith.constant 0 : i32
        %swap3A_405 = arith.index_cast %swap3A_404 : i32 to index
        %swap3A_406 = arith.constant 80 : index
        %swap3A_407 = tpu.vector_load %arg11[%swap3A_405, %swap3A_406] {strides = array<i32>} : memref<1x144xi32, #tpu.memory_space<vmem>>, vector<16xi32>,
        tpu.vector_store %arg11[%swap3A_405, %swap3A_406], %broadcast_in_dim3A_403 {strides = array<i32>} : memref<1x144xi32, #tpu.memory_space<vmem>>, vector<16xi32>,
        %broadcast_in_dim3A_408 = arith.constant 0 : i32
        %broadcast_in_dim3A_409 = vector.broadcast %broadcast_in_dim3A_408 : i32 to vector<16xi32>
        %swap3A_410 = arith.constant 0 : i32
        %swap3A_411 = arith.index_cast %swap3A_410 : i32 to index
        %swap3A_412 = arith.constant 96 : index
        %swap3A_413 = tpu.vector_load %arg11[%swap3A_411, %swap3A_412] {strides = array<i32>} : memref<1x144xi32, #tpu.memory_space<vmem>>, vector<16xi32>,
        tpu.vector_store %arg11[%swap3A_411, %swap3A_412], %broadcast_in_dim3A_409 {strides = array<i32>} : memref<1x144xi32, #tpu.memory_space<vmem>>, vector<16xi32>,
        %broadcast_in_dim3A_414 = arith.constant 0 : i32
        %broadcast_in_dim3A_415 = vector.broadcast %broadcast_in_dim3A_414 : i32 to vector<16xi32>
        %swap3A_416 = arith.constant 0 : i32
        %swap3A_417 = arith.index_cast %swap3A_416 : i32 to index
        %swap3A_418 = arith.constant 112 : index
        %swap3A_419 = tpu.vector_load %arg11[%swap3A_417, %swap3A_418] {strides = array<i32>} : memref<1x144xi32, #tpu.memory_space<vmem>>, vector<16xi32>,
        tpu.vector_store %arg11[%swap3A_417, %swap3A_418], %broadcast_in_dim3A_415 {strides = array<i32>} : memref<1x144xi32, #tpu.memory_space<vmem>>, vector<16xi32>,
        %broadcast_in_dim3A_420 = arith.constant 0 : i32
        %broadcast_in_dim3A_421 = vector.broadcast %broadcast_in_dim3A_420 : i32 to vector<16xi32>
        %swap3A_422 = arith.constant 0 : i32
        %swap3A_423 = arith.index_cast %swap3A_422 : i32 to index
        %swap3A_424 = arith.constant 128 : index
        %swap3A_425 = tpu.vector_load %arg11[%swap3A_423, %swap3A_424] {strides = array<i32>} : memref<1x144xi32, #tpu.memory_space<vmem>>, vector<16xi32>,
        tpu.vector_store %arg11[%swap3A_423, %swap3A_424], %broadcast_in_dim3A_421 {strides = array<i32>} : memref<1x144xi32, #tpu.memory_space<vmem>>, vector<16xi32>,
        %broadcast_in_dim3A_426 = arith.constant 1 : i32
        %broadcast_in_dim3A_427 = vector.broadcast %broadcast_in_dim3A_426 : i32 to vector<16xi32>
        %broadcast_in_dim3A_428 = arith.constant true
        %broadcast_in_dim3A_429 = vector.broadcast %broadcast_in_dim3A_428 : i1 to vector<16xi1>
        %masked_cumsum3A = tpu.scan <sum>, %get3A_282 masked %broadcast_in_dim3A_429 : vector<16xf32>, vector<16xi1> -> vector<16xf32>
        %mul3A_430 = vector.broadcast %mul3A_363 : f32 to vector<16xf32>
        %mul3A_431 = arith.mulf %mul3A_430, %convert_element_type3A : vector<16xf32>
        %mul3A_432 = arith.constant 0.000000e+00 : f32
        %mul3A_433 = arith.mulf %mul3A_432, %mul3A_363 : f32
        %add3A_434 = arith.constant 0.000000e+00 : f32
        %add3A_435 = arith.addf %add3A_434, %mul3A_433 : f32
        %add3A_436 = vector.broadcast %add3A_435 : f32 to vector<16xf32>
        %add3A_437 = arith.addf %mul3A_431, %add3A_436 : vector<16xf32>
        %add3A_438 = arith.addf %masked_cumsum3A, %add3A_437 : vector<16xf32>
        %add3A_439 = arith.constant 0.000000e+00 : f32
        %add3A_440 = arith.addf %add3A_439, %reduce_sum3A_324 : f32
        %mul3A_441 = arith.mulf %add3A_438, %div3A_367 : vector<16xf32>
        %min3A = arith.constant 1.000000e+00 : f32
        %min3A_442 = vector.broadcast %min3A : f32 to vector<16xf32>
        %min3A_443 = arith.minimumf %mul3A_441, %min3A_442 : vector<16xf32>
        %add3A_444 = arith.constant 1 : i32
        %add3A_445 = vector.broadcast %add3A_444 : i32 to vector<16xi32>
        %add3A_446 = arith.addi %iota3A, %add3A_445 : vector<16xi32>
        tpu.vector_store_idx %arg10[%broadcast_in_dim3A_275, %add3A_446], %min3A_443 : memref<1x144xf32, #tpu.memory_space<vmem>>[vector<16xi32>, vector<16xi32>], vector<16xf32>,
        %mul3A_447 = arith.constant 1.270000e+02 : f32
        %mul3A_448 = vector.broadcast %mul3A_447 : f32 to vector<16xf32>
        %mul3A_449 = arith.mulf %min3A_443, %mul3A_448 : vector<16xf32>
        %convert_element_type3A_450 = arith.fptosi %mul3A_449 : vector<16xf32> to vector<16xi32>
        %convert_element_type3A_451 = arith.sitofp %convert_element_type3A_450 : vector<16xi32> to vector<16xf32>
        %lt3A_452 = arith.cmpf olt, %convert_element_type3A_451, %mul3A_449 : vector<16xf32>
        %convert_element_type3A_453 = arith.extui %lt3A_452 : vector<16xi1> to vector<16xi32>
        %add3A_454 = arith.addi %convert_element_type3A_450, %convert_element_type3A_453 : vector<16xi32>
        %sub3A_455 = arith.constant 1 : i32
        %sub3A_456 = vector.broadcast %sub3A_455 : i32 to vector<16xi32>
        %sub3A_457 = arith.subi %add3A_454, %sub3A_456 : vector<16xi32>
        %max3A_458 = arith.constant 0 : i32
        %max3A_459 = vector.broadcast %max3A_458 : i32 to vector<16xi32>
        %max3A_460 = arith.maxsi %sub3A_457, %max3A_459 : vector<16xi32>
        %gather3A = tpu.vector_load_idx %arg9[%max3A_460] : memref<128xf32, #tpu.memory_space<vmem>>[vector<16xi32>], vector<16xf32>,
        %gather3A_461 = tpu.vector_load_idx %arg9[%add3A_454] : memref<128xf32, #tpu.memory_space<vmem>>[vector<16xi32>], vector<16xf32>,
        %sub3A_462 = arith.constant 1 : i32
        %sub3A_463 = vector.broadcast %sub3A_462 : i32 to vector<16xi32>
        %sub3A_464 = arith.subi %add3A_454, %sub3A_463 : vector<16xi32>
        %lt3A_465 = arith.cmpf olt, %gather3A, %min3A_443 : vector<16xf32>
        %convert_element_type3A_466 = arith.extui %lt3A_465 : vector<16xi1> to vector<16xi32>
        %add3A_467 = arith.addi %sub3A_464, %convert_element_type3A_466 : vector<16xi32>
        %lt3A_468 = arith.cmpf olt, %gather3A_461, %min3A_443 : vector<16xf32>
        %convert_element_type3A_469 = arith.extui %lt3A_468 : vector<16xi1> to vector<16xi32>
        %add3A_470 = arith.addi %add3A_467, %convert_element_type3A_469 : vector<16xi32>
        %max3A_471 = arith.constant 0 : i32
        %max3A_472 = vector.broadcast %max3A_471 : i32 to vector<16xi32>
        %max3A_473 = arith.maxsi %add3A_470, %max3A_472 : vector<16xi32>
        tpu.vector_store_idx %arg11[%broadcast_in_dim3A_275, %max3A_473], %broadcast_in_dim3A_427 {add = true} : memref<1x144xi32, #tpu.memory_space<vmem>>[vector<16xi32>, vector<16xi32>], vector<16xi32>,
        %broadcast_in_dim3A_474 = arith.constant true
        %broadcast_in_dim3A_475 = vector.broadcast %broadcast_in_dim3A_474 : i1 to vector<16xi1>
        %masked_cumsum3A_476 = tpu.scan <sum>, %get3A_287 masked %broadcast_in_dim3A_475 : vector<16xf32>, vector<16xi1> -> vector<16xf32>
        %mul3A_477 = vector.broadcast %mul3A_363 : f32 to vector<16xf32>
        %mul3A_478 = arith.mulf %mul3A_477, %convert_element_type3A : vector<16xf32>
        %mul3A_479 = arith.constant 1.600000e+01 : f32
        %mul3A_480 = arith.mulf %mul3A_479, %mul3A_363 : f32
        %add3A_481 = arith.addf %add3A_440, %mul3A_480 : f32
        %add3A_482 = vector.broadcast %add3A_481 : f32 to vector<16xf32>
        %add3A_483 = arith.addf %mul3A_478, %add3A_482 : vector<16xf32>
        %add3A_484 = arith.addf %masked_cumsum3A_476, %add3A_483 : vector<16xf32>
        %add3A_485 = arith.addf %add3A_440, %reduce_sum3A_328 : f32
        %mul3A_486 = arith.mulf %add3A_484, %div3A_367 : vector<16xf32>
        %min3A_487 = arith.constant 1.000000e+00 : f32
        %min3A_488 = vector.broadcast %min3A_487 : f32 to vector<16xf32>
        %min3A_489 = arith.minimumf %mul3A_486, %min3A_488 : vector<16xf32>
        %add3A_490 = arith.constant 17 : i32
        %add3A_491 = vector.broadcast %add3A_490 : i32 to vector<16xi32>
        %add3A_492 = arith.addi %iota3A, %add3A_491 : vector<16xi32>
        tpu.vector_store_idx %arg10[%broadcast_in_dim3A_275, %add3A_492], %min3A_489 : memref<1x144xf32, #tpu.memory_space<vmem>>[vector<16xi32>, vector<16xi32>], vector<16xf32>,
        %mul3A_493 = arith.constant 1.270000e+02 : f32
        %mul3A_494 = vector.broadcast %mul3A_493 : f32 to vector<16xf32>
        %mul3A_495 = arith.mulf %min3A_489, %mul3A_494 : vector<16xf32>
        %convert_element_type3A_496 = arith.fptosi %mul3A_495 : vector<16xf32> to vector<16xi32>
        %convert_element_type3A_497 = arith.sitofp %convert_element_type3A_496 : vector<16xi32> to vector<16xf32>
        %lt3A_498 = arith.cmpf olt, %convert_element_type3A_497, %mul3A_495 : vector<16xf32>
        %convert_element_type3A_499 = arith.extui %lt3A_498 : vector<16xi1> to vector<16xi32>
        %add3A_500 = arith.addi %convert_element_type3A_496, %convert_element_type3A_499 : vector<16xi32>
        %sub3A_501 = arith.constant 1 : i32
        %sub3A_502 = vector.broadcast %sub3A_501 : i32 to vector<16xi32>
        %sub3A_503 = arith.subi %add3A_500, %sub3A_502 : vector<16xi32>
        %max3A_504 = arith.constant 0 : i32
        %max3A_505 = vector.broadcast %max3A_504 : i32 to vector<16xi32>
        %max3A_506 = arith.maxsi %sub3A_503, %max3A_505 : vector<16xi32>
        %gather3A_507 = tpu.vector_load_idx %arg9[%max3A_506] : memref<128xf32, #tpu.memory_space<vmem>>[vector<16xi32>], vector<16xf32>,
        %gather3A_508 = tpu.vector_load_idx %arg9[%add3A_500] : memref<128xf32, #tpu.memory_space<vmem>>[vector<16xi32>], vector<16xf32>,
        %sub3A_509 = arith.constant 1 : i32
        %sub3A_510 = vector.broadcast %sub3A_509 : i32 to vector<16xi32>
        %sub3A_511 = arith.subi %add3A_500, %sub3A_510 : vector<16xi32>
        %lt3A_512 = arith.cmpf olt, %gather3A_507, %min3A_489 : vector<16xf32>
        %convert_element_type3A_513 = arith.extui %lt3A_512 : vector<16xi1> to vector<16xi32>
        %add3A_514 = arith.addi %sub3A_511, %convert_element_type3A_513 : vector<16xi32>
        %lt3A_515 = arith.cmpf olt, %gather3A_508, %min3A_489 : vector<16xf32>
        %convert_element_type3A_516 = arith.extui %lt3A_515 : vector<16xi1> to vector<16xi32>
        %add3A_517 = arith.addi %add3A_514, %convert_element_type3A_516 : vector<16xi32>
        %max3A_518 = arith.constant 0 : i32
        %max3A_519 = vector.broadcast %max3A_518 : i32 to vector<16xi32>
        %max3A_520 = arith.maxsi %add3A_517, %max3A_519 : vector<16xi32>
        tpu.vector_store_idx %arg11[%broadcast_in_dim3A_275, %max3A_520], %broadcast_in_dim3A_427 {add = true} : memref<1x144xi32, #tpu.memory_space<vmem>>[vector<16xi32>, vector<16xi32>], vector<16xi32>,
        %broadcast_in_dim3A_521 = arith.constant true
        %broadcast_in_dim3A_522 = vector.broadcast %broadcast_in_dim3A_521 : i1 to vector<16xi1>
        %masked_cumsum3A_523 = tpu.scan <sum>, %get3A_292 masked %broadcast_in_dim3A_522 : vector<16xf32>, vector<16xi1> -> vector<16xf32>
        %mul3A_524 = vector.broadcast %mul3A_363 : f32 to vector<16xf32>
        %mul3A_525 = arith.mulf %mul3A_524, %convert_element_type3A : vector<16xf32>
        %mul3A_526 = arith.constant 3.200000e+01 : f32
        %mul3A_527 = arith.mulf %mul3A_526, %mul3A_363 : f32
        %add3A_528 = arith.addf %add3A_485, %mul3A_527 : f32
        %add3A_529 = vector.broadcast %add3A_528 : f32 to vector<16xf32>
        %add3A_530 = arith.addf %mul3A_525, %add3A_529 : vector<16xf32>
        %add3A_531 = arith.addf %masked_cumsum3A_523, %add3A_530 : vector<16xf32>
        %add3A_532 = arith.addf %add3A_485, %reduce_sum3A_332 : f32
        %mul3A_533 = arith.mulf %add3A_531, %div3A_367 : vector<16xf32>
        %min3A_534 = arith.constant 1.000000e+00 : f32
        %min3A_535 = vector.broadcast %min3A_534 : f32 to vector<16xf32>
        %min3A_536 = arith.minimumf %mul3A_533, %min3A_535 : vector<16xf32>
        %add3A_537 = arith.constant 33 : i32
        %add3A_538 = vector.broadcast %add3A_537 : i32 to vector<16xi32>
        %add3A_539 = arith.addi %iota3A, %add3A_538 : vector<16xi32>
        tpu.vector_store_idx %arg10[%broadcast_in_dim3A_275, %add3A_539], %min3A_536 : memref<1x144xf32, #tpu.memory_space<vmem>>[vector<16xi32>, vector<16xi32>], vector<16xf32>,
        %mul3A_540 = arith.constant 1.270000e+02 : f32
        %mul3A_541 = vector.broadcast %mul3A_540 : f32 to vector<16xf32>
        %mul3A_542 = arith.mulf %min3A_536, %mul3A_541 : vector<16xf32>
        %convert_element_type3A_543 = arith.fptosi %mul3A_542 : vector<16xf32> to vector<16xi32>
        %convert_element_type3A_544 = arith.sitofp %convert_element_type3A_543 : vector<16xi32> to vector<16xf32>
        %lt3A_545 = arith.cmpf olt, %convert_element_type3A_544, %mul3A_542 : vector<16xf32>
        %convert_element_type3A_546 = arith.extui %lt3A_545 : vector<16xi1> to vector<16xi32>
        %add3A_547 = arith.addi %convert_element_type3A_543, %convert_element_type3A_546 : vector<16xi32>
        %sub3A_548 = arith.constant 1 : i32
        %sub3A_549 = vector.broadcast %sub3A_548 : i32 to vector<16xi32>
        %sub3A_550 = arith.subi %add3A_547, %sub3A_549 : vector<16xi32>
        %max3A_551 = arith.constant 0 : i32
        %max3A_552 = vector.broadcast %max3A_551 : i32 to vector<16xi32>
        %max3A_553 = arith.maxsi %sub3A_550, %max3A_552 : vector<16xi32>
        %gather3A_554 = tpu.vector_load_idx %arg9[%max3A_553] : memref<128xf32, #tpu.memory_space<vmem>>[vector<16xi32>], vector<16xf32>,
        %gather3A_555 = tpu.vector_load_idx %arg9[%add3A_547] : memref<128xf32, #tpu.memory_space<vmem>>[vector<16xi32>], vector<16xf32>,
        %sub3A_556 = arith.constant 1 : i32
        %sub3A_557 = vector.broadcast %sub3A_556 : i32 to vector<16xi32>
        %sub3A_558 = arith.subi %add3A_547, %sub3A_557 : vector<16xi32>
        %lt3A_559 = arith.cmpf olt, %gather3A_554, %min3A_536 : vector<16xf32>
        %convert_element_type3A_560 = arith.extui %lt3A_559 : vector<16xi1> to vector<16xi32>
        %add3A_561 = arith.addi %sub3A_558, %convert_element_type3A_560 : vector<16xi32>
        %lt3A_562 = arith.cmpf olt, %gather3A_555, %min3A_536 : vector<16xf32>
        %convert_element_type3A_563 = arith.extui %lt3A_562 : vector<16xi1> to vector<16xi32>
        %add3A_564 = arith.addi %add3A_561, %convert_element_type3A_563 : vector<16xi32>
        %max3A_565 = arith.constant 0 : i32
        %max3A_566 = vector.broadcast %max3A_565 : i32 to vector<16xi32>
        %max3A_567 = arith.maxsi %add3A_564, %max3A_566 : vector<16xi32>
        tpu.vector_store_idx %arg11[%broadcast_in_dim3A_275, %max3A_567], %broadcast_in_dim3A_427 {add = true} : memref<1x144xi32, #tpu.memory_space<vmem>>[vector<16xi32>, vector<16xi32>], vector<16xi32>,
        %broadcast_in_dim3A_568 = arith.constant true
        %broadcast_in_dim3A_569 = vector.broadcast %broadcast_in_dim3A_568 : i1 to vector<16xi1>
        %masked_cumsum3A_570 = tpu.scan <sum>, %get3A_297 masked %broadcast_in_dim3A_569 : vector<16xf32>, vector<16xi1> -> vector<16xf32>
        %mul3A_571 = vector.broadcast %mul3A_363 : f32 to vector<16xf32>
        %mul3A_572 = arith.mulf %mul3A_571, %convert_element_type3A : vector<16xf32>
        %mul3A_573 = arith.constant 4.800000e+01 : f32
        %mul3A_574 = arith.mulf %mul3A_573, %mul3A_363 : f32
        %add3A_575 = arith.addf %add3A_532, %mul3A_574 : f32
        %add3A_576 = vector.broadcast %add3A_575 : f32 to vector<16xf32>
        %add3A_577 = arith.addf %mul3A_572, %add3A_576 : vector<16xf32>
        %add3A_578 = arith.addf %masked_cumsum3A_570, %add3A_577 : vector<16xf32>
        %add3A_579 = arith.addf %add3A_532, %reduce_sum3A_336 : f32
        %mul3A_580 = arith.mulf %add3A_578, %div3A_367 : vector<16xf32>
        %min3A_581 = arith.constant 1.000000e+00 : f32
        %min3A_582 = vector.broadcast %min3A_581 : f32 to vector<16xf32>
        %min3A_583 = arith.minimumf %mul3A_580, %min3A_582 : vector<16xf32>
        %add3A_584 = arith.constant 49 : i32
        %add3A_585 = vector.broadcast %add3A_584 : i32 to vector<16xi32>
        %add3A_586 = arith.addi %iota3A, %add3A_585 : vector<16xi32>
        tpu.vector_store_idx %arg10[%broadcast_in_dim3A_275, %add3A_586], %min3A_583 : memref<1x144xf32, #tpu.memory_space<vmem>>[vector<16xi32>, vector<16xi32>], vector<16xf32>,
        %mul3A_587 = arith.constant 1.270000e+02 : f32
        %mul3A_588 = vector.broadcast %mul3A_587 : f32 to vector<16xf32>
        %mul3A_589 = arith.mulf %min3A_583, %mul3A_588 : vector<16xf32>
        %convert_element_type3A_590 = arith.fptosi %mul3A_589 : vector<16xf32> to vector<16xi32>
        %convert_element_type3A_591 = arith.sitofp %convert_element_type3A_590 : vector<16xi32> to vector<16xf32>
        %lt3A_592 = arith.cmpf olt, %convert_element_type3A_591, %mul3A_589 : vector<16xf32>
        %convert_element_type3A_593 = arith.extui %lt3A_592 : vector<16xi1> to vector<16xi32>
        %add3A_594 = arith.addi %convert_element_type3A_590, %convert_element_type3A_593 : vector<16xi32>
        %sub3A_595 = arith.constant 1 : i32
        %sub3A_596 = vector.broadcast %sub3A_595 : i32 to vector<16xi32>
        %sub3A_597 = arith.subi %add3A_594, %sub3A_596 : vector<16xi32>
        %max3A_598 = arith.constant 0 : i32
        %max3A_599 = vector.broadcast %max3A_598 : i32 to vector<16xi32>
        %max3A_600 = arith.maxsi %sub3A_597, %max3A_599 : vector<16xi32>
        %gather3A_601 = tpu.vector_load_idx %arg9[%max3A_600] : memref<128xf32, #tpu.memory_space<vmem>>[vector<16xi32>], vector<16xf32>,
        %gather3A_602 = tpu.vector_load_idx %arg9[%add3A_594] : memref<128xf32, #tpu.memory_space<vmem>>[vector<16xi32>], vector<16xf32>,
        %sub3A_603 = arith.constant 1 : i32
        %sub3A_604 = vector.broadcast %sub3A_603 : i32 to vector<16xi32>
        %sub3A_605 = arith.subi %add3A_594, %sub3A_604 : vector<16xi32>
        %lt3A_606 = arith.cmpf olt, %gather3A_601, %min3A_583 : vector<16xf32>
        %convert_element_type3A_607 = arith.extui %lt3A_606 : vector<16xi1> to vector<16xi32>
        %add3A_608 = arith.addi %sub3A_605, %convert_element_type3A_607 : vector<16xi32>
        %lt3A_609 = arith.cmpf olt, %gather3A_602, %min3A_583 : vector<16xf32>
        %convert_element_type3A_610 = arith.extui %lt3A_609 : vector<16xi1> to vector<16xi32>
        %add3A_611 = arith.addi %add3A_608, %convert_element_type3A_610 : vector<16xi32>
        %max3A_612 = arith.constant 0 : i32
        %max3A_613 = vector.broadcast %max3A_612 : i32 to vector<16xi32>
        %max3A_614 = arith.maxsi %add3A_611, %max3A_613 : vector<16xi32>
        tpu.vector_store_idx %arg11[%broadcast_in_dim3A_275, %max3A_614], %broadcast_in_dim3A_427 {add = true} : memref<1x144xi32, #tpu.memory_space<vmem>>[vector<16xi32>, vector<16xi32>], vector<16xi32>,
        %broadcast_in_dim3A_615 = arith.constant true
        %broadcast_in_dim3A_616 = vector.broadcast %broadcast_in_dim3A_615 : i1 to vector<16xi1>
        %masked_cumsum3A_617 = tpu.scan <sum>, %get3A_302 masked %broadcast_in_dim3A_616 : vector<16xf32>, vector<16xi1> -> vector<16xf32>
        %mul3A_618 = vector.broadcast %mul3A_363 : f32 to vector<16xf32>
        %mul3A_619 = arith.mulf %mul3A_618, %convert_element_type3A : vector<16xf32>
        %mul3A_620 = arith.constant 6.400000e+01 : f32
        %mul3A_621 = arith.mulf %mul3A_620, %mul3A_363 : f32
        %add3A_622 = arith.addf %add3A_579, %mul3A_621 : f32
        %add3A_623 = vector.broadcast %add3A_622 : f32 to vector<16xf32>
        %add3A_624 = arith.addf %mul3A_619, %add3A_623 : vector<16xf32>
        %add3A_625 = arith.addf %masked_cumsum3A_617, %add3A_624 : vector<16xf32>
        %add3A_626 = arith.addf %add3A_579, %reduce_sum3A_340 : f32
        %mul3A_627 = arith.mulf %add3A_625, %div3A_367 : vector<16xf32>
        %min3A_628 = arith.constant 1.000000e+00 : f32
        %min3A_629 = vector.broadcast %min3A_628 : f32 to vector<16xf32>
        %min3A_630 = arith.minimumf %mul3A_627, %min3A_629 : vector<16xf32>
        %add3A_631 = arith.constant 65 : i32
        %add3A_632 = vector.broadcast %add3A_631 : i32 to vector<16xi32>
        %add3A_633 = arith.addi %iota3A, %add3A_632 : vector<16xi32>
        tpu.vector_store_idx %arg10[%broadcast_in_dim3A_275, %add3A_633], %min3A_630 : memref<1x144xf32, #tpu.memory_space<vmem>>[vector<16xi32>, vector<16xi32>], vector<16xf32>,
        %mul3A_634 = arith.constant 1.270000e+02 : f32
        %mul3A_635 = vector.broadcast %mul3A_634 : f32 to vector<16xf32>
        %mul3A_636 = arith.mulf %min3A_630, %mul3A_635 : vector<16xf32>
        %convert_element_type3A_637 = arith.fptosi %mul3A_636 : vector<16xf32> to vector<16xi32>
        %convert_element_type3A_638 = arith.sitofp %convert_element_type3A_637 : vector<16xi32> to vector<16xf32>
        %lt3A_639 = arith.cmpf olt, %convert_element_type3A_638, %mul3A_636 : vector<16xf32>
        %convert_element_type3A_640 = arith.extui %lt3A_639 : vector<16xi1> to vector<16xi32>
        %add3A_641 = arith.addi %convert_element_type3A_637, %convert_element_type3A_640 : vector<16xi32>
        %sub3A_642 = arith.constant 1 : i32
        %sub3A_643 = vector.broadcast %sub3A_642 : i32 to vector<16xi32>
        %sub3A_644 = arith.subi %add3A_641, %sub3A_643 : vector<16xi32>
        %max3A_645 = arith.constant 0 : i32
        %max3A_646 = vector.broadcast %max3A_645 : i32 to vector<16xi32>
        %max3A_647 = arith.maxsi %sub3A_644, %max3A_646 : vector<16xi32>
        %gather3A_648 = tpu.vector_load_idx %arg9[%max3A_647] : memref<128xf32, #tpu.memory_space<vmem>>[vector<16xi32>], vector<16xf32>,
        %gather3A_649 = tpu.vector_load_idx %arg9[%add3A_641] : memref<128xf32, #tpu.memory_space<vmem>>[vector<16xi32>], vector<16xf32>,
        %sub3A_650 = arith.constant 1 : i32
        %sub3A_651 = vector.broadcast %sub3A_650 : i32 to vector<16xi32>
        %sub3A_652 = arith.subi %add3A_641, %sub3A_651 : vector<16xi32>
        %lt3A_653 = arith.cmpf olt, %gather3A_648, %min3A_630 : vector<16xf32>
        %convert_element_type3A_654 = arith.extui %lt3A_653 : vector<16xi1> to vector<16xi32>
        %add3A_655 = arith.addi %sub3A_652, %convert_element_type3A_654 : vector<16xi32>
        %lt3A_656 = arith.cmpf olt, %gather3A_649, %min3A_630 : vector<16xf32>
        %convert_element_type3A_657 = arith.extui %lt3A_656 : vector<16xi1> to vector<16xi32>
        %add3A_658 = arith.addi %add3A_655, %convert_element_type3A_657 : vector<16xi32>
        %max3A_659 = arith.constant 0 : i32
        %max3A_660 = vector.broadcast %max3A_659 : i32 to vector<16xi32>
        %max3A_661 = arith.maxsi %add3A_658, %max3A_660 : vector<16xi32>
        tpu.vector_store_idx %arg11[%broadcast_in_dim3A_275, %max3A_661], %broadcast_in_dim3A_427 {add = true} : memref<1x144xi32, #tpu.memory_space<vmem>>[vector<16xi32>, vector<16xi32>], vector<16xi32>,
        %broadcast_in_dim3A_662 = arith.constant true
        %broadcast_in_dim3A_663 = vector.broadcast %broadcast_in_dim3A_662 : i1 to vector<16xi1>
        %masked_cumsum3A_664 = tpu.scan <sum>, %get3A_307 masked %broadcast_in_dim3A_663 : vector<16xf32>, vector<16xi1> -> vector<16xf32>
        %mul3A_665 = vector.broadcast %mul3A_363 : f32 to vector<16xf32>
        %mul3A_666 = arith.mulf %mul3A_665, %convert_element_type3A : vector<16xf32>
        %mul3A_667 = arith.constant 8.000000e+01 : f32
        %mul3A_668 = arith.mulf %mul3A_667, %mul3A_363 : f32
        %add3A_669 = arith.addf %add3A_626, %mul3A_668 : f32
        %add3A_670 = vector.broadcast %add3A_669 : f32 to vector<16xf32>
        %add3A_671 = arith.addf %mul3A_666, %add3A_670 : vector<16xf32>
        %add3A_672 = arith.addf %masked_cumsum3A_664, %add3A_671 : vector<16xf32>
        %add3A_673 = arith.addf %add3A_626, %reduce_sum3A_344 : f32
        %mul3A_674 = arith.mulf %add3A_672, %div3A_367 : vector<16xf32>
        %min3A_675 = arith.constant 1.000000e+00 : f32
        %min3A_676 = vector.broadcast %min3A_675 : f32 to vector<16xf32>
        %min3A_677 = arith.minimumf %mul3A_674, %min3A_676 : vector<16xf32>
        %add3A_678 = arith.constant 81 : i32
        %add3A_679 = vector.broadcast %add3A_678 : i32 to vector<16xi32>
        %add3A_680 = arith.addi %iota3A, %add3A_679 : vector<16xi32>
        tpu.vector_store_idx %arg10[%broadcast_in_dim3A_275, %add3A_680], %min3A_677 : memref<1x144xf32, #tpu.memory_space<vmem>>[vector<16xi32>, vector<16xi32>], vector<16xf32>,
        %mul3A_681 = arith.constant 1.270000e+02 : f32
        %mul3A_682 = vector.broadcast %mul3A_681 : f32 to vector<16xf32>
        %mul3A_683 = arith.mulf %min3A_677, %mul3A_682 : vector<16xf32>
        %convert_element_type3A_684 = arith.fptosi %mul3A_683 : vector<16xf32> to vector<16xi32>
        %convert_element_type3A_685 = arith.sitofp %convert_element_type3A_684 : vector<16xi32> to vector<16xf32>
        %lt3A_686 = arith.cmpf olt, %convert_element_type3A_685, %mul3A_683 : vector<16xf32>
        %convert_element_type3A_687 = arith.extui %lt3A_686 : vector<16xi1> to vector<16xi32>
        %add3A_688 = arith.addi %convert_element_type3A_684, %convert_element_type3A_687 : vector<16xi32>
        %sub3A_689 = arith.constant 1 : i32
        %sub3A_690 = vector.broadcast %sub3A_689 : i32 to vector<16xi32>
        %sub3A_691 = arith.subi %add3A_688, %sub3A_690 : vector<16xi32>
        %max3A_692 = arith.constant 0 : i32
        %max3A_693 = vector.broadcast %max3A_692 : i32 to vector<16xi32>
        %max3A_694 = arith.maxsi %sub3A_691, %max3A_693 : vector<16xi32>
        %gather3A_695 = tpu.vector_load_idx %arg9[%max3A_694] : memref<128xf32, #tpu.memory_space<vmem>>[vector<16xi32>], vector<16xf32>,
        %gather3A_696 = tpu.vector_load_idx %arg9[%add3A_688] : memref<128xf32, #tpu.memory_space<vmem>>[vector<16xi32>], vector<16xf32>,
        %sub3A_697 = arith.constant 1 : i32
        %sub3A_698 = vector.broadcast %sub3A_697 : i32 to vector<16xi32>
        %sub3A_699 = arith.subi %add3A_688, %sub3A_698 : vector<16xi32>
        %lt3A_700 = arith.cmpf olt, %gather3A_695, %min3A_677 : vector<16xf32>
        %convert_element_type3A_701 = arith.extui %lt3A_700 : vector<16xi1> to vector<16xi32>
        %add3A_702 = arith.addi %sub3A_699, %convert_element_type3A_701 : vector<16xi32>
        %lt3A_703 = arith.cmpf olt, %gather3A_696, %min3A_677 : vector<16xf32>
        %convert_element_type3A_704 = arith.extui %lt3A_703 : vector<16xi1> to vector<16xi32>
        %add3A_705 = arith.addi %add3A_702, %convert_element_type3A_704 : vector<16xi32>
        %max3A_706 = arith.constant 0 : i32
        %max3A_707 = vector.broadcast %max3A_706 : i32 to vector<16xi32>
        %max3A_708 = arith.maxsi %add3A_705, %max3A_707 : vector<16xi32>
        tpu.vector_store_idx %arg11[%broadcast_in_dim3A_275, %max3A_708], %broadcast_in_dim3A_427 {add = true} : memref<1x144xi32, #tpu.memory_space<vmem>>[vector<16xi32>, vector<16xi32>], vector<16xi32>,
        %broadcast_in_dim3A_709 = arith.constant true
        %broadcast_in_dim3A_710 = vector.broadcast %broadcast_in_dim3A_709 : i1 to vector<16xi1>
        %masked_cumsum3A_711 = tpu.scan <sum>, %get3A_312 masked %broadcast_in_dim3A_710 : vector<16xf32>, vector<16xi1> -> vector<16xf32>
        %mul3A_712 = vector.broadcast %mul3A_363 : f32 to vector<16xf32>
        %mul3A_713 = arith.mulf %mul3A_712, %convert_element_type3A : vector<16xf32>
        %mul3A_714 = arith.constant 9.600000e+01 : f32
        %mul3A_715 = arith.mulf %mul3A_714, %mul3A_363 : f32
        %add3A_716 = arith.addf %add3A_673, %mul3A_715 : f32
        %add3A_717 = vector.broadcast %add3A_716 : f32 to vector<16xf32>
        %add3A_718 = arith.addf %mul3A_713, %add3A_717 : vector<16xf32>
        %add3A_719 = arith.addf %masked_cumsum3A_711, %add3A_718 : vector<16xf32>
        %add3A_720 = arith.addf %add3A_673, %reduce_sum3A_348 : f32
        %mul3A_721 = arith.mulf %add3A_719, %div3A_367 : vector<16xf32>
        %min3A_722 = arith.constant 1.000000e+00 : f32
        %min3A_723 = vector.broadcast %min3A_722 : f32 to vector<16xf32>
        %min3A_724 = arith.minimumf %mul3A_721, %min3A_723 : vector<16xf32>
        %add3A_725 = arith.constant 97 : i32
        %add3A_726 = vector.broadcast %add3A_725 : i32 to vector<16xi32>
        %add3A_727 = arith.addi %iota3A, %add3A_726 : vector<16xi32>
        tpu.vector_store_idx %arg10[%broadcast_in_dim3A_275, %add3A_727], %min3A_724 : memref<1x144xf32, #tpu.memory_space<vmem>>[vector<16xi32>, vector<16xi32>], vector<16xf32>,
        %mul3A_728 = arith.constant 1.270000e+02 : f32
        %mul3A_729 = vector.broadcast %mul3A_728 : f32 to vector<16xf32>
        %mul3A_730 = arith.mulf %min3A_724, %mul3A_729 : vector<16xf32>
        %convert_element_type3A_731 = arith.fptosi %mul3A_730 : vector<16xf32> to vector<16xi32>
        %convert_element_type3A_732 = arith.sitofp %convert_element_type3A_731 : vector<16xi32> to vector<16xf32>
        %lt3A_733 = arith.cmpf olt, %convert_element_type3A_732, %mul3A_730 : vector<16xf32>
        %convert_element_type3A_734 = arith.extui %lt3A_733 : vector<16xi1> to vector<16xi32>
        %add3A_735 = arith.addi %convert_element_type3A_731, %convert_element_type3A_734 : vector<16xi32>
        %sub3A_736 = arith.constant 1 : i32
        %sub3A_737 = vector.broadcast %sub3A_736 : i32 to vector<16xi32>
        %sub3A_738 = arith.subi %add3A_735, %sub3A_737 : vector<16xi32>
        %max3A_739 = arith.constant 0 : i32
        %max3A_740 = vector.broadcast %max3A_739 : i32 to vector<16xi32>
        %max3A_741 = arith.maxsi %sub3A_738, %max3A_740 : vector<16xi32>
        %gather3A_742 = tpu.vector_load_idx %arg9[%max3A_741] : memref<128xf32, #tpu.memory_space<vmem>>[vector<16xi32>], vector<16xf32>,
        %gather3A_743 = tpu.vector_load_idx %arg9[%add3A_735] : memref<128xf32, #tpu.memory_space<vmem>>[vector<16xi32>], vector<16xf32>,
        %sub3A_744 = arith.constant 1 : i32
        %sub3A_745 = vector.broadcast %sub3A_744 : i32 to vector<16xi32>
        %sub3A_746 = arith.subi %add3A_735, %sub3A_745 : vector<16xi32>
        %lt3A_747 = arith.cmpf olt, %gather3A_742, %min3A_724 : vector<16xf32>
        %convert_element_type3A_748 = arith.extui %lt3A_747 : vector<16xi1> to vector<16xi32>
        %add3A_749 = arith.addi %sub3A_746, %convert_element_type3A_748 : vector<16xi32>
        %lt3A_750 = arith.cmpf olt, %gather3A_743, %min3A_724 : vector<16xf32>
        %convert_element_type3A_751 = arith.extui %lt3A_750 : vector<16xi1> to vector<16xi32>
        %add3A_752 = arith.addi %add3A_749, %convert_element_type3A_751 : vector<16xi32>
        %max3A_753 = arith.constant 0 : i32
        %max3A_754 = vector.broadcast %max3A_753 : i32 to vector<16xi32>
        %max3A_755 = arith.maxsi %add3A_752, %max3A_754 : vector<16xi32>
        tpu.vector_store_idx %arg11[%broadcast_in_dim3A_275, %max3A_755], %broadcast_in_dim3A_427 {add = true} : memref<1x144xi32, #tpu.memory_space<vmem>>[vector<16xi32>, vector<16xi32>], vector<16xi32>,
        %broadcast_in_dim3A_756 = arith.constant true
        %broadcast_in_dim3A_757 = vector.broadcast %broadcast_in_dim3A_756 : i1 to vector<16xi1>
        %masked_cumsum3A_758 = tpu.scan <sum>, %select_n3A masked %broadcast_in_dim3A_757 : vector<16xf32>, vector<16xi1> -> vector<16xf32>
        %mul3A_759 = vector.broadcast %mul3A_363 : f32 to vector<16xf32>
        %mul3A_760 = arith.mulf %mul3A_759, %convert_element_type3A : vector<16xf32>
        %mul3A_761 = arith.constant 1.120000e+02 : f32
        %mul3A_762 = arith.mulf %mul3A_761, %mul3A_363 : f32
        %add3A_763 = arith.addf %add3A_720, %mul3A_762 : f32
        %add3A_764 = vector.broadcast %add3A_763 : f32 to vector<16xf32>
        %add3A_765 = arith.addf %mul3A_760, %add3A_764 : vector<16xf32>
        %add3A_766 = arith.addf %masked_cumsum3A_758, %add3A_765 : vector<16xf32>
        %mul3A_767 = arith.mulf %add3A_766, %div3A_367 : vector<16xf32>
        %min3A_768 = arith.constant 1.000000e+00 : f32
        %min3A_769 = vector.broadcast %min3A_768 : f32 to vector<16xf32>
        %min3A_770 = arith.minimumf %mul3A_767, %min3A_769 : vector<16xf32>
        %add3A_771 = arith.constant 113 : i32
        %add3A_772 = vector.broadcast %add3A_771 : i32 to vector<16xi32>
        %add3A_773 = arith.addi %iota3A, %add3A_772 : vector<16xi32>
        tpu.vector_store_idx %arg10[%broadcast_in_dim3A_275, %add3A_773], %min3A_770 : memref<1x144xf32, #tpu.memory_space<vmem>>[vector<16xi32>, vector<16xi32>], vector<16xf32>,
        %mul3A_774 = arith.constant 1.270000e+02 : f32
        %mul3A_775 = vector.broadcast %mul3A_774 : f32 to vector<16xf32>
        %mul3A_776 = arith.mulf %min3A_770, %mul3A_775 : vector<16xf32>
        %convert_element_type3A_777 = arith.fptosi %mul3A_776 : vector<16xf32> to vector<16xi32>
        %convert_element_type3A_778 = arith.sitofp %convert_element_type3A_777 : vector<16xi32> to vector<16xf32>
        %lt3A_779 = arith.cmpf olt, %convert_element_type3A_778, %mul3A_776 : vector<16xf32>
        %convert_element_type3A_780 = arith.extui %lt3A_779 : vector<16xi1> to vector<16xi32>
        %add3A_781 = arith.addi %convert_element_type3A_777, %convert_element_type3A_780 : vector<16xi32>
        %sub3A_782 = arith.constant 1 : i32
        %sub3A_783 = vector.broadcast %sub3A_782 : i32 to vector<16xi32>
        %sub3A_784 = arith.subi %add3A_781, %sub3A_783 : vector<16xi32>
        %max3A_785 = arith.constant 0 : i32
        %max3A_786 = vector.broadcast %max3A_785 : i32 to vector<16xi32>
        %max3A_787 = arith.maxsi %sub3A_784, %max3A_786 : vector<16xi32>
        %gather3A_788 = tpu.vector_load_idx %arg9[%max3A_787] : memref<128xf32, #tpu.memory_space<vmem>>[vector<16xi32>], vector<16xf32>,
        %gather3A_789 = tpu.vector_load_idx %arg9[%add3A_781] : memref<128xf32, #tpu.memory_space<vmem>>[vector<16xi32>], vector<16xf32>,
        %sub3A_790 = arith.constant 1 : i32
        %sub3A_791 = vector.broadcast %sub3A_790 : i32 to vector<16xi32>
        %sub3A_792 = arith.subi %add3A_781, %sub3A_791 : vector<16xi32>
        %lt3A_793 = arith.cmpf olt, %gather3A_788, %min3A_770 : vector<16xf32>
        %convert_element_type3A_794 = arith.extui %lt3A_793 : vector<16xi1> to vector<16xi32>
        %add3A_795 = arith.addi %sub3A_792, %convert_element_type3A_794 : vector<16xi32>
        %lt3A_796 = arith.cmpf olt, %gather3A_789, %min3A_770 : vector<16xf32>
        %convert_element_type3A_797 = arith.extui %lt3A_796 : vector<16xi1> to vector<16xi32>
        %add3A_798 = arith.addi %add3A_795, %convert_element_type3A_797 : vector<16xi32>
        %max3A_799 = arith.constant 0 : i32
        %max3A_800 = vector.broadcast %max3A_799 : i32 to vector<16xi32>
        %max3A_801 = arith.maxsi %add3A_798, %max3A_800 : vector<16xi32>
        %lt3A_802 = arith.constant 15 : i32
        %lt3A_803 = vector.broadcast %lt3A_802 : i32 to vector<16xi32>
        %lt3A_804 = arith.cmpi slt, %iota3A, %lt3A_803 : vector<16xi32>
        tpu.vector_store_idx %arg11[%broadcast_in_dim3A_275, %max3A_801], %broadcast_in_dim3A_427 masked %lt3A_804 {add = true} : memref<1x144xi32, #tpu.memory_space<vmem>>[vector<16xi32>, vector<16xi32>], vector<16xi32>, vector<16xi1>
        %get3A_805 = arith.constant 0 : i32
        %get3A_806 = arith.index_cast %get3A_805 : i32 to index
        %get3A_807 = arith.constant 0 : index
        %get3A_808 = tpu.vector_load %arg11[%get3A_806, %get3A_807] {strides = array<i32>} : memref<1x144xi32, #tpu.memory_space<vmem>>, vector<16xi32>,
        %get3A_809 = arith.constant 0 : i32
        %get3A_810 = arith.index_cast %get3A_809 : i32 to index
        %get3A_811 = arith.constant 16 : index
        %get3A_812 = tpu.vector_load %arg11[%get3A_810, %get3A_811] {strides = array<i32>} : memref<1x144xi32, #tpu.memory_space<vmem>>, vector<16xi32>,
        %get3A_813 = arith.constant 0 : i32
        %get3A_814 = arith.index_cast %get3A_813 : i32 to index
        %get3A_815 = arith.constant 32 : index
        %get3A_816 = tpu.vector_load %arg11[%get3A_814, %get3A_815] {strides = array<i32>} : memref<1x144xi32, #tpu.memory_space<vmem>>, vector<16xi32>,
        %get3A_817 = arith.constant 0 : i32
        %get3A_818 = arith.index_cast %get3A_817 : i32 to index
        %get3A_819 = arith.constant 48 : index
        %get3A_820 = tpu.vector_load %arg11[%get3A_818, %get3A_819] {strides = array<i32>} : memref<1x144xi32, #tpu.memory_space<vmem>>, vector<16xi32>,
        %get3A_821 = arith.constant 0 : i32
        %get3A_822 = arith.index_cast %get3A_821 : i32 to index
        %get3A_823 = arith.constant 64 : index
        %get3A_824 = tpu.vector_load %arg11[%get3A_822, %get3A_823] {strides = array<i32>} : memref<1x144xi32, #tpu.memory_space<vmem>>, vector<16xi32>,
        %get3A_825 = arith.constant 0 : i32
        %get3A_826 = arith.index_cast %get3A_825 : i32 to index
        %get3A_827 = arith.constant 80 : index
        %get3A_828 = tpu.vector_load %arg11[%get3A_826, %get3A_827] {strides = array<i32>} : memref<1x144xi32, #tpu.memory_space<vmem>>, vector<16xi32>,
        %get3A_829 = arith.constant 0 : i32
        %get3A_830 = arith.index_cast %get3A_829 : i32 to index
        %get3A_831 = arith.constant 96 : index
        %get3A_832 = tpu.vector_load %arg11[%get3A_830, %get3A_831] {strides = array<i32>} : memref<1x144xi32, #tpu.memory_space<vmem>>, vector<16xi32>,
        %get3A_833 = arith.constant 0 : i32
        %get3A_834 = arith.index_cast %get3A_833 : i32 to index
        %get3A_835 = arith.constant 112 : index
        %get3A_836 = tpu.vector_load %arg11[%get3A_834, %get3A_835] {strides = array<i32>} : memref<1x144xi32, #tpu.memory_space<vmem>>, vector<16xi32>,
        %reduce_sum3A_837 = arith.constant true
        %reduce_sum3A_838 = vector.broadcast %reduce_sum3A_837 : i1 to vector<16xi1>
        %reduce_sum3A_839 = tpu.scan <sum>, %get3A_808 masked %reduce_sum3A_838 : vector<16xi32>, vector<16xi1> -> vector<16xi32>
        %reduce_sum3A_840 = vector.extract %reduce_sum3A_839[15] : i32 from vector<16xi32>
        %reduce_sum3A_841 = arith.constant true
        %reduce_sum3A_842 = vector.broadcast %reduce_sum3A_841 : i1 to vector<16xi1>
        %reduce_sum3A_843 = tpu.scan <sum>, %get3A_812 masked %reduce_sum3A_842 : vector<16xi32>, vector<16xi1> -> vector<16xi32>
        %reduce_sum3A_844 = vector.extract %reduce_sum3A_843[15] : i32 from vector<16xi32>
        %reduce_sum3A_845 = arith.constant true
        %reduce_sum3A_846 = vector.broadcast %reduce_sum3A_845 : i1 to vector<16xi1>
        %reduce_sum3A_847 = tpu.scan <sum>, %get3A_816 masked %reduce_sum3A_846 : vector<16xi32>, vector<16xi1> -> vector<16xi32>
        %reduce_sum3A_848 = vector.extract %reduce_sum3A_847[15] : i32 from vector<16xi32>
        %reduce_sum3A_849 = arith.constant true
        %reduce_sum3A_850 = vector.broadcast %reduce_sum3A_849 : i1 to vector<16xi1>
        %reduce_sum3A_851 = tpu.scan <sum>, %get3A_820 masked %reduce_sum3A_850 : vector<16xi32>, vector<16xi1> -> vector<16xi32>
        %reduce_sum3A_852 = vector.extract %reduce_sum3A_851[15] : i32 from vector<16xi32>
        %reduce_sum3A_853 = arith.constant true
        %reduce_sum3A_854 = vector.broadcast %reduce_sum3A_853 : i1 to vector<16xi1>
        %reduce_sum3A_855 = tpu.scan <sum>, %get3A_824 masked %reduce_sum3A_854 : vector<16xi32>, vector<16xi1> -> vector<16xi32>
        %reduce_sum3A_856 = vector.extract %reduce_sum3A_855[15] : i32 from vector<16xi32>
        %reduce_sum3A_857 = arith.constant true
        %reduce_sum3A_858 = vector.broadcast %reduce_sum3A_857 : i1 to vector<16xi1>
        %reduce_sum3A_859 = tpu.scan <sum>, %get3A_828 masked %reduce_sum3A_858 : vector<16xi32>, vector<16xi1> -> vector<16xi32>
        %reduce_sum3A_860 = vector.extract %reduce_sum3A_859[15] : i32 from vector<16xi32>
        %reduce_sum3A_861 = arith.constant true
        %reduce_sum3A_862 = vector.broadcast %reduce_sum3A_861 : i1 to vector<16xi1>
        %reduce_sum3A_863 = tpu.scan <sum>, %get3A_832 masked %reduce_sum3A_862 : vector<16xi32>, vector<16xi1> -> vector<16xi32>
        %reduce_sum3A_864 = vector.extract %reduce_sum3A_863[15] : i32 from vector<16xi32>
        %reduce_sum3A_865 = arith.constant true
        %reduce_sum3A_866 = vector.broadcast %reduce_sum3A_865 : i1 to vector<16xi1>
        %reduce_sum3A_867 = tpu.scan <sum>, %get3A_836 masked %reduce_sum3A_866 : vector<16xi32>, vector<16xi1> -> vector<16xi32>
        %reduce_sum3A_868 = vector.extract %reduce_sum3A_867[15] : i32 from vector<16xi32>
        %broadcast_in_dim3A_869 = vector.broadcast %scan3A_273 : i32 to vector<16xi32>
        %broadcast_in_dim3A_870 = arith.constant true
        %broadcast_in_dim3A_871 = vector.broadcast %broadcast_in_dim3A_870 : i1 to vector<16xi1>
        %masked_cumsum3A_872 = tpu.scan <sum>, %get3A_808 masked %broadcast_in_dim3A_871 : vector<16xi32>, vector<16xi1> -> vector<16xi32>
        %add3A_873 = arith.constant 0 : i32
        %add3A_874 = vector.broadcast %add3A_873 : i32 to vector<16xi32>
        %add3A_875 = arith.addi %masked_cumsum3A_872, %add3A_874 : vector<16xi32>
        %add3A_876 = arith.constant 0 : i32
        %add3A_877 = arith.addi %add3A_876, %reduce_sum3A_840 : i32
        %sub3A_878 = arith.constant 1 : i32
        %sub3A_879 = vector.broadcast %sub3A_878 : i32 to vector<16xi32>
        %sub3A_880 = arith.subi %add3A_875, %sub3A_879 : vector<16xi32>
        %max3A_881 = arith.constant 0 : i32
        %max3A_882 = vector.broadcast %max3A_881 : i32 to vector<16xi32>
        %max3A_883 = arith.maxsi %sub3A_880, %max3A_882 : vector<16xi32>
        %min3A_884 = arith.constant 127 : i32
        %min3A_885 = vector.broadcast %min3A_884 : i32 to vector<16xi32>
        %min3A_886 = arith.minsi %add3A_875, %min3A_885 : vector<16xi32>
        %gather3A_887 = tpu.vector_load_idx %arg10[%broadcast_in_dim3A_275, %max3A_883] : memref<1x144xf32, #tpu.memory_space<vmem>>[vector<16xi32>, vector<16xi32>], vector<16xf32>,
        %gather3A_888 = tpu.vector_load_idx %arg10[%broadcast_in_dim3A_275, %min3A_886] : memref<1x144xf32, #tpu.memory_space<vmem>>[vector<16xi32>, vector<16xi32>], vector<16xf32>,
        %gather3A_889 = tpu.vector_load_idx %arg7[%broadcast_in_dim3A_277, %broadcast_in_dim3A_869, %max3A_883] : memref<2x64x128xf32, #tpu.memory_space<vmem>>[vector<16xi32>, vector<16xi32>, vector<16xi32>], vector<16xf32>,
        %gather3A_890 = tpu.vector_load_idx %arg7[%broadcast_in_dim3A_277, %broadcast_in_dim3A_869, %min3A_886] : memref<2x64x128xf32, #tpu.memory_space<vmem>>[vector<16xi32>, vector<16xi32>, vector<16xi32>], vector<16xf32>,
        %sub3A_891 = arith.subf %gather3A_888, %gather3A_887 : vector<16xf32>
        %lt3A_892 = arith.constant 9.99999974E-6 : f32
        %lt3A_893 = vector.broadcast %lt3A_892 : f32 to vector<16xf32>
        %lt3A_894 = arith.cmpf olt, %sub3A_891, %lt3A_893 : vector<16xf32>
        %jit3A_895 = arith.constant 1.000000e+00 : f32
        %broadcast_in_dim3A_896 = vector.broadcast %jit3A_895 : f32 to vector<16xf32>
        %select_n3A_897 = arith.select %lt3A_894, %broadcast_in_dim3A_896, %sub3A_891 : vector<16xi1>, vector<16xf32>
        %sub3A_898 = arith.subf %get3A_9, %gather3A_887 : vector<16xf32>
        %div3A_899 = arith.divf %sub3A_898, %select_n3A_897 : vector<16xf32>
        %sub3A_900 = arith.subf %gather3A_890, %gather3A_889 : vector<16xf32>
        %mul3A_901 = arith.mulf %div3A_899, %sub3A_900 : vector<16xf32>
        %add3A_902 = arith.addf %gather3A_889, %mul3A_901 : vector<16xf32>
        %broadcast_in_dim3A_903 = arith.constant true
        %broadcast_in_dim3A_904 = vector.broadcast %broadcast_in_dim3A_903 : i1 to vector<16xi1>
        %masked_cumsum3A_905 = tpu.scan <sum>, %get3A_812 masked %broadcast_in_dim3A_904 : vector<16xi32>, vector<16xi1> -> vector<16xi32>
        %add3A_906 = vector.broadcast %add3A_877 : i32 to vector<16xi32>
        %add3A_907 = arith.addi %masked_cumsum3A_905, %add3A_906 : vector<16xi32>
        %add3A_908 = arith.addi %add3A_877, %reduce_sum3A_844 : i32
        %sub3A_909 = arith.constant 1 : i32
        %sub3A_910 = vector.broadcast %sub3A_909 : i32 to vector<16xi32>
        %sub3A_911 = arith.subi %add3A_907, %sub3A_910 : vector<16xi32>
        %max3A_912 = arith.constant 0 : i32
        %max3A_913 = vector.broadcast %max3A_912 : i32 to vector<16xi32>
        %max3A_914 = arith.maxsi %sub3A_911, %max3A_913 : vector<16xi32>
        %min3A_915 = arith.constant 127 : i32
        %min3A_916 = vector.broadcast %min3A_915 : i32 to vector<16xi32>
        %min3A_917 = arith.minsi %add3A_907, %min3A_916 : vector<16xi32>
        %gather3A_918 = tpu.vector_load_idx %arg10[%broadcast_in_dim3A_275, %max3A_914] : memref<1x144xf32, #tpu.memory_space<vmem>>[vector<16xi32>, vector<16xi32>], vector<16xf32>,
        %gather3A_919 = tpu.vector_load_idx %arg10[%broadcast_in_dim3A_275, %min3A_917] : memref<1x144xf32, #tpu.memory_space<vmem>>[vector<16xi32>, vector<16xi32>], vector<16xf32>,
        %gather3A_920 = tpu.vector_load_idx %arg7[%broadcast_in_dim3A_277, %broadcast_in_dim3A_869, %max3A_914] : memref<2x64x128xf32, #tpu.memory_space<vmem>>[vector<16xi32>, vector<16xi32>, vector<16xi32>], vector<16xf32>,
        %gather3A_921 = tpu.vector_load_idx %arg7[%broadcast_in_dim3A_277, %broadcast_in_dim3A_869, %min3A_917] : memref<2x64x128xf32, #tpu.memory_space<vmem>>[vector<16xi32>, vector<16xi32>, vector<16xi32>], vector<16xf32>,
        %sub3A_922 = arith.subf %gather3A_919, %gather3A_918 : vector<16xf32>
        %lt3A_923 = arith.constant 9.99999974E-6 : f32
        %lt3A_924 = vector.broadcast %lt3A_923 : f32 to vector<16xf32>
        %lt3A_925 = arith.cmpf olt, %sub3A_922, %lt3A_924 : vector<16xf32>
        %jit3A_926 = arith.constant 1.000000e+00 : f32
        %broadcast_in_dim3A_927 = vector.broadcast %jit3A_926 : f32 to vector<16xf32>
        %select_n3A_928 = arith.select %lt3A_925, %broadcast_in_dim3A_927, %sub3A_922 : vector<16xi1>, vector<16xf32>
        %sub3A_929 = arith.subf %get3A_11, %gather3A_918 : vector<16xf32>
        %div3A_930 = arith.divf %sub3A_929, %select_n3A_928 : vector<16xf32>
        %sub3A_931 = arith.subf %gather3A_921, %gather3A_920 : vector<16xf32>
        %mul3A_932 = arith.mulf %div3A_930, %sub3A_931 : vector<16xf32>
        %add3A_933 = arith.addf %gather3A_920, %mul3A_932 : vector<16xf32>
        %broadcast_in_dim3A_934 = arith.constant true
        %broadcast_in_dim3A_935 = vector.broadcast %broadcast_in_dim3A_934 : i1 to vector<16xi1>
        %masked_cumsum3A_936 = tpu.scan <sum>, %get3A_816 masked %broadcast_in_dim3A_935 : vector<16xi32>, vector<16xi1> -> vector<16xi32>
        %add3A_937 = vector.broadcast %add3A_908 : i32 to vector<16xi32>
        %add3A_938 = arith.addi %masked_cumsum3A_936, %add3A_937 : vector<16xi32>
        %add3A_939 = arith.addi %add3A_908, %reduce_sum3A_848 : i32
        %sub3A_940 = arith.constant 1 : i32
        %sub3A_941 = vector.broadcast %sub3A_940 : i32 to vector<16xi32>
        %sub3A_942 = arith.subi %add3A_938, %sub3A_941 : vector<16xi32>
        %max3A_943 = arith.constant 0 : i32
        %max3A_944 = vector.broadcast %max3A_943 : i32 to vector<16xi32>
        %max3A_945 = arith.maxsi %sub3A_942, %max3A_944 : vector<16xi32>
        %min3A_946 = arith.constant 127 : i32
        %min3A_947 = vector.broadcast %min3A_946 : i32 to vector<16xi32>
        %min3A_948 = arith.minsi %add3A_938, %min3A_947 : vector<16xi32>
        %gather3A_949 = tpu.vector_load_idx %arg10[%broadcast_in_dim3A_275, %max3A_945] : memref<1x144xf32, #tpu.memory_space<vmem>>[vector<16xi32>, vector<16xi32>], vector<16xf32>,
        %gather3A_950 = tpu.vector_load_idx %arg10[%broadcast_in_dim3A_275, %min3A_948] : memref<1x144xf32, #tpu.memory_space<vmem>>[vector<16xi32>, vector<16xi32>], vector<16xf32>,
        %gather3A_951 = tpu.vector_load_idx %arg7[%broadcast_in_dim3A_277, %broadcast_in_dim3A_869, %max3A_945] : memref<2x64x128xf32, #tpu.memory_space<vmem>>[vector<16xi32>, vector<16xi32>, vector<16xi32>], vector<16xf32>,
        %gather3A_952 = tpu.vector_load_idx %arg7[%broadcast_in_dim3A_277, %broadcast_in_dim3A_869, %min3A_948] : memref<2x64x128xf32, #tpu.memory_space<vmem>>[vector<16xi32>, vector<16xi32>, vector<16xi32>], vector<16xf32>,
        %sub3A_953 = arith.subf %gather3A_950, %gather3A_949 : vector<16xf32>
        %lt3A_954 = arith.constant 9.99999974E-6 : f32
        %lt3A_955 = vector.broadcast %lt3A_954 : f32 to vector<16xf32>
        %lt3A_956 = arith.cmpf olt, %sub3A_953, %lt3A_955 : vector<16xf32>
        %jit3A_957 = arith.constant 1.000000e+00 : f32
        %broadcast_in_dim3A_958 = vector.broadcast %jit3A_957 : f32 to vector<16xf32>
        %select_n3A_959 = arith.select %lt3A_956, %broadcast_in_dim3A_958, %sub3A_953 : vector<16xi1>, vector<16xf32>
        %sub3A_960 = arith.subf %get3A_13, %gather3A_949 : vector<16xf32>
        %div3A_961 = arith.divf %sub3A_960, %select_n3A_959 : vector<16xf32>
        %sub3A_962 = arith.subf %gather3A_952, %gather3A_951 : vector<16xf32>
        %mul3A_963 = arith.mulf %div3A_961, %sub3A_962 : vector<16xf32>
        %add3A_964 = arith.addf %gather3A_951, %mul3A_963 : vector<16xf32>
        %broadcast_in_dim3A_965 = arith.constant true
        %broadcast_in_dim3A_966 = vector.broadcast %broadcast_in_dim3A_965 : i1 to vector<16xi1>
        %masked_cumsum3A_967 = tpu.scan <sum>, %get3A_820 masked %broadcast_in_dim3A_966 : vector<16xi32>, vector<16xi1> -> vector<16xi32>
        %add3A_968 = vector.broadcast %add3A_939 : i32 to vector<16xi32>
        %add3A_969 = arith.addi %masked_cumsum3A_967, %add3A_968 : vector<16xi32>
        %add3A_970 = arith.addi %add3A_939, %reduce_sum3A_852 : i32
        %sub3A_971 = arith.constant 1 : i32
        %sub3A_972 = vector.broadcast %sub3A_971 : i32 to vector<16xi32>
        %sub3A_973 = arith.subi %add3A_969, %sub3A_972 : vector<16xi32>
        %max3A_974 = arith.constant 0 : i32
        %max3A_975 = vector.broadcast %max3A_974 : i32 to vector<16xi32>
        %max3A_976 = arith.maxsi %sub3A_973, %max3A_975 : vector<16xi32>
        %min3A_977 = arith.constant 127 : i32
        %min3A_978 = vector.broadcast %min3A_977 : i32 to vector<16xi32>
        %min3A_979 = arith.minsi %add3A_969, %min3A_978 : vector<16xi32>
        %gather3A_980 = tpu.vector_load_idx %arg10[%broadcast_in_dim3A_275, %max3A_976] : memref<1x144xf32, #tpu.memory_space<vmem>>[vector<16xi32>, vector<16xi32>], vector<16xf32>,
        %gather3A_981 = tpu.vector_load_idx %arg10[%broadcast_in_dim3A_275, %min3A_979] : memref<1x144xf32, #tpu.memory_space<vmem>>[vector<16xi32>, vector<16xi32>], vector<16xf32>,
        %gather3A_982 = tpu.vector_load_idx %arg7[%broadcast_in_dim3A_277, %broadcast_in_dim3A_869, %max3A_976] : memref<2x64x128xf32, #tpu.memory_space<vmem>>[vector<16xi32>, vector<16xi32>, vector<16xi32>], vector<16xf32>,
        %gather3A_983 = tpu.vector_load_idx %arg7[%broadcast_in_dim3A_277, %broadcast_in_dim3A_869, %min3A_979] : memref<2x64x128xf32, #tpu.memory_space<vmem>>[vector<16xi32>, vector<16xi32>, vector<16xi32>], vector<16xf32>,
        %sub3A_984 = arith.subf %gather3A_981, %gather3A_980 : vector<16xf32>
        %lt3A_985 = arith.constant 9.99999974E-6 : f32
        %lt3A_986 = vector.broadcast %lt3A_985 : f32 to vector<16xf32>
        %lt3A_987 = arith.cmpf olt, %sub3A_984, %lt3A_986 : vector<16xf32>
        %jit3A_988 = arith.constant 1.000000e+00 : f32
        %broadcast_in_dim3A_989 = vector.broadcast %jit3A_988 : f32 to vector<16xf32>
        %select_n3A_990 = arith.select %lt3A_987, %broadcast_in_dim3A_989, %sub3A_984 : vector<16xi1>, vector<16xf32>
        %sub3A_991 = arith.subf %get3A_15, %gather3A_980 : vector<16xf32>
        %div3A_992 = arith.divf %sub3A_991, %select_n3A_990 : vector<16xf32>
        %sub3A_993 = arith.subf %gather3A_983, %gather3A_982 : vector<16xf32>
        %mul3A_994 = arith.mulf %div3A_992, %sub3A_993 : vector<16xf32>
        %add3A_995 = arith.addf %gather3A_982, %mul3A_994 : vector<16xf32>
        %broadcast_in_dim3A_996 = arith.constant true
        %broadcast_in_dim3A_997 = vector.broadcast %broadcast_in_dim3A_996 : i1 to vector<16xi1>
        %masked_cumsum3A_998 = tpu.scan <sum>, %get3A_824 masked %broadcast_in_dim3A_997 : vector<16xi32>, vector<16xi1> -> vector<16xi32>
        %add3A_999 = vector.broadcast %add3A_970 : i32 to vector<16xi32>
        %add3A_1000 = arith.addi %masked_cumsum3A_998, %add3A_999 : vector<16xi32>
        %add3A_1001 = arith.addi %add3A_970, %reduce_sum3A_856 : i32
        %sub3A_1002 = arith.constant 1 : i32
        %sub3A_1003 = vector.broadcast %sub3A_1002 : i32 to vector<16xi32>
        %sub3A_1004 = arith.subi %add3A_1000, %sub3A_1003 : vector<16xi32>
        %max3A_1005 = arith.constant 0 : i32
        %max3A_1006 = vector.broadcast %max3A_1005 : i32 to vector<16xi32>
        %max3A_1007 = arith.maxsi %sub3A_1004, %max3A_1006 : vector<16xi32>
        %min3A_1008 = arith.constant 127 : i32
        %min3A_1009 = vector.broadcast %min3A_1008 : i32 to vector<16xi32>
        %min3A_1010 = arith.minsi %add3A_1000, %min3A_1009 : vector<16xi32>
        %gather3A_1011 = tpu.vector_load_idx %arg10[%broadcast_in_dim3A_275, %max3A_1007] : memref<1x144xf32, #tpu.memory_space<vmem>>[vector<16xi32>, vector<16xi32>], vector<16xf32>,
        %gather3A_1012 = tpu.vector_load_idx %arg10[%broadcast_in_dim3A_275, %min3A_1010] : memref<1x144xf32, #tpu.memory_space<vmem>>[vector<16xi32>, vector<16xi32>], vector<16xf32>,
        %gather3A_1013 = tpu.vector_load_idx %arg7[%broadcast_in_dim3A_277, %broadcast_in_dim3A_869, %max3A_1007] : memref<2x64x128xf32, #tpu.memory_space<vmem>>[vector<16xi32>, vector<16xi32>, vector<16xi32>], vector<16xf32>,
        %gather3A_1014 = tpu.vector_load_idx %arg7[%broadcast_in_dim3A_277, %broadcast_in_dim3A_869, %min3A_1010] : memref<2x64x128xf32, #tpu.memory_space<vmem>>[vector<16xi32>, vector<16xi32>, vector<16xi32>], vector<16xf32>,
        %sub3A_1015 = arith.subf %gather3A_1012, %gather3A_1011 : vector<16xf32>
        %lt3A_1016 = arith.constant 9.99999974E-6 : f32
        %lt3A_1017 = vector.broadcast %lt3A_1016 : f32 to vector<16xf32>
        %lt3A_1018 = arith.cmpf olt, %sub3A_1015, %lt3A_1017 : vector<16xf32>
        %jit3A_1019 = arith.constant 1.000000e+00 : f32
        %broadcast_in_dim3A_1020 = vector.broadcast %jit3A_1019 : f32 to vector<16xf32>
        %select_n3A_1021 = arith.select %lt3A_1018, %broadcast_in_dim3A_1020, %sub3A_1015 : vector<16xi1>, vector<16xf32>
        %sub3A_1022 = arith.subf %get3A_17, %gather3A_1011 : vector<16xf32>
        %div3A_1023 = arith.divf %sub3A_1022, %select_n3A_1021 : vector<16xf32>
        %sub3A_1024 = arith.subf %gather3A_1014, %gather3A_1013 : vector<16xf32>
        %mul3A_1025 = arith.mulf %div3A_1023, %sub3A_1024 : vector<16xf32>
        %add3A_1026 = arith.addf %gather3A_1013, %mul3A_1025 : vector<16xf32>
        %broadcast_in_dim3A_1027 = arith.constant true
        %broadcast_in_dim3A_1028 = vector.broadcast %broadcast_in_dim3A_1027 : i1 to vector<16xi1>
        %masked_cumsum3A_1029 = tpu.scan <sum>, %get3A_828 masked %broadcast_in_dim3A_1028 : vector<16xi32>, vector<16xi1> -> vector<16xi32>
        %add3A_1030 = vector.broadcast %add3A_1001 : i32 to vector<16xi32>
        %add3A_1031 = arith.addi %masked_cumsum3A_1029, %add3A_1030 : vector<16xi32>
        %add3A_1032 = arith.addi %add3A_1001, %reduce_sum3A_860 : i32
        %sub3A_1033 = arith.constant 1 : i32
        %sub3A_1034 = vector.broadcast %sub3A_1033 : i32 to vector<16xi32>
        %sub3A_1035 = arith.subi %add3A_1031, %sub3A_1034 : vector<16xi32>
        %max3A_1036 = arith.constant 0 : i32
        %max3A_1037 = vector.broadcast %max3A_1036 : i32 to vector<16xi32>
        %max3A_1038 = arith.maxsi %sub3A_1035, %max3A_1037 : vector<16xi32>
        %min3A_1039 = arith.constant 127 : i32
        %min3A_1040 = vector.broadcast %min3A_1039 : i32 to vector<16xi32>
        %min3A_1041 = arith.minsi %add3A_1031, %min3A_1040 : vector<16xi32>
        %gather3A_1042 = tpu.vector_load_idx %arg10[%broadcast_in_dim3A_275, %max3A_1038] : memref<1x144xf32, #tpu.memory_space<vmem>>[vector<16xi32>, vector<16xi32>], vector<16xf32>,
        %gather3A_1043 = tpu.vector_load_idx %arg10[%broadcast_in_dim3A_275, %min3A_1041] : memref<1x144xf32, #tpu.memory_space<vmem>>[vector<16xi32>, vector<16xi32>], vector<16xf32>,
        %gather3A_1044 = tpu.vector_load_idx %arg7[%broadcast_in_dim3A_277, %broadcast_in_dim3A_869, %max3A_1038] : memref<2x64x128xf32, #tpu.memory_space<vmem>>[vector<16xi32>, vector<16xi32>, vector<16xi32>], vector<16xf32>,
        %gather3A_1045 = tpu.vector_load_idx %arg7[%broadcast_in_dim3A_277, %broadcast_in_dim3A_869, %min3A_1041] : memref<2x64x128xf32, #tpu.memory_space<vmem>>[vector<16xi32>, vector<16xi32>, vector<16xi32>], vector<16xf32>,
        %sub3A_1046 = arith.subf %gather3A_1043, %gather3A_1042 : vector<16xf32>
        %lt3A_1047 = arith.constant 9.99999974E-6 : f32
        %lt3A_1048 = vector.broadcast %lt3A_1047 : f32 to vector<16xf32>
        %lt3A_1049 = arith.cmpf olt, %sub3A_1046, %lt3A_1048 : vector<16xf32>
        %jit3A_1050 = arith.constant 1.000000e+00 : f32
        %broadcast_in_dim3A_1051 = vector.broadcast %jit3A_1050 : f32 to vector<16xf32>
        %select_n3A_1052 = arith.select %lt3A_1049, %broadcast_in_dim3A_1051, %sub3A_1046 : vector<16xi1>, vector<16xf32>
        %sub3A_1053 = arith.subf %get3A_19, %gather3A_1042 : vector<16xf32>
        %div3A_1054 = arith.divf %sub3A_1053, %select_n3A_1052 : vector<16xf32>
        %sub3A_1055 = arith.subf %gather3A_1045, %gather3A_1044 : vector<16xf32>
        %mul3A_1056 = arith.mulf %div3A_1054, %sub3A_1055 : vector<16xf32>
        %add3A_1057 = arith.addf %gather3A_1044, %mul3A_1056 : vector<16xf32>
        %broadcast_in_dim3A_1058 = arith.constant true
        %broadcast_in_dim3A_1059 = vector.broadcast %broadcast_in_dim3A_1058 : i1 to vector<16xi1>
        %masked_cumsum3A_1060 = tpu.scan <sum>, %get3A_832 masked %broadcast_in_dim3A_1059 : vector<16xi32>, vector<16xi1> -> vector<16xi32>
        %add3A_1061 = vector.broadcast %add3A_1032 : i32 to vector<16xi32>
        %add3A_1062 = arith.addi %masked_cumsum3A_1060, %add3A_1061 : vector<16xi32>
        %add3A_1063 = arith.addi %add3A_1032, %reduce_sum3A_864 : i32
        %sub3A_1064 = arith.constant 1 : i32
        %sub3A_1065 = vector.broadcast %sub3A_1064 : i32 to vector<16xi32>
        %sub3A_1066 = arith.subi %add3A_1062, %sub3A_1065 : vector<16xi32>
        %max3A_1067 = arith.constant 0 : i32
        %max3A_1068 = vector.broadcast %max3A_1067 : i32 to vector<16xi32>
        %max3A_1069 = arith.maxsi %sub3A_1066, %max3A_1068 : vector<16xi32>
        %min3A_1070 = arith.constant 127 : i32
        %min3A_1071 = vector.broadcast %min3A_1070 : i32 to vector<16xi32>
        %min3A_1072 = arith.minsi %add3A_1062, %min3A_1071 : vector<16xi32>
        %gather3A_1073 = tpu.vector_load_idx %arg10[%broadcast_in_dim3A_275, %max3A_1069] : memref<1x144xf32, #tpu.memory_space<vmem>>[vector<16xi32>, vector<16xi32>], vector<16xf32>,
        %gather3A_1074 = tpu.vector_load_idx %arg10[%broadcast_in_dim3A_275, %min3A_1072] : memref<1x144xf32, #tpu.memory_space<vmem>>[vector<16xi32>, vector<16xi32>], vector<16xf32>,
        %gather3A_1075 = tpu.vector_load_idx %arg7[%broadcast_in_dim3A_277, %broadcast_in_dim3A_869, %max3A_1069] : memref<2x64x128xf32, #tpu.memory_space<vmem>>[vector<16xi32>, vector<16xi32>, vector<16xi32>], vector<16xf32>,
        %gather3A_1076 = tpu.vector_load_idx %arg7[%broadcast_in_dim3A_277, %broadcast_in_dim3A_869, %min3A_1072] : memref<2x64x128xf32, #tpu.memory_space<vmem>>[vector<16xi32>, vector<16xi32>, vector<16xi32>], vector<16xf32>,
        %sub3A_1077 = arith.subf %gather3A_1074, %gather3A_1073 : vector<16xf32>
        %lt3A_1078 = arith.constant 9.99999974E-6 : f32
        %lt3A_1079 = vector.broadcast %lt3A_1078 : f32 to vector<16xf32>
        %lt3A_1080 = arith.cmpf olt, %sub3A_1077, %lt3A_1079 : vector<16xf32>
        %jit3A_1081 = arith.constant 1.000000e+00 : f32
        %broadcast_in_dim3A_1082 = vector.broadcast %jit3A_1081 : f32 to vector<16xf32>
        %select_n3A_1083 = arith.select %lt3A_1080, %broadcast_in_dim3A_1082, %sub3A_1077 : vector<16xi1>, vector<16xf32>
        %sub3A_1084 = arith.subf %get3A_21, %gather3A_1073 : vector<16xf32>
        %div3A_1085 = arith.divf %sub3A_1084, %select_n3A_1083 : vector<16xf32>
        %sub3A_1086 = arith.subf %gather3A_1076, %gather3A_1075 : vector<16xf32>
        %mul3A_1087 = arith.mulf %div3A_1085, %sub3A_1086 : vector<16xf32>
        %add3A_1088 = arith.addf %gather3A_1075, %mul3A_1087 : vector<16xf32>
        %broadcast_in_dim3A_1089 = arith.constant true
        %broadcast_in_dim3A_1090 = vector.broadcast %broadcast_in_dim3A_1089 : i1 to vector<16xi1>
        %masked_cumsum3A_1091 = tpu.scan <sum>, %get3A_836 masked %broadcast_in_dim3A_1090 : vector<16xi32>, vector<16xi1> -> vector<16xi32>
        %add3A_1092 = vector.broadcast %add3A_1063 : i32 to vector<16xi32>
        %add3A_1093 = arith.addi %masked_cumsum3A_1091, %add3A_1092 : vector<16xi32>
        %sub3A_1094 = arith.constant 1 : i32
        %sub3A_1095 = vector.broadcast %sub3A_1094 : i32 to vector<16xi32>
        %sub3A_1096 = arith.subi %add3A_1093, %sub3A_1095 : vector<16xi32>
        %max3A_1097 = arith.constant 0 : i32
        %max3A_1098 = vector.broadcast %max3A_1097 : i32 to vector<16xi32>
        %max3A_1099 = arith.maxsi %sub3A_1096, %max3A_1098 : vector<16xi32>
        %min3A_1100 = arith.constant 127 : i32
        %min3A_1101 = vector.broadcast %min3A_1100 : i32 to vector<16xi32>
        %min3A_1102 = arith.minsi %add3A_1093, %min3A_1101 : vector<16xi32>
        %gather3A_1103 = tpu.vector_load_idx %arg10[%broadcast_in_dim3A_275, %max3A_1099] : memref<1x144xf32, #tpu.memory_space<vmem>>[vector<16xi32>, vector<16xi32>], vector<16xf32>,
        %gather3A_1104 = tpu.vector_load_idx %arg10[%broadcast_in_dim3A_275, %min3A_1102] : memref<1x144xf32, #tpu.memory_space<vmem>>[vector<16xi32>, vector<16xi32>], vector<16xf32>,
        %gather3A_1105 = tpu.vector_load_idx %arg7[%broadcast_in_dim3A_277, %broadcast_in_dim3A_869, %max3A_1099] : memref<2x64x128xf32, #tpu.memory_space<vmem>>[vector<16xi32>, vector<16xi32>, vector<16xi32>], vector<16xf32>,
        %gather3A_1106 = tpu.vector_load_idx %arg7[%broadcast_in_dim3A_277, %broadcast_in_dim3A_869, %min3A_1102] : memref<2x64x128xf32, #tpu.memory_space<vmem>>[vector<16xi32>, vector<16xi32>, vector<16xi32>], vector<16xf32>,
        %sub3A_1107 = arith.subf %gather3A_1104, %gather3A_1103 : vector<16xf32>
        %lt3A_1108 = arith.constant 9.99999974E-6 : f32
        %lt3A_1109 = vector.broadcast %lt3A_1108 : f32 to vector<16xf32>
        %lt3A_1110 = arith.cmpf olt, %sub3A_1107, %lt3A_1109 : vector<16xf32>
        %jit3A_1111 = arith.constant 1.000000e+00 : f32
        %broadcast_in_dim3A_1112 = vector.broadcast %jit3A_1111 : f32 to vector<16xf32>
        %select_n3A_1113 = arith.select %lt3A_1110, %broadcast_in_dim3A_1112, %sub3A_1107 : vector<16xi1>, vector<16xf32>
        %sub3A_1114 = arith.subf %get3A_23, %gather3A_1103 : vector<16xf32>
        %div3A_1115 = arith.divf %sub3A_1114, %select_n3A_1113 : vector<16xf32>
        %sub3A_1116 = arith.subf %gather3A_1106, %gather3A_1105 : vector<16xf32>
        %mul3A_1117 = arith.mulf %div3A_1115, %sub3A_1116 : vector<16xf32>
        %add3A_1118 = arith.addf %gather3A_1105, %mul3A_1117 : vector<16xf32>
        %get3A_1119 = arith.constant 0 : i32
        %get3A_1120 = arith.index_cast %get3A_1119 : i32 to index
        %get3A_1121 = arith.index_cast %scan3A_273 : i32 to index
        %get3A_1122 = arith.constant 0 : index
        %get3A_1123 = tpu.vector_load %arg7[%get3A_1120, %get3A_1121, %get3A_1122] {strides = array<i32>} : memref<2x64x128xf32, #tpu.memory_space<vmem>>, vector<16xf32>,
        %get3A_1124 = arith.constant 0 : i32
        %get3A_1125 = arith.index_cast %get3A_1124 : i32 to index
        %get3A_1126 = arith.index_cast %scan3A_273 : i32 to index
        %get3A_1127 = arith.constant 16 : index
        %get3A_1128 = tpu.vector_load %arg7[%get3A_1125, %get3A_1126, %get3A_1127] {strides = array<i32>} : memref<2x64x128xf32, #tpu.memory_space<vmem>>, vector<16xf32>,
        %get3A_1129 = arith.constant 0 : i32
        %get3A_1130 = arith.index_cast %get3A_1129 : i32 to index
        %get3A_1131 = arith.index_cast %scan3A_273 : i32 to index
        %get3A_1132 = arith.constant 32 : index
        %get3A_1133 = tpu.vector_load %arg7[%get3A_1130, %get3A_1131, %get3A_1132] {strides = array<i32>} : memref<2x64x128xf32, #tpu.memory_space<vmem>>, vector<16xf32>,
        %get3A_1134 = arith.constant 0 : i32
        %get3A_1135 = arith.index_cast %get3A_1134 : i32 to index
        %get3A_1136 = arith.index_cast %scan3A_273 : i32 to index
        %get3A_1137 = arith.constant 48 : index
        %get3A_1138 = tpu.vector_load %arg7[%get3A_1135, %get3A_1136, %get3A_1137] {strides = array<i32>} : memref<2x64x128xf32, #tpu.memory_space<vmem>>, vector<16xf32>,
        %get3A_1139 = arith.constant 0 : i32
        %get3A_1140 = arith.index_cast %get3A_1139 : i32 to index
        %get3A_1141 = arith.index_cast %scan3A_273 : i32 to index
        %get3A_1142 = arith.constant 64 : index
        %get3A_1143 = tpu.vector_load %arg7[%get3A_1140, %get3A_1141, %get3A_1142] {strides = array<i32>} : memref<2x64x128xf32, #tpu.memory_space<vmem>>, vector<16xf32>,
        %get3A_1144 = arith.constant 0 : i32
        %get3A_1145 = arith.index_cast %get3A_1144 : i32 to index
        %get3A_1146 = arith.index_cast %scan3A_273 : i32 to index
        %get3A_1147 = arith.constant 80 : index
        %get3A_1148 = tpu.vector_load %arg7[%get3A_1145, %get3A_1146, %get3A_1147] {strides = array<i32>} : memref<2x64x128xf32, #tpu.memory_space<vmem>>, vector<16xf32>,
        %get3A_1149 = arith.constant 0 : i32
        %get3A_1150 = arith.index_cast %get3A_1149 : i32 to index
        %get3A_1151 = arith.index_cast %scan3A_273 : i32 to index
        %get3A_1152 = arith.constant 96 : index
        %get3A_1153 = tpu.vector_load %arg7[%get3A_1150, %get3A_1151, %get3A_1152] {strides = array<i32>} : memref<2x64x128xf32, #tpu.memory_space<vmem>>, vector<16xf32>,
        %get3A_1154 = arith.constant 0 : i32
        %get3A_1155 = arith.index_cast %get3A_1154 : i32 to index
        %get3A_1156 = arith.index_cast %scan3A_273 : i32 to index
        %get3A_1157 = arith.constant 112 : index
        %get3A_1158 = tpu.vector_load %arg7[%get3A_1155, %get3A_1156, %get3A_1157] {strides = array<i32>} : memref<2x64x128xf32, #tpu.memory_space<vmem>>, vector<16xf32>,
        %rev3A = arith.constant 15 : i32
        %rev3A_1159 = vector.broadcast %rev3A : i32 to vector<16xi32>
        %rev3A_1160 = tpu.iota {dimensions = array<i32: 0>} : vector<16xi32>
        %rev3A_1161 = arith.subi %rev3A_1159, %rev3A_1160 : vector<16xi32>
        %rev3A_1162 = tpu.dynamic_gather %add3A_1118[%rev3A_1161] in [0] : vector<16xf32>, vector<16xi32> -> vector<16xf32>
        %rev3A_1163 = arith.constant 15 : i32
        %rev3A_1164 = vector.broadcast %rev3A_1163 : i32 to vector<16xi32>
        %rev3A_1165 = tpu.iota {dimensions = array<i32: 0>} : vector<16xi32>
        %rev3A_1166 = arith.subi %rev3A_1164, %rev3A_1165 : vector<16xi32>
        %rev3A_1167 = tpu.dynamic_gather %add3A_1088[%rev3A_1166] in [0] : vector<16xf32>, vector<16xi32> -> vector<16xf32>
        %rev3A_1168 = arith.constant 15 : i32
        %rev3A_1169 = vector.broadcast %rev3A_1168 : i32 to vector<16xi32>
        %rev3A_1170 = tpu.iota {dimensions = array<i32: 0>} : vector<16xi32>
        %rev3A_1171 = arith.subi %rev3A_1169, %rev3A_1170 : vector<16xi32>
        %rev3A_1172 = tpu.dynamic_gather %add3A_1057[%rev3A_1171] in [0] : vector<16xf32>, vector<16xi32> -> vector<16xf32>
        %rev3A_1173 = arith.constant 15 : i32
        %rev3A_1174 = vector.broadcast %rev3A_1173 : i32 to vector<16xi32>
        %rev3A_1175 = tpu.iota {dimensions = array<i32: 0>} : vector<16xi32>
        %rev3A_1176 = arith.subi %rev3A_1174, %rev3A_1175 : vector<16xi32>
        %rev3A_1177 = tpu.dynamic_gather %add3A_1026[%rev3A_1176] in [0] : vector<16xf32>, vector<16xi32> -> vector<16xf32>
        %rev3A_1178 = arith.constant 15 : i32
        %rev3A_1179 = vector.broadcast %rev3A_1178 : i32 to vector<16xi32>
        %rev3A_1180 = tpu.iota {dimensions = array<i32: 0>} : vector<16xi32>
        %rev3A_1181 = arith.subi %rev3A_1179, %rev3A_1180 : vector<16xi32>
        %rev3A_1182 = tpu.dynamic_gather %add3A_995[%rev3A_1181] in [0] : vector<16xf32>, vector<16xi32> -> vector<16xf32>
        %rev3A_1183 = arith.constant 15 : i32
        %rev3A_1184 = vector.broadcast %rev3A_1183 : i32 to vector<16xi32>
        %rev3A_1185 = tpu.iota {dimensions = array<i32: 0>} : vector<16xi32>
        %rev3A_1186 = arith.subi %rev3A_1184, %rev3A_1185 : vector<16xi32>
        %rev3A_1187 = tpu.dynamic_gather %add3A_964[%rev3A_1186] in [0] : vector<16xf32>, vector<16xi32> -> vector<16xf32>
        %rev3A_1188 = arith.constant 15 : i32
        %rev3A_1189 = vector.broadcast %rev3A_1188 : i32 to vector<16xi32>
        %rev3A_1190 = tpu.iota {dimensions = array<i32: 0>} : vector<16xi32>
        %rev3A_1191 = arith.subi %rev3A_1189, %rev3A_1190 : vector<16xi32>
        %rev3A_1192 = tpu.dynamic_gather %add3A_933[%rev3A_1191] in [0] : vector<16xf32>, vector<16xi32> -> vector<16xf32>
        %rev3A_1193 = arith.constant 15 : i32
        %rev3A_1194 = vector.broadcast %rev3A_1193 : i32 to vector<16xi32>
        %rev3A_1195 = tpu.iota {dimensions = array<i32: 0>} : vector<16xi32>
        %rev3A_1196 = arith.subi %rev3A_1194, %rev3A_1195 : vector<16xi32>
        %rev3A_1197 = tpu.dynamic_gather %add3A_902[%rev3A_1196] in [0] : vector<16xf32>, vector<16xi32> -> vector<16xf32>
        %min3A_1198 = arith.minimumf %get3A_1123, %rev3A_1162 : vector<16xf32>
        %max3A_1199 = arith.maximumf %get3A_1123, %rev3A_1162 : vector<16xf32>
        %min3A_1200 = arith.minimumf %get3A_1128, %rev3A_1167 : vector<16xf32>
        %max3A_1201 = arith.maximumf %get3A_1128, %rev3A_1167 : vector<16xf32>
        %min3A_1202 = arith.minimumf %get3A_1133, %rev3A_1172 : vector<16xf32>
        %max3A_1203 = arith.maximumf %get3A_1133, %rev3A_1172 : vector<16xf32>
        %min3A_1204 = arith.minimumf %get3A_1138, %rev3A_1177 : vector<16xf32>
        %max3A_1205 = arith.maximumf %get3A_1138, %rev3A_1177 : vector<16xf32>
        %min3A_1206 = arith.minimumf %get3A_1143, %rev3A_1182 : vector<16xf32>
        %max3A_1207 = arith.maximumf %get3A_1143, %rev3A_1182 : vector<16xf32>
        %min3A_1208 = arith.minimumf %get3A_1148, %rev3A_1187 : vector<16xf32>
        %max3A_1209 = arith.maximumf %get3A_1148, %rev3A_1187 : vector<16xf32>
        %min3A_1210 = arith.minimumf %get3A_1153, %rev3A_1192 : vector<16xf32>
        %max3A_1211 = arith.maximumf %get3A_1153, %rev3A_1192 : vector<16xf32>
        %min3A_1212 = arith.minimumf %get3A_1158, %rev3A_1197 : vector<16xf32>
        %max3A_1213 = arith.maximumf %get3A_1158, %rev3A_1197 : vector<16xf32>
        %min3A_1214 = arith.minimumf %min3A_1198, %min3A_1206 : vector<16xf32>
        %max3A_1215 = arith.maximumf %min3A_1198, %min3A_1206 : vector<16xf32>
        %min3A_1216 = arith.minimumf %min3A_1200, %min3A_1208 : vector<16xf32>
        %max3A_1217 = arith.maximumf %min3A_1200, %min3A_1208 : vector<16xf32>
        %min3A_1218 = arith.minimumf %min3A_1202, %min3A_1210 : vector<16xf32>
        %max3A_1219 = arith.maximumf %min3A_1202, %min3A_1210 : vector<16xf32>
        %min3A_1220 = arith.minimumf %min3A_1204, %min3A_1212 : vector<16xf32>
        %max3A_1221 = arith.maximumf %min3A_1204, %min3A_1212 : vector<16xf32>
        %min3A_1222 = arith.minimumf %max3A_1199, %max3A_1207 : vector<16xf32>
        %max3A_1223 = arith.maximumf %max3A_1199, %max3A_1207 : vector<16xf32>
        %min3A_1224 = arith.minimumf %max3A_1201, %max3A_1209 : vector<16xf32>
        %max3A_1225 = arith.maximumf %max3A_1201, %max3A_1209 : vector<16xf32>
        %min3A_1226 = arith.minimumf %max3A_1203, %max3A_1211 : vector<16xf32>
        %max3A_1227 = arith.maximumf %max3A_1203, %max3A_1211 : vector<16xf32>
        %min3A_1228 = arith.minimumf %max3A_1205, %max3A_1213 : vector<16xf32>
        %max3A_1229 = arith.maximumf %max3A_1205, %max3A_1213 : vector<16xf32>
        %min3A_1230 = arith.minimumf %min3A_1214, %min3A_1218 : vector<16xf32>
        %max3A_1231 = arith.maximumf %min3A_1214, %min3A_1218 : vector<16xf32>
        %min3A_1232 = arith.minimumf %min3A_1216, %min3A_1220 : vector<16xf32>
        %max3A_1233 = arith.maximumf %min3A_1216, %min3A_1220 : vector<16xf32>
        %min3A_1234 = arith.minimumf %max3A_1215, %max3A_1219 : vector<16xf32>
        %max3A_1235 = arith.maximumf %max3A_1215, %max3A_1219 : vector<16xf32>
        %min3A_1236 = arith.minimumf %max3A_1217, %max3A_1221 : vector<16xf32>
        %max3A_1237 = arith.maximumf %max3A_1217, %max3A_1221 : vector<16xf32>
        %min3A_1238 = arith.minimumf %min3A_1222, %min3A_1226 : vector<16xf32>
        %max3A_1239 = arith.maximumf %min3A_1222, %min3A_1226 : vector<16xf32>
        %min3A_1240 = arith.minimumf %min3A_1224, %min3A_1228 : vector<16xf32>
        %max3A_1241 = arith.maximumf %min3A_1224, %min3A_1228 : vector<16xf32>
        %min3A_1242 = arith.minimumf %max3A_1223, %max3A_1227 : vector<16xf32>
        %max3A_1243 = arith.maximumf %max3A_1223, %max3A_1227 : vector<16xf32>
        %min3A_1244 = arith.minimumf %max3A_1225, %max3A_1229 : vector<16xf32>
        %max3A_1245 = arith.maximumf %max3A_1225, %max3A_1229 : vector<16xf32>
        %min3A_1246 = arith.minimumf %min3A_1230, %min3A_1232 : vector<16xf32>
        %max3A_1247 = arith.maximumf %min3A_1230, %min3A_1232 : vector<16xf32>
        %min3A_1248 = arith.minimumf %max3A_1231, %max3A_1233 : vector<16xf32>
        %max3A_1249 = arith.maximumf %max3A_1231, %max3A_1233 : vector<16xf32>
        %min3A_1250 = arith.minimumf %min3A_1234, %min3A_1236 : vector<16xf32>
        %max3A_1251 = arith.maximumf %min3A_1234, %min3A_1236 : vector<16xf32>
        %min3A_1252 = arith.minimumf %max3A_1235, %max3A_1237 : vector<16xf32>
        %max3A_1253 = arith.maximumf %max3A_1235, %max3A_1237 : vector<16xf32>
        %min3A_1254 = arith.minimumf %min3A_1238, %min3A_1240 : vector<16xf32>
        %max3A_1255 = arith.maximumf %min3A_1238, %min3A_1240 : vector<16xf32>
        %min3A_1256 = arith.minimumf %max3A_1239, %max3A_1241 : vector<16xf32>
        %max3A_1257 = arith.maximumf %max3A_1239, %max3A_1241 : vector<16xf32>
        %min3A_1258 = arith.minimumf %min3A_1242, %min3A_1244 : vector<16xf32>
        %max3A_1259 = arith.maximumf %min3A_1242, %min3A_1244 : vector<16xf32>
        %min3A_1260 = arith.minimumf %max3A_1243, %max3A_1245 : vector<16xf32>
        %max3A_1261 = arith.maximumf %max3A_1243, %max3A_1245 : vector<16xf32>
        %sort3A = arith.constant dense<true> : vector<16xi1>
        %sort3A_1262, %sort3A_1263, %sort3A_1264 = tpu.sort %min3A_1246, %min3A_1246 masked %sort3A : (vector<16xf32>, vector<16xf32>, vector<16xi1>) -> (vector<16xi1>, vector<16xf32>, vector<16xf32>)
        %swap3A_1265 = arith.constant 0 : i32
        %swap3A_1266 = arith.index_cast %swap3A_1265 : i32 to index
        %swap3A_1267 = arith.index_cast %scan3A_273 : i32 to index
        %swap3A_1268 = arith.constant 0 : index
        %swap3A_1269 = tpu.vector_load %arg8[%swap3A_1266, %swap3A_1267, %swap3A_1268] {strides = array<i32>} : memref<2x64x256xf32, #tpu.memory_space<vmem>>, vector<16xf32>,
        tpu.vector_store %arg8[%swap3A_1266, %swap3A_1267, %swap3A_1268], %sort3A_1263 {strides = array<i32>} : memref<2x64x256xf32, #tpu.memory_space<vmem>>, vector<16xf32>,
        %sort3A_1270 = arith.constant dense<true> : vector<16xi1>
        %sort3A_1271, %sort3A_1272, %sort3A_1273 = tpu.sort %max3A_1247, %max3A_1247 masked %sort3A_1270 : (vector<16xf32>, vector<16xf32>, vector<16xi1>) -> (vector<16xi1>, vector<16xf32>, vector<16xf32>)
        %swap3A_1274 = arith.constant 0 : i32
        %swap3A_1275 = arith.index_cast %swap3A_1274 : i32 to index
        %swap3A_1276 = arith.index_cast %scan3A_273 : i32 to index
        %swap3A_1277 = arith.constant 16 : index
        %swap3A_1278 = tpu.vector_load %arg8[%swap3A_1275, %swap3A_1276, %swap3A_1277] {strides = array<i32>} : memref<2x64x256xf32, #tpu.memory_space<vmem>>, vector<16xf32>,
        tpu.vector_store %arg8[%swap3A_1275, %swap3A_1276, %swap3A_1277], %sort3A_1272 {strides = array<i32>} : memref<2x64x256xf32, #tpu.memory_space<vmem>>, vector<16xf32>,
        %sort3A_1279 = arith.constant dense<true> : vector<16xi1>
        %sort3A_1280, %sort3A_1281, %sort3A_1282 = tpu.sort %min3A_1248, %min3A_1248 masked %sort3A_1279 : (vector<16xf32>, vector<16xf32>, vector<16xi1>) -> (vector<16xi1>, vector<16xf32>, vector<16xf32>)
        %swap3A_1283 = arith.constant 0 : i32
        %swap3A_1284 = arith.index_cast %swap3A_1283 : i32 to index
        %swap3A_1285 = arith.index_cast %scan3A_273 : i32 to index
        %swap3A_1286 = arith.constant 32 : index
        %swap3A_1287 = tpu.vector_load %arg8[%swap3A_1284, %swap3A_1285, %swap3A_1286] {strides = array<i32>} : memref<2x64x256xf32, #tpu.memory_space<vmem>>, vector<16xf32>,
        tpu.vector_store %arg8[%swap3A_1284, %swap3A_1285, %swap3A_1286], %sort3A_1281 {strides = array<i32>} : memref<2x64x256xf32, #tpu.memory_space<vmem>>, vector<16xf32>,
        %sort3A_1288 = arith.constant dense<true> : vector<16xi1>
        %sort3A_1289, %sort3A_1290, %sort3A_1291 = tpu.sort %max3A_1249, %max3A_1249 masked %sort3A_1288 : (vector<16xf32>, vector<16xf32>, vector<16xi1>) -> (vector<16xi1>, vector<16xf32>, vector<16xf32>)
        %swap3A_1292 = arith.constant 0 : i32
        %swap3A_1293 = arith.index_cast %swap3A_1292 : i32 to index
        %swap3A_1294 = arith.index_cast %scan3A_273 : i32 to index
        %swap3A_1295 = arith.constant 48 : index
        %swap3A_1296 = tpu.vector_load %arg8[%swap3A_1293, %swap3A_1294, %swap3A_1295] {strides = array<i32>} : memref<2x64x256xf32, #tpu.memory_space<vmem>>, vector<16xf32>,
        tpu.vector_store %arg8[%swap3A_1293, %swap3A_1294, %swap3A_1295], %sort3A_1290 {strides = array<i32>} : memref<2x64x256xf32, #tpu.memory_space<vmem>>, vector<16xf32>,
        %sort3A_1297 = arith.constant dense<true> : vector<16xi1>
        %sort3A_1298, %sort3A_1299, %sort3A_1300 = tpu.sort %min3A_1250, %min3A_1250 masked %sort3A_1297 : (vector<16xf32>, vector<16xf32>, vector<16xi1>) -> (vector<16xi1>, vector<16xf32>, vector<16xf32>)
        %swap3A_1301 = arith.constant 0 : i32
        %swap3A_1302 = arith.index_cast %swap3A_1301 : i32 to index
        %swap3A_1303 = arith.index_cast %scan3A_273 : i32 to index
        %swap3A_1304 = arith.constant 64 : index
        %swap3A_1305 = tpu.vector_load %arg8[%swap3A_1302, %swap3A_1303, %swap3A_1304] {strides = array<i32>} : memref<2x64x256xf32, #tpu.memory_space<vmem>>, vector<16xf32>,
        tpu.vector_store %arg8[%swap3A_1302, %swap3A_1303, %swap3A_1304], %sort3A_1299 {strides = array<i32>} : memref<2x64x256xf32, #tpu.memory_space<vmem>>, vector<16xf32>,
        %sort3A_1306 = arith.constant dense<true> : vector<16xi1>
        %sort3A_1307, %sort3A_1308, %sort3A_1309 = tpu.sort %max3A_1251, %max3A_1251 masked %sort3A_1306 : (vector<16xf32>, vector<16xf32>, vector<16xi1>) -> (vector<16xi1>, vector<16xf32>, vector<16xf32>)
        %swap3A_1310 = arith.constant 0 : i32
        %swap3A_1311 = arith.index_cast %swap3A_1310 : i32 to index
        %swap3A_1312 = arith.index_cast %scan3A_273 : i32 to index
        %swap3A_1313 = arith.constant 80 : index
        %swap3A_1314 = tpu.vector_load %arg8[%swap3A_1311, %swap3A_1312, %swap3A_1313] {strides = array<i32>} : memref<2x64x256xf32, #tpu.memory_space<vmem>>, vector<16xf32>,
        tpu.vector_store %arg8[%swap3A_1311, %swap3A_1312, %swap3A_1313], %sort3A_1308 {strides = array<i32>} : memref<2x64x256xf32, #tpu.memory_space<vmem>>, vector<16xf32>,
        %sort3A_1315 = arith.constant dense<true> : vector<16xi1>
        %sort3A_1316, %sort3A_1317, %sort3A_1318 = tpu.sort %min3A_1252, %min3A_1252 masked %sort3A_1315 : (vector<16xf32>, vector<16xf32>, vector<16xi1>) -> (vector<16xi1>, vector<16xf32>, vector<16xf32>)
        %swap3A_1319 = arith.constant 0 : i32
        %swap3A_1320 = arith.index_cast %swap3A_1319 : i32 to index
        %swap3A_1321 = arith.index_cast %scan3A_273 : i32 to index
        %swap3A_1322 = arith.constant 96 : index
        %swap3A_1323 = tpu.vector_load %arg8[%swap3A_1320, %swap3A_1321, %swap3A_1322] {strides = array<i32>} : memref<2x64x256xf32, #tpu.memory_space<vmem>>, vector<16xf32>,
        tpu.vector_store %arg8[%swap3A_1320, %swap3A_1321, %swap3A_1322], %sort3A_1317 {strides = array<i32>} : memref<2x64x256xf32, #tpu.memory_space<vmem>>, vector<16xf32>,
        %sort3A_1324 = arith.constant dense<true> : vector<16xi1>
        %sort3A_1325, %sort3A_1326, %sort3A_1327 = tpu.sort %max3A_1253, %max3A_1253 masked %sort3A_1324 : (vector<16xf32>, vector<16xf32>, vector<16xi1>) -> (vector<16xi1>, vector<16xf32>, vector<16xf32>)
        %swap3A_1328 = arith.constant 0 : i32
        %swap3A_1329 = arith.index_cast %swap3A_1328 : i32 to index
        %swap3A_1330 = arith.index_cast %scan3A_273 : i32 to index
        %swap3A_1331 = arith.constant 112 : index
        %swap3A_1332 = tpu.vector_load %arg8[%swap3A_1329, %swap3A_1330, %swap3A_1331] {strides = array<i32>} : memref<2x64x256xf32, #tpu.memory_space<vmem>>, vector<16xf32>,
        tpu.vector_store %arg8[%swap3A_1329, %swap3A_1330, %swap3A_1331], %sort3A_1326 {strides = array<i32>} : memref<2x64x256xf32, #tpu.memory_space<vmem>>, vector<16xf32>,
        %sort3A_1333 = arith.constant dense<true> : vector<16xi1>
        %sort3A_1334, %sort3A_1335, %sort3A_1336 = tpu.sort %min3A_1254, %min3A_1254 masked %sort3A_1333 : (vector<16xf32>, vector<16xf32>, vector<16xi1>) -> (vector<16xi1>, vector<16xf32>, vector<16xf32>)
        %swap3A_1337 = arith.constant 0 : i32
        %swap3A_1338 = arith.index_cast %swap3A_1337 : i32 to index
        %swap3A_1339 = arith.index_cast %scan3A_273 : i32 to index
        %swap3A_1340 = arith.constant 128 : index
        %swap3A_1341 = tpu.vector_load %arg8[%swap3A_1338, %swap3A_1339, %swap3A_1340] {strides = array<i32>} : memref<2x64x256xf32, #tpu.memory_space<vmem>>, vector<16xf32>,
        tpu.vector_store %arg8[%swap3A_1338, %swap3A_1339, %swap3A_1340], %sort3A_1335 {strides = array<i32>} : memref<2x64x256xf32, #tpu.memory_space<vmem>>, vector<16xf32>,
        %sort3A_1342 = arith.constant dense<true> : vector<16xi1>
        %sort3A_1343, %sort3A_1344, %sort3A_1345 = tpu.sort %max3A_1255, %max3A_1255 masked %sort3A_1342 : (vector<16xf32>, vector<16xf32>, vector<16xi1>) -> (vector<16xi1>, vector<16xf32>, vector<16xf32>)
        %swap3A_1346 = arith.constant 0 : i32
        %swap3A_1347 = arith.index_cast %swap3A_1346 : i32 to index
        %swap3A_1348 = arith.index_cast %scan3A_273 : i32 to index
        %swap3A_1349 = arith.constant 144 : index
        %swap3A_1350 = tpu.vector_load %arg8[%swap3A_1347, %swap3A_1348, %swap3A_1349] {strides = array<i32>} : memref<2x64x256xf32, #tpu.memory_space<vmem>>, vector<16xf32>,
        tpu.vector_store %arg8[%swap3A_1347, %swap3A_1348, %swap3A_1349], %sort3A_1344 {strides = array<i32>} : memref<2x64x256xf32, #tpu.memory_space<vmem>>, vector<16xf32>,
        %sort3A_1351 = arith.constant dense<true> : vector<16xi1>
        %sort3A_1352, %sort3A_1353, %sort3A_1354 = tpu.sort %min3A_1256, %min3A_1256 masked %sort3A_1351 : (vector<16xf32>, vector<16xf32>, vector<16xi1>) -> (vector<16xi1>, vector<16xf32>, vector<16xf32>)
        %swap3A_1355 = arith.constant 0 : i32
        %swap3A_1356 = arith.index_cast %swap3A_1355 : i32 to index
        %swap3A_1357 = arith.index_cast %scan3A_273 : i32 to index
        %swap3A_1358 = arith.constant 160 : index
        %swap3A_1359 = tpu.vector_load %arg8[%swap3A_1356, %swap3A_1357, %swap3A_1358] {strides = array<i32>} : memref<2x64x256xf32, #tpu.memory_space<vmem>>, vector<16xf32>,
        tpu.vector_store %arg8[%swap3A_1356, %swap3A_1357, %swap3A_1358], %sort3A_1353 {strides = array<i32>} : memref<2x64x256xf32, #tpu.memory_space<vmem>>, vector<16xf32>,
        %sort3A_1360 = arith.constant dense<true> : vector<16xi1>
        %sort3A_1361, %sort3A_1362, %sort3A_1363 = tpu.sort %max3A_1257, %max3A_1257 masked %sort3A_1360 : (vector<16xf32>, vector<16xf32>, vector<16xi1>) -> (vector<16xi1>, vector<16xf32>, vector<16xf32>)
        %swap3A_1364 = arith.constant 0 : i32
        %swap3A_1365 = arith.index_cast %swap3A_1364 : i32 to index
        %swap3A_1366 = arith.index_cast %scan3A_273 : i32 to index
        %swap3A_1367 = arith.constant 176 : index
        %swap3A_1368 = tpu.vector_load %arg8[%swap3A_1365, %swap3A_1366, %swap3A_1367] {strides = array<i32>} : memref<2x64x256xf32, #tpu.memory_space<vmem>>, vector<16xf32>,
        tpu.vector_store %arg8[%swap3A_1365, %swap3A_1366, %swap3A_1367], %sort3A_1362 {strides = array<i32>} : memref<2x64x256xf32, #tpu.memory_space<vmem>>, vector<16xf32>,
        %sort3A_1369 = arith.constant dense<true> : vector<16xi1>
        %sort3A_1370, %sort3A_1371, %sort3A_1372 = tpu.sort %min3A_1258, %min3A_1258 masked %sort3A_1369 : (vector<16xf32>, vector<16xf32>, vector<16xi1>) -> (vector<16xi1>, vector<16xf32>, vector<16xf32>)
        %swap3A_1373 = arith.constant 0 : i32
        %swap3A_1374 = arith.index_cast %swap3A_1373 : i32 to index
        %swap3A_1375 = arith.index_cast %scan3A_273 : i32 to index
        %swap3A_1376 = arith.constant 192 : index
        %swap3A_1377 = tpu.vector_load %arg8[%swap3A_1374, %swap3A_1375, %swap3A_1376] {strides = array<i32>} : memref<2x64x256xf32, #tpu.memory_space<vmem>>, vector<16xf32>,
        tpu.vector_store %arg8[%swap3A_1374, %swap3A_1375, %swap3A_1376], %sort3A_1371 {strides = array<i32>} : memref<2x64x256xf32, #tpu.memory_space<vmem>>, vector<16xf32>,
        %sort3A_1378 = arith.constant dense<true> : vector<16xi1>
        %sort3A_1379, %sort3A_1380, %sort3A_1381 = tpu.sort %max3A_1259, %max3A_1259 masked %sort3A_1378 : (vector<16xf32>, vector<16xf32>, vector<16xi1>) -> (vector<16xi1>, vector<16xf32>, vector<16xf32>)
        %swap3A_1382 = arith.constant 0 : i32
        %swap3A_1383 = arith.index_cast %swap3A_1382 : i32 to index
        %swap3A_1384 = arith.index_cast %scan3A_273 : i32 to index
        %swap3A_1385 = arith.constant 208 : index
        %swap3A_1386 = tpu.vector_load %arg8[%swap3A_1383, %swap3A_1384, %swap3A_1385] {strides = array<i32>} : memref<2x64x256xf32, #tpu.memory_space<vmem>>, vector<16xf32>,
        tpu.vector_store %arg8[%swap3A_1383, %swap3A_1384, %swap3A_1385], %sort3A_1380 {strides = array<i32>} : memref<2x64x256xf32, #tpu.memory_space<vmem>>, vector<16xf32>,
        %sort3A_1387 = arith.constant dense<true> : vector<16xi1>
        %sort3A_1388, %sort3A_1389, %sort3A_1390 = tpu.sort %min3A_1260, %min3A_1260 masked %sort3A_1387 : (vector<16xf32>, vector<16xf32>, vector<16xi1>) -> (vector<16xi1>, vector<16xf32>, vector<16xf32>)
        %swap3A_1391 = arith.constant 0 : i32
        %swap3A_1392 = arith.index_cast %swap3A_1391 : i32 to index
        %swap3A_1393 = arith.index_cast %scan3A_273 : i32 to index
        %swap3A_1394 = arith.constant 224 : index
        %swap3A_1395 = tpu.vector_load %arg8[%swap3A_1392, %swap3A_1393, %swap3A_1394] {strides = array<i32>} : memref<2x64x256xf32, #tpu.memory_space<vmem>>, vector<16xf32>,
        tpu.vector_store %arg8[%swap3A_1392, %swap3A_1393, %swap3A_1394], %sort3A_1389 {strides = array<i32>} : memref<2x64x256xf32, #tpu.memory_space<vmem>>, vector<16xf32>,
        %sort3A_1396 = arith.constant dense<true> : vector<16xi1>
        %sort3A_1397, %sort3A_1398, %sort3A_1399 = tpu.sort %max3A_1261, %max3A_1261 masked %sort3A_1396 : (vector<16xf32>, vector<16xf32>, vector<16xi1>) -> (vector<16xi1>, vector<16xf32>, vector<16xf32>)
        %swap3A_1400 = arith.constant 0 : i32
        %swap3A_1401 = arith.index_cast %swap3A_1400 : i32 to index
        %swap3A_1402 = arith.index_cast %scan3A_273 : i32 to index
        %swap3A_1403 = arith.constant 240 : index
        %swap3A_1404 = tpu.vector_load %arg8[%swap3A_1401, %swap3A_1402, %swap3A_1403] {strides = array<i32>} : memref<2x64x256xf32, #tpu.memory_space<vmem>>, vector<16xf32>,
        tpu.vector_store %arg8[%swap3A_1401, %swap3A_1402, %swap3A_1403], %sort3A_1398 {strides = array<i32>} : memref<2x64x256xf32, #tpu.memory_space<vmem>>, vector<16xf32>,
      }
      %scan3A_178 = arith.constant 64 : i32
      %dma_start3A_179 = arith.constant 0 : i32
      %dma_start3A_180 = arith.constant 0 : i32
      %dma_start3A_181 = arith.constant 0 : i32
      %dma_start3A_182 = arith.constant 0 : i32
      %dma_start3A_183 = tpu.memref_slice %arg8[%dma_start3A_179, %dma_start3A_181, %dma_start3A_182] : memref<2x64x256xf32, #tpu.memory_space<vmem>> -> memref<1x64x256xf32, #tpu.memory_space<vmem>>
      %dma_start3A_184 = tpu.memref_squeeze %dma_start3A_183 : memref<1x64x256xf32, #tpu.memory_space<vmem>> -> memref<64x256xf32, #tpu.memory_space<vmem>>
      %dma_start3A_185 = arith.constant 0 : i32
      %dma_start3A_186 = tpu.memref_slice %arg5[%add3A_134, %dma_start3A_185] : memref<131072x256xf32, #tpu.memory_space<hbm>> -> memref<64x256xf32, #tpu.memory_space<hbm>>
      %dma_start3A_187 = tpu.memref_slice %arg14[%dma_start3A_180] : memref<2x!tpu.dma_semaphore, #tpu.memory_space<semaphore_mem>> -> memref<1x!tpu.dma_semaphore, #tpu.memory_space<semaphore_mem>>
      %dma_start3A_188 = tpu.memref_squeeze %dma_start3A_187 : memref<1x!tpu.dma_semaphore, #tpu.memory_space<semaphore_mem>> -> memref<!tpu.dma_semaphore, #tpu.memory_space<semaphore_mem>>
      %dma_start3A_189 = arith.constant 0 : i32
      %dma_start3A_190 = tpu.memref_slice %arg5[%add3A_134, %dma_start3A_189] : memref<131072x256xf32, #tpu.memory_space<hbm>> -> memref<64x256xf32, #tpu.memory_space<hbm>>
      %dma_start3A_191 = arith.constant 0 : i32
      %dma_start3A_192 = arith.constant 0 : i32
      %dma_start3A_193 = tpu.memref_slice %arg8[%dma_start3A_179, %dma_start3A_191, %dma_start3A_192] : memref<2x64x256xf32, #tpu.memory_space<vmem>> -> memref<1x64x256xf32, #tpu.memory_space<vmem>>
      %dma_start3A_194 = tpu.memref_squeeze %dma_start3A_193 : memref<1x64x256xf32, #tpu.memory_space<vmem>> -> memref<64x256xf32, #tpu.memory_space<vmem>>
      tpu.enqueue_dma source(%dma_start3A_194 : memref<64x256xf32, #tpu.memory_space<vmem>>) target(%dma_start3A_190 : memref<64x256xf32, #tpu.memory_space<hbm>>) target_semaphore(%dma_start3A_188 : memref<!tpu.dma_semaphore, #tpu.memory_space<semaphore_mem>>)
      %lt3A = arith.constant 31 : i32
      %lt3A_195 = arith.cmpi slt, %scan3A_127, %lt3A : i32
      %convert_element_type3A_196 = arith.extui %lt3A_195 : i1 to i32
      %cond3A_197 = arith.constant 0 : i32
      %cond3A_198 = arith.cmpi ne, %convert_element_type3A_196, %cond3A_197 : i32
      scf.if %cond3A_198 {
        %add3A_273 = arith.constant 2 : i32
        %add3A_274 = arith.addi %add3A_131, %add3A_273 : i32
        %mul3A_275 = arith.constant 64 : i32
        %mul3A_276 = arith.muli %add3A_274, %mul3A_275 : i32
        %add3A_277 = arith.addi %mul3A_2, %mul3A_276 : i32
        %dma_start3A_278 = arith.constant 0 : i32
        %dma_start3A_279 = arith.constant 0 : i32
        %dma_start3A_280 = arith.constant 0 : i32
        %dma_start3A_281 = arith.constant 0 : i32
        %dma_start3A_282 = tpu.memref_slice %arg6[%dma_start3A_278, %dma_start3A_280, %dma_start3A_281] : memref<2x64x128xf32, #tpu.memory_space<vmem>> -> memref<1x64x128xf32, #tpu.memory_space<vmem>>
        %dma_start3A_283 = tpu.memref_squeeze %dma_start3A_282 : memref<1x64x128xf32, #tpu.memory_space<vmem>> -> memref<64x128xf32, #tpu.memory_space<vmem>>
        %dma_start3A_284 = arith.constant 0 : i32
        %dma_start3A_285 = tpu.memref_slice %arg2[%add3A_277, %dma_start3A_284] : memref<131072x128xf32, #tpu.memory_space<hbm>> -> memref<64x128xf32, #tpu.memory_space<hbm>>
        %dma_start3A_286 = tpu.memref_slice %arg12[%dma_start3A_279] : memref<2x!tpu.dma_semaphore, #tpu.memory_space<semaphore_mem>> -> memref<1x!tpu.dma_semaphore, #tpu.memory_space<semaphore_mem>>
        %dma_start3A_287 = tpu.memref_squeeze %dma_start3A_286 : memref<1x!tpu.dma_semaphore, #tpu.memory_space<semaphore_mem>> -> memref<!tpu.dma_semaphore, #tpu.memory_space<semaphore_mem>>
        %dma_start3A_288 = arith.constant 0 : i32
        %dma_start3A_289 = arith.constant 0 : i32
        %dma_start3A_290 = tpu.memref_slice %arg6[%dma_start3A_278, %dma_start3A_288, %dma_start3A_289] : memref<2x64x128xf32, #tpu.memory_space<vmem>> -> memref<1x64x128xf32, #tpu.memory_space<vmem>>
        %dma_start3A_291 = tpu.memref_squeeze %dma_start3A_290 : memref<1x64x128xf32, #tpu.memory_space<vmem>> -> memref<64x128xf32, #tpu.memory_space<vmem>>
        %dma_start3A_292 = arith.constant 0 : i32
        %dma_start3A_293 = tpu.memref_slice %arg2[%add3A_277, %dma_start3A_292] : memref<131072x128xf32, #tpu.memory_space<hbm>> -> memref<64x128xf32, #tpu.memory_space<hbm>>
        tpu.enqueue_dma source(%dma_start3A_293 : memref<64x128xf32, #tpu.memory_space<hbm>>) target(%dma_start3A_291 : memref<64x128xf32, #tpu.memory_space<vmem>>) target_semaphore(%dma_start3A_287 : memref<!tpu.dma_semaphore, #tpu.memory_space<semaphore_mem>>)
        %dma_start3A_294 = arith.constant 0 : i32
        %dma_start3A_295 = arith.constant 0 : i32
        %dma_start3A_296 = arith.constant 0 : i32
        %dma_start3A_297 = arith.constant 0 : i32
        %dma_start3A_298 = tpu.memref_slice %arg7[%dma_start3A_294, %dma_start3A_296, %dma_start3A_297] : memref<2x64x128xf32, #tpu.memory_space<vmem>> -> memref<1x64x128xf32, #tpu.memory_space<vmem>>
        %dma_start3A_299 = tpu.memref_squeeze %dma_start3A_298 : memref<1x64x128xf32, #tpu.memory_space<vmem>> -> memref<64x128xf32, #tpu.memory_space<vmem>>
        %dma_start3A_300 = arith.constant 0 : i32
        %dma_start3A_301 = tpu.memref_slice %arg3[%add3A_277, %dma_start3A_300] : memref<131072x128xf32, #tpu.memory_space<hbm>> -> memref<64x128xf32, #tpu.memory_space<hbm>>
        %dma_start3A_302 = tpu.memref_slice %arg13[%dma_start3A_295] : memref<2x!tpu.dma_semaphore, #tpu.memory_space<semaphore_mem>> -> memref<1x!tpu.dma_semaphore, #tpu.memory_space<semaphore_mem>>
        %dma_start3A_303 = tpu.memref_squeeze %dma_start3A_302 : memref<1x!tpu.dma_semaphore, #tpu.memory_space<semaphore_mem>> -> memref<!tpu.dma_semaphore, #tpu.memory_space<semaphore_mem>>
        %dma_start3A_304 = arith.constant 0 : i32
        %dma_start3A_305 = arith.constant 0 : i32
        %dma_start3A_306 = tpu.memref_slice %arg7[%dma_start3A_294, %dma_start3A_304, %dma_start3A_305] : memref<2x64x128xf32, #tpu.memory_space<vmem>> -> memref<1x64x128xf32, #tpu.memory_space<vmem>>
        %dma_start3A_307 = tpu.memref_squeeze %dma_start3A_306 : memref<1x64x128xf32, #tpu.memory_space<vmem>> -> memref<64x128xf32, #tpu.memory_space<vmem>>
        %dma_start3A_308 = arith.constant 0 : i32
        %dma_start3A_309 = tpu.memref_slice %arg3[%add3A_277, %dma_start3A_308] : memref<131072x128xf32, #tpu.memory_space<hbm>> -> memref<64x128xf32, #tpu.memory_space<hbm>>
        tpu.enqueue_dma source(%dma_start3A_309 : memref<64x128xf32, #tpu.memory_space<hbm>>) target(%dma_start3A_307 : memref<64x128xf32, #tpu.memory_space<vmem>>) target_semaphore(%dma_start3A_303 : memref<!tpu.dma_semaphore, #tpu.memory_space<semaphore_mem>>)
      } else {
      }
      %mul3A_199 = arith.constant 2 : i32
      %mul3A_200 = arith.muli %scan3A_127, %mul3A_199 : i32
      %add3A_201 = arith.constant 1 : i32
      %add3A_202 = arith.addi %mul3A_200, %add3A_201 : i32
      %mul3A_203 = arith.constant 64 : i32
      %mul3A_204 = arith.muli %add3A_202, %mul3A_203 : i32
      %add3A_205 = arith.addi %mul3A_2, %mul3A_204 : i32
      %mul3A_206 = arith.constant 64 : i32
      %mul3A_207 = arith.muli %add3A_202, %mul3A_206 : i32
      %add3A_208 = arith.addi %mul3A_2, %mul3A_207 : i32
      %dma_wait3A_209 = arith.constant 1 : i32
      %dma_wait3A_210 = arith.constant 1 : i32
      %dma_wait3A_211 = arith.constant 0 : i32
      %dma_wait3A_212 = arith.constant 0 : i32
      %dma_wait3A_213 = tpu.memref_slice %arg6[%dma_wait3A_209, %dma_wait3A_211, %dma_wait3A_212] : memref<2x64x128xf32, #tpu.memory_space<vmem>> -> memref<1x64x128xf32, #tpu.memory_space<vmem>>
      %dma_wait3A_214 = tpu.memref_squeeze %dma_wait3A_213 : memref<1x64x128xf32, #tpu.memory_space<vmem>> -> memref<64x128xf32, #tpu.memory_space<vmem>>
      %dma_wait3A_215 = arith.constant 0 : i32
      %dma_wait3A_216 = tpu.memref_slice %arg2[%add3A_208, %dma_wait3A_215] : memref<131072x128xf32, #tpu.memory_space<hbm>> -> memref<64x128xf32, #tpu.memory_space<hbm>>
      %dma_wait3A_217 = tpu.memref_slice %arg12[%dma_wait3A_210] : memref<2x!tpu.dma_semaphore, #tpu.memory_space<semaphore_mem>> -> memref<1x!tpu.dma_semaphore, #tpu.memory_space<semaphore_mem>>
      %dma_wait3A_218 = tpu.memref_squeeze %dma_wait3A_217 : memref<1x!tpu.dma_semaphore, #tpu.memory_space<semaphore_mem>> -> memref<!tpu.dma_semaphore, #tpu.memory_space<semaphore_mem>>
      %dma_wait3A_219 = arith.constant 0 : i32
      %dma_wait3A_220 = arith.constant 0 : i32
      %dma_wait3A_221 = tpu.memref_slice %arg6[%dma_wait3A_209, %dma_wait3A_219, %dma_wait3A_220] : memref<2x64x128xf32, #tpu.memory_space<vmem>> -> memref<1x64x128xf32, #tpu.memory_space<vmem>>
      %dma_wait3A_222 = tpu.memref_squeeze %dma_wait3A_221 : memref<1x64x128xf32, #tpu.memory_space<vmem>> -> memref<64x128xf32, #tpu.memory_space<vmem>>
      %dma_wait3A_223 = arith.constant 0 : i32
      %dma_wait3A_224 = tpu.memref_slice %arg2[%add3A_208, %dma_wait3A_223] : memref<131072x128xf32, #tpu.memory_space<hbm>> -> memref<64x128xf32, #tpu.memory_space<hbm>>
      tpu.wait_dma2 semaphore(%dma_wait3A_218 : memref<!tpu.dma_semaphore, #tpu.memory_space<semaphore_mem>>) src(%dma_wait3A_224 : memref<64x128xf32, #tpu.memory_space<hbm>>) dst(%dma_wait3A_222 : memref<64x128xf32, #tpu.memory_space<vmem>>)
      %dma_wait3A_225 = arith.constant 1 : i32
      %dma_wait3A_226 = arith.constant 1 : i32
      %dma_wait3A_227 = arith.constant 0 : i32
      %dma_wait3A_228 = arith.constant 0 : i32
      %dma_wait3A_229 = tpu.memref_slice %arg7[%dma_wait3A_225, %dma_wait3A_227, %dma_wait3A_228] : memref<2x64x128xf32, #tpu.memory_space<vmem>> -> memref<1x64x128xf32, #tpu.memory_space<vmem>>
      %dma_wait3A_230 = tpu.memref_squeeze %dma_wait3A_229 : memref<1x64x128xf32, #tpu.memory_space<vmem>> -> memref<64x128xf32, #tpu.memory_space<vmem>>
      %dma_wait3A_231 = arith.constant 0 : i32
      %dma_wait3A_232 = tpu.memref_slice %arg3[%add3A_208, %dma_wait3A_231] : memref<131072x128xf32, #tpu.memory_space<hbm>> -> memref<64x128xf32, #tpu.memory_space<hbm>>
      %dma_wait3A_233 = tpu.memref_slice %arg13[%dma_wait3A_226] : memref<2x!tpu.dma_semaphore, #tpu.memory_space<semaphore_mem>> -> memref<1x!tpu.dma_semaphore, #tpu.memory_space<semaphore_mem>>
      %dma_wait3A_234 = tpu.memref_squeeze %dma_wait3A_233 : memref<1x!tpu.dma_semaphore, #tpu.memory_space<semaphore_mem>> -> memref<!tpu.dma_semaphore, #tpu.memory_space<semaphore_mem>>
      %dma_wait3A_235 = arith.constant 0 : i32
      %dma_wait3A_236 = arith.constant 0 : i32
      %dma_wait3A_237 = tpu.memref_slice %arg7[%dma_wait3A_225, %dma_wait3A_235, %dma_wait3A_236] : memref<2x64x128xf32, #tpu.memory_space<vmem>> -> memref<1x64x128xf32, #tpu.memory_space<vmem>>
      %dma_wait3A_238 = tpu.memref_squeeze %dma_wait3A_237 : memref<1x64x128xf32, #tpu.memory_space<vmem>> -> memref<64x128xf32, #tpu.memory_space<vmem>>
      %dma_wait3A_239 = arith.constant 0 : i32
      %dma_wait3A_240 = tpu.memref_slice %arg3[%add3A_208, %dma_wait3A_239] : memref<131072x128xf32, #tpu.memory_space<hbm>> -> memref<64x128xf32, #tpu.memory_space<hbm>>
      tpu.wait_dma2 semaphore(%dma_wait3A_234 : memref<!tpu.dma_semaphore, #tpu.memory_space<semaphore_mem>>) src(%dma_wait3A_240 : memref<64x128xf32, #tpu.memory_space<hbm>>) dst(%dma_wait3A_238 : memref<64x128xf32, #tpu.memory_space<vmem>>)
      %gt3A_241 = arith.constant 0 : i32
      %gt3A_242 = arith.cmpi sgt, %scan3A_127, %gt3A_241 : i32
      %convert_element_type3A_243 = arith.extui %gt3A_242 : i1 to i32
      %cond3A_244 = arith.constant 0 : i32
      %cond3A_245 = arith.cmpi ne, %convert_element_type3A_243, %cond3A_244 : i32
      scf.if %cond3A_245 {
        %dma_wait3A_273 = arith.constant 1 : i32
        %dma_wait3A_274 = arith.constant 1 : i32
        %dma_wait3A_275 = arith.constant 0 : i32
        %dma_wait3A_276 = arith.constant 0 : i32
        %dma_wait3A_277 = tpu.memref_slice %arg8[%dma_wait3A_273, %dma_wait3A_275, %dma_wait3A_276] : memref<2x64x256xf32, #tpu.memory_space<vmem>> -> memref<1x64x256xf32, #tpu.memory_space<vmem>>
        %dma_wait3A_278 = tpu.memref_squeeze %dma_wait3A_277 : memref<1x64x256xf32, #tpu.memory_space<vmem>> -> memref<64x256xf32, #tpu.memory_space<vmem>>
        %dma_wait3A_279 = arith.constant 0 : i32
        %dma_wait3A_280 = tpu.memref_slice %arg5[%add3A_205, %dma_wait3A_279] : memref<131072x256xf32, #tpu.memory_space<hbm>> -> memref<64x256xf32, #tpu.memory_space<hbm>>
        %dma_wait3A_281 = tpu.memref_slice %arg14[%dma_wait3A_274] : memref<2x!tpu.dma_semaphore, #tpu.memory_space<semaphore_mem>> -> memref<1x!tpu.dma_semaphore, #tpu.memory_space<semaphore_mem>>
        %dma_wait3A_282 = tpu.memref_squeeze %dma_wait3A_281 : memref<1x!tpu.dma_semaphore, #tpu.memory_space<semaphore_mem>> -> memref<!tpu.dma_semaphore, #tpu.memory_space<semaphore_mem>>
        %dma_wait3A_283 = arith.constant 0 : i32
        %dma_wait3A_284 = tpu.memref_slice %arg5[%add3A_205, %dma_wait3A_283] : memref<131072x256xf32, #tpu.memory_space<hbm>> -> memref<64x256xf32, #tpu.memory_space<hbm>>
        %dma_wait3A_285 = arith.constant 0 : i32
        %dma_wait3A_286 = arith.constant 0 : i32
        %dma_wait3A_287 = tpu.memref_slice %arg8[%dma_wait3A_273, %dma_wait3A_285, %dma_wait3A_286] : memref<2x64x256xf32, #tpu.memory_space<vmem>> -> memref<1x64x256xf32, #tpu.memory_space<vmem>>
        %dma_wait3A_288 = tpu.memref_squeeze %dma_wait3A_287 : memref<1x64x256xf32, #tpu.memory_space<vmem>> -> memref<64x256xf32, #tpu.memory_space<vmem>>
        tpu.wait_dma2 semaphore(%dma_wait3A_282 : memref<!tpu.dma_semaphore, #tpu.memory_space<semaphore_mem>>) src(%dma_wait3A_288 : memref<64x256xf32, #tpu.memory_space<vmem>>) dst(%dma_wait3A_284 : memref<64x256xf32, #tpu.memory_space<hbm>>)
      } else {
      }
      %scan3A_246 = arith.constant 0 : i32
      %scan3A_247 = arith.constant 0 : i32
      %scan3A_248 = arith.constant 64 : i32
      %scan3A_249 = arith.addi %scan3A_247, %scan3A_248 : i32
      %scan3A_250 = arith.constant 1 : i32
      scf.for %scan3A_273 = %scan3A_247 to %scan3A_249 step %scan3A_250  : i32 {
        %broadcast_in_dim3A_274 = arith.constant 0 : i32
        %broadcast_in_dim3A_275 = vector.broadcast %broadcast_in_dim3A_274 : i32 to vector<16xi32>
        %broadcast_in_dim3A_276 = arith.constant 1 : i32
        %broadcast_in_dim3A_277 = vector.broadcast %broadcast_in_dim3A_276 : i32 to vector<16xi32>
        %get3A_278 = arith.constant 1 : i32
        %get3A_279 = arith.index_cast %get3A_278 : i32 to index
        %get3A_280 = arith.index_cast %scan3A_273 : i32 to index
        %get3A_281 = arith.constant 0 : index
        %get3A_282 = tpu.vector_load %arg6[%get3A_279, %get3A_280, %get3A_281] {strides = array<i32>} : memref<2x64x128xf32, #tpu.memory_space<vmem>>, vector<16xf32>,
        %get3A_283 = arith.constant 1 : i32
        %get3A_284 = arith.index_cast %get3A_283 : i32 to index
        %get3A_285 = arith.index_cast %scan3A_273 : i32 to index
        %get3A_286 = arith.constant 16 : index
        %get3A_287 = tpu.vector_load %arg6[%get3A_284, %get3A_285, %get3A_286] {strides = array<i32>} : memref<2x64x128xf32, #tpu.memory_space<vmem>>, vector<16xf32>,
        %get3A_288 = arith.constant 1 : i32
        %get3A_289 = arith.index_cast %get3A_288 : i32 to index
        %get3A_290 = arith.index_cast %scan3A_273 : i32 to index
        %get3A_291 = arith.constant 32 : index
        %get3A_292 = tpu.vector_load %arg6[%get3A_289, %get3A_290, %get3A_291] {strides = array<i32>} : memref<2x64x128xf32, #tpu.memory_space<vmem>>, vector<16xf32>,
        %get3A_293 = arith.constant 1 : i32
        %get3A_294 = arith.index_cast %get3A_293 : i32 to index
        %get3A_295 = arith.index_cast %scan3A_273 : i32 to index
        %get3A_296 = arith.constant 48 : index
        %get3A_297 = tpu.vector_load %arg6[%get3A_294, %get3A_295, %get3A_296] {strides = array<i32>} : memref<2x64x128xf32, #tpu.memory_space<vmem>>, vector<16xf32>,
        %get3A_298 = arith.constant 1 : i32
        %get3A_299 = arith.index_cast %get3A_298 : i32 to index
        %get3A_300 = arith.index_cast %scan3A_273 : i32 to index
        %get3A_301 = arith.constant 64 : index
        %get3A_302 = tpu.vector_load %arg6[%get3A_299, %get3A_300, %get3A_301] {strides = array<i32>} : memref<2x64x128xf32, #tpu.memory_space<vmem>>, vector<16xf32>,
        %get3A_303 = arith.constant 1 : i32
        %get3A_304 = arith.index_cast %get3A_303 : i32 to index
        %get3A_305 = arith.index_cast %scan3A_273 : i32 to index
        %get3A_306 = arith.constant 80 : index
        %get3A_307 = tpu.vector_load %arg6[%get3A_304, %get3A_305, %get3A_306] {strides = array<i32>} : memref<2x64x128xf32, #tpu.memory_space<vmem>>, vector<16xf32>,
        %get3A_308 = arith.constant 1 : i32
        %get3A_309 = arith.index_cast %get3A_308 : i32 to index
        %get3A_310 = arith.index_cast %scan3A_273 : i32 to index
        %get3A_311 = arith.constant 96 : index
        %get3A_312 = tpu.vector_load %arg6[%get3A_309, %get3A_310, %get3A_311] {strides = array<i32>} : memref<2x64x128xf32, #tpu.memory_space<vmem>>, vector<16xf32>,
        %get3A_313 = arith.constant 1 : i32
        %get3A_314 = arith.index_cast %get3A_313 : i32 to index
        %get3A_315 = arith.index_cast %scan3A_273 : i32 to index
        %get3A_316 = arith.constant 112 : index
        %get3A_317 = tpu.vector_load %arg6[%get3A_314, %get3A_315, %get3A_316] {strides = array<i32>} : memref<2x64x128xf32, #tpu.memory_space<vmem>>, vector<16xf32>,
        %lt3A_318 = arith.constant 15 : i32
        %lt3A_319 = vector.broadcast %lt3A_318 : i32 to vector<16xi32>
        %lt3A_320 = arith.cmpi slt, %iota3A, %lt3A_319 : vector<16xi32>
        %jit3A = arith.constant 0.000000e+00 : f32
        %broadcast_in_dim3A_321 = vector.broadcast %jit3A : f32 to vector<16xf32>
        %select_n3A = arith.select %lt3A_320, %get3A_317, %broadcast_in_dim3A_321 : vector<16xi1>, vector<16xf32>
        %reduce_sum3A = arith.constant true
        %reduce_sum3A_322 = vector.broadcast %reduce_sum3A : i1 to vector<16xi1>
        %reduce_sum3A_323 = tpu.scan <sum>, %get3A_282 masked %reduce_sum3A_322 : vector<16xf32>, vector<16xi1> -> vector<16xf32>
        %reduce_sum3A_324 = vector.extract %reduce_sum3A_323[15] : f32 from vector<16xf32>
        %reduce_sum3A_325 = arith.constant true
        %reduce_sum3A_326 = vector.broadcast %reduce_sum3A_325 : i1 to vector<16xi1>
        %reduce_sum3A_327 = tpu.scan <sum>, %get3A_287 masked %reduce_sum3A_326 : vector<16xf32>, vector<16xi1> -> vector<16xf32>
        %reduce_sum3A_328 = vector.extract %reduce_sum3A_327[15] : f32 from vector<16xf32>
        %reduce_sum3A_329 = arith.constant true
        %reduce_sum3A_330 = vector.broadcast %reduce_sum3A_329 : i1 to vector<16xi1>
        %reduce_sum3A_331 = tpu.scan <sum>, %get3A_292 masked %reduce_sum3A_330 : vector<16xf32>, vector<16xi1> -> vector<16xf32>
        %reduce_sum3A_332 = vector.extract %reduce_sum3A_331[15] : f32 from vector<16xf32>
        %reduce_sum3A_333 = arith.constant true
        %reduce_sum3A_334 = vector.broadcast %reduce_sum3A_333 : i1 to vector<16xi1>
        %reduce_sum3A_335 = tpu.scan <sum>, %get3A_297 masked %reduce_sum3A_334 : vector<16xf32>, vector<16xi1> -> vector<16xf32>
        %reduce_sum3A_336 = vector.extract %reduce_sum3A_335[15] : f32 from vector<16xf32>
        %reduce_sum3A_337 = arith.constant true
        %reduce_sum3A_338 = vector.broadcast %reduce_sum3A_337 : i1 to vector<16xi1>
        %reduce_sum3A_339 = tpu.scan <sum>, %get3A_302 masked %reduce_sum3A_338 : vector<16xf32>, vector<16xi1> -> vector<16xf32>
        %reduce_sum3A_340 = vector.extract %reduce_sum3A_339[15] : f32 from vector<16xf32>
        %reduce_sum3A_341 = arith.constant true
        %reduce_sum3A_342 = vector.broadcast %reduce_sum3A_341 : i1 to vector<16xi1>
        %reduce_sum3A_343 = tpu.scan <sum>, %get3A_307 masked %reduce_sum3A_342 : vector<16xf32>, vector<16xi1> -> vector<16xf32>
        %reduce_sum3A_344 = vector.extract %reduce_sum3A_343[15] : f32 from vector<16xf32>
        %reduce_sum3A_345 = arith.constant true
        %reduce_sum3A_346 = vector.broadcast %reduce_sum3A_345 : i1 to vector<16xi1>
        %reduce_sum3A_347 = tpu.scan <sum>, %get3A_312 masked %reduce_sum3A_346 : vector<16xf32>, vector<16xi1> -> vector<16xf32>
        %reduce_sum3A_348 = vector.extract %reduce_sum3A_347[15] : f32 from vector<16xf32>
        %reduce_sum3A_349 = arith.constant true
        %reduce_sum3A_350 = vector.broadcast %reduce_sum3A_349 : i1 to vector<16xi1>
        %reduce_sum3A_351 = tpu.scan <sum>, %select_n3A masked %reduce_sum3A_350 : vector<16xf32>, vector<16xi1> -> vector<16xf32>
        %reduce_sum3A_352 = vector.extract %reduce_sum3A_351[15] : f32 from vector<16xf32>
        %add3A_353 = arith.addf %reduce_sum3A_324, %reduce_sum3A_328 : f32
        %add3A_354 = arith.addf %add3A_353, %reduce_sum3A_332 : f32
        %add3A_355 = arith.addf %add3A_354, %reduce_sum3A_336 : f32
        %add3A_356 = arith.addf %add3A_355, %reduce_sum3A_340 : f32
        %add3A_357 = arith.addf %add3A_356, %reduce_sum3A_344 : f32
        %add3A_358 = arith.addf %add3A_357, %reduce_sum3A_348 : f32
        %add3A_359 = arith.addf %add3A_358, %reduce_sum3A_352 : f32
        %sub3A = arith.constant 9.99999974E-6 : f32
        %sub3A_360 = arith.subf %sub3A, %add3A_359 : f32
        %max3A = arith.constant 0.000000e+00 : f32
        %max3A_361 = arith.maximumf %sub3A_360, %max3A : f32
        %mul3A_362 = arith.constant 0.00787401571 : f32
        %mul3A_363 = arith.mulf %max3A_361, %mul3A_362 : f32
        %add3A_364 = arith.addf %add3A_359, %max3A_361 : f32
        %broadcast_in_dim3A_365 = vector.broadcast %add3A_364 : f32 to vector<16xf32>
        %div3A = arith.constant 1.000000e+00 : f32
        %div3A_366 = vector.broadcast %div3A : f32 to vector<16xf32>
        %div3A_367 = arith.divf %div3A_366, %broadcast_in_dim3A_365 : vector<16xf32>
        %eq3A = arith.constant 0 : i32
        %eq3A_368 = vector.broadcast %eq3A : i32 to vector<16xi32>
        %eq3A_369 = arith.cmpi eq, %iota3A, %eq3A_368 : vector<16xi32>
        %jit3A_370 = arith.constant 1 : i32
        %jit3A_371 = arith.constant 0 : i32
        %broadcast_in_dim3A_372 = vector.broadcast %jit3A_370 : i32 to vector<16xi32>
        %broadcast_in_dim3A_373 = vector.broadcast %jit3A_371 : i32 to vector<16xi32>
        %select_n3A_374 = arith.select %eq3A_369, %broadcast_in_dim3A_372, %broadcast_in_dim3A_373 : vector<16xi1>, vector<16xi32>
        %swap3A = arith.constant 0 : i32
        %swap3A_375 = arith.index_cast %swap3A : i32 to index
        %swap3A_376 = arith.constant 0 : index
        %swap3A_377 = tpu.vector_load %arg11[%swap3A_375, %swap3A_376] {strides = array<i32>} : memref<1x144xi32, #tpu.memory_space<vmem>>, vector<16xi32>,
        tpu.vector_store %arg11[%swap3A_375, %swap3A_376], %select_n3A_374 {strides = array<i32>} : memref<1x144xi32, #tpu.memory_space<vmem>>, vector<16xi32>,
        %broadcast_in_dim3A_378 = arith.constant 0 : i32
        %broadcast_in_dim3A_379 = vector.broadcast %broadcast_in_dim3A_378 : i32 to vector<16xi32>
        %swap3A_380 = arith.constant 0 : i32
        %swap3A_381 = arith.index_cast %swap3A_380 : i32 to index
        %swap3A_382 = arith.constant 16 : index
        %swap3A_383 = tpu.vector_load %arg11[%swap3A_381, %swap3A_382] {strides = array<i32>} : memref<1x144xi32, #tpu.memory_space<vmem>>, vector<16xi32>,
        tpu.vector_store %arg11[%swap3A_381, %swap3A_382], %broadcast_in_dim3A_379 {strides = array<i32>} : memref<1x144xi32, #tpu.memory_space<vmem>>, vector<16xi32>,
        %broadcast_in_dim3A_384 = arith.constant 0 : i32
        %broadcast_in_dim3A_385 = vector.broadcast %broadcast_in_dim3A_384 : i32 to vector<16xi32>
        %swap3A_386 = arith.constant 0 : i32
        %swap3A_387 = arith.index_cast %swap3A_386 : i32 to index
        %swap3A_388 = arith.constant 32 : index
        %swap3A_389 = tpu.vector_load %arg11[%swap3A_387, %swap3A_388] {strides = array<i32>} : memref<1x144xi32, #tpu.memory_space<vmem>>, vector<16xi32>,
        tpu.vector_store %arg11[%swap3A_387, %swap3A_388], %broadcast_in_dim3A_385 {strides = array<i32>} : memref<1x144xi32, #tpu.memory_space<vmem>>, vector<16xi32>,
        %broadcast_in_dim3A_390 = arith.constant 0 : i32
        %broadcast_in_dim3A_391 = vector.broadcast %broadcast_in_dim3A_390 : i32 to vector<16xi32>
        %swap3A_392 = arith.constant 0 : i32
        %swap3A_393 = arith.index_cast %swap3A_392 : i32 to index
        %swap3A_394 = arith.constant 48 : index
        %swap3A_395 = tpu.vector_load %arg11[%swap3A_393, %swap3A_394] {strides = array<i32>} : memref<1x144xi32, #tpu.memory_space<vmem>>, vector<16xi32>,
        tpu.vector_store %arg11[%swap3A_393, %swap3A_394], %broadcast_in_dim3A_391 {strides = array<i32>} : memref<1x144xi32, #tpu.memory_space<vmem>>, vector<16xi32>,
        %broadcast_in_dim3A_396 = arith.constant 0 : i32
        %broadcast_in_dim3A_397 = vector.broadcast %broadcast_in_dim3A_396 : i32 to vector<16xi32>
        %swap3A_398 = arith.constant 0 : i32
        %swap3A_399 = arith.index_cast %swap3A_398 : i32 to index
        %swap3A_400 = arith.constant 64 : index
        %swap3A_401 = tpu.vector_load %arg11[%swap3A_399, %swap3A_400] {strides = array<i32>} : memref<1x144xi32, #tpu.memory_space<vmem>>, vector<16xi32>,
        tpu.vector_store %arg11[%swap3A_399, %swap3A_400], %broadcast_in_dim3A_397 {strides = array<i32>} : memref<1x144xi32, #tpu.memory_space<vmem>>, vector<16xi32>,
        %broadcast_in_dim3A_402 = arith.constant 0 : i32
        %broadcast_in_dim3A_403 = vector.broadcast %broadcast_in_dim3A_402 : i32 to vector<16xi32>
        %swap3A_404 = arith.constant 0 : i32
        %swap3A_405 = arith.index_cast %swap3A_404 : i32 to index
        %swap3A_406 = arith.constant 80 : index
        %swap3A_407 = tpu.vector_load %arg11[%swap3A_405, %swap3A_406] {strides = array<i32>} : memref<1x144xi32, #tpu.memory_space<vmem>>, vector<16xi32>,
        tpu.vector_store %arg11[%swap3A_405, %swap3A_406], %broadcast_in_dim3A_403 {strides = array<i32>} : memref<1x144xi32, #tpu.memory_space<vmem>>, vector<16xi32>,
        %broadcast_in_dim3A_408 = arith.constant 0 : i32
        %broadcast_in_dim3A_409 = vector.broadcast %broadcast_in_dim3A_408 : i32 to vector<16xi32>
        %swap3A_410 = arith.constant 0 : i32
        %swap3A_411 = arith.index_cast %swap3A_410 : i32 to index
        %swap3A_412 = arith.constant 96 : index
        %swap3A_413 = tpu.vector_load %arg11[%swap3A_411, %swap3A_412] {strides = array<i32>} : memref<1x144xi32, #tpu.memory_space<vmem>>, vector<16xi32>,
        tpu.vector_store %arg11[%swap3A_411, %swap3A_412], %broadcast_in_dim3A_409 {strides = array<i32>} : memref<1x144xi32, #tpu.memory_space<vmem>>, vector<16xi32>,
        %broadcast_in_dim3A_414 = arith.constant 0 : i32
        %broadcast_in_dim3A_415 = vector.broadcast %broadcast_in_dim3A_414 : i32 to vector<16xi32>
        %swap3A_416 = arith.constant 0 : i32
        %swap3A_417 = arith.index_cast %swap3A_416 : i32 to index
        %swap3A_418 = arith.constant 112 : index
        %swap3A_419 = tpu.vector_load %arg11[%swap3A_417, %swap3A_418] {strides = array<i32>} : memref<1x144xi32, #tpu.memory_space<vmem>>, vector<16xi32>,
        tpu.vector_store %arg11[%swap3A_417, %swap3A_418], %broadcast_in_dim3A_415 {strides = array<i32>} : memref<1x144xi32, #tpu.memory_space<vmem>>, vector<16xi32>,
        %broadcast_in_dim3A_420 = arith.constant 0 : i32
        %broadcast_in_dim3A_421 = vector.broadcast %broadcast_in_dim3A_420 : i32 to vector<16xi32>
        %swap3A_422 = arith.constant 0 : i32
        %swap3A_423 = arith.index_cast %swap3A_422 : i32 to index
        %swap3A_424 = arith.constant 128 : index
        %swap3A_425 = tpu.vector_load %arg11[%swap3A_423, %swap3A_424] {strides = array<i32>} : memref<1x144xi32, #tpu.memory_space<vmem>>, vector<16xi32>,
        tpu.vector_store %arg11[%swap3A_423, %swap3A_424], %broadcast_in_dim3A_421 {strides = array<i32>} : memref<1x144xi32, #tpu.memory_space<vmem>>, vector<16xi32>,
        %broadcast_in_dim3A_426 = arith.constant 1 : i32
        %broadcast_in_dim3A_427 = vector.broadcast %broadcast_in_dim3A_426 : i32 to vector<16xi32>
        %broadcast_in_dim3A_428 = arith.constant true
        %broadcast_in_dim3A_429 = vector.broadcast %broadcast_in_dim3A_428 : i1 to vector<16xi1>
        %masked_cumsum3A = tpu.scan <sum>, %get3A_282 masked %broadcast_in_dim3A_429 : vector<16xf32>, vector<16xi1> -> vector<16xf32>
        %mul3A_430 = vector.broadcast %mul3A_363 : f32 to vector<16xf32>
        %mul3A_431 = arith.mulf %mul3A_430, %convert_element_type3A : vector<16xf32>
        %mul3A_432 = arith.constant 0.000000e+00 : f32
        %mul3A_433 = arith.mulf %mul3A_432, %mul3A_363 : f32
        %add3A_434 = arith.constant 0.000000e+00 : f32
        %add3A_435 = arith.addf %add3A_434, %mul3A_433 : f32
        %add3A_436 = vector.broadcast %add3A_435 : f32 to vector<16xf32>
        %add3A_437 = arith.addf %mul3A_431, %add3A_436 : vector<16xf32>
        %add3A_438 = arith.addf %masked_cumsum3A, %add3A_437 : vector<16xf32>
        %add3A_439 = arith.constant 0.000000e+00 : f32
        %add3A_440 = arith.addf %add3A_439, %reduce_sum3A_324 : f32
        %mul3A_441 = arith.mulf %add3A_438, %div3A_367 : vector<16xf32>
        %min3A = arith.constant 1.000000e+00 : f32
        %min3A_442 = vector.broadcast %min3A : f32 to vector<16xf32>
        %min3A_443 = arith.minimumf %mul3A_441, %min3A_442 : vector<16xf32>
        %add3A_444 = arith.constant 1 : i32
        %add3A_445 = vector.broadcast %add3A_444 : i32 to vector<16xi32>
        %add3A_446 = arith.addi %iota3A, %add3A_445 : vector<16xi32>
        tpu.vector_store_idx %arg10[%broadcast_in_dim3A_275, %add3A_446], %min3A_443 : memref<1x144xf32, #tpu.memory_space<vmem>>[vector<16xi32>, vector<16xi32>], vector<16xf32>,
        %mul3A_447 = arith.constant 1.270000e+02 : f32
        %mul3A_448 = vector.broadcast %mul3A_447 : f32 to vector<16xf32>
        %mul3A_449 = arith.mulf %min3A_443, %mul3A_448 : vector<16xf32>
        %convert_element_type3A_450 = arith.fptosi %mul3A_449 : vector<16xf32> to vector<16xi32>
        %convert_element_type3A_451 = arith.sitofp %convert_element_type3A_450 : vector<16xi32> to vector<16xf32>
        %lt3A_452 = arith.cmpf olt, %convert_element_type3A_451, %mul3A_449 : vector<16xf32>
        %convert_element_type3A_453 = arith.extui %lt3A_452 : vector<16xi1> to vector<16xi32>
        %add3A_454 = arith.addi %convert_element_type3A_450, %convert_element_type3A_453 : vector<16xi32>
        %sub3A_455 = arith.constant 1 : i32
        %sub3A_456 = vector.broadcast %sub3A_455 : i32 to vector<16xi32>
        %sub3A_457 = arith.subi %add3A_454, %sub3A_456 : vector<16xi32>
        %max3A_458 = arith.constant 0 : i32
        %max3A_459 = vector.broadcast %max3A_458 : i32 to vector<16xi32>
        %max3A_460 = arith.maxsi %sub3A_457, %max3A_459 : vector<16xi32>
        %gather3A = tpu.vector_load_idx %arg9[%max3A_460] : memref<128xf32, #tpu.memory_space<vmem>>[vector<16xi32>], vector<16xf32>,
        %gather3A_461 = tpu.vector_load_idx %arg9[%add3A_454] : memref<128xf32, #tpu.memory_space<vmem>>[vector<16xi32>], vector<16xf32>,
        %sub3A_462 = arith.constant 1 : i32
        %sub3A_463 = vector.broadcast %sub3A_462 : i32 to vector<16xi32>
        %sub3A_464 = arith.subi %add3A_454, %sub3A_463 : vector<16xi32>
        %lt3A_465 = arith.cmpf olt, %gather3A, %min3A_443 : vector<16xf32>
        %convert_element_type3A_466 = arith.extui %lt3A_465 : vector<16xi1> to vector<16xi32>
        %add3A_467 = arith.addi %sub3A_464, %convert_element_type3A_466 : vector<16xi32>
        %lt3A_468 = arith.cmpf olt, %gather3A_461, %min3A_443 : vector<16xf32>
        %convert_element_type3A_469 = arith.extui %lt3A_468 : vector<16xi1> to vector<16xi32>
        %add3A_470 = arith.addi %add3A_467, %convert_element_type3A_469 : vector<16xi32>
        %max3A_471 = arith.constant 0 : i32
        %max3A_472 = vector.broadcast %max3A_471 : i32 to vector<16xi32>
        %max3A_473 = arith.maxsi %add3A_470, %max3A_472 : vector<16xi32>
        tpu.vector_store_idx %arg11[%broadcast_in_dim3A_275, %max3A_473], %broadcast_in_dim3A_427 {add = true} : memref<1x144xi32, #tpu.memory_space<vmem>>[vector<16xi32>, vector<16xi32>], vector<16xi32>,
        %broadcast_in_dim3A_474 = arith.constant true
        %broadcast_in_dim3A_475 = vector.broadcast %broadcast_in_dim3A_474 : i1 to vector<16xi1>
        %masked_cumsum3A_476 = tpu.scan <sum>, %get3A_287 masked %broadcast_in_dim3A_475 : vector<16xf32>, vector<16xi1> -> vector<16xf32>
        %mul3A_477 = vector.broadcast %mul3A_363 : f32 to vector<16xf32>
        %mul3A_478 = arith.mulf %mul3A_477, %convert_element_type3A : vector<16xf32>
        %mul3A_479 = arith.constant 1.600000e+01 : f32
        %mul3A_480 = arith.mulf %mul3A_479, %mul3A_363 : f32
        %add3A_481 = arith.addf %add3A_440, %mul3A_480 : f32
        %add3A_482 = vector.broadcast %add3A_481 : f32 to vector<16xf32>
        %add3A_483 = arith.addf %mul3A_478, %add3A_482 : vector<16xf32>
        %add3A_484 = arith.addf %masked_cumsum3A_476, %add3A_483 : vector<16xf32>
        %add3A_485 = arith.addf %add3A_440, %reduce_sum3A_328 : f32
        %mul3A_486 = arith.mulf %add3A_484, %div3A_367 : vector<16xf32>
        %min3A_487 = arith.constant 1.000000e+00 : f32
        %min3A_488 = vector.broadcast %min3A_487 : f32 to vector<16xf32>
        %min3A_489 = arith.minimumf %mul3A_486, %min3A_488 : vector<16xf32>
        %add3A_490 = arith.constant 17 : i32
        %add3A_491 = vector.broadcast %add3A_490 : i32 to vector<16xi32>
        %add3A_492 = arith.addi %iota3A, %add3A_491 : vector<16xi32>
        tpu.vector_store_idx %arg10[%broadcast_in_dim3A_275, %add3A_492], %min3A_489 : memref<1x144xf32, #tpu.memory_space<vmem>>[vector<16xi32>, vector<16xi32>], vector<16xf32>,
        %mul3A_493 = arith.constant 1.270000e+02 : f32
        %mul3A_494 = vector.broadcast %mul3A_493 : f32 to vector<16xf32>
        %mul3A_495 = arith.mulf %min3A_489, %mul3A_494 : vector<16xf32>
        %convert_element_type3A_496 = arith.fptosi %mul3A_495 : vector<16xf32> to vector<16xi32>
        %convert_element_type3A_497 = arith.sitofp %convert_element_type3A_496 : vector<16xi32> to vector<16xf32>
        %lt3A_498 = arith.cmpf olt, %convert_element_type3A_497, %mul3A_495 : vector<16xf32>
        %convert_element_type3A_499 = arith.extui %lt3A_498 : vector<16xi1> to vector<16xi32>
        %add3A_500 = arith.addi %convert_element_type3A_496, %convert_element_type3A_499 : vector<16xi32>
        %sub3A_501 = arith.constant 1 : i32
        %sub3A_502 = vector.broadcast %sub3A_501 : i32 to vector<16xi32>
        %sub3A_503 = arith.subi %add3A_500, %sub3A_502 : vector<16xi32>
        %max3A_504 = arith.constant 0 : i32
        %max3A_505 = vector.broadcast %max3A_504 : i32 to vector<16xi32>
        %max3A_506 = arith.maxsi %sub3A_503, %max3A_505 : vector<16xi32>
        %gather3A_507 = tpu.vector_load_idx %arg9[%max3A_506] : memref<128xf32, #tpu.memory_space<vmem>>[vector<16xi32>], vector<16xf32>,
        %gather3A_508 = tpu.vector_load_idx %arg9[%add3A_500] : memref<128xf32, #tpu.memory_space<vmem>>[vector<16xi32>], vector<16xf32>,
        %sub3A_509 = arith.constant 1 : i32
        %sub3A_510 = vector.broadcast %sub3A_509 : i32 to vector<16xi32>
        %sub3A_511 = arith.subi %add3A_500, %sub3A_510 : vector<16xi32>
        %lt3A_512 = arith.cmpf olt, %gather3A_507, %min3A_489 : vector<16xf32>
        %convert_element_type3A_513 = arith.extui %lt3A_512 : vector<16xi1> to vector<16xi32>
        %add3A_514 = arith.addi %sub3A_511, %convert_element_type3A_513 : vector<16xi32>
        %lt3A_515 = arith.cmpf olt, %gather3A_508, %min3A_489 : vector<16xf32>
        %convert_element_type3A_516 = arith.extui %lt3A_515 : vector<16xi1> to vector<16xi32>
        %add3A_517 = arith.addi %add3A_514, %convert_element_type3A_516 : vector<16xi32>
        %max3A_518 = arith.constant 0 : i32
        %max3A_519 = vector.broadcast %max3A_518 : i32 to vector<16xi32>
        %max3A_520 = arith.maxsi %add3A_517, %max3A_519 : vector<16xi32>
        tpu.vector_store_idx %arg11[%broadcast_in_dim3A_275, %max3A_520], %broadcast_in_dim3A_427 {add = true} : memref<1x144xi32, #tpu.memory_space<vmem>>[vector<16xi32>, vector<16xi32>], vector<16xi32>,
        %broadcast_in_dim3A_521 = arith.constant true
        %broadcast_in_dim3A_522 = vector.broadcast %broadcast_in_dim3A_521 : i1 to vector<16xi1>
        %masked_cumsum3A_523 = tpu.scan <sum>, %get3A_292 masked %broadcast_in_dim3A_522 : vector<16xf32>, vector<16xi1> -> vector<16xf32>
        %mul3A_524 = vector.broadcast %mul3A_363 : f32 to vector<16xf32>
        %mul3A_525 = arith.mulf %mul3A_524, %convert_element_type3A : vector<16xf32>
        %mul3A_526 = arith.constant 3.200000e+01 : f32
        %mul3A_527 = arith.mulf %mul3A_526, %mul3A_363 : f32
        %add3A_528 = arith.addf %add3A_485, %mul3A_527 : f32
        %add3A_529 = vector.broadcast %add3A_528 : f32 to vector<16xf32>
        %add3A_530 = arith.addf %mul3A_525, %add3A_529 : vector<16xf32>
        %add3A_531 = arith.addf %masked_cumsum3A_523, %add3A_530 : vector<16xf32>
        %add3A_532 = arith.addf %add3A_485, %reduce_sum3A_332 : f32
        %mul3A_533 = arith.mulf %add3A_531, %div3A_367 : vector<16xf32>
        %min3A_534 = arith.constant 1.000000e+00 : f32
        %min3A_535 = vector.broadcast %min3A_534 : f32 to vector<16xf32>
        %min3A_536 = arith.minimumf %mul3A_533, %min3A_535 : vector<16xf32>
        %add3A_537 = arith.constant 33 : i32
        %add3A_538 = vector.broadcast %add3A_537 : i32 to vector<16xi32>
        %add3A_539 = arith.addi %iota3A, %add3A_538 : vector<16xi32>
        tpu.vector_store_idx %arg10[%broadcast_in_dim3A_275, %add3A_539], %min3A_536 : memref<1x144xf32, #tpu.memory_space<vmem>>[vector<16xi32>, vector<16xi32>], vector<16xf32>,
        %mul3A_540 = arith.constant 1.270000e+02 : f32
        %mul3A_541 = vector.broadcast %mul3A_540 : f32 to vector<16xf32>
        %mul3A_542 = arith.mulf %min3A_536, %mul3A_541 : vector<16xf32>
        %convert_element_type3A_543 = arith.fptosi %mul3A_542 : vector<16xf32> to vector<16xi32>
        %convert_element_type3A_544 = arith.sitofp %convert_element_type3A_543 : vector<16xi32> to vector<16xf32>
        %lt3A_545 = arith.cmpf olt, %convert_element_type3A_544, %mul3A_542 : vector<16xf32>
        %convert_element_type3A_546 = arith.extui %lt3A_545 : vector<16xi1> to vector<16xi32>
        %add3A_547 = arith.addi %convert_element_type3A_543, %convert_element_type3A_546 : vector<16xi32>
        %sub3A_548 = arith.constant 1 : i32
        %sub3A_549 = vector.broadcast %sub3A_548 : i32 to vector<16xi32>
        %sub3A_550 = arith.subi %add3A_547, %sub3A_549 : vector<16xi32>
        %max3A_551 = arith.constant 0 : i32
        %max3A_552 = vector.broadcast %max3A_551 : i32 to vector<16xi32>
        %max3A_553 = arith.maxsi %sub3A_550, %max3A_552 : vector<16xi32>
        %gather3A_554 = tpu.vector_load_idx %arg9[%max3A_553] : memref<128xf32, #tpu.memory_space<vmem>>[vector<16xi32>], vector<16xf32>,
        %gather3A_555 = tpu.vector_load_idx %arg9[%add3A_547] : memref<128xf32, #tpu.memory_space<vmem>>[vector<16xi32>], vector<16xf32>,
        %sub3A_556 = arith.constant 1 : i32
        %sub3A_557 = vector.broadcast %sub3A_556 : i32 to vector<16xi32>
        %sub3A_558 = arith.subi %add3A_547, %sub3A_557 : vector<16xi32>
        %lt3A_559 = arith.cmpf olt, %gather3A_554, %min3A_536 : vector<16xf32>
        %convert_element_type3A_560 = arith.extui %lt3A_559 : vector<16xi1> to vector<16xi32>
        %add3A_561 = arith.addi %sub3A_558, %convert_element_type3A_560 : vector<16xi32>
        %lt3A_562 = arith.cmpf olt, %gather3A_555, %min3A_536 : vector<16xf32>
        %convert_element_type3A_563 = arith.extui %lt3A_562 : vector<16xi1> to vector<16xi32>
        %add3A_564 = arith.addi %add3A_561, %convert_element_type3A_563 : vector<16xi32>
        %max3A_565 = arith.constant 0 : i32
        %max3A_566 = vector.broadcast %max3A_565 : i32 to vector<16xi32>
        %max3A_567 = arith.maxsi %add3A_564, %max3A_566 : vector<16xi32>
        tpu.vector_store_idx %arg11[%broadcast_in_dim3A_275, %max3A_567], %broadcast_in_dim3A_427 {add = true} : memref<1x144xi32, #tpu.memory_space<vmem>>[vector<16xi32>, vector<16xi32>], vector<16xi32>,
        %broadcast_in_dim3A_568 = arith.constant true
        %broadcast_in_dim3A_569 = vector.broadcast %broadcast_in_dim3A_568 : i1 to vector<16xi1>
        %masked_cumsum3A_570 = tpu.scan <sum>, %get3A_297 masked %broadcast_in_dim3A_569 : vector<16xf32>, vector<16xi1> -> vector<16xf32>
        %mul3A_571 = vector.broadcast %mul3A_363 : f32 to vector<16xf32>
        %mul3A_572 = arith.mulf %mul3A_571, %convert_element_type3A : vector<16xf32>
        %mul3A_573 = arith.constant 4.800000e+01 : f32
        %mul3A_574 = arith.mulf %mul3A_573, %mul3A_363 : f32
        %add3A_575 = arith.addf %add3A_532, %mul3A_574 : f32
        %add3A_576 = vector.broadcast %add3A_575 : f32 to vector<16xf32>
        %add3A_577 = arith.addf %mul3A_572, %add3A_576 : vector<16xf32>
        %add3A_578 = arith.addf %masked_cumsum3A_570, %add3A_577 : vector<16xf32>
        %add3A_579 = arith.addf %add3A_532, %reduce_sum3A_336 : f32
        %mul3A_580 = arith.mulf %add3A_578, %div3A_367 : vector<16xf32>
        %min3A_581 = arith.constant 1.000000e+00 : f32
        %min3A_582 = vector.broadcast %min3A_581 : f32 to vector<16xf32>
        %min3A_583 = arith.minimumf %mul3A_580, %min3A_582 : vector<16xf32>
        %add3A_584 = arith.constant 49 : i32
        %add3A_585 = vector.broadcast %add3A_584 : i32 to vector<16xi32>
        %add3A_586 = arith.addi %iota3A, %add3A_585 : vector<16xi32>
        tpu.vector_store_idx %arg10[%broadcast_in_dim3A_275, %add3A_586], %min3A_583 : memref<1x144xf32, #tpu.memory_space<vmem>>[vector<16xi32>, vector<16xi32>], vector<16xf32>,
        %mul3A_587 = arith.constant 1.270000e+02 : f32
        %mul3A_588 = vector.broadcast %mul3A_587 : f32 to vector<16xf32>
        %mul3A_589 = arith.mulf %min3A_583, %mul3A_588 : vector<16xf32>
        %convert_element_type3A_590 = arith.fptosi %mul3A_589 : vector<16xf32> to vector<16xi32>
        %convert_element_type3A_591 = arith.sitofp %convert_element_type3A_590 : vector<16xi32> to vector<16xf32>
        %lt3A_592 = arith.cmpf olt, %convert_element_type3A_591, %mul3A_589 : vector<16xf32>
        %convert_element_type3A_593 = arith.extui %lt3A_592 : vector<16xi1> to vector<16xi32>
        %add3A_594 = arith.addi %convert_element_type3A_590, %convert_element_type3A_593 : vector<16xi32>
        %sub3A_595 = arith.constant 1 : i32
        %sub3A_596 = vector.broadcast %sub3A_595 : i32 to vector<16xi32>
        %sub3A_597 = arith.subi %add3A_594, %sub3A_596 : vector<16xi32>
        %max3A_598 = arith.constant 0 : i32
        %max3A_599 = vector.broadcast %max3A_598 : i32 to vector<16xi32>
        %max3A_600 = arith.maxsi %sub3A_597, %max3A_599 : vector<16xi32>
        %gather3A_601 = tpu.vector_load_idx %arg9[%max3A_600] : memref<128xf32, #tpu.memory_space<vmem>>[vector<16xi32>], vector<16xf32>,
        %gather3A_602 = tpu.vector_load_idx %arg9[%add3A_594] : memref<128xf32, #tpu.memory_space<vmem>>[vector<16xi32>], vector<16xf32>,
        %sub3A_603 = arith.constant 1 : i32
        %sub3A_604 = vector.broadcast %sub3A_603 : i32 to vector<16xi32>
        %sub3A_605 = arith.subi %add3A_594, %sub3A_604 : vector<16xi32>
        %lt3A_606 = arith.cmpf olt, %gather3A_601, %min3A_583 : vector<16xf32>
        %convert_element_type3A_607 = arith.extui %lt3A_606 : vector<16xi1> to vector<16xi32>
        %add3A_608 = arith.addi %sub3A_605, %convert_element_type3A_607 : vector<16xi32>
        %lt3A_609 = arith.cmpf olt, %gather3A_602, %min3A_583 : vector<16xf32>
        %convert_element_type3A_610 = arith.extui %lt3A_609 : vector<16xi1> to vector<16xi32>
        %add3A_611 = arith.addi %add3A_608, %convert_element_type3A_610 : vector<16xi32>
        %max3A_612 = arith.constant 0 : i32
        %max3A_613 = vector.broadcast %max3A_612 : i32 to vector<16xi32>
        %max3A_614 = arith.maxsi %add3A_611, %max3A_613 : vector<16xi32>
        tpu.vector_store_idx %arg11[%broadcast_in_dim3A_275, %max3A_614], %broadcast_in_dim3A_427 {add = true} : memref<1x144xi32, #tpu.memory_space<vmem>>[vector<16xi32>, vector<16xi32>], vector<16xi32>,
        %broadcast_in_dim3A_615 = arith.constant true
        %broadcast_in_dim3A_616 = vector.broadcast %broadcast_in_dim3A_615 : i1 to vector<16xi1>
        %masked_cumsum3A_617 = tpu.scan <sum>, %get3A_302 masked %broadcast_in_dim3A_616 : vector<16xf32>, vector<16xi1> -> vector<16xf32>
        %mul3A_618 = vector.broadcast %mul3A_363 : f32 to vector<16xf32>
        %mul3A_619 = arith.mulf %mul3A_618, %convert_element_type3A : vector<16xf32>
        %mul3A_620 = arith.constant 6.400000e+01 : f32
        %mul3A_621 = arith.mulf %mul3A_620, %mul3A_363 : f32
        %add3A_622 = arith.addf %add3A_579, %mul3A_621 : f32
        %add3A_623 = vector.broadcast %add3A_622 : f32 to vector<16xf32>
        %add3A_624 = arith.addf %mul3A_619, %add3A_623 : vector<16xf32>
        %add3A_625 = arith.addf %masked_cumsum3A_617, %add3A_624 : vector<16xf32>
        %add3A_626 = arith.addf %add3A_579, %reduce_sum3A_340 : f32
        %mul3A_627 = arith.mulf %add3A_625, %div3A_367 : vector<16xf32>
        %min3A_628 = arith.constant 1.000000e+00 : f32
        %min3A_629 = vector.broadcast %min3A_628 : f32 to vector<16xf32>
        %min3A_630 = arith.minimumf %mul3A_627, %min3A_629 : vector<16xf32>
        %add3A_631 = arith.constant 65 : i32
        %add3A_632 = vector.broadcast %add3A_631 : i32 to vector<16xi32>
        %add3A_633 = arith.addi %iota3A, %add3A_632 : vector<16xi32>
        tpu.vector_store_idx %arg10[%broadcast_in_dim3A_275, %add3A_633], %min3A_630 : memref<1x144xf32, #tpu.memory_space<vmem>>[vector<16xi32>, vector<16xi32>], vector<16xf32>,
        %mul3A_634 = arith.constant 1.270000e+02 : f32
        %mul3A_635 = vector.broadcast %mul3A_634 : f32 to vector<16xf32>
        %mul3A_636 = arith.mulf %min3A_630, %mul3A_635 : vector<16xf32>
        %convert_element_type3A_637 = arith.fptosi %mul3A_636 : vector<16xf32> to vector<16xi32>
        %convert_element_type3A_638 = arith.sitofp %convert_element_type3A_637 : vector<16xi32> to vector<16xf32>
        %lt3A_639 = arith.cmpf olt, %convert_element_type3A_638, %mul3A_636 : vector<16xf32>
        %convert_element_type3A_640 = arith.extui %lt3A_639 : vector<16xi1> to vector<16xi32>
        %add3A_641 = arith.addi %convert_element_type3A_637, %convert_element_type3A_640 : vector<16xi32>
        %sub3A_642 = arith.constant 1 : i32
        %sub3A_643 = vector.broadcast %sub3A_642 : i32 to vector<16xi32>
        %sub3A_644 = arith.subi %add3A_641, %sub3A_643 : vector<16xi32>
        %max3A_645 = arith.constant 0 : i32
        %max3A_646 = vector.broadcast %max3A_645 : i32 to vector<16xi32>
        %max3A_647 = arith.maxsi %sub3A_644, %max3A_646 : vector<16xi32>
        %gather3A_648 = tpu.vector_load_idx %arg9[%max3A_647] : memref<128xf32, #tpu.memory_space<vmem>>[vector<16xi32>], vector<16xf32>,
        %gather3A_649 = tpu.vector_load_idx %arg9[%add3A_641] : memref<128xf32, #tpu.memory_space<vmem>>[vector<16xi32>], vector<16xf32>,
        %sub3A_650 = arith.constant 1 : i32
        %sub3A_651 = vector.broadcast %sub3A_650 : i32 to vector<16xi32>
        %sub3A_652 = arith.subi %add3A_641, %sub3A_651 : vector<16xi32>
        %lt3A_653 = arith.cmpf olt, %gather3A_648, %min3A_630 : vector<16xf32>
        %convert_element_type3A_654 = arith.extui %lt3A_653 : vector<16xi1> to vector<16xi32>
        %add3A_655 = arith.addi %sub3A_652, %convert_element_type3A_654 : vector<16xi32>
        %lt3A_656 = arith.cmpf olt, %gather3A_649, %min3A_630 : vector<16xf32>
        %convert_element_type3A_657 = arith.extui %lt3A_656 : vector<16xi1> to vector<16xi32>
        %add3A_658 = arith.addi %add3A_655, %convert_element_type3A_657 : vector<16xi32>
        %max3A_659 = arith.constant 0 : i32
        %max3A_660 = vector.broadcast %max3A_659 : i32 to vector<16xi32>
        %max3A_661 = arith.maxsi %add3A_658, %max3A_660 : vector<16xi32>
        tpu.vector_store_idx %arg11[%broadcast_in_dim3A_275, %max3A_661], %broadcast_in_dim3A_427 {add = true} : memref<1x144xi32, #tpu.memory_space<vmem>>[vector<16xi32>, vector<16xi32>], vector<16xi32>,
        %broadcast_in_dim3A_662 = arith.constant true
        %broadcast_in_dim3A_663 = vector.broadcast %broadcast_in_dim3A_662 : i1 to vector<16xi1>
        %masked_cumsum3A_664 = tpu.scan <sum>, %get3A_307 masked %broadcast_in_dim3A_663 : vector<16xf32>, vector<16xi1> -> vector<16xf32>
        %mul3A_665 = vector.broadcast %mul3A_363 : f32 to vector<16xf32>
        %mul3A_666 = arith.mulf %mul3A_665, %convert_element_type3A : vector<16xf32>
        %mul3A_667 = arith.constant 8.000000e+01 : f32
        %mul3A_668 = arith.mulf %mul3A_667, %mul3A_363 : f32
        %add3A_669 = arith.addf %add3A_626, %mul3A_668 : f32
        %add3A_670 = vector.broadcast %add3A_669 : f32 to vector<16xf32>
        %add3A_671 = arith.addf %mul3A_666, %add3A_670 : vector<16xf32>
        %add3A_672 = arith.addf %masked_cumsum3A_664, %add3A_671 : vector<16xf32>
        %add3A_673 = arith.addf %add3A_626, %reduce_sum3A_344 : f32
        %mul3A_674 = arith.mulf %add3A_672, %div3A_367 : vector<16xf32>
        %min3A_675 = arith.constant 1.000000e+00 : f32
        %min3A_676 = vector.broadcast %min3A_675 : f32 to vector<16xf32>
        %min3A_677 = arith.minimumf %mul3A_674, %min3A_676 : vector<16xf32>
        %add3A_678 = arith.constant 81 : i32
        %add3A_679 = vector.broadcast %add3A_678 : i32 to vector<16xi32>
        %add3A_680 = arith.addi %iota3A, %add3A_679 : vector<16xi32>
        tpu.vector_store_idx %arg10[%broadcast_in_dim3A_275, %add3A_680], %min3A_677 : memref<1x144xf32, #tpu.memory_space<vmem>>[vector<16xi32>, vector<16xi32>], vector<16xf32>,
        %mul3A_681 = arith.constant 1.270000e+02 : f32
        %mul3A_682 = vector.broadcast %mul3A_681 : f32 to vector<16xf32>
        %mul3A_683 = arith.mulf %min3A_677, %mul3A_682 : vector<16xf32>
        %convert_element_type3A_684 = arith.fptosi %mul3A_683 : vector<16xf32> to vector<16xi32>
        %convert_element_type3A_685 = arith.sitofp %convert_element_type3A_684 : vector<16xi32> to vector<16xf32>
        %lt3A_686 = arith.cmpf olt, %convert_element_type3A_685, %mul3A_683 : vector<16xf32>
        %convert_element_type3A_687 = arith.extui %lt3A_686 : vector<16xi1> to vector<16xi32>
        %add3A_688 = arith.addi %convert_element_type3A_684, %convert_element_type3A_687 : vector<16xi32>
        %sub3A_689 = arith.constant 1 : i32
        %sub3A_690 = vector.broadcast %sub3A_689 : i32 to vector<16xi32>
        %sub3A_691 = arith.subi %add3A_688, %sub3A_690 : vector<16xi32>
        %max3A_692 = arith.constant 0 : i32
        %max3A_693 = vector.broadcast %max3A_692 : i32 to vector<16xi32>
        %max3A_694 = arith.maxsi %sub3A_691, %max3A_693 : vector<16xi32>
        %gather3A_695 = tpu.vector_load_idx %arg9[%max3A_694] : memref<128xf32, #tpu.memory_space<vmem>>[vector<16xi32>], vector<16xf32>,
        %gather3A_696 = tpu.vector_load_idx %arg9[%add3A_688] : memref<128xf32, #tpu.memory_space<vmem>>[vector<16xi32>], vector<16xf32>,
        %sub3A_697 = arith.constant 1 : i32
        %sub3A_698 = vector.broadcast %sub3A_697 : i32 to vector<16xi32>
        %sub3A_699 = arith.subi %add3A_688, %sub3A_698 : vector<16xi32>
        %lt3A_700 = arith.cmpf olt, %gather3A_695, %min3A_677 : vector<16xf32>
        %convert_element_type3A_701 = arith.extui %lt3A_700 : vector<16xi1> to vector<16xi32>
        %add3A_702 = arith.addi %sub3A_699, %convert_element_type3A_701 : vector<16xi32>
        %lt3A_703 = arith.cmpf olt, %gather3A_696, %min3A_677 : vector<16xf32>
        %convert_element_type3A_704 = arith.extui %lt3A_703 : vector<16xi1> to vector<16xi32>
        %add3A_705 = arith.addi %add3A_702, %convert_element_type3A_704 : vector<16xi32>
        %max3A_706 = arith.constant 0 : i32
        %max3A_707 = vector.broadcast %max3A_706 : i32 to vector<16xi32>
        %max3A_708 = arith.maxsi %add3A_705, %max3A_707 : vector<16xi32>
        tpu.vector_store_idx %arg11[%broadcast_in_dim3A_275, %max3A_708], %broadcast_in_dim3A_427 {add = true} : memref<1x144xi32, #tpu.memory_space<vmem>>[vector<16xi32>, vector<16xi32>], vector<16xi32>,
        %broadcast_in_dim3A_709 = arith.constant true
        %broadcast_in_dim3A_710 = vector.broadcast %broadcast_in_dim3A_709 : i1 to vector<16xi1>
        %masked_cumsum3A_711 = tpu.scan <sum>, %get3A_312 masked %broadcast_in_dim3A_710 : vector<16xf32>, vector<16xi1> -> vector<16xf32>
        %mul3A_712 = vector.broadcast %mul3A_363 : f32 to vector<16xf32>
        %mul3A_713 = arith.mulf %mul3A_712, %convert_element_type3A : vector<16xf32>
        %mul3A_714 = arith.constant 9.600000e+01 : f32
        %mul3A_715 = arith.mulf %mul3A_714, %mul3A_363 : f32
        %add3A_716 = arith.addf %add3A_673, %mul3A_715 : f32
        %add3A_717 = vector.broadcast %add3A_716 : f32 to vector<16xf32>
        %add3A_718 = arith.addf %mul3A_713, %add3A_717 : vector<16xf32>
        %add3A_719 = arith.addf %masked_cumsum3A_711, %add3A_718 : vector<16xf32>
        %add3A_720 = arith.addf %add3A_673, %reduce_sum3A_348 : f32
        %mul3A_721 = arith.mulf %add3A_719, %div3A_367 : vector<16xf32>
        %min3A_722 = arith.constant 1.000000e+00 : f32
        %min3A_723 = vector.broadcast %min3A_722 : f32 to vector<16xf32>
        %min3A_724 = arith.minimumf %mul3A_721, %min3A_723 : vector<16xf32>
        %add3A_725 = arith.constant 97 : i32
        %add3A_726 = vector.broadcast %add3A_725 : i32 to vector<16xi32>
        %add3A_727 = arith.addi %iota3A, %add3A_726 : vector<16xi32>
        tpu.vector_store_idx %arg10[%broadcast_in_dim3A_275, %add3A_727], %min3A_724 : memref<1x144xf32, #tpu.memory_space<vmem>>[vector<16xi32>, vector<16xi32>], vector<16xf32>,
        %mul3A_728 = arith.constant 1.270000e+02 : f32
        %mul3A_729 = vector.broadcast %mul3A_728 : f32 to vector<16xf32>
        %mul3A_730 = arith.mulf %min3A_724, %mul3A_729 : vector<16xf32>
        %convert_element_type3A_731 = arith.fptosi %mul3A_730 : vector<16xf32> to vector<16xi32>
        %convert_element_type3A_732 = arith.sitofp %convert_element_type3A_731 : vector<16xi32> to vector<16xf32>
        %lt3A_733 = arith.cmpf olt, %convert_element_type3A_732, %mul3A_730 : vector<16xf32>
        %convert_element_type3A_734 = arith.extui %lt3A_733 : vector<16xi1> to vector<16xi32>
        %add3A_735 = arith.addi %convert_element_type3A_731, %convert_element_type3A_734 : vector<16xi32>
        %sub3A_736 = arith.constant 1 : i32
        %sub3A_737 = vector.broadcast %sub3A_736 : i32 to vector<16xi32>
        %sub3A_738 = arith.subi %add3A_735, %sub3A_737 : vector<16xi32>
        %max3A_739 = arith.constant 0 : i32
        %max3A_740 = vector.broadcast %max3A_739 : i32 to vector<16xi32>
        %max3A_741 = arith.maxsi %sub3A_738, %max3A_740 : vector<16xi32>
        %gather3A_742 = tpu.vector_load_idx %arg9[%max3A_741] : memref<128xf32, #tpu.memory_space<vmem>>[vector<16xi32>], vector<16xf32>,
        %gather3A_743 = tpu.vector_load_idx %arg9[%add3A_735] : memref<128xf32, #tpu.memory_space<vmem>>[vector<16xi32>], vector<16xf32>,
        %sub3A_744 = arith.constant 1 : i32
        %sub3A_745 = vector.broadcast %sub3A_744 : i32 to vector<16xi32>
        %sub3A_746 = arith.subi %add3A_735, %sub3A_745 : vector<16xi32>
        %lt3A_747 = arith.cmpf olt, %gather3A_742, %min3A_724 : vector<16xf32>
        %convert_element_type3A_748 = arith.extui %lt3A_747 : vector<16xi1> to vector<16xi32>
        %add3A_749 = arith.addi %sub3A_746, %convert_element_type3A_748 : vector<16xi32>
        %lt3A_750 = arith.cmpf olt, %gather3A_743, %min3A_724 : vector<16xf32>
        %convert_element_type3A_751 = arith.extui %lt3A_750 : vector<16xi1> to vector<16xi32>
        %add3A_752 = arith.addi %add3A_749, %convert_element_type3A_751 : vector<16xi32>
        %max3A_753 = arith.constant 0 : i32
        %max3A_754 = vector.broadcast %max3A_753 : i32 to vector<16xi32>
        %max3A_755 = arith.maxsi %add3A_752, %max3A_754 : vector<16xi32>
        tpu.vector_store_idx %arg11[%broadcast_in_dim3A_275, %max3A_755], %broadcast_in_dim3A_427 {add = true} : memref<1x144xi32, #tpu.memory_space<vmem>>[vector<16xi32>, vector<16xi32>], vector<16xi32>,
        %broadcast_in_dim3A_756 = arith.constant true
        %broadcast_in_dim3A_757 = vector.broadcast %broadcast_in_dim3A_756 : i1 to vector<16xi1>
        %masked_cumsum3A_758 = tpu.scan <sum>, %select_n3A masked %broadcast_in_dim3A_757 : vector<16xf32>, vector<16xi1> -> vector<16xf32>
        %mul3A_759 = vector.broadcast %mul3A_363 : f32 to vector<16xf32>
        %mul3A_760 = arith.mulf %mul3A_759, %convert_element_type3A : vector<16xf32>
        %mul3A_761 = arith.constant 1.120000e+02 : f32
        %mul3A_762 = arith.mulf %mul3A_761, %mul3A_363 : f32
        %add3A_763 = arith.addf %add3A_720, %mul3A_762 : f32
        %add3A_764 = vector.broadcast %add3A_763 : f32 to vector<16xf32>
        %add3A_765 = arith.addf %mul3A_760, %add3A_764 : vector<16xf32>
        %add3A_766 = arith.addf %masked_cumsum3A_758, %add3A_765 : vector<16xf32>
        %mul3A_767 = arith.mulf %add3A_766, %div3A_367 : vector<16xf32>
        %min3A_768 = arith.constant 1.000000e+00 : f32
        %min3A_769 = vector.broadcast %min3A_768 : f32 to vector<16xf32>
        %min3A_770 = arith.minimumf %mul3A_767, %min3A_769 : vector<16xf32>
        %add3A_771 = arith.constant 113 : i32
        %add3A_772 = vector.broadcast %add3A_771 : i32 to vector<16xi32>
        %add3A_773 = arith.addi %iota3A, %add3A_772 : vector<16xi32>
        tpu.vector_store_idx %arg10[%broadcast_in_dim3A_275, %add3A_773], %min3A_770 : memref<1x144xf32, #tpu.memory_space<vmem>>[vector<16xi32>, vector<16xi32>], vector<16xf32>,
        %mul3A_774 = arith.constant 1.270000e+02 : f32
        %mul3A_775 = vector.broadcast %mul3A_774 : f32 to vector<16xf32>
        %mul3A_776 = arith.mulf %min3A_770, %mul3A_775 : vector<16xf32>
        %convert_element_type3A_777 = arith.fptosi %mul3A_776 : vector<16xf32> to vector<16xi32>
        %convert_element_type3A_778 = arith.sitofp %convert_element_type3A_777 : vector<16xi32> to vector<16xf32>
        %lt3A_779 = arith.cmpf olt, %convert_element_type3A_778, %mul3A_776 : vector<16xf32>
        %convert_element_type3A_780 = arith.extui %lt3A_779 : vector<16xi1> to vector<16xi32>
        %add3A_781 = arith.addi %convert_element_type3A_777, %convert_element_type3A_780 : vector<16xi32>
        %sub3A_782 = arith.constant 1 : i32
        %sub3A_783 = vector.broadcast %sub3A_782 : i32 to vector<16xi32>
        %sub3A_784 = arith.subi %add3A_781, %sub3A_783 : vector<16xi32>
        %max3A_785 = arith.constant 0 : i32
        %max3A_786 = vector.broadcast %max3A_785 : i32 to vector<16xi32>
        %max3A_787 = arith.maxsi %sub3A_784, %max3A_786 : vector<16xi32>
        %gather3A_788 = tpu.vector_load_idx %arg9[%max3A_787] : memref<128xf32, #tpu.memory_space<vmem>>[vector<16xi32>], vector<16xf32>,
        %gather3A_789 = tpu.vector_load_idx %arg9[%add3A_781] : memref<128xf32, #tpu.memory_space<vmem>>[vector<16xi32>], vector<16xf32>,
        %sub3A_790 = arith.constant 1 : i32
        %sub3A_791 = vector.broadcast %sub3A_790 : i32 to vector<16xi32>
        %sub3A_792 = arith.subi %add3A_781, %sub3A_791 : vector<16xi32>
        %lt3A_793 = arith.cmpf olt, %gather3A_788, %min3A_770 : vector<16xf32>
        %convert_element_type3A_794 = arith.extui %lt3A_793 : vector<16xi1> to vector<16xi32>
        %add3A_795 = arith.addi %sub3A_792, %convert_element_type3A_794 : vector<16xi32>
        %lt3A_796 = arith.cmpf olt, %gather3A_789, %min3A_770 : vector<16xf32>
        %convert_element_type3A_797 = arith.extui %lt3A_796 : vector<16xi1> to vector<16xi32>
        %add3A_798 = arith.addi %add3A_795, %convert_element_type3A_797 : vector<16xi32>
        %max3A_799 = arith.constant 0 : i32
        %max3A_800 = vector.broadcast %max3A_799 : i32 to vector<16xi32>
        %max3A_801 = arith.maxsi %add3A_798, %max3A_800 : vector<16xi32>
        %lt3A_802 = arith.constant 15 : i32
        %lt3A_803 = vector.broadcast %lt3A_802 : i32 to vector<16xi32>
        %lt3A_804 = arith.cmpi slt, %iota3A, %lt3A_803 : vector<16xi32>
        tpu.vector_store_idx %arg11[%broadcast_in_dim3A_275, %max3A_801], %broadcast_in_dim3A_427 masked %lt3A_804 {add = true} : memref<1x144xi32, #tpu.memory_space<vmem>>[vector<16xi32>, vector<16xi32>], vector<16xi32>, vector<16xi1>
        %get3A_805 = arith.constant 0 : i32
        %get3A_806 = arith.index_cast %get3A_805 : i32 to index
        %get3A_807 = arith.constant 0 : index
        %get3A_808 = tpu.vector_load %arg11[%get3A_806, %get3A_807] {strides = array<i32>} : memref<1x144xi32, #tpu.memory_space<vmem>>, vector<16xi32>,
        %get3A_809 = arith.constant 0 : i32
        %get3A_810 = arith.index_cast %get3A_809 : i32 to index
        %get3A_811 = arith.constant 16 : index
        %get3A_812 = tpu.vector_load %arg11[%get3A_810, %get3A_811] {strides = array<i32>} : memref<1x144xi32, #tpu.memory_space<vmem>>, vector<16xi32>,
        %get3A_813 = arith.constant 0 : i32
        %get3A_814 = arith.index_cast %get3A_813 : i32 to index
        %get3A_815 = arith.constant 32 : index
        %get3A_816 = tpu.vector_load %arg11[%get3A_814, %get3A_815] {strides = array<i32>} : memref<1x144xi32, #tpu.memory_space<vmem>>, vector<16xi32>,
        %get3A_817 = arith.constant 0 : i32
        %get3A_818 = arith.index_cast %get3A_817 : i32 to index
        %get3A_819 = arith.constant 48 : index
        %get3A_820 = tpu.vector_load %arg11[%get3A_818, %get3A_819] {strides = array<i32>} : memref<1x144xi32, #tpu.memory_space<vmem>>, vector<16xi32>,
        %get3A_821 = arith.constant 0 : i32
        %get3A_822 = arith.index_cast %get3A_821 : i32 to index
        %get3A_823 = arith.constant 64 : index
        %get3A_824 = tpu.vector_load %arg11[%get3A_822, %get3A_823] {strides = array<i32>} : memref<1x144xi32, #tpu.memory_space<vmem>>, vector<16xi32>,
        %get3A_825 = arith.constant 0 : i32
        %get3A_826 = arith.index_cast %get3A_825 : i32 to index
        %get3A_827 = arith.constant 80 : index
        %get3A_828 = tpu.vector_load %arg11[%get3A_826, %get3A_827] {strides = array<i32>} : memref<1x144xi32, #tpu.memory_space<vmem>>, vector<16xi32>,
        %get3A_829 = arith.constant 0 : i32
        %get3A_830 = arith.index_cast %get3A_829 : i32 to index
        %get3A_831 = arith.constant 96 : index
        %get3A_832 = tpu.vector_load %arg11[%get3A_830, %get3A_831] {strides = array<i32>} : memref<1x144xi32, #tpu.memory_space<vmem>>, vector<16xi32>,
        %get3A_833 = arith.constant 0 : i32
        %get3A_834 = arith.index_cast %get3A_833 : i32 to index
        %get3A_835 = arith.constant 112 : index
        %get3A_836 = tpu.vector_load %arg11[%get3A_834, %get3A_835] {strides = array<i32>} : memref<1x144xi32, #tpu.memory_space<vmem>>, vector<16xi32>,
        %reduce_sum3A_837 = arith.constant true
        %reduce_sum3A_838 = vector.broadcast %reduce_sum3A_837 : i1 to vector<16xi1>
        %reduce_sum3A_839 = tpu.scan <sum>, %get3A_808 masked %reduce_sum3A_838 : vector<16xi32>, vector<16xi1> -> vector<16xi32>
        %reduce_sum3A_840 = vector.extract %reduce_sum3A_839[15] : i32 from vector<16xi32>
        %reduce_sum3A_841 = arith.constant true
        %reduce_sum3A_842 = vector.broadcast %reduce_sum3A_841 : i1 to vector<16xi1>
        %reduce_sum3A_843 = tpu.scan <sum>, %get3A_812 masked %reduce_sum3A_842 : vector<16xi32>, vector<16xi1> -> vector<16xi32>
        %reduce_sum3A_844 = vector.extract %reduce_sum3A_843[15] : i32 from vector<16xi32>
        %reduce_sum3A_845 = arith.constant true
        %reduce_sum3A_846 = vector.broadcast %reduce_sum3A_845 : i1 to vector<16xi1>
        %reduce_sum3A_847 = tpu.scan <sum>, %get3A_816 masked %reduce_sum3A_846 : vector<16xi32>, vector<16xi1> -> vector<16xi32>
        %reduce_sum3A_848 = vector.extract %reduce_sum3A_847[15] : i32 from vector<16xi32>
        %reduce_sum3A_849 = arith.constant true
        %reduce_sum3A_850 = vector.broadcast %reduce_sum3A_849 : i1 to vector<16xi1>
        %reduce_sum3A_851 = tpu.scan <sum>, %get3A_820 masked %reduce_sum3A_850 : vector<16xi32>, vector<16xi1> -> vector<16xi32>
        %reduce_sum3A_852 = vector.extract %reduce_sum3A_851[15] : i32 from vector<16xi32>
        %reduce_sum3A_853 = arith.constant true
        %reduce_sum3A_854 = vector.broadcast %reduce_sum3A_853 : i1 to vector<16xi1>
        %reduce_sum3A_855 = tpu.scan <sum>, %get3A_824 masked %reduce_sum3A_854 : vector<16xi32>, vector<16xi1> -> vector<16xi32>
        %reduce_sum3A_856 = vector.extract %reduce_sum3A_855[15] : i32 from vector<16xi32>
        %reduce_sum3A_857 = arith.constant true
        %reduce_sum3A_858 = vector.broadcast %reduce_sum3A_857 : i1 to vector<16xi1>
        %reduce_sum3A_859 = tpu.scan <sum>, %get3A_828 masked %reduce_sum3A_858 : vector<16xi32>, vector<16xi1> -> vector<16xi32>
        %reduce_sum3A_860 = vector.extract %reduce_sum3A_859[15] : i32 from vector<16xi32>
        %reduce_sum3A_861 = arith.constant true
        %reduce_sum3A_862 = vector.broadcast %reduce_sum3A_861 : i1 to vector<16xi1>
        %reduce_sum3A_863 = tpu.scan <sum>, %get3A_832 masked %reduce_sum3A_862 : vector<16xi32>, vector<16xi1> -> vector<16xi32>
        %reduce_sum3A_864 = vector.extract %reduce_sum3A_863[15] : i32 from vector<16xi32>
        %reduce_sum3A_865 = arith.constant true
        %reduce_sum3A_866 = vector.broadcast %reduce_sum3A_865 : i1 to vector<16xi1>
        %reduce_sum3A_867 = tpu.scan <sum>, %get3A_836 masked %reduce_sum3A_866 : vector<16xi32>, vector<16xi1> -> vector<16xi32>
        %reduce_sum3A_868 = vector.extract %reduce_sum3A_867[15] : i32 from vector<16xi32>
        %broadcast_in_dim3A_869 = vector.broadcast %scan3A_273 : i32 to vector<16xi32>
        %broadcast_in_dim3A_870 = arith.constant true
        %broadcast_in_dim3A_871 = vector.broadcast %broadcast_in_dim3A_870 : i1 to vector<16xi1>
        %masked_cumsum3A_872 = tpu.scan <sum>, %get3A_808 masked %broadcast_in_dim3A_871 : vector<16xi32>, vector<16xi1> -> vector<16xi32>
        %add3A_873 = arith.constant 0 : i32
        %add3A_874 = vector.broadcast %add3A_873 : i32 to vector<16xi32>
        %add3A_875 = arith.addi %masked_cumsum3A_872, %add3A_874 : vector<16xi32>
        %add3A_876 = arith.constant 0 : i32
        %add3A_877 = arith.addi %add3A_876, %reduce_sum3A_840 : i32
        %sub3A_878 = arith.constant 1 : i32
        %sub3A_879 = vector.broadcast %sub3A_878 : i32 to vector<16xi32>
        %sub3A_880 = arith.subi %add3A_875, %sub3A_879 : vector<16xi32>
        %max3A_881 = arith.constant 0 : i32
        %max3A_882 = vector.broadcast %max3A_881 : i32 to vector<16xi32>
        %max3A_883 = arith.maxsi %sub3A_880, %max3A_882 : vector<16xi32>
        %min3A_884 = arith.constant 127 : i32
        %min3A_885 = vector.broadcast %min3A_884 : i32 to vector<16xi32>
        %min3A_886 = arith.minsi %add3A_875, %min3A_885 : vector<16xi32>
        %gather3A_887 = tpu.vector_load_idx %arg10[%broadcast_in_dim3A_275, %max3A_883] : memref<1x144xf32, #tpu.memory_space<vmem>>[vector<16xi32>, vector<16xi32>], vector<16xf32>,
        %gather3A_888 = tpu.vector_load_idx %arg10[%broadcast_in_dim3A_275, %min3A_886] : memref<1x144xf32, #tpu.memory_space<vmem>>[vector<16xi32>, vector<16xi32>], vector<16xf32>,
        %gather3A_889 = tpu.vector_load_idx %arg7[%broadcast_in_dim3A_277, %broadcast_in_dim3A_869, %max3A_883] : memref<2x64x128xf32, #tpu.memory_space<vmem>>[vector<16xi32>, vector<16xi32>, vector<16xi32>], vector<16xf32>,
        %gather3A_890 = tpu.vector_load_idx %arg7[%broadcast_in_dim3A_277, %broadcast_in_dim3A_869, %min3A_886] : memref<2x64x128xf32, #tpu.memory_space<vmem>>[vector<16xi32>, vector<16xi32>, vector<16xi32>], vector<16xf32>,
        %sub3A_891 = arith.subf %gather3A_888, %gather3A_887 : vector<16xf32>
        %lt3A_892 = arith.constant 9.99999974E-6 : f32
        %lt3A_893 = vector.broadcast %lt3A_892 : f32 to vector<16xf32>
        %lt3A_894 = arith.cmpf olt, %sub3A_891, %lt3A_893 : vector<16xf32>
        %jit3A_895 = arith.constant 1.000000e+00 : f32
        %broadcast_in_dim3A_896 = vector.broadcast %jit3A_895 : f32 to vector<16xf32>
        %select_n3A_897 = arith.select %lt3A_894, %broadcast_in_dim3A_896, %sub3A_891 : vector<16xi1>, vector<16xf32>
        %sub3A_898 = arith.subf %get3A_9, %gather3A_887 : vector<16xf32>
        %div3A_899 = arith.divf %sub3A_898, %select_n3A_897 : vector<16xf32>
        %sub3A_900 = arith.subf %gather3A_890, %gather3A_889 : vector<16xf32>
        %mul3A_901 = arith.mulf %div3A_899, %sub3A_900 : vector<16xf32>
        %add3A_902 = arith.addf %gather3A_889, %mul3A_901 : vector<16xf32>
        %broadcast_in_dim3A_903 = arith.constant true
        %broadcast_in_dim3A_904 = vector.broadcast %broadcast_in_dim3A_903 : i1 to vector<16xi1>
        %masked_cumsum3A_905 = tpu.scan <sum>, %get3A_812 masked %broadcast_in_dim3A_904 : vector<16xi32>, vector<16xi1> -> vector<16xi32>
        %add3A_906 = vector.broadcast %add3A_877 : i32 to vector<16xi32>
        %add3A_907 = arith.addi %masked_cumsum3A_905, %add3A_906 : vector<16xi32>
        %add3A_908 = arith.addi %add3A_877, %reduce_sum3A_844 : i32
        %sub3A_909 = arith.constant 1 : i32
        %sub3A_910 = vector.broadcast %sub3A_909 : i32 to vector<16xi32>
        %sub3A_911 = arith.subi %add3A_907, %sub3A_910 : vector<16xi32>
        %max3A_912 = arith.constant 0 : i32
        %max3A_913 = vector.broadcast %max3A_912 : i32 to vector<16xi32>
        %max3A_914 = arith.maxsi %sub3A_911, %max3A_913 : vector<16xi32>
        %min3A_915 = arith.constant 127 : i32
        %min3A_916 = vector.broadcast %min3A_915 : i32 to vector<16xi32>
        %min3A_917 = arith.minsi %add3A_907, %min3A_916 : vector<16xi32>
        %gather3A_918 = tpu.vector_load_idx %arg10[%broadcast_in_dim3A_275, %max3A_914] : memref<1x144xf32, #tpu.memory_space<vmem>>[vector<16xi32>, vector<16xi32>], vector<16xf32>,
        %gather3A_919 = tpu.vector_load_idx %arg10[%broadcast_in_dim3A_275, %min3A_917] : memref<1x144xf32, #tpu.memory_space<vmem>>[vector<16xi32>, vector<16xi32>], vector<16xf32>,
        %gather3A_920 = tpu.vector_load_idx %arg7[%broadcast_in_dim3A_277, %broadcast_in_dim3A_869, %max3A_914] : memref<2x64x128xf32, #tpu.memory_space<vmem>>[vector<16xi32>, vector<16xi32>, vector<16xi32>], vector<16xf32>,
        %gather3A_921 = tpu.vector_load_idx %arg7[%broadcast_in_dim3A_277, %broadcast_in_dim3A_869, %min3A_917] : memref<2x64x128xf32, #tpu.memory_space<vmem>>[vector<16xi32>, vector<16xi32>, vector<16xi32>], vector<16xf32>,
        %sub3A_922 = arith.subf %gather3A_919, %gather3A_918 : vector<16xf32>
        %lt3A_923 = arith.constant 9.99999974E-6 : f32
        %lt3A_924 = vector.broadcast %lt3A_923 : f32 to vector<16xf32>
        %lt3A_925 = arith.cmpf olt, %sub3A_922, %lt3A_924 : vector<16xf32>
        %jit3A_926 = arith.constant 1.000000e+00 : f32
        %broadcast_in_dim3A_927 = vector.broadcast %jit3A_926 : f32 to vector<16xf32>
        %select_n3A_928 = arith.select %lt3A_925, %broadcast_in_dim3A_927, %sub3A_922 : vector<16xi1>, vector<16xf32>
        %sub3A_929 = arith.subf %get3A_11, %gather3A_918 : vector<16xf32>
        %div3A_930 = arith.divf %sub3A_929, %select_n3A_928 : vector<16xf32>
        %sub3A_931 = arith.subf %gather3A_921, %gather3A_920 : vector<16xf32>
        %mul3A_932 = arith.mulf %div3A_930, %sub3A_931 : vector<16xf32>
        %add3A_933 = arith.addf %gather3A_920, %mul3A_932 : vector<16xf32>
        %broadcast_in_dim3A_934 = arith.constant true
        %broadcast_in_dim3A_935 = vector.broadcast %broadcast_in_dim3A_934 : i1 to vector<16xi1>
        %masked_cumsum3A_936 = tpu.scan <sum>, %get3A_816 masked %broadcast_in_dim3A_935 : vector<16xi32>, vector<16xi1> -> vector<16xi32>
        %add3A_937 = vector.broadcast %add3A_908 : i32 to vector<16xi32>
        %add3A_938 = arith.addi %masked_cumsum3A_936, %add3A_937 : vector<16xi32>
        %add3A_939 = arith.addi %add3A_908, %reduce_sum3A_848 : i32
        %sub3A_940 = arith.constant 1 : i32
        %sub3A_941 = vector.broadcast %sub3A_940 : i32 to vector<16xi32>
        %sub3A_942 = arith.subi %add3A_938, %sub3A_941 : vector<16xi32>
        %max3A_943 = arith.constant 0 : i32
        %max3A_944 = vector.broadcast %max3A_943 : i32 to vector<16xi32>
        %max3A_945 = arith.maxsi %sub3A_942, %max3A_944 : vector<16xi32>
        %min3A_946 = arith.constant 127 : i32
        %min3A_947 = vector.broadcast %min3A_946 : i32 to vector<16xi32>
        %min3A_948 = arith.minsi %add3A_938, %min3A_947 : vector<16xi32>
        %gather3A_949 = tpu.vector_load_idx %arg10[%broadcast_in_dim3A_275, %max3A_945] : memref<1x144xf32, #tpu.memory_space<vmem>>[vector<16xi32>, vector<16xi32>], vector<16xf32>,
        %gather3A_950 = tpu.vector_load_idx %arg10[%broadcast_in_dim3A_275, %min3A_948] : memref<1x144xf32, #tpu.memory_space<vmem>>[vector<16xi32>, vector<16xi32>], vector<16xf32>,
        %gather3A_951 = tpu.vector_load_idx %arg7[%broadcast_in_dim3A_277, %broadcast_in_dim3A_869, %max3A_945] : memref<2x64x128xf32, #tpu.memory_space<vmem>>[vector<16xi32>, vector<16xi32>, vector<16xi32>], vector<16xf32>,
        %gather3A_952 = tpu.vector_load_idx %arg7[%broadcast_in_dim3A_277, %broadcast_in_dim3A_869, %min3A_948] : memref<2x64x128xf32, #tpu.memory_space<vmem>>[vector<16xi32>, vector<16xi32>, vector<16xi32>], vector<16xf32>,
        %sub3A_953 = arith.subf %gather3A_950, %gather3A_949 : vector<16xf32>
        %lt3A_954 = arith.constant 9.99999974E-6 : f32
        %lt3A_955 = vector.broadcast %lt3A_954 : f32 to vector<16xf32>
        %lt3A_956 = arith.cmpf olt, %sub3A_953, %lt3A_955 : vector<16xf32>
        %jit3A_957 = arith.constant 1.000000e+00 : f32
        %broadcast_in_dim3A_958 = vector.broadcast %jit3A_957 : f32 to vector<16xf32>
        %select_n3A_959 = arith.select %lt3A_956, %broadcast_in_dim3A_958, %sub3A_953 : vector<16xi1>, vector<16xf32>
        %sub3A_960 = arith.subf %get3A_13, %gather3A_949 : vector<16xf32>
        %div3A_961 = arith.divf %sub3A_960, %select_n3A_959 : vector<16xf32>
        %sub3A_962 = arith.subf %gather3A_952, %gather3A_951 : vector<16xf32>
        %mul3A_963 = arith.mulf %div3A_961, %sub3A_962 : vector<16xf32>
        %add3A_964 = arith.addf %gather3A_951, %mul3A_963 : vector<16xf32>
        %broadcast_in_dim3A_965 = arith.constant true
        %broadcast_in_dim3A_966 = vector.broadcast %broadcast_in_dim3A_965 : i1 to vector<16xi1>
        %masked_cumsum3A_967 = tpu.scan <sum>, %get3A_820 masked %broadcast_in_dim3A_966 : vector<16xi32>, vector<16xi1> -> vector<16xi32>
        %add3A_968 = vector.broadcast %add3A_939 : i32 to vector<16xi32>
        %add3A_969 = arith.addi %masked_cumsum3A_967, %add3A_968 : vector<16xi32>
        %add3A_970 = arith.addi %add3A_939, %reduce_sum3A_852 : i32
        %sub3A_971 = arith.constant 1 : i32
        %sub3A_972 = vector.broadcast %sub3A_971 : i32 to vector<16xi32>
        %sub3A_973 = arith.subi %add3A_969, %sub3A_972 : vector<16xi32>
        %max3A_974 = arith.constant 0 : i32
        %max3A_975 = vector.broadcast %max3A_974 : i32 to vector<16xi32>
        %max3A_976 = arith.maxsi %sub3A_973, %max3A_975 : vector<16xi32>
        %min3A_977 = arith.constant 127 : i32
        %min3A_978 = vector.broadcast %min3A_977 : i32 to vector<16xi32>
        %min3A_979 = arith.minsi %add3A_969, %min3A_978 : vector<16xi32>
        %gather3A_980 = tpu.vector_load_idx %arg10[%broadcast_in_dim3A_275, %max3A_976] : memref<1x144xf32, #tpu.memory_space<vmem>>[vector<16xi32>, vector<16xi32>], vector<16xf32>,
        %gather3A_981 = tpu.vector_load_idx %arg10[%broadcast_in_dim3A_275, %min3A_979] : memref<1x144xf32, #tpu.memory_space<vmem>>[vector<16xi32>, vector<16xi32>], vector<16xf32>,
        %gather3A_982 = tpu.vector_load_idx %arg7[%broadcast_in_dim3A_277, %broadcast_in_dim3A_869, %max3A_976] : memref<2x64x128xf32, #tpu.memory_space<vmem>>[vector<16xi32>, vector<16xi32>, vector<16xi32>], vector<16xf32>,
        %gather3A_983 = tpu.vector_load_idx %arg7[%broadcast_in_dim3A_277, %broadcast_in_dim3A_869, %min3A_979] : memref<2x64x128xf32, #tpu.memory_space<vmem>>[vector<16xi32>, vector<16xi32>, vector<16xi32>], vector<16xf32>,
        %sub3A_984 = arith.subf %gather3A_981, %gather3A_980 : vector<16xf32>
        %lt3A_985 = arith.constant 9.99999974E-6 : f32
        %lt3A_986 = vector.broadcast %lt3A_985 : f32 to vector<16xf32>
        %lt3A_987 = arith.cmpf olt, %sub3A_984, %lt3A_986 : vector<16xf32>
        %jit3A_988 = arith.constant 1.000000e+00 : f32
        %broadcast_in_dim3A_989 = vector.broadcast %jit3A_988 : f32 to vector<16xf32>
        %select_n3A_990 = arith.select %lt3A_987, %broadcast_in_dim3A_989, %sub3A_984 : vector<16xi1>, vector<16xf32>
        %sub3A_991 = arith.subf %get3A_15, %gather3A_980 : vector<16xf32>
        %div3A_992 = arith.divf %sub3A_991, %select_n3A_990 : vector<16xf32>
        %sub3A_993 = arith.subf %gather3A_983, %gather3A_982 : vector<16xf32>
        %mul3A_994 = arith.mulf %div3A_992, %sub3A_993 : vector<16xf32>
        %add3A_995 = arith.addf %gather3A_982, %mul3A_994 : vector<16xf32>
        %broadcast_in_dim3A_996 = arith.constant true
        %broadcast_in_dim3A_997 = vector.broadcast %broadcast_in_dim3A_996 : i1 to vector<16xi1>
        %masked_cumsum3A_998 = tpu.scan <sum>, %get3A_824 masked %broadcast_in_dim3A_997 : vector<16xi32>, vector<16xi1> -> vector<16xi32>
        %add3A_999 = vector.broadcast %add3A_970 : i32 to vector<16xi32>
        %add3A_1000 = arith.addi %masked_cumsum3A_998, %add3A_999 : vector<16xi32>
        %add3A_1001 = arith.addi %add3A_970, %reduce_sum3A_856 : i32
        %sub3A_1002 = arith.constant 1 : i32
        %sub3A_1003 = vector.broadcast %sub3A_1002 : i32 to vector<16xi32>
        %sub3A_1004 = arith.subi %add3A_1000, %sub3A_1003 : vector<16xi32>
        %max3A_1005 = arith.constant 0 : i32
        %max3A_1006 = vector.broadcast %max3A_1005 : i32 to vector<16xi32>
        %max3A_1007 = arith.maxsi %sub3A_1004, %max3A_1006 : vector<16xi32>
        %min3A_1008 = arith.constant 127 : i32
        %min3A_1009 = vector.broadcast %min3A_1008 : i32 to vector<16xi32>
        %min3A_1010 = arith.minsi %add3A_1000, %min3A_1009 : vector<16xi32>
        %gather3A_1011 = tpu.vector_load_idx %arg10[%broadcast_in_dim3A_275, %max3A_1007] : memref<1x144xf32, #tpu.memory_space<vmem>>[vector<16xi32>, vector<16xi32>], vector<16xf32>,
        %gather3A_1012 = tpu.vector_load_idx %arg10[%broadcast_in_dim3A_275, %min3A_1010] : memref<1x144xf32, #tpu.memory_space<vmem>>[vector<16xi32>, vector<16xi32>], vector<16xf32>,
        %gather3A_1013 = tpu.vector_load_idx %arg7[%broadcast_in_dim3A_277, %broadcast_in_dim3A_869, %max3A_1007] : memref<2x64x128xf32, #tpu.memory_space<vmem>>[vector<16xi32>, vector<16xi32>, vector<16xi32>], vector<16xf32>,
        %gather3A_1014 = tpu.vector_load_idx %arg7[%broadcast_in_dim3A_277, %broadcast_in_dim3A_869, %min3A_1010] : memref<2x64x128xf32, #tpu.memory_space<vmem>>[vector<16xi32>, vector<16xi32>, vector<16xi32>], vector<16xf32>,
        %sub3A_1015 = arith.subf %gather3A_1012, %gather3A_1011 : vector<16xf32>
        %lt3A_1016 = arith.constant 9.99999974E-6 : f32
        %lt3A_1017 = vector.broadcast %lt3A_1016 : f32 to vector<16xf32>
        %lt3A_1018 = arith.cmpf olt, %sub3A_1015, %lt3A_1017 : vector<16xf32>
        %jit3A_1019 = arith.constant 1.000000e+00 : f32
        %broadcast_in_dim3A_1020 = vector.broadcast %jit3A_1019 : f32 to vector<16xf32>
        %select_n3A_1021 = arith.select %lt3A_1018, %broadcast_in_dim3A_1020, %sub3A_1015 : vector<16xi1>, vector<16xf32>
        %sub3A_1022 = arith.subf %get3A_17, %gather3A_1011 : vector<16xf32>
        %div3A_1023 = arith.divf %sub3A_1022, %select_n3A_1021 : vector<16xf32>
        %sub3A_1024 = arith.subf %gather3A_1014, %gather3A_1013 : vector<16xf32>
        %mul3A_1025 = arith.mulf %div3A_1023, %sub3A_1024 : vector<16xf32>
        %add3A_1026 = arith.addf %gather3A_1013, %mul3A_1025 : vector<16xf32>
        %broadcast_in_dim3A_1027 = arith.constant true
        %broadcast_in_dim3A_1028 = vector.broadcast %broadcast_in_dim3A_1027 : i1 to vector<16xi1>
        %masked_cumsum3A_1029 = tpu.scan <sum>, %get3A_828 masked %broadcast_in_dim3A_1028 : vector<16xi32>, vector<16xi1> -> vector<16xi32>
        %add3A_1030 = vector.broadcast %add3A_1001 : i32 to vector<16xi32>
        %add3A_1031 = arith.addi %masked_cumsum3A_1029, %add3A_1030 : vector<16xi32>
        %add3A_1032 = arith.addi %add3A_1001, %reduce_sum3A_860 : i32
        %sub3A_1033 = arith.constant 1 : i32
        %sub3A_1034 = vector.broadcast %sub3A_1033 : i32 to vector<16xi32>
        %sub3A_1035 = arith.subi %add3A_1031, %sub3A_1034 : vector<16xi32>
        %max3A_1036 = arith.constant 0 : i32
        %max3A_1037 = vector.broadcast %max3A_1036 : i32 to vector<16xi32>
        %max3A_1038 = arith.maxsi %sub3A_1035, %max3A_1037 : vector<16xi32>
        %min3A_1039 = arith.constant 127 : i32
        %min3A_1040 = vector.broadcast %min3A_1039 : i32 to vector<16xi32>
        %min3A_1041 = arith.minsi %add3A_1031, %min3A_1040 : vector<16xi32>
        %gather3A_1042 = tpu.vector_load_idx %arg10[%broadcast_in_dim3A_275, %max3A_1038] : memref<1x144xf32, #tpu.memory_space<vmem>>[vector<16xi32>, vector<16xi32>], vector<16xf32>,
        %gather3A_1043 = tpu.vector_load_idx %arg10[%broadcast_in_dim3A_275, %min3A_1041] : memref<1x144xf32, #tpu.memory_space<vmem>>[vector<16xi32>, vector<16xi32>], vector<16xf32>,
        %gather3A_1044 = tpu.vector_load_idx %arg7[%broadcast_in_dim3A_277, %broadcast_in_dim3A_869, %max3A_1038] : memref<2x64x128xf32, #tpu.memory_space<vmem>>[vector<16xi32>, vector<16xi32>, vector<16xi32>], vector<16xf32>,
        %gather3A_1045 = tpu.vector_load_idx %arg7[%broadcast_in_dim3A_277, %broadcast_in_dim3A_869, %min3A_1041] : memref<2x64x128xf32, #tpu.memory_space<vmem>>[vector<16xi32>, vector<16xi32>, vector<16xi32>], vector<16xf32>,
        %sub3A_1046 = arith.subf %gather3A_1043, %gather3A_1042 : vector<16xf32>
        %lt3A_1047 = arith.constant 9.99999974E-6 : f32
        %lt3A_1048 = vector.broadcast %lt3A_1047 : f32 to vector<16xf32>
        %lt3A_1049 = arith.cmpf olt, %sub3A_1046, %lt3A_1048 : vector<16xf32>
        %jit3A_1050 = arith.constant 1.000000e+00 : f32
        %broadcast_in_dim3A_1051 = vector.broadcast %jit3A_1050 : f32 to vector<16xf32>
        %select_n3A_1052 = arith.select %lt3A_1049, %broadcast_in_dim3A_1051, %sub3A_1046 : vector<16xi1>, vector<16xf32>
        %sub3A_1053 = arith.subf %get3A_19, %gather3A_1042 : vector<16xf32>
        %div3A_1054 = arith.divf %sub3A_1053, %select_n3A_1052 : vector<16xf32>
        %sub3A_1055 = arith.subf %gather3A_1045, %gather3A_1044 : vector<16xf32>
        %mul3A_1056 = arith.mulf %div3A_1054, %sub3A_1055 : vector<16xf32>
        %add3A_1057 = arith.addf %gather3A_1044, %mul3A_1056 : vector<16xf32>
        %broadcast_in_dim3A_1058 = arith.constant true
        %broadcast_in_dim3A_1059 = vector.broadcast %broadcast_in_dim3A_1058 : i1 to vector<16xi1>
        %masked_cumsum3A_1060 = tpu.scan <sum>, %get3A_832 masked %broadcast_in_dim3A_1059 : vector<16xi32>, vector<16xi1> -> vector<16xi32>
        %add3A_1061 = vector.broadcast %add3A_1032 : i32 to vector<16xi32>
        %add3A_1062 = arith.addi %masked_cumsum3A_1060, %add3A_1061 : vector<16xi32>
        %add3A_1063 = arith.addi %add3A_1032, %reduce_sum3A_864 : i32
        %sub3A_1064 = arith.constant 1 : i32
        %sub3A_1065 = vector.broadcast %sub3A_1064 : i32 to vector<16xi32>
        %sub3A_1066 = arith.subi %add3A_1062, %sub3A_1065 : vector<16xi32>
        %max3A_1067 = arith.constant 0 : i32
        %max3A_1068 = vector.broadcast %max3A_1067 : i32 to vector<16xi32>
        %max3A_1069 = arith.maxsi %sub3A_1066, %max3A_1068 : vector<16xi32>
        %min3A_1070 = arith.constant 127 : i32
        %min3A_1071 = vector.broadcast %min3A_1070 : i32 to vector<16xi32>
        %min3A_1072 = arith.minsi %add3A_1062, %min3A_1071 : vector<16xi32>
        %gather3A_1073 = tpu.vector_load_idx %arg10[%broadcast_in_dim3A_275, %max3A_1069] : memref<1x144xf32, #tpu.memory_space<vmem>>[vector<16xi32>, vector<16xi32>], vector<16xf32>,
        %gather3A_1074 = tpu.vector_load_idx %arg10[%broadcast_in_dim3A_275, %min3A_1072] : memref<1x144xf32, #tpu.memory_space<vmem>>[vector<16xi32>, vector<16xi32>], vector<16xf32>,
        %gather3A_1075 = tpu.vector_load_idx %arg7[%broadcast_in_dim3A_277, %broadcast_in_dim3A_869, %max3A_1069] : memref<2x64x128xf32, #tpu.memory_space<vmem>>[vector<16xi32>, vector<16xi32>, vector<16xi32>], vector<16xf32>,
        %gather3A_1076 = tpu.vector_load_idx %arg7[%broadcast_in_dim3A_277, %broadcast_in_dim3A_869, %min3A_1072] : memref<2x64x128xf32, #tpu.memory_space<vmem>>[vector<16xi32>, vector<16xi32>, vector<16xi32>], vector<16xf32>,
        %sub3A_1077 = arith.subf %gather3A_1074, %gather3A_1073 : vector<16xf32>
        %lt3A_1078 = arith.constant 9.99999974E-6 : f32
        %lt3A_1079 = vector.broadcast %lt3A_1078 : f32 to vector<16xf32>
        %lt3A_1080 = arith.cmpf olt, %sub3A_1077, %lt3A_1079 : vector<16xf32>
        %jit3A_1081 = arith.constant 1.000000e+00 : f32
        %broadcast_in_dim3A_1082 = vector.broadcast %jit3A_1081 : f32 to vector<16xf32>
        %select_n3A_1083 = arith.select %lt3A_1080, %broadcast_in_dim3A_1082, %sub3A_1077 : vector<16xi1>, vector<16xf32>
        %sub3A_1084 = arith.subf %get3A_21, %gather3A_1073 : vector<16xf32>
        %div3A_1085 = arith.divf %sub3A_1084, %select_n3A_1083 : vector<16xf32>
        %sub3A_1086 = arith.subf %gather3A_1076, %gather3A_1075 : vector<16xf32>
        %mul3A_1087 = arith.mulf %div3A_1085, %sub3A_1086 : vector<16xf32>
        %add3A_1088 = arith.addf %gather3A_1075, %mul3A_1087 : vector<16xf32>
        %broadcast_in_dim3A_1089 = arith.constant true
        %broadcast_in_dim3A_1090 = vector.broadcast %broadcast_in_dim3A_1089 : i1 to vector<16xi1>
        %masked_cumsum3A_1091 = tpu.scan <sum>, %get3A_836 masked %broadcast_in_dim3A_1090 : vector<16xi32>, vector<16xi1> -> vector<16xi32>
        %add3A_1092 = vector.broadcast %add3A_1063 : i32 to vector<16xi32>
        %add3A_1093 = arith.addi %masked_cumsum3A_1091, %add3A_1092 : vector<16xi32>
        %sub3A_1094 = arith.constant 1 : i32
        %sub3A_1095 = vector.broadcast %sub3A_1094 : i32 to vector<16xi32>
        %sub3A_1096 = arith.subi %add3A_1093, %sub3A_1095 : vector<16xi32>
        %max3A_1097 = arith.constant 0 : i32
        %max3A_1098 = vector.broadcast %max3A_1097 : i32 to vector<16xi32>
        %max3A_1099 = arith.maxsi %sub3A_1096, %max3A_1098 : vector<16xi32>
        %min3A_1100 = arith.constant 127 : i32
        %min3A_1101 = vector.broadcast %min3A_1100 : i32 to vector<16xi32>
        %min3A_1102 = arith.minsi %add3A_1093, %min3A_1101 : vector<16xi32>
        %gather3A_1103 = tpu.vector_load_idx %arg10[%broadcast_in_dim3A_275, %max3A_1099] : memref<1x144xf32, #tpu.memory_space<vmem>>[vector<16xi32>, vector<16xi32>], vector<16xf32>,
        %gather3A_1104 = tpu.vector_load_idx %arg10[%broadcast_in_dim3A_275, %min3A_1102] : memref<1x144xf32, #tpu.memory_space<vmem>>[vector<16xi32>, vector<16xi32>], vector<16xf32>,
        %gather3A_1105 = tpu.vector_load_idx %arg7[%broadcast_in_dim3A_277, %broadcast_in_dim3A_869, %max3A_1099] : memref<2x64x128xf32, #tpu.memory_space<vmem>>[vector<16xi32>, vector<16xi32>, vector<16xi32>], vector<16xf32>,
        %gather3A_1106 = tpu.vector_load_idx %arg7[%broadcast_in_dim3A_277, %broadcast_in_dim3A_869, %min3A_1102] : memref<2x64x128xf32, #tpu.memory_space<vmem>>[vector<16xi32>, vector<16xi32>, vector<16xi32>], vector<16xf32>,
        %sub3A_1107 = arith.subf %gather3A_1104, %gather3A_1103 : vector<16xf32>
        %lt3A_1108 = arith.constant 9.99999974E-6 : f32
        %lt3A_1109 = vector.broadcast %lt3A_1108 : f32 to vector<16xf32>
        %lt3A_1110 = arith.cmpf olt, %sub3A_1107, %lt3A_1109 : vector<16xf32>
        %jit3A_1111 = arith.constant 1.000000e+00 : f32
        %broadcast_in_dim3A_1112 = vector.broadcast %jit3A_1111 : f32 to vector<16xf32>
        %select_n3A_1113 = arith.select %lt3A_1110, %broadcast_in_dim3A_1112, %sub3A_1107 : vector<16xi1>, vector<16xf32>
        %sub3A_1114 = arith.subf %get3A_23, %gather3A_1103 : vector<16xf32>
        %div3A_1115 = arith.divf %sub3A_1114, %select_n3A_1113 : vector<16xf32>
        %sub3A_1116 = arith.subf %gather3A_1106, %gather3A_1105 : vector<16xf32>
        %mul3A_1117 = arith.mulf %div3A_1115, %sub3A_1116 : vector<16xf32>
        %add3A_1118 = arith.addf %gather3A_1105, %mul3A_1117 : vector<16xf32>
        %get3A_1119 = arith.constant 1 : i32
        %get3A_1120 = arith.index_cast %get3A_1119 : i32 to index
        %get3A_1121 = arith.index_cast %scan3A_273 : i32 to index
        %get3A_1122 = arith.constant 0 : index
        %get3A_1123 = tpu.vector_load %arg7[%get3A_1120, %get3A_1121, %get3A_1122] {strides = array<i32>} : memref<2x64x128xf32, #tpu.memory_space<vmem>>, vector<16xf32>,
        %get3A_1124 = arith.constant 1 : i32
        %get3A_1125 = arith.index_cast %get3A_1124 : i32 to index
        %get3A_1126 = arith.index_cast %scan3A_273 : i32 to index
        %get3A_1127 = arith.constant 16 : index
        %get3A_1128 = tpu.vector_load %arg7[%get3A_1125, %get3A_1126, %get3A_1127] {strides = array<i32>} : memref<2x64x128xf32, #tpu.memory_space<vmem>>, vector<16xf32>,
        %get3A_1129 = arith.constant 1 : i32
        %get3A_1130 = arith.index_cast %get3A_1129 : i32 to index
        %get3A_1131 = arith.index_cast %scan3A_273 : i32 to index
        %get3A_1132 = arith.constant 32 : index
        %get3A_1133 = tpu.vector_load %arg7[%get3A_1130, %get3A_1131, %get3A_1132] {strides = array<i32>} : memref<2x64x128xf32, #tpu.memory_space<vmem>>, vector<16xf32>,
        %get3A_1134 = arith.constant 1 : i32
        %get3A_1135 = arith.index_cast %get3A_1134 : i32 to index
        %get3A_1136 = arith.index_cast %scan3A_273 : i32 to index
        %get3A_1137 = arith.constant 48 : index
        %get3A_1138 = tpu.vector_load %arg7[%get3A_1135, %get3A_1136, %get3A_1137] {strides = array<i32>} : memref<2x64x128xf32, #tpu.memory_space<vmem>>, vector<16xf32>,
        %get3A_1139 = arith.constant 1 : i32
        %get3A_1140 = arith.index_cast %get3A_1139 : i32 to index
        %get3A_1141 = arith.index_cast %scan3A_273 : i32 to index
        %get3A_1142 = arith.constant 64 : index
        %get3A_1143 = tpu.vector_load %arg7[%get3A_1140, %get3A_1141, %get3A_1142] {strides = array<i32>} : memref<2x64x128xf32, #tpu.memory_space<vmem>>, vector<16xf32>,
        %get3A_1144 = arith.constant 1 : i32
        %get3A_1145 = arith.index_cast %get3A_1144 : i32 to index
        %get3A_1146 = arith.index_cast %scan3A_273 : i32 to index
        %get3A_1147 = arith.constant 80 : index
        %get3A_1148 = tpu.vector_load %arg7[%get3A_1145, %get3A_1146, %get3A_1147] {strides = array<i32>} : memref<2x64x128xf32, #tpu.memory_space<vmem>>, vector<16xf32>,
        %get3A_1149 = arith.constant 1 : i32
        %get3A_1150 = arith.index_cast %get3A_1149 : i32 to index
        %get3A_1151 = arith.index_cast %scan3A_273 : i32 to index
        %get3A_1152 = arith.constant 96 : index
        %get3A_1153 = tpu.vector_load %arg7[%get3A_1150, %get3A_1151, %get3A_1152] {strides = array<i32>} : memref<2x64x128xf32, #tpu.memory_space<vmem>>, vector<16xf32>,
        %get3A_1154 = arith.constant 1 : i32
        %get3A_1155 = arith.index_cast %get3A_1154 : i32 to index
        %get3A_1156 = arith.index_cast %scan3A_273 : i32 to index
        %get3A_1157 = arith.constant 112 : index
        %get3A_1158 = tpu.vector_load %arg7[%get3A_1155, %get3A_1156, %get3A_1157] {strides = array<i32>} : memref<2x64x128xf32, #tpu.memory_space<vmem>>, vector<16xf32>,
        %rev3A = arith.constant 15 : i32
        %rev3A_1159 = vector.broadcast %rev3A : i32 to vector<16xi32>
        %rev3A_1160 = tpu.iota {dimensions = array<i32: 0>} : vector<16xi32>
        %rev3A_1161 = arith.subi %rev3A_1159, %rev3A_1160 : vector<16xi32>
        %rev3A_1162 = tpu.dynamic_gather %add3A_1118[%rev3A_1161] in [0] : vector<16xf32>, vector<16xi32> -> vector<16xf32>
        %rev3A_1163 = arith.constant 15 : i32
        %rev3A_1164 = vector.broadcast %rev3A_1163 : i32 to vector<16xi32>
        %rev3A_1165 = tpu.iota {dimensions = array<i32: 0>} : vector<16xi32>
        %rev3A_1166 = arith.subi %rev3A_1164, %rev3A_1165 : vector<16xi32>
        %rev3A_1167 = tpu.dynamic_gather %add3A_1088[%rev3A_1166] in [0] : vector<16xf32>, vector<16xi32> -> vector<16xf32>
        %rev3A_1168 = arith.constant 15 : i32
        %rev3A_1169 = vector.broadcast %rev3A_1168 : i32 to vector<16xi32>
        %rev3A_1170 = tpu.iota {dimensions = array<i32: 0>} : vector<16xi32>
        %rev3A_1171 = arith.subi %rev3A_1169, %rev3A_1170 : vector<16xi32>
        %rev3A_1172 = tpu.dynamic_gather %add3A_1057[%rev3A_1171] in [0] : vector<16xf32>, vector<16xi32> -> vector<16xf32>
        %rev3A_1173 = arith.constant 15 : i32
        %rev3A_1174 = vector.broadcast %rev3A_1173 : i32 to vector<16xi32>
        %rev3A_1175 = tpu.iota {dimensions = array<i32: 0>} : vector<16xi32>
        %rev3A_1176 = arith.subi %rev3A_1174, %rev3A_1175 : vector<16xi32>
        %rev3A_1177 = tpu.dynamic_gather %add3A_1026[%rev3A_1176] in [0] : vector<16xf32>, vector<16xi32> -> vector<16xf32>
        %rev3A_1178 = arith.constant 15 : i32
        %rev3A_1179 = vector.broadcast %rev3A_1178 : i32 to vector<16xi32>
        %rev3A_1180 = tpu.iota {dimensions = array<i32: 0>} : vector<16xi32>
        %rev3A_1181 = arith.subi %rev3A_1179, %rev3A_1180 : vector<16xi32>
        %rev3A_1182 = tpu.dynamic_gather %add3A_995[%rev3A_1181] in [0] : vector<16xf32>, vector<16xi32> -> vector<16xf32>
        %rev3A_1183 = arith.constant 15 : i32
        %rev3A_1184 = vector.broadcast %rev3A_1183 : i32 to vector<16xi32>
        %rev3A_1185 = tpu.iota {dimensions = array<i32: 0>} : vector<16xi32>
        %rev3A_1186 = arith.subi %rev3A_1184, %rev3A_1185 : vector<16xi32>
        %rev3A_1187 = tpu.dynamic_gather %add3A_964[%rev3A_1186] in [0] : vector<16xf32>, vector<16xi32> -> vector<16xf32>
        %rev3A_1188 = arith.constant 15 : i32
        %rev3A_1189 = vector.broadcast %rev3A_1188 : i32 to vector<16xi32>
        %rev3A_1190 = tpu.iota {dimensions = array<i32: 0>} : vector<16xi32>
        %rev3A_1191 = arith.subi %rev3A_1189, %rev3A_1190 : vector<16xi32>
        %rev3A_1192 = tpu.dynamic_gather %add3A_933[%rev3A_1191] in [0] : vector<16xf32>, vector<16xi32> -> vector<16xf32>
        %rev3A_1193 = arith.constant 15 : i32
        %rev3A_1194 = vector.broadcast %rev3A_1193 : i32 to vector<16xi32>
        %rev3A_1195 = tpu.iota {dimensions = array<i32: 0>} : vector<16xi32>
        %rev3A_1196 = arith.subi %rev3A_1194, %rev3A_1195 : vector<16xi32>
        %rev3A_1197 = tpu.dynamic_gather %add3A_902[%rev3A_1196] in [0] : vector<16xf32>, vector<16xi32> -> vector<16xf32>
        %min3A_1198 = arith.minimumf %get3A_1123, %rev3A_1162 : vector<16xf32>
        %max3A_1199 = arith.maximumf %get3A_1123, %rev3A_1162 : vector<16xf32>
        %min3A_1200 = arith.minimumf %get3A_1128, %rev3A_1167 : vector<16xf32>
        %max3A_1201 = arith.maximumf %get3A_1128, %rev3A_1167 : vector<16xf32>
        %min3A_1202 = arith.minimumf %get3A_1133, %rev3A_1172 : vector<16xf32>
        %max3A_1203 = arith.maximumf %get3A_1133, %rev3A_1172 : vector<16xf32>
        %min3A_1204 = arith.minimumf %get3A_1138, %rev3A_1177 : vector<16xf32>
        %max3A_1205 = arith.maximumf %get3A_1138, %rev3A_1177 : vector<16xf32>
        %min3A_1206 = arith.minimumf %get3A_1143, %rev3A_1182 : vector<16xf32>
        %max3A_1207 = arith.maximumf %get3A_1143, %rev3A_1182 : vector<16xf32>
        %min3A_1208 = arith.minimumf %get3A_1148, %rev3A_1187 : vector<16xf32>
        %max3A_1209 = arith.maximumf %get3A_1148, %rev3A_1187 : vector<16xf32>
        %min3A_1210 = arith.minimumf %get3A_1153, %rev3A_1192 : vector<16xf32>
        %max3A_1211 = arith.maximumf %get3A_1153, %rev3A_1192 : vector<16xf32>
        %min3A_1212 = arith.minimumf %get3A_1158, %rev3A_1197 : vector<16xf32>
        %max3A_1213 = arith.maximumf %get3A_1158, %rev3A_1197 : vector<16xf32>
        %min3A_1214 = arith.minimumf %min3A_1198, %min3A_1206 : vector<16xf32>
        %max3A_1215 = arith.maximumf %min3A_1198, %min3A_1206 : vector<16xf32>
        %min3A_1216 = arith.minimumf %min3A_1200, %min3A_1208 : vector<16xf32>
        %max3A_1217 = arith.maximumf %min3A_1200, %min3A_1208 : vector<16xf32>
        %min3A_1218 = arith.minimumf %min3A_1202, %min3A_1210 : vector<16xf32>
        %max3A_1219 = arith.maximumf %min3A_1202, %min3A_1210 : vector<16xf32>
        %min3A_1220 = arith.minimumf %min3A_1204, %min3A_1212 : vector<16xf32>
        %max3A_1221 = arith.maximumf %min3A_1204, %min3A_1212 : vector<16xf32>
        %min3A_1222 = arith.minimumf %max3A_1199, %max3A_1207 : vector<16xf32>
        %max3A_1223 = arith.maximumf %max3A_1199, %max3A_1207 : vector<16xf32>
        %min3A_1224 = arith.minimumf %max3A_1201, %max3A_1209 : vector<16xf32>
        %max3A_1225 = arith.maximumf %max3A_1201, %max3A_1209 : vector<16xf32>
        %min3A_1226 = arith.minimumf %max3A_1203, %max3A_1211 : vector<16xf32>
        %max3A_1227 = arith.maximumf %max3A_1203, %max3A_1211 : vector<16xf32>
        %min3A_1228 = arith.minimumf %max3A_1205, %max3A_1213 : vector<16xf32>
        %max3A_1229 = arith.maximumf %max3A_1205, %max3A_1213 : vector<16xf32>
        %min3A_1230 = arith.minimumf %min3A_1214, %min3A_1218 : vector<16xf32>
        %max3A_1231 = arith.maximumf %min3A_1214, %min3A_1218 : vector<16xf32>
        %min3A_1232 = arith.minimumf %min3A_1216, %min3A_1220 : vector<16xf32>
        %max3A_1233 = arith.maximumf %min3A_1216, %min3A_1220 : vector<16xf32>
        %min3A_1234 = arith.minimumf %max3A_1215, %max3A_1219 : vector<16xf32>
        %max3A_1235 = arith.maximumf %max3A_1215, %max3A_1219 : vector<16xf32>
        %min3A_1236 = arith.minimumf %max3A_1217, %max3A_1221 : vector<16xf32>
        %max3A_1237 = arith.maximumf %max3A_1217, %max3A_1221 : vector<16xf32>
        %min3A_1238 = arith.minimumf %min3A_1222, %min3A_1226 : vector<16xf32>
        %max3A_1239 = arith.maximumf %min3A_1222, %min3A_1226 : vector<16xf32>
        %min3A_1240 = arith.minimumf %min3A_1224, %min3A_1228 : vector<16xf32>
        %max3A_1241 = arith.maximumf %min3A_1224, %min3A_1228 : vector<16xf32>
        %min3A_1242 = arith.minimumf %max3A_1223, %max3A_1227 : vector<16xf32>
        %max3A_1243 = arith.maximumf %max3A_1223, %max3A_1227 : vector<16xf32>
        %min3A_1244 = arith.minimumf %max3A_1225, %max3A_1229 : vector<16xf32>
        %max3A_1245 = arith.maximumf %max3A_1225, %max3A_1229 : vector<16xf32>
        %min3A_1246 = arith.minimumf %min3A_1230, %min3A_1232 : vector<16xf32>
        %max3A_1247 = arith.maximumf %min3A_1230, %min3A_1232 : vector<16xf32>
        %min3A_1248 = arith.minimumf %max3A_1231, %max3A_1233 : vector<16xf32>
        %max3A_1249 = arith.maximumf %max3A_1231, %max3A_1233 : vector<16xf32>
        %min3A_1250 = arith.minimumf %min3A_1234, %min3A_1236 : vector<16xf32>
        %max3A_1251 = arith.maximumf %min3A_1234, %min3A_1236 : vector<16xf32>
        %min3A_1252 = arith.minimumf %max3A_1235, %max3A_1237 : vector<16xf32>
        %max3A_1253 = arith.maximumf %max3A_1235, %max3A_1237 : vector<16xf32>
        %min3A_1254 = arith.minimumf %min3A_1238, %min3A_1240 : vector<16xf32>
        %max3A_1255 = arith.maximumf %min3A_1238, %min3A_1240 : vector<16xf32>
        %min3A_1256 = arith.minimumf %max3A_1239, %max3A_1241 : vector<16xf32>
        %max3A_1257 = arith.maximumf %max3A_1239, %max3A_1241 : vector<16xf32>
        %min3A_1258 = arith.minimumf %min3A_1242, %min3A_1244 : vector<16xf32>
        %max3A_1259 = arith.maximumf %min3A_1242, %min3A_1244 : vector<16xf32>
        %min3A_1260 = arith.minimumf %max3A_1243, %max3A_1245 : vector<16xf32>
        %max3A_1261 = arith.maximumf %max3A_1243, %max3A_1245 : vector<16xf32>
        %sort3A = arith.constant dense<true> : vector<16xi1>
        %sort3A_1262, %sort3A_1263, %sort3A_1264 = tpu.sort %min3A_1246, %min3A_1246 masked %sort3A : (vector<16xf32>, vector<16xf32>, vector<16xi1>) -> (vector<16xi1>, vector<16xf32>, vector<16xf32>)
        %swap3A_1265 = arith.constant 1 : i32
        %swap3A_1266 = arith.index_cast %swap3A_1265 : i32 to index
        %swap3A_1267 = arith.index_cast %scan3A_273 : i32 to index
        %swap3A_1268 = arith.constant 0 : index
        %swap3A_1269 = tpu.vector_load %arg8[%swap3A_1266, %swap3A_1267, %swap3A_1268] {strides = array<i32>} : memref<2x64x256xf32, #tpu.memory_space<vmem>>, vector<16xf32>,
        tpu.vector_store %arg8[%swap3A_1266, %swap3A_1267, %swap3A_1268], %sort3A_1263 {strides = array<i32>} : memref<2x64x256xf32, #tpu.memory_space<vmem>>, vector<16xf32>,
        %sort3A_1270 = arith.constant dense<true> : vector<16xi1>
        %sort3A_1271, %sort3A_1272, %sort3A_1273 = tpu.sort %max3A_1247, %max3A_1247 masked %sort3A_1270 : (vector<16xf32>, vector<16xf32>, vector<16xi1>) -> (vector<16xi1>, vector<16xf32>, vector<16xf32>)
        %swap3A_1274 = arith.constant 1 : i32
        %swap3A_1275 = arith.index_cast %swap3A_1274 : i32 to index
        %swap3A_1276 = arith.index_cast %scan3A_273 : i32 to index
        %swap3A_1277 = arith.constant 16 : index
        %swap3A_1278 = tpu.vector_load %arg8[%swap3A_1275, %swap3A_1276, %swap3A_1277] {strides = array<i32>} : memref<2x64x256xf32, #tpu.memory_space<vmem>>, vector<16xf32>,
        tpu.vector_store %arg8[%swap3A_1275, %swap3A_1276, %swap3A_1277], %sort3A_1272 {strides = array<i32>} : memref<2x64x256xf32, #tpu.memory_space<vmem>>, vector<16xf32>,
        %sort3A_1279 = arith.constant dense<true> : vector<16xi1>
        %sort3A_1280, %sort3A_1281, %sort3A_1282 = tpu.sort %min3A_1248, %min3A_1248 masked %sort3A_1279 : (vector<16xf32>, vector<16xf32>, vector<16xi1>) -> (vector<16xi1>, vector<16xf32>, vector<16xf32>)
        %swap3A_1283 = arith.constant 1 : i32
        %swap3A_1284 = arith.index_cast %swap3A_1283 : i32 to index
        %swap3A_1285 = arith.index_cast %scan3A_273 : i32 to index
        %swap3A_1286 = arith.constant 32 : index
        %swap3A_1287 = tpu.vector_load %arg8[%swap3A_1284, %swap3A_1285, %swap3A_1286] {strides = array<i32>} : memref<2x64x256xf32, #tpu.memory_space<vmem>>, vector<16xf32>,
        tpu.vector_store %arg8[%swap3A_1284, %swap3A_1285, %swap3A_1286], %sort3A_1281 {strides = array<i32>} : memref<2x64x256xf32, #tpu.memory_space<vmem>>, vector<16xf32>,
        %sort3A_1288 = arith.constant dense<true> : vector<16xi1>
        %sort3A_1289, %sort3A_1290, %sort3A_1291 = tpu.sort %max3A_1249, %max3A_1249 masked %sort3A_1288 : (vector<16xf32>, vector<16xf32>, vector<16xi1>) -> (vector<16xi1>, vector<16xf32>, vector<16xf32>)
        %swap3A_1292 = arith.constant 1 : i32
        %swap3A_1293 = arith.index_cast %swap3A_1292 : i32 to index
        %swap3A_1294 = arith.index_cast %scan3A_273 : i32 to index
        %swap3A_1295 = arith.constant 48 : index
        %swap3A_1296 = tpu.vector_load %arg8[%swap3A_1293, %swap3A_1294, %swap3A_1295] {strides = array<i32>} : memref<2x64x256xf32, #tpu.memory_space<vmem>>, vector<16xf32>,
        tpu.vector_store %arg8[%swap3A_1293, %swap3A_1294, %swap3A_1295], %sort3A_1290 {strides = array<i32>} : memref<2x64x256xf32, #tpu.memory_space<vmem>>, vector<16xf32>,
        %sort3A_1297 = arith.constant dense<true> : vector<16xi1>
        %sort3A_1298, %sort3A_1299, %sort3A_1300 = tpu.sort %min3A_1250, %min3A_1250 masked %sort3A_1297 : (vector<16xf32>, vector<16xf32>, vector<16xi1>) -> (vector<16xi1>, vector<16xf32>, vector<16xf32>)
        %swap3A_1301 = arith.constant 1 : i32
        %swap3A_1302 = arith.index_cast %swap3A_1301 : i32 to index
        %swap3A_1303 = arith.index_cast %scan3A_273 : i32 to index
        %swap3A_1304 = arith.constant 64 : index
        %swap3A_1305 = tpu.vector_load %arg8[%swap3A_1302, %swap3A_1303, %swap3A_1304] {strides = array<i32>} : memref<2x64x256xf32, #tpu.memory_space<vmem>>, vector<16xf32>,
        tpu.vector_store %arg8[%swap3A_1302, %swap3A_1303, %swap3A_1304], %sort3A_1299 {strides = array<i32>} : memref<2x64x256xf32, #tpu.memory_space<vmem>>, vector<16xf32>,
        %sort3A_1306 = arith.constant dense<true> : vector<16xi1>
        %sort3A_1307, %sort3A_1308, %sort3A_1309 = tpu.sort %max3A_1251, %max3A_1251 masked %sort3A_1306 : (vector<16xf32>, vector<16xf32>, vector<16xi1>) -> (vector<16xi1>, vector<16xf32>, vector<16xf32>)
        %swap3A_1310 = arith.constant 1 : i32
        %swap3A_1311 = arith.index_cast %swap3A_1310 : i32 to index
        %swap3A_1312 = arith.index_cast %scan3A_273 : i32 to index
        %swap3A_1313 = arith.constant 80 : index
        %swap3A_1314 = tpu.vector_load %arg8[%swap3A_1311, %swap3A_1312, %swap3A_1313] {strides = array<i32>} : memref<2x64x256xf32, #tpu.memory_space<vmem>>, vector<16xf32>,
        tpu.vector_store %arg8[%swap3A_1311, %swap3A_1312, %swap3A_1313], %sort3A_1308 {strides = array<i32>} : memref<2x64x256xf32, #tpu.memory_space<vmem>>, vector<16xf32>,
        %sort3A_1315 = arith.constant dense<true> : vector<16xi1>
        %sort3A_1316, %sort3A_1317, %sort3A_1318 = tpu.sort %min3A_1252, %min3A_1252 masked %sort3A_1315 : (vector<16xf32>, vector<16xf32>, vector<16xi1>) -> (vector<16xi1>, vector<16xf32>, vector<16xf32>)
        %swap3A_1319 = arith.constant 1 : i32
        %swap3A_1320 = arith.index_cast %swap3A_1319 : i32 to index
        %swap3A_1321 = arith.index_cast %scan3A_273 : i32 to index
        %swap3A_1322 = arith.constant 96 : index
        %swap3A_1323 = tpu.vector_load %arg8[%swap3A_1320, %swap3A_1321, %swap3A_1322] {strides = array<i32>} : memref<2x64x256xf32, #tpu.memory_space<vmem>>, vector<16xf32>,
        tpu.vector_store %arg8[%swap3A_1320, %swap3A_1321, %swap3A_1322], %sort3A_1317 {strides = array<i32>} : memref<2x64x256xf32, #tpu.memory_space<vmem>>, vector<16xf32>,
        %sort3A_1324 = arith.constant dense<true> : vector<16xi1>
        %sort3A_1325, %sort3A_1326, %sort3A_1327 = tpu.sort %max3A_1253, %max3A_1253 masked %sort3A_1324 : (vector<16xf32>, vector<16xf32>, vector<16xi1>) -> (vector<16xi1>, vector<16xf32>, vector<16xf32>)
        %swap3A_1328 = arith.constant 1 : i32
        %swap3A_1329 = arith.index_cast %swap3A_1328 : i32 to index
        %swap3A_1330 = arith.index_cast %scan3A_273 : i32 to index
        %swap3A_1331 = arith.constant 112 : index
        %swap3A_1332 = tpu.vector_load %arg8[%swap3A_1329, %swap3A_1330, %swap3A_1331] {strides = array<i32>} : memref<2x64x256xf32, #tpu.memory_space<vmem>>, vector<16xf32>,
        tpu.vector_store %arg8[%swap3A_1329, %swap3A_1330, %swap3A_1331], %sort3A_1326 {strides = array<i32>} : memref<2x64x256xf32, #tpu.memory_space<vmem>>, vector<16xf32>,
        %sort3A_1333 = arith.constant dense<true> : vector<16xi1>
        %sort3A_1334, %sort3A_1335, %sort3A_1336 = tpu.sort %min3A_1254, %min3A_1254 masked %sort3A_1333 : (vector<16xf32>, vector<16xf32>, vector<16xi1>) -> (vector<16xi1>, vector<16xf32>, vector<16xf32>)
        %swap3A_1337 = arith.constant 1 : i32
        %swap3A_1338 = arith.index_cast %swap3A_1337 : i32 to index
        %swap3A_1339 = arith.index_cast %scan3A_273 : i32 to index
        %swap3A_1340 = arith.constant 128 : index
        %swap3A_1341 = tpu.vector_load %arg8[%swap3A_1338, %swap3A_1339, %swap3A_1340] {strides = array<i32>} : memref<2x64x256xf32, #tpu.memory_space<vmem>>, vector<16xf32>,
        tpu.vector_store %arg8[%swap3A_1338, %swap3A_1339, %swap3A_1340], %sort3A_1335 {strides = array<i32>} : memref<2x64x256xf32, #tpu.memory_space<vmem>>, vector<16xf32>,
        %sort3A_1342 = arith.constant dense<true> : vector<16xi1>
        %sort3A_1343, %sort3A_1344, %sort3A_1345 = tpu.sort %max3A_1255, %max3A_1255 masked %sort3A_1342 : (vector<16xf32>, vector<16xf32>, vector<16xi1>) -> (vector<16xi1>, vector<16xf32>, vector<16xf32>)
        %swap3A_1346 = arith.constant 1 : i32
        %swap3A_1347 = arith.index_cast %swap3A_1346 : i32 to index
        %swap3A_1348 = arith.index_cast %scan3A_273 : i32 to index
        %swap3A_1349 = arith.constant 144 : index
        %swap3A_1350 = tpu.vector_load %arg8[%swap3A_1347, %swap3A_1348, %swap3A_1349] {strides = array<i32>} : memref<2x64x256xf32, #tpu.memory_space<vmem>>, vector<16xf32>,
        tpu.vector_store %arg8[%swap3A_1347, %swap3A_1348, %swap3A_1349], %sort3A_1344 {strides = array<i32>} : memref<2x64x256xf32, #tpu.memory_space<vmem>>, vector<16xf32>,
        %sort3A_1351 = arith.constant dense<true> : vector<16xi1>
        %sort3A_1352, %sort3A_1353, %sort3A_1354 = tpu.sort %min3A_1256, %min3A_1256 masked %sort3A_1351 : (vector<16xf32>, vector<16xf32>, vector<16xi1>) -> (vector<16xi1>, vector<16xf32>, vector<16xf32>)
        %swap3A_1355 = arith.constant 1 : i32
        %swap3A_1356 = arith.index_cast %swap3A_1355 : i32 to index
        %swap3A_1357 = arith.index_cast %scan3A_273 : i32 to index
        %swap3A_1358 = arith.constant 160 : index
        %swap3A_1359 = tpu.vector_load %arg8[%swap3A_1356, %swap3A_1357, %swap3A_1358] {strides = array<i32>} : memref<2x64x256xf32, #tpu.memory_space<vmem>>, vector<16xf32>,
        tpu.vector_store %arg8[%swap3A_1356, %swap3A_1357, %swap3A_1358], %sort3A_1353 {strides = array<i32>} : memref<2x64x256xf32, #tpu.memory_space<vmem>>, vector<16xf32>,
        %sort3A_1360 = arith.constant dense<true> : vector<16xi1>
        %sort3A_1361, %sort3A_1362, %sort3A_1363 = tpu.sort %max3A_1257, %max3A_1257 masked %sort3A_1360 : (vector<16xf32>, vector<16xf32>, vector<16xi1>) -> (vector<16xi1>, vector<16xf32>, vector<16xf32>)
        %swap3A_1364 = arith.constant 1 : i32
        %swap3A_1365 = arith.index_cast %swap3A_1364 : i32 to index
        %swap3A_1366 = arith.index_cast %scan3A_273 : i32 to index
        %swap3A_1367 = arith.constant 176 : index
        %swap3A_1368 = tpu.vector_load %arg8[%swap3A_1365, %swap3A_1366, %swap3A_1367] {strides = array<i32>} : memref<2x64x256xf32, #tpu.memory_space<vmem>>, vector<16xf32>,
        tpu.vector_store %arg8[%swap3A_1365, %swap3A_1366, %swap3A_1367], %sort3A_1362 {strides = array<i32>} : memref<2x64x256xf32, #tpu.memory_space<vmem>>, vector<16xf32>,
        %sort3A_1369 = arith.constant dense<true> : vector<16xi1>
        %sort3A_1370, %sort3A_1371, %sort3A_1372 = tpu.sort %min3A_1258, %min3A_1258 masked %sort3A_1369 : (vector<16xf32>, vector<16xf32>, vector<16xi1>) -> (vector<16xi1>, vector<16xf32>, vector<16xf32>)
        %swap3A_1373 = arith.constant 1 : i32
        %swap3A_1374 = arith.index_cast %swap3A_1373 : i32 to index
        %swap3A_1375 = arith.index_cast %scan3A_273 : i32 to index
        %swap3A_1376 = arith.constant 192 : index
        %swap3A_1377 = tpu.vector_load %arg8[%swap3A_1374, %swap3A_1375, %swap3A_1376] {strides = array<i32>} : memref<2x64x256xf32, #tpu.memory_space<vmem>>, vector<16xf32>,
        tpu.vector_store %arg8[%swap3A_1374, %swap3A_1375, %swap3A_1376], %sort3A_1371 {strides = array<i32>} : memref<2x64x256xf32, #tpu.memory_space<vmem>>, vector<16xf32>,
        %sort3A_1378 = arith.constant dense<true> : vector<16xi1>
        %sort3A_1379, %sort3A_1380, %sort3A_1381 = tpu.sort %max3A_1259, %max3A_1259 masked %sort3A_1378 : (vector<16xf32>, vector<16xf32>, vector<16xi1>) -> (vector<16xi1>, vector<16xf32>, vector<16xf32>)
        %swap3A_1382 = arith.constant 1 : i32
        %swap3A_1383 = arith.index_cast %swap3A_1382 : i32 to index
        %swap3A_1384 = arith.index_cast %scan3A_273 : i32 to index
        %swap3A_1385 = arith.constant 208 : index
        %swap3A_1386 = tpu.vector_load %arg8[%swap3A_1383, %swap3A_1384, %swap3A_1385] {strides = array<i32>} : memref<2x64x256xf32, #tpu.memory_space<vmem>>, vector<16xf32>,
        tpu.vector_store %arg8[%swap3A_1383, %swap3A_1384, %swap3A_1385], %sort3A_1380 {strides = array<i32>} : memref<2x64x256xf32, #tpu.memory_space<vmem>>, vector<16xf32>,
        %sort3A_1387 = arith.constant dense<true> : vector<16xi1>
        %sort3A_1388, %sort3A_1389, %sort3A_1390 = tpu.sort %min3A_1260, %min3A_1260 masked %sort3A_1387 : (vector<16xf32>, vector<16xf32>, vector<16xi1>) -> (vector<16xi1>, vector<16xf32>, vector<16xf32>)
        %swap3A_1391 = arith.constant 1 : i32
        %swap3A_1392 = arith.index_cast %swap3A_1391 : i32 to index
        %swap3A_1393 = arith.index_cast %scan3A_273 : i32 to index
        %swap3A_1394 = arith.constant 224 : index
        %swap3A_1395 = tpu.vector_load %arg8[%swap3A_1392, %swap3A_1393, %swap3A_1394] {strides = array<i32>} : memref<2x64x256xf32, #tpu.memory_space<vmem>>, vector<16xf32>,
        tpu.vector_store %arg8[%swap3A_1392, %swap3A_1393, %swap3A_1394], %sort3A_1389 {strides = array<i32>} : memref<2x64x256xf32, #tpu.memory_space<vmem>>, vector<16xf32>,
        %sort3A_1396 = arith.constant dense<true> : vector<16xi1>
        %sort3A_1397, %sort3A_1398, %sort3A_1399 = tpu.sort %max3A_1261, %max3A_1261 masked %sort3A_1396 : (vector<16xf32>, vector<16xf32>, vector<16xi1>) -> (vector<16xi1>, vector<16xf32>, vector<16xf32>)
        %swap3A_1400 = arith.constant 1 : i32
        %swap3A_1401 = arith.index_cast %swap3A_1400 : i32 to index
        %swap3A_1402 = arith.index_cast %scan3A_273 : i32 to index
        %swap3A_1403 = arith.constant 240 : index
        %swap3A_1404 = tpu.vector_load %arg8[%swap3A_1401, %swap3A_1402, %swap3A_1403] {strides = array<i32>} : memref<2x64x256xf32, #tpu.memory_space<vmem>>, vector<16xf32>,
        tpu.vector_store %arg8[%swap3A_1401, %swap3A_1402, %swap3A_1403], %sort3A_1398 {strides = array<i32>} : memref<2x64x256xf32, #tpu.memory_space<vmem>>, vector<16xf32>,
      }
      %scan3A_251 = arith.constant 64 : i32
      %dma_start3A_252 = arith.constant 1 : i32
      %dma_start3A_253 = arith.constant 1 : i32
      %dma_start3A_254 = arith.constant 0 : i32
      %dma_start3A_255 = arith.constant 0 : i32
      %dma_start3A_256 = tpu.memref_slice %arg8[%dma_start3A_252, %dma_start3A_254, %dma_start3A_255] : memref<2x64x256xf32, #tpu.memory_space<vmem>> -> memref<1x64x256xf32, #tpu.memory_space<vmem>>
      %dma_start3A_257 = tpu.memref_squeeze %dma_start3A_256 : memref<1x64x256xf32, #tpu.memory_space<vmem>> -> memref<64x256xf32, #tpu.memory_space<vmem>>
      %dma_start3A_258 = arith.constant 0 : i32
      %dma_start3A_259 = tpu.memref_slice %arg5[%add3A_205, %dma_start3A_258] : memref<131072x256xf32, #tpu.memory_space<hbm>> -> memref<64x256xf32, #tpu.memory_space<hbm>>
      %dma_start3A_260 = tpu.memref_slice %arg14[%dma_start3A_253] : memref<2x!tpu.dma_semaphore, #tpu.memory_space<semaphore_mem>> -> memref<1x!tpu.dma_semaphore, #tpu.memory_space<semaphore_mem>>
      %dma_start3A_261 = tpu.memref_squeeze %dma_start3A_260 : memref<1x!tpu.dma_semaphore, #tpu.memory_space<semaphore_mem>> -> memref<!tpu.dma_semaphore, #tpu.memory_space<semaphore_mem>>
      %dma_start3A_262 = arith.constant 0 : i32
      %dma_start3A_263 = tpu.memref_slice %arg5[%add3A_205, %dma_start3A_262] : memref<131072x256xf32, #tpu.memory_space<hbm>> -> memref<64x256xf32, #tpu.memory_space<hbm>>
      %dma_start3A_264 = arith.constant 0 : i32
      %dma_start3A_265 = arith.constant 0 : i32
      %dma_start3A_266 = tpu.memref_slice %arg8[%dma_start3A_252, %dma_start3A_264, %dma_start3A_265] : memref<2x64x256xf32, #tpu.memory_space<vmem>> -> memref<1x64x256xf32, #tpu.memory_space<vmem>>
      %dma_start3A_267 = tpu.memref_squeeze %dma_start3A_266 : memref<1x64x256xf32, #tpu.memory_space<vmem>> -> memref<64x256xf32, #tpu.memory_space<vmem>>
      tpu.enqueue_dma source(%dma_start3A_267 : memref<64x256xf32, #tpu.memory_space<vmem>>) target(%dma_start3A_263 : memref<64x256xf32, #tpu.memory_space<hbm>>) target_semaphore(%dma_start3A_261 : memref<!tpu.dma_semaphore, #tpu.memory_space<semaphore_mem>>)
      %lt3A_268 = arith.constant 31 : i32
      %lt3A_269 = arith.cmpi slt, %scan3A_127, %lt3A_268 : i32
      %convert_element_type3A_270 = arith.extui %lt3A_269 : i1 to i32
      %cond3A_271 = arith.constant 0 : i32
      %cond3A_272 = arith.cmpi ne, %convert_element_type3A_270, %cond3A_271 : i32
      scf.if %cond3A_272 {
        %add3A_273 = arith.constant 2 : i32
        %add3A_274 = arith.addi %add3A_202, %add3A_273 : i32
        %mul3A_275 = arith.constant 64 : i32
        %mul3A_276 = arith.muli %add3A_274, %mul3A_275 : i32
        %add3A_277 = arith.addi %mul3A_2, %mul3A_276 : i32
        %dma_start3A_278 = arith.constant 1 : i32
        %dma_start3A_279 = arith.constant 1 : i32
        %dma_start3A_280 = arith.constant 0 : i32
        %dma_start3A_281 = arith.constant 0 : i32
        %dma_start3A_282 = tpu.memref_slice %arg6[%dma_start3A_278, %dma_start3A_280, %dma_start3A_281] : memref<2x64x128xf32, #tpu.memory_space<vmem>> -> memref<1x64x128xf32, #tpu.memory_space<vmem>>
        %dma_start3A_283 = tpu.memref_squeeze %dma_start3A_282 : memref<1x64x128xf32, #tpu.memory_space<vmem>> -> memref<64x128xf32, #tpu.memory_space<vmem>>
        %dma_start3A_284 = arith.constant 0 : i32
        %dma_start3A_285 = tpu.memref_slice %arg2[%add3A_277, %dma_start3A_284] : memref<131072x128xf32, #tpu.memory_space<hbm>> -> memref<64x128xf32, #tpu.memory_space<hbm>>
        %dma_start3A_286 = tpu.memref_slice %arg12[%dma_start3A_279] : memref<2x!tpu.dma_semaphore, #tpu.memory_space<semaphore_mem>> -> memref<1x!tpu.dma_semaphore, #tpu.memory_space<semaphore_mem>>
        %dma_start3A_287 = tpu.memref_squeeze %dma_start3A_286 : memref<1x!tpu.dma_semaphore, #tpu.memory_space<semaphore_mem>> -> memref<!tpu.dma_semaphore, #tpu.memory_space<semaphore_mem>>
        %dma_start3A_288 = arith.constant 0 : i32
        %dma_start3A_289 = arith.constant 0 : i32
        %dma_start3A_290 = tpu.memref_slice %arg6[%dma_start3A_278, %dma_start3A_288, %dma_start3A_289] : memref<2x64x128xf32, #tpu.memory_space<vmem>> -> memref<1x64x128xf32, #tpu.memory_space<vmem>>
        %dma_start3A_291 = tpu.memref_squeeze %dma_start3A_290 : memref<1x64x128xf32, #tpu.memory_space<vmem>> -> memref<64x128xf32, #tpu.memory_space<vmem>>
        %dma_start3A_292 = arith.constant 0 : i32
        %dma_start3A_293 = tpu.memref_slice %arg2[%add3A_277, %dma_start3A_292] : memref<131072x128xf32, #tpu.memory_space<hbm>> -> memref<64x128xf32, #tpu.memory_space<hbm>>
        tpu.enqueue_dma source(%dma_start3A_293 : memref<64x128xf32, #tpu.memory_space<hbm>>) target(%dma_start3A_291 : memref<64x128xf32, #tpu.memory_space<vmem>>) target_semaphore(%dma_start3A_287 : memref<!tpu.dma_semaphore, #tpu.memory_space<semaphore_mem>>)
        %dma_start3A_294 = arith.constant 1 : i32
        %dma_start3A_295 = arith.constant 1 : i32
        %dma_start3A_296 = arith.constant 0 : i32
        %dma_start3A_297 = arith.constant 0 : i32
        %dma_start3A_298 = tpu.memref_slice %arg7[%dma_start3A_294, %dma_start3A_296, %dma_start3A_297] : memref<2x64x128xf32, #tpu.memory_space<vmem>> -> memref<1x64x128xf32, #tpu.memory_space<vmem>>
        %dma_start3A_299 = tpu.memref_squeeze %dma_start3A_298 : memref<1x64x128xf32, #tpu.memory_space<vmem>> -> memref<64x128xf32, #tpu.memory_space<vmem>>
        %dma_start3A_300 = arith.constant 0 : i32
        %dma_start3A_301 = tpu.memref_slice %arg3[%add3A_277, %dma_start3A_300] : memref<131072x128xf32, #tpu.memory_space<hbm>> -> memref<64x128xf32, #tpu.memory_space<hbm>>
        %dma_start3A_302 = tpu.memref_slice %arg13[%dma_start3A_295] : memref<2x!tpu.dma_semaphore, #tpu.memory_space<semaphore_mem>> -> memref<1x!tpu.dma_semaphore, #tpu.memory_space<semaphore_mem>>
        %dma_start3A_303 = tpu.memref_squeeze %dma_start3A_302 : memref<1x!tpu.dma_semaphore, #tpu.memory_space<semaphore_mem>> -> memref<!tpu.dma_semaphore, #tpu.memory_space<semaphore_mem>>
        %dma_start3A_304 = arith.constant 0 : i32
        %dma_start3A_305 = arith.constant 0 : i32
        %dma_start3A_306 = tpu.memref_slice %arg7[%dma_start3A_294, %dma_start3A_304, %dma_start3A_305] : memref<2x64x128xf32, #tpu.memory_space<vmem>> -> memref<1x64x128xf32, #tpu.memory_space<vmem>>
        %dma_start3A_307 = tpu.memref_squeeze %dma_start3A_306 : memref<1x64x128xf32, #tpu.memory_space<vmem>> -> memref<64x128xf32, #tpu.memory_space<vmem>>
        %dma_start3A_308 = arith.constant 0 : i32
        %dma_start3A_309 = tpu.memref_slice %arg3[%add3A_277, %dma_start3A_308] : memref<131072x128xf32, #tpu.memory_space<hbm>> -> memref<64x128xf32, #tpu.memory_space<hbm>>
        tpu.enqueue_dma source(%dma_start3A_309 : memref<64x128xf32, #tpu.memory_space<hbm>>) target(%dma_start3A_307 : memref<64x128xf32, #tpu.memory_space<vmem>>) target_semaphore(%dma_start3A_303 : memref<!tpu.dma_semaphore, #tpu.memory_space<semaphore_mem>>)
      } else {
      }
    }
    %scan3A_95 = arith.constant 32 : i32
    %dma_wait3A = arith.constant 0 : i32
    %dma_wait3A_96 = arith.constant 0 : i32
    %dma_wait3A_97 = arith.constant 0 : i32
    %dma_wait3A_98 = arith.constant 0 : i32
    %dma_wait3A_99 = tpu.memref_slice %arg8[%dma_wait3A, %dma_wait3A_97, %dma_wait3A_98] : memref<2x64x256xf32, #tpu.memory_space<vmem>> -> memref<1x64x256xf32, #tpu.memory_space<vmem>>
    %dma_wait3A_100 = tpu.memref_squeeze %dma_wait3A_99 : memref<1x64x256xf32, #tpu.memory_space<vmem>> -> memref<64x256xf32, #tpu.memory_space<vmem>>
    %dma_wait3A_101 = arith.constant 0 : i32
    %dma_wait3A_102 = tpu.memref_slice %arg5[%mul3A_2, %dma_wait3A_101] : memref<131072x256xf32, #tpu.memory_space<hbm>> -> memref<64x256xf32, #tpu.memory_space<hbm>>
    %dma_wait3A_103 = tpu.memref_slice %arg14[%dma_wait3A_96] : memref<2x!tpu.dma_semaphore, #tpu.memory_space<semaphore_mem>> -> memref<1x!tpu.dma_semaphore, #tpu.memory_space<semaphore_mem>>
    %dma_wait3A_104 = tpu.memref_squeeze %dma_wait3A_103 : memref<1x!tpu.dma_semaphore, #tpu.memory_space<semaphore_mem>> -> memref<!tpu.dma_semaphore, #tpu.memory_space<semaphore_mem>>
    %dma_wait3A_105 = arith.constant 0 : i32
    %dma_wait3A_106 = tpu.memref_slice %arg5[%mul3A_2, %dma_wait3A_105] : memref<131072x256xf32, #tpu.memory_space<hbm>> -> memref<64x256xf32, #tpu.memory_space<hbm>>
    %dma_wait3A_107 = arith.constant 0 : i32
    %dma_wait3A_108 = arith.constant 0 : i32
    %dma_wait3A_109 = tpu.memref_slice %arg8[%dma_wait3A, %dma_wait3A_107, %dma_wait3A_108] : memref<2x64x256xf32, #tpu.memory_space<vmem>> -> memref<1x64x256xf32, #tpu.memory_space<vmem>>
    %dma_wait3A_110 = tpu.memref_squeeze %dma_wait3A_109 : memref<1x64x256xf32, #tpu.memory_space<vmem>> -> memref<64x256xf32, #tpu.memory_space<vmem>>
    tpu.wait_dma2 semaphore(%dma_wait3A_104 : memref<!tpu.dma_semaphore, #tpu.memory_space<semaphore_mem>>) src(%dma_wait3A_110 : memref<64x256xf32, #tpu.memory_space<vmem>>) dst(%dma_wait3A_106 : memref<64x256xf32, #tpu.memory_space<hbm>>)
    %dma_wait3A_111 = arith.constant 1 : i32
    %dma_wait3A_112 = arith.constant 1 : i32
    %dma_wait3A_113 = arith.constant 0 : i32
    %dma_wait3A_114 = arith.constant 0 : i32
    %dma_wait3A_115 = tpu.memref_slice %arg8[%dma_wait3A_111, %dma_wait3A_113, %dma_wait3A_114] : memref<2x64x256xf32, #tpu.memory_space<vmem>> -> memref<1x64x256xf32, #tpu.memory_space<vmem>>
    %dma_wait3A_116 = tpu.memref_squeeze %dma_wait3A_115 : memref<1x64x256xf32, #tpu.memory_space<vmem>> -> memref<64x256xf32, #tpu.memory_space<vmem>>
    %dma_wait3A_117 = arith.constant 0 : i32
    %dma_wait3A_118 = tpu.memref_slice %arg5[%mul3A_2, %dma_wait3A_117] : memref<131072x256xf32, #tpu.memory_space<hbm>> -> memref<64x256xf32, #tpu.memory_space<hbm>>
    %dma_wait3A_119 = tpu.memref_slice %arg14[%dma_wait3A_112] : memref<2x!tpu.dma_semaphore, #tpu.memory_space<semaphore_mem>> -> memref<1x!tpu.dma_semaphore, #tpu.memory_space<semaphore_mem>>
    %dma_wait3A_120 = tpu.memref_squeeze %dma_wait3A_119 : memref<1x!tpu.dma_semaphore, #tpu.memory_space<semaphore_mem>> -> memref<!tpu.dma_semaphore, #tpu.memory_space<semaphore_mem>>
    %dma_wait3A_121 = arith.constant 0 : i32
    %dma_wait3A_122 = tpu.memref_slice %arg5[%mul3A_2, %dma_wait3A_121] : memref<131072x256xf32, #tpu.memory_space<hbm>> -> memref<64x256xf32, #tpu.memory_space<hbm>>
    %dma_wait3A_123 = arith.constant 0 : i32
    %dma_wait3A_124 = arith.constant 0 : i32
    %dma_wait3A_125 = tpu.memref_slice %arg8[%dma_wait3A_111, %dma_wait3A_123, %dma_wait3A_124] : memref<2x64x256xf32, #tpu.memory_space<vmem>> -> memref<1x64x256xf32, #tpu.memory_space<vmem>>
    %dma_wait3A_126 = tpu.memref_squeeze %dma_wait3A_125 : memref<1x64x256xf32, #tpu.memory_space<vmem>> -> memref<64x256xf32, #tpu.memory_space<vmem>>
    tpu.wait_dma2 semaphore(%dma_wait3A_120 : memref<!tpu.dma_semaphore, #tpu.memory_space<semaphore_mem>>) src(%dma_wait3A_126 : memref<64x256xf32, #tpu.memory_space<vmem>>) dst(%dma_wait3A_122 : memref<64x256xf32, #tpu.memory_space<hbm>>)
    return
  }
}

</mosaic_0001>

<sc_bundles>
// kernel: kernel.3.cloned.1.call-start
scs
__scs_entry_jumppad:
0x0: {  	(pc) =	sbr.rel $0x88, $3  }
0x1: {  	(tag) =	ssettag $0x0;
	lr =	simm.s32 $0x1  }
0x2: {  	[smem:$0x3F9F] =	sst lr;
	_ =	strace $0xD0000000  }
0x3: {  	_ = 	snop  }
0x4: {  	_ = 	snop  }
0x5: {  	_ = 	snop  }
0x6: {  	_ = 	snop  }
0x7: {  	_ = 	snop  }
__scs_overlays_trampoline_lowered:
0x8: {  	[smem:$0x3FAE] =	sst s0  }
0x9: {  	[smem:$0x3FAF] =	sst s1  }
0xa: {  	[smem:$0x3FB0] =	sst s2  }
0xb: {  	[smem:$0x3FB1] =	sst s3  }
0xc: {  	[smem:$0x3FB2] =	sst s4  }
0xd: {  	[smem:$0x3FB3] =	sst s5  }
0xe: {  	[smem:$0x3FB4] =	sst s6  }
0xf: {  	[smem:$0x3FB5] =	sst s7  }
0x10: {  	[smem:$0x3FB6] =	sst s8  }
0x11: {  	[smem:$0x3FB7] =	sst s9;
	s0 =	simm.s32 @!p0 $0x0  }
0x12: {  	s1 =	sld [smem:$0x3F9D];
	s0 =	simm.s32 @p0 $0x1  }
0x13: {  	[smem:$0x3FB8] =	sst s0;
	s0 =	simm.s32 @!p1 $0x0  }
0x14: {  	s2 =	sld [smem:$0x3F9C];
	s0 =	simm.s32 @p1 $0x1  }
0x15: {  	[smem:$0x3FB9] =	sst s0;
	s0 =	simm.s32 @!p2 $0x0  }
0x16: {  	s3 =	sld [smem:$0x3FDB];
	s0 =	simm.s32 @p2 $0x1  }
0x17: {  	s4 =	simm.s32 $0x1BF5;
	[smem:$0x3FBB] =	sst s0  }
0x18: {  	s0 =	sld [smem:$0x3F9E];
	_ =	swait.ge [sflag:s4], $0x0  }
0x19: {  	s7 =	sld [smem:$0x3F9F]  }
0x1a: {  	s8 =	sadd.s32 $0xFFFFE003, lr  }
0x1b: {  	s9 =	sadd.s32 $0xFFFFFEF7, lr;
	s5 =	simm.s32 $0xFFFFFFFF;
	p2 =	slt.u32 s8, $0xFFFFF086  }
0x1c: {  	p1 =	slt.u32 s9, $0xF7A;
	s5 =	simm.s32 @!p2 $0x0  }
0x1d: {  	s5 =	simm.s32 @p1 $0x1;
	p0 =	seq.s32 s7, s2  }
0x1e: {  	s7 =	smul.u32 @!p0 $0xF7A, s2;
	p2 =	seq.s32 @!p0 s5, $0x0  }
0x1f: {  	s9 =	smul.u32 $0xF7A, s1;
	s8 =	simm.s32 @!p0 $0x1BF5;
	p2 =	por !p2, p0  }
0x20: {  	[sflag:s8] =	ssyncset.s32 @!p0 $0xFFFFF086;
	s6 =	sadd.s32 @!p0 s3, s7;
	s7 =	simm.s32 @!p0 $0x108  }
0x21: {  	s3 =	sadd.s32 s3, s9;
	s6 =	sadd.s32 @!p0 $0x88, s6;
	s7 =	simm.s32 @p2 $0x1082  }
0x22: {  	[simem:s7], [sflag:s8] =	dma.local @!p0 [hbm:s6], $0xF7A  }
0x23: {  	s9 =	sor.u32 $0xD0000000, s2;
	s6 =	simm.s32 $0x108;
	_ =	swait.ge @!p0 [sflag:s8], $0x0  }
0x24: {  	s3 =	sadd.s32 $0x88, s3;
	s6 =	simm.s32 @!p1 $0x1082;
	[sflag:s4] =	ssyncset.s32 $0xFFFFF086  }
0x25: {  	[simem:s6], [sflag:s4] =	dma.local [hbm:s3], $0xF7A  }
0x26: {  	[smem:$0x3F9F] =	sst s1;
	(tag) =	ssettag s2;
	_ =	strace s9  }
0x27: {  	s1 =	sld [smem:$0x3FAF]  }
0x28: {  	s2 =	sld [smem:$0x3FB0]  }
0x29: {  	s4 =	sld [smem:$0x3FB2]  }
0x2a: {  	p0 =	seq.s32 s5, $0x0;
	s5 =	sld [smem:$0x3FB3]  }
0x2b: {  	s6 =	sld [smem:$0x3FB4]  }
0x2c: {  	s7 =	sld [smem:$0x3FB5]  }
0x2d: {  	s3 =	simm.s32 $0x108;
	s8 =	sld [smem:$0x3FB6]  }
0x2e: {  	s3 =	simm.s32 @!p0 $0x1082;
	s9 =	sld [smem:$0x3FB7]  }
0x2f: {  	lr =	sadd.s32 s0, s3;
	s0 =	sld [smem:$0x3FAE]  }
0x30: {  	s3 =	sld [smem:$0x3FB1]  }
0x31: {  	[smem:$0x3FBA] =	sst s10  }
0x32: {  	s10 =	sld [smem:$0x3FB8];
	_ =	sdelay $0x3  }
0x33: {  	p0 =	seq.s32 s10, $0x1;
	s10 =	sld [smem:$0x3FBA];
	_ =	sdelay $0x3  }
0x34: {  	[smem:$0x3FBA] =	sst s10  }
0x35: {  	s10 =	sld [smem:$0x3FB9];
	_ =	sdelay $0x3  }
0x36: {  	p1 =	seq.s32 s10, $0x1;
	s10 =	sld [smem:$0x3FBA];
	_ =	sdelay $0x3  }
0x37: {  	[smem:$0x3FBA] =	sst s10  }
0x38: {  	s10 =	sld [smem:$0x3FBB]  }
0x39: {  	_ = 	snop;
	(pc) =	sbr.ind lr, $3  }
0x3a: {  	_ = 	snop  }
0x3b: {  	_ = 	snop  }
0x3c: {  	p2 =	seq.s32 s10, $0x1;
	s10 =	sld [smem:$0x3FBA]  }
0x3d: {  	_ =	shalt  }
0x3e: {  	_ =	shalt  }
0x3f: {  	_ =	shalt  }
0x40: {  	_ =	shalt  }
0x41: {  	_ =	shalt  }
0x42: {  	_ =	shalt  }
0x43: {  	_ =	shalt  }
0x44: {  	_ =	shalt  }
0x45: {  	_ =	shalt  }
0x46: {  	_ =	shalt  }
0x47: {  	_ =	shalt  }
0x48: {  	_ =	shalt  }
0x49: {  	_ =	shalt  }
0x4a: {  	_ =	shalt  }
0x4b: {  	_ =	shalt  }
0x4c: {  	_ =	shalt  }
0x4d: {  	_ =	shalt  }
0x4e: {  	_ =	shalt  }
0x4f: {  	_ =	shalt  }
0x50: {  	_ =	shalt  }
0x51: {  	_ =	shalt  }
0x52: {  	_ =	shalt  }
0x53: {  	_ =	shalt  }
0x54: {  	_ =	shalt  }
0x55: {  	_ =	shalt  }
0x56: {  	_ =	shalt  }
0x57: {  	_ =	shalt  }
0x58: {  	_ =	shalt  }
0x59: {  	_ =	shalt  }
0x5a: {  	_ =	shalt  }
0x5b: {  	_ =	shalt  }
0x5c: {  	_ =	shalt  }
0x5d: {  	_ =	shalt  }
0x5e: {  	_ =	shalt  }
0x5f: {  	_ =	shalt  }
0x60: {  	_ =	shalt  }
0x61: {  	_ =	shalt  }
0x62: {  	_ =	shalt  }
0x63: {  	_ =	shalt  }
0x64: {  	_ =	shalt  }
0x65: {  	_ =	shalt  }
0x66: {  	_ =	shalt  }
0x67: {  	_ =	shalt  }
0x68: {  	_ =	shalt  }
0x69: {  	_ =	shalt  }
0x6a: {  	_ =	shalt  }
0x6b: {  	_ =	shalt  }
0x6c: {  	_ =	shalt  }
0x6d: {  	_ =	shalt  }
0x6e: {  	_ =	shalt  }
0x6f: {  	_ =	shalt  }
0x70: {  	_ =	shalt  }
0x71: {  	_ =	shalt  }
0x72: {  	_ =	shalt  }
0x73: {  	_ =	shalt  }
0x74: {  	_ =	shalt  }
0x75: {  	_ =	shalt  }
0x76: {  	_ =	shalt  }
0x77: {  	_ =	shalt  }
0x78: {  	_ =	shalt  }
0x79: {  	_ =	shalt  }
0x7a: {  	_ =	shalt  }
0x7b: {  	_ =	shalt  }
0x7c: {  	_ =	shalt  }
0x7d: {  	_ =	shalt  }
0x7e: {  	_ =	shalt  }
0x7f: {  	_ =	shalt  }
0x80: {  	_ =	shalt  }
0x81: {  	_ =	shalt  }
0x82: {  	_ =	shalt  }
0x83: {  	_ =	shalt  }
0x84: {  	_ =	shalt  }
0x85: {  	_ =	shalt  }
0x86: {  	_ =	shalt  }
0x87: {  	_ =	shalt  }
.Lfunc_end0:
.L_simem_size_0:
called_computation_lowered:
.L_overlay_start_0:
0x88: {  	s2 =	sld [smem:$0x3FD9]  }
0x89: {  	s3 =	sld [smem:$0x3FFE];
	_ =	sdelay $0x1  }
0x8a: {  	s1 =	srdreg.scid  }
0x8b: {  	s0 =	sand.u32 $0x1, s1  }
0x8c: {  	s17 =	sshll.u32 s0, $0xA;
	s2 =	sadd.s32 s3, s2  }
0x8d: {  	s2 =	sadd.s32 s2, s17  }
0x8e: {  	[smem:$0x3FC6] =	sst s2  }
0x8f: {  	_ = 	snop  }
0x90: {  	s2 =	sld [smem:$0x3FC9]  }
0x91: {  	s18 =	sld [smem:$0x3FC8]  }
0x92: {  	s4 =	sld [smem:$0x3FD0];
	(tm) =	ssettm $0x1  }
0x93: {  	s5 =	sld [smem:$0x3FFB];
	_ =	sdelay $0x3  }
0x94: {  	_ =	strace s5  }
0x95: {  	s5 =	sld [smem:$0x3FFC];
	_ =	sdelay $0x3  }
0x96: {  	_ =	strace s5  }
0x97: {  	s5 =	sld [smem:$0x3FFD];
	_ =	sdelay $0x3  }
0x98: {  	_ =	strace s5  }
0x99: {  	_ =	strace $0x8FFFFFFF  }
0x9a: {  	s19 =	sld [smem:$0x3FDB];
	_ =	sdelay $0x1  }
0x9b: {  	s6 =	simm.s32 $_scs_section_size  }
0x9c: {  	s7 =	simm.s32 $_size__tile_overlayer_lowered;
	s8 =	simm.s32 $_tile_overlayer_lowered  }
0x9d: {  	s22 =	simm.s32 $0x1BFF;
	s21 =	sshll.u32 s8, $0x1;
	s5 =	sadd.s32 s6, s19  }
0x9e: {  	s9 =	simm.s32 $0x0;
	s20 =	sshll.u32 s7, $0x1;
	s7 =	sadd.s32 s21, s5  }
0x9f: {  	[timem:s9], [sflag:s22] =	dma.local [hbm:s7], s20  }
0xa0: {  	_ =	swait.ge [sflag:s22], s20  }
0xa1: {  	s6 =	ssub.s32 $0x0, s20;
	[sflag:s22] =	ssyncset.done $0x0  }
0xa2: {  	[sflag:s22] =	ssyncadd.s32 s6;
	_ =	sdelay $0x1  }
0xa3: {  	s23 =	simm.s32 $0x1B8B  }
0xa4: {  	_ =	swait.ge [sflag:s23], $0x1  }
0xa5: {  	[sflag:s23] =	ssyncset.done $0x0  }
0xa6: {  	s25 =	simm.s32 $0x1B8E;
	s24 =	sld [smem:$0x3FFE];
	[sflag:s23] =	ssyncadd.s32 $0xFFFFFFFF  }
0xa7: {  	s26 =	simm.s32 $execute0_lowered;
	[smem:$0x3FD2] =	sst s25  }
0xa8: {  	s7 =	sshll.u32 s26, $0x1;
	_ =	strace $0x80000046;
	[dreg:$0x1] =	wrdreg $0xFFFFFFFF  }
0xa9: {  	s28 =	simm.s32 $_size_execute0_lowered;
	s5 =	sadd.s32 s5, s7;
	[dreg:$0x0] =	wrdreg $0x0  }
0xaa: {  	s7 =	sshll.u32 s28, $0x1;
	[dreg:$0x2] =	wrdreg s5  }
0xab: {  	[dreg:$0x3] =	wrdreg s7  }
0xac: {  	[dreg:$0x4] =	wrdreg $0xC0  }
0xad: {  	_ =	task [dreg:s9], $0x5FFFF  }
0xae: {  	[dreg:$0x1] =	wrdreg $0xFFFFFFFF  }
0xaf: {  	[dreg:$0x0] =	wrdreg $0x60  }
0xb0: {  	[dreg:$0x2] =	wrdreg s2  }
0xb1: {  	[dreg:$0x3] =	wrdreg s18  }
0xb2: {  	[dreg:$0x4] =	wrdreg s24  }
0xb3: {  	[dreg:$0x5] =	wrdreg s4  }
0xb4: {  	[dreg:$0x6] =	wrdreg $0x9  }
0xb5: {  	_ =	task.clear_ibuf [dreg:s9], $0x7FFFF;
	_ =	strace $0x90000046  }
0xb6: {  	s29 =	simm.s32 $0x9;
	_ =	strace $0x80000048  }
0xb7: {  	_ =	swait.ge [sflag:s29], $0x1  }
0xb8: {  	[sflag:s29] =	ssyncadd.s32 $0xFFFFFFFF  }
0xb9: {  	_ =	strace $0x90000048  }
0xba: {  	_ =	sfence  }
0xbb: {  	s30 =	sld [smem:$0x0];
	_ =	sdelay $0x2  }
0xbc: {  	s31 =	sshll.u32 s1, $0xD;
	s1 =	sshrl.u32 s1, $0x2  }
0xbd: {  	s3 =	sand.u32 $0x4000, s31;
	s1 =	sadd.s32 s1, s30  }
0xbe: {  	s0 =	sor.u32 s3, s0;
	s1 =	sshll.u32 s1, $0x11  }
0xbf: {  	s0 =	sor.u32 s1, s0  }
0xc0: {  	s0 =	sadd.s32 $0x8F2B, s0  }
0xc1: {  	[sflag:s0] =	ssyncadd.remote.s32 $0x1  }
0xc2: {  	_ =	sfence.sel $0xFFFF  }
0xc3: {  	[dreg:$0x0] =	wrdreg $0xFFFFFFFF;
	(pc) =	sbr.abs _section_cstart, $3  }
0xc4: {  	[dreg:$0x1] =	wrdreg $0xFFFFFFFF  }
0xc5: {  	_ =	task.clear_ibuf [dreg:s9], $0x2FFFF;
	_ =	strace $0x9FFFFFFF  }
0xc6: {  	(tm) =	ssettm $0x7FFFFFFF  }
0xc7: {  	_ =	shalt  }
tec
execute0_lowered:
.L_overlay_start_1:
0x0: {  	(tag) =	ssettag $0x1  }
0x1: {  	vm0 =	vcmask $0x300;
	v0 =	vimm.f32 $1.600000000e+01;
	s0 =	rddreg [dreg:$0x0]  }
0x2: {  	vm1 =	vcmask $0x704;
	s7 =	rddreg [dreg:$0x1];
	v0 =	vsel vm0, $0x3F800000, v0  }
0x3: {  	vm15 =	vcmask $0xB08;
	s2 =	rddreg [dreg:$0x2];
	v0 =	vsel vm1, $0x40000000, v0  }
0x4: {  	vm4 =	vcmask $0xF0C;
	s8 =	rddreg [dreg:$0x3];
	s3 =	srdreg.scid;
	v0 =	vsel vm15, $0x40400000, v0  }
0x5: {  	vm5 =	vcmask $0x1310;
	s5 =	simm.s32 $0x0;
	s1 =	stileid.u32;
	s16 =	simm.s32 $0x10000;
	v0 =	vsel vm4, $0x40800000, v0  }
0x6: {  	vm6 =	vcmask $0x1714;
	s18 =	simm.s32 $0x10080;
	s19 =	simm.s32 $0x4000;
	s28 =	simm.s32 $0x4;
	v0 =	vsel vm5, $0x40A00000, v0  }
0x7: {  	vm7 =	vcmask $0x1B18;
	s3 =	sand.u32 $0x1, s3;
	[smem:$0x7FF] =	sst s5;
	s4 =	sshll.u32 s1, $0xD;
	v0 =	vsel vm6, $0x40C00000, v0  }
0x8: {  	vm8 =	vcmask $0x1F1C;
	s21 =	sadd.s32 $0x400, s2;
	s1 =	smov.u32 s0;
	s14 =	smov.u32 s7;
	v0 =	vsel vm7, $0x40E00000, v0  }
0x9: {  	vm9 =	vcmask $0x2320;
	vm10 =	vcmask $0x2724;
	s6 =	sshll.u32 s3, $0xC;
	_ =	strace $0x80000047;
	s3 =	ssub.s32 $0x2, s3;
	v0 =	vsel vm8, $0x41000000, v0  }
0xa: {  	vm11 =	vcmask $0x2B28;
	vm12 =	vcmask $0x2F2C;
	[dreg:$0x5] =	wrdreg s21;
	s6 =	sor.u32 s6, s4;
	s22 =	sshrl.u32 s3, $0x1;
	v0 =	vsel vm9, $0x41100000, v0  }
0xb: {  	vm13 =	vcmask $0x3330;
	vm14 =	vcmask $0x3734;
	s4 =	sshll.u32 s6, $0x4;
	s2 =	ssub.s32 s3, s22;
	s26 =	sshll.u32 s6, $0x5;
	v1 =	vsel vm10, $0x41200000, v0  }
0xc: {  	v6 =	vimm.s32 $0x1;
	s13 =	sor.u32 $0x80, s6;
	s30 =	sor.u32 $0xC0, s6;
	s22 =	simm.s32 $0x1;
	v0 =	vimm.s32 $0x0;
	v2 =	vsel vm11, $0x41300000, v1  }
0xd: {  	vm15 =	vcmask $0x3B38;
	s3 =	simm.s32 $0x0;
	s23 =	sadd.s32 s0, s4;
	[dreg:$0xa] =	wrdreg s30;
	v1 =	vsel vm0, $0x1, v0;
	v3 =	vsel vm12, $0x41400000, v2  }
.Ltmp0:
0xe: {  	s25 =	sadd.s32 s7, s4;
	[dreg:$0x6] =	wrdreg s23;
	v2 =	vlaneseq.u32;
	v4 =	vsel vm13, $0x41500000, v3;
	v3 =	vimm.f32 $0.0e+00;
	(pc) =	sbr.rel .LBB2_1-.Ltmp0, $4  }
0xf: {  	s24 =	sor.u32 $0x400, s4;
	s31 =	smax.u32 s2, $0x1;
	[dreg:$0x7] =	wrdreg s25;
	v5 =	vadd.s32 $0x1, v2;
	v7 =	vadd.s32 $0x11, v2;
	v8 =	vadd.s32 $0x21, v2  }
0x10: {  	s12 =	sadd.s32 s8, s26;
	s0 =	sadd.s32 s0, s24;
	[dreg:$0xb] =	wrdreg s31;
	v14 =	vmul.u32 $0xFFFFFFFF, v2;
	v9 =	vadd.s32 $0x31, v2;
	v10 =	vadd.s32 $0x41, v2  }
0x11: {  	s26 =	simm.s32 $0x2;
	s29 =	sadd.s32 s7, s24;
	[dreg:$0x8] =	wrdreg s0;
	v11 =	vadd.s32 $0x51, v2;
	v12 =	vadd.s32 $0x61, v2;
	v4 =	vsel vm14, $0x41600000, v4  }
0x12: {  	s23 =	simm.s32 $0x3;
	s24 =	simm.s32 $0x10180;
	[dreg:$0x9] =	wrdreg s29;
	v13 =	vadd.s32 $0x71, v2;
	v4 =	vsel vm15, $0x41700000, v4;
	v14 =	vadd.s32 $0xF, v14  }
.LBB2_8:
0x13: {  	s0 =	simm.s32 $0x5  }
0x14: {  	_ =	swait.ge [sflag:s0], $0x4000  }
0x15: {  	[sflag:s0] =	ssyncset.done $0x0  }
0x16: {  	s2 =	simm.s32 $0x6;
	[sflag:s0] =	ssyncadd.s32 $0xFFFFC000  }
0x17: {  	_ =	swait.ge [sflag:s2], $0x4000  }
0x18: {  	s3 =	rddreg [dreg:$0xc]  }
0x19: {  	s31 =	rddreg [dreg:$0xb];
	s3 =	sadd.s32 $0x1, s3  }
0x1a: {  	p0 =	sne.s32 s3, s31  }
.Ltmp1:
0x1b: {  	_ = 	snop;
	(pc) =	sbr.rel @!p0 .LBB2_9-.Ltmp1, $3  }
0x1c: {  	_ =	sdelay $0x1  }
0x1d: {  	[sflag:s2] =	ssyncset.done $0x0  }
0x1e: {  	[sflag:s2] =	ssyncadd.s32 $0xFFFFC000  }
.LBB2_1:
0x1f: {  	[dreg:$0xc] =	wrdreg s3  }
0x20: {  	s0 =	rddreg [dreg:$0x5];
	s20 =	simm.s32 $0x7  }
0x21: {  	[tilespmem:s16], [sflag:$0x7] =	stream.linear.gather [hbm4b:s0+s5], $0x80, $0x38;
	[tilespmem:$0x10280] =	vst v63  }
0x22: {  	_ =	swait.ge [sflag:s20], $0x80  }
0x23: {  	[sflag:s20] =	ssyncset.done $0x0  }
0x24: {  	[sflag:s20] =	ssyncadd.s32 $0xFFFFFF80  }
0x25: {  	[tilespmem:v2+s18+$0x0] =	vst.idx.msk $0xffff, v3  }
0x26: {  	v15 =	vld [tilespmem:$0x10000]  }
0x27: {  	v16 =	vld [tilespmem:$0x10010]  }
0x28: {  	v17 =	vld [tilespmem:$0x10020]  }
0x29: {  	v18 =	vld [tilespmem:$0x10030]  }
0x2a: {  	v19 =	vld [tilespmem:$0x10040]  }
0x2b: {  	v20 =	vld [tilespmem:$0x10050]  }
0x2c: {  	s21 =	rddreg [dreg:$0x6];
	v21 =	vld [tilespmem:$0x10060]  }
0x2d: {  	v22 =	vld [tilespmem:$0x10070];
	[tilespmem:s5], [sflag:$0x1] =	stream.linear.gather [hbm4b:s21+s5], $0x2000, $0x38  }
0x2e: {  	s25 =	rddreg [dreg:$0x7]  }
0x2f: {  	[tilespmem:s19], [sflag:$0x3] =	stream.linear.gather [hbm4b:s25+s5], $0x2000, $0x38;
	[tilespmem:$0x10280] =	vst v63  }
0x30: {  	s2 =	simm.s32 $0x2000;
	s29 =	rddreg [dreg:$0x8]  }
0x31: {  	[tilespmem:s2], [sflag:$0x2] =	stream.linear.gather [hbm4b:s29+s5], $0x2000, $0x38;
	[tilespmem:$0x10280] =	vst v63  }
0x32: {  	s31 =	simm.s32 $0x6000;
	s4 =	simm.s32 $0x0;
	s30 =	rddreg [dreg:$0x9]  }
0x33: {  	[tilespmem:s31], [sflag:$0x4] =	stream.linear.gather [hbm4b:s30+s5], $0x2000, $0x38;
	[tilespmem:$0x10280] =	vst v63  }
.LBB2_2:
0x34: {  	_ =	swait.ge [sflag:s22], $0x2000  }
0x35: {  	[sflag:s22] =	ssyncset.done $0x0  }
0x36: {  	[sflag:s22] =	ssyncadd.s32 $0xFFFFE000  }
0x37: {  	_ =	swait.ge [sflag:s23], $0x2000  }
0x38: {  	p0 =	seq.s32 s4, $0x0;
	[sflag:s23] =	ssyncset.done $0x0  }
0x39: {  	s2 =	simm.s32 @!p0 $0x5;
	[sflag:s23] =	ssyncadd.s32 $0xFFFFE000  }
0x3a: {  	s7 =	sshll.u32 s4, $0x7;
	s8 =	simm.s32 $0x0;
	_ =	swait.ge @!p0 [sflag:s2], $0x4000  }
0x3b: {  	s9 =	simm.s32 $0x40;
	s10 =	simm.s32 $0x4040;
	[sflag:s2] =	ssyncset.done @!p0 $0x0  }
0x3c: {  	s11 =	simm.s32 $0x0;
	s15 =	simm.s32 $0x0;
	[sflag:s2] =	ssyncadd.s32 @!p0 $0xFFFFC000  }
.LBB2_3:
0x3d: {  	v23 =	vld [tilespmem:s9+$0xFFFFFFC0]  }
0x3e: {  	v24 =	vld [tilespmem:s9+$0xFFFFFFD0];
	_ =	sdelay $0x1  }
0x3f: {  	v25 =	vld [tilespmem:s9+$0xFFFFFFE0];
	_ =	sdelay $0x1  }
0x40: {  	v26 =	vld [tilespmem:s9+$0xFFFFFFF0];
	(xrf2) =	vadd.scan.msk.f32 $0xffff, v23  }
0x41: {  	(xrf2) =	vadd.scan.msk.f32 $0xffff, v24  }
0x42: {  	v23 =	vld [tilespmem:s9+$0x0]  }
0x43: {  	(xrf2) =	vadd.scan.msk.f32 $0xffff, v25  }
0x44: {  	v51 =	vld [tilespmem:s9+$0x10]  }
0x45: {  	(xrf2) =	vadd.scan.msk.f32 $0xffff, v26  }
0x46: {  	v52 =	vld [tilespmem:s9+$0x20]  }
0x47: {  	v53 =	vld [tilespmem:s9+$0x30];
	(xrf2) =	vadd.scan.msk.f32 $0xffff, v23;
	_ =	sdelay $0x1  }
0x48: {  	(xrf2) =	vadd.scan.msk.f32 $0xffff, v51  }
0x49: {  	v54, _, _ =	vpop (xrf2)  }
0x4a: {  	vm0 =	veq.s32 v2, $0xF;
	(xrf2) =	vadd.scan.msk.f32 $0xffff, v52;
	(v2sf) =	vpush v54, $0xF;
	v29, _, _ =	vpop (xrf2)  }
0x4b: {  	v23 =	vsel vm0, $0x0, v53;
	(v2sf) =	vpush v29, $0xF  }
0x4c: {  	(xrf2) =	vadd.scan.msk.f32 $0xffff, v23;
	v30, _, _ =	vpop (xrf2)  }
0x4d: {  	(v2sf) =	vpush v30, $0xF  }
0x4e: {  	v31, _, _ =	vpop (xrf2)  }
0x4f: {  	(v2sf) =	vpush v31, $0xF  }
0x50: {  	v28, _, _ =	vpop (xrf2)  }
0x51: {  	(v2sf) =	vpush v28, $0xF  }
0x52: {  	v27, _, _ =	vpop (xrf2)  }
0x53: {  	(v2sf) =	vpush v27, $0xF  }
0x54: {  	v25, _, _ =	vpop (xrf2)  }
0x55: {  	(v2sf) =	vpush v25, $0xF  }
0x56: {  	v23, _, _ =	vpop (xrf2)  }
0x57: {  	(v2sf) =	vpush v23, $0xF;
	_ =	sdelay $0x1  }
0x58: {  	s25 =	spop (v2sf)  }
0x59: {  	s21 =	spop (v2sf)  }
0x5a: {  	s2 =	sadd.f32 s21, s25  }
0x5b: {  	s20 =	spop (v2sf)  }
0x5c: {  	s2 =	sadd.f32 s20, s2  }
0x5d: {  	s3 =	spop (v2sf)  }
0x5e: {  	s17 =	sadd.f32 s3, s2  }
0x5f: {  	s2 =	spop (v2sf)  }
0x60: {  	s17 =	sadd.f32 s2, s17  }
0x61: {  	s31 =	spop (v2sf)  }
0x62: {  	s30 =	sadd.f32 s31, s17  }
0x63: {  	s17 =	spop (v2sf)  }
0x64: {  	s30 =	sadd.f32 s17, s30  }
0x65: {  	s29 =	spop (v2sf)  }
0x66: {  	s29 =	sadd.f32 s29, s30;
	_ =	sdelay $0x1  }
0x67: {  	s30 =	ssub.f32 $9.999999740e-06, s29;
	_ =	sdelay $0x1  }
0x68: {  	s30 =	smax.f32 s30, $0.0e+00  }
0x69: {  	s29 =	sadd.f32 s30, s29;
	_ =	sdelay $0x1  }
0x6a: {  	v55 =	vmov s29  }
0x6b: {  	(erf) = vrcp.f32 v55;
	_ =	sdelay $0x1  }
0x6c: {  	s30 =	smul.f32 $7.874015710e-03, s30;
	_ =	sdelay $0x1  }
0x6d: {  	v26 =	vmul.f32 s30, v4;
	s0 =	smul.f32 $0.0e+00, s30;
	_ =	sdelay $0x1  }
0x6e: {  	v32 =	vadd.f32 s0, v26;
	_ =	sdelay $0x1  }
0x6f: {  	v32 =	vadd.f32 v32, v54  }
0x70: {  	v24 =	vpop (erf)  }
0x71: {  	v32 =	vmul.f32 v32, v24;
	_ =	sdelay $0x1  }
0x72: {  	v32 =	vmin.f32 v32, $1.000000000e+00  }
0x73: {  	v33 =	vmul.f32 $1.270000000e+02, v32;
	_ =	sdelay $0x1  }
0x74: {  	[tilespmem:$0x10180] =	vst v1;
	v34 =	vtrunc.f32 v33  }
0x75: {  	[tilespmem:$0x10190] =	vst v0;
	v35 =	vcvt.f32.s32 v34;
	vm13 =	vgt.f32 v33, v34  }
0x76: {  	[tilespmem:$0x101A0] =	vst v0;
	v33 =	vsel vm13, $0x1, v0  }
0x77: {  	[tilespmem:$0x101B0] =	vst v0;
	v33 =	vadd.s32 v35, v33  }
0x78: {  	[tilespmem:$0x101C0] =	vst v0;
	s25 =	sadd.f32 $0.0e+00, s25;
	s0 =	smul.f32 $1.600000000e+01, s30;
	v56 =	vadd.s32 $0xFFFFFFFF, v33  }
0x79: {  	[tilespmem:$0x101D0] =	vst v0;
	vm14 =	vgt.s32 v56, $0x0  }
0x7a: {  	[tilespmem:$0x101E0] =	vst v0;
	s29 =	sadd.f32 s0, s25;
	v57 =	vnsel vm14, $0x0, v56  }
0x7b: {  	[tilespmem:$0x101F0] =	vst v0  }
0x7c: {  	[tilespmem:$0x10200] =	vst v0;
	v36 =	vadd.f32 s29, v26  }
0x7d: {  	[tilespmem:v5+s18+$0x0] =	vst.idx.msk $0xffff, v32  }
0x7e: {  	v29 =	vadd.f32 v36, v29;
	v33 =	vld.idx.msk [tilespmem:v33+s16+$0x0], $0xffff  }
0x7f: {  	v35 =	vld.idx.msk [tilespmem:v57+s16+$0x0], $0xffff  }
0x80: {  	v29 =	vmul.f32 v29, v24;
	_ =	sdelay $0x1  }
0x81: {  	v29 =	vmin.f32 v29, $1.000000000e+00  }
0x82: {  	v58 =	vmul.f32 $1.270000000e+02, v29  }
0x83: {  	vm1 =	vlt.f32 v33, v32;
	vm15 =	vlt.f32 v35, v32  }
0x84: {  	v60 =	vtrunc.f32 v58;
	v33 =	vsel vm1, $0x1, v0;
	v59 =	vsel vm15, $0x1, v0  }
0x85: {  	v61 =	vcvt.f32.s32 v60;
	vm4 =	vgt.f32 v58, v60;
	v32 =	vadd.s32 v59, v33  }
0x86: {  	v62 =	vsel vm4, $0x1, v0;
	v32 =	vadd.s32 v56, v32  }
0x87: {  	v33 =	vadd.s32 v61, v62;
	vm5 =	vgt.s32 v32, $0x0  }
0x88: {  	v34 =	vadd.s32 $0xFFFFFFFF, v33;
	v32 =	vnsel vm5, $0x0, v32  }
0x89: {  	s21 =	sadd.f32 s21, s25;
	s0 =	smul.f32 $3.200000000e+01, s30;
	vm6 =	vgt.s32 v34, $0x0  }
0x8a: {  	v63 =	vnsel vm6, $0x0, v34  }
0x8b: {  	s25 =	sadd.f32 s0, s21;
	_ =	sdelay $0x1  }
0x8c: {  	v36 =	vadd.f32 s25, v26;
	[tilespmem:v32+s24+$0x0] =	vst.idx.add.s32.msk $0xffff, v6  }
0x8d: {  	[tilespmem:v7+s18+$0x0] =	vst.idx.msk $0xffff, v29  }
0x8e: {  	v30 =	vadd.f32 v36, v30;
	v35 =	vld.idx.msk [tilespmem:v63+s16+$0x0], $0xffff  }
0x8f: {  	v37 =	vld.idx.msk [tilespmem:v33+s16+$0x0], $0xffff  }
0x90: {  	v30 =	vmul.f32 v30, v24;
	_ =	sdelay $0x1  }
0x91: {  	v30 =	vmin.f32 v30, $1.000000000e+00  }
0x92: {  	v38 =	vmul.f32 $1.270000000e+02, v30  }
0x93: {  	vm7 =	vlt.f32 v35, v29;
	vm8 =	vlt.f32 v37, v29  }
0x94: {  	v40 =	vtrunc.f32 v38;
	v39 =	vsel vm7, $0x1, v0;
	v32 =	vsel vm8, $0x1, v0  }
0x95: {  	v41 =	vcvt.f32.s32 v40;
	vm9 =	vgt.f32 v38, v40;
	v29 =	vadd.s32 v39, v32  }
0x96: {  	v33 =	vsel vm9, $0x1, v0;
	v29 =	vadd.s32 v34, v29  }
0x97: {  	v32 =	vadd.s32 v41, v33;
	vm10 =	vgt.s32 v29, $0x0  }
0x98: {  	v33 =	vadd.s32 $0xFFFFFFFF, v32;
	v29 =	vnsel vm10, $0x0, v29  }
0x99: {  	s20 =	sadd.f32 s20, s21;
	s29 =	smul.f32 $4.800000000e+01, s30;
	vm11 =	vgt.s32 v33, $0x0  }
0x9a: {  	v42 =	vnsel vm11, $0x0, v33  }
0x9b: {  	s21 =	sadd.f32 s29, s20;
	_ =	sdelay $0x1  }
0x9c: {  	v43 =	vadd.f32 s21, v26;
	[tilespmem:v29+s24+$0x0] =	vst.idx.add.s32.msk $0xffff, v6  }
0x9d: {  	[tilespmem:v8+s18+$0x0] =	vst.idx.msk $0xffff, v30  }
0x9e: {  	v29 =	vadd.f32 v43, v31;
	v34 =	vld.idx.msk [tilespmem:v42+s16+$0x0], $0xffff  }
0x9f: {  	v44 =	vld.idx.msk [tilespmem:v32+s16+$0x0], $0xffff  }
0xa0: {  	v29 =	vmul.f32 v29, v24;
	_ =	sdelay $0x1  }
0xa1: {  	v29 =	vmin.f32 v29, $1.000000000e+00  }
0xa2: {  	v45 =	vmul.f32 $1.270000000e+02, v29  }
0xa3: {  	vm12 =	vlt.f32 v34, v30;
	vm13 =	vlt.f32 v44, v30  }
0xa4: {  	v47 =	vtrunc.f32 v45;
	v46 =	vsel vm12, $0x1, v0;
	v31 =	vsel vm13, $0x1, v0  }
0xa5: {  	v48 =	vcvt.f32.s32 v47;
	vm14 =	vgt.f32 v45, v47;
	v30 =	vadd.s32 v46, v31  }
0xa6: {  	v32 =	vsel vm14, $0x1, v0;
	v30 =	vadd.s32 v33, v30  }
0xa7: {  	s3 =	sadd.f32 s3, s20;
	s0 =	smul.f32 $6.400000000e+01, s30;
	v31 =	vadd.s32 v48, v32;
	vm15 =	vgt.s32 v30, $0x0  }
0xa8: {  	v32 =	vadd.s32 $0xFFFFFFFF, v31;
	v30 =	vnsel vm15, $0x0, v30  }
0xa9: {  	s20 =	sadd.f32 s0, s3;
	vm4 =	vgt.s32 v32, $0x0  }
0xaa: {  	v49 =	vnsel vm4, $0x0, v32  }
0xab: {  	v50 =	vadd.f32 s20, v26;
	_ =	sdelay $0x1  }
0xac: {  	v28 =	vadd.f32 v50, v28;
	[tilespmem:v30+s24+$0x0] =	vst.idx.add.s32.msk $0xffff, v6  }
0xad: {  	[tilespmem:v9+s18+$0x0] =	vst.idx.msk $0xffff, v29  }
0xae: {  	v28 =	vmul.f32 v28, v24;
	v33 =	vld.idx.msk [tilespmem:v49+s16+$0x0], $0xffff  }
0xaf: {  	v51 =	vld.idx.msk [tilespmem:v31+s16+$0x0], $0xffff  }
0xb0: {  	v28 =	vmin.f32 v28, $1.000000000e+00  }
0xb1: {  	v52 =	vmul.f32 $1.270000000e+02, v28;
	_ =	sdelay $0x1  }
0xb2: {  	v53 =	vtrunc.f32 v52;
	vm5 =	vlt.f32 v33, v29  }
0xb3: {  	v54 =	vcvt.f32.s32 v53;
	vm6 =	vlt.f32 v51, v29;
	v33 =	vsel vm5, $0x1, v0  }
0xb4: {  	vm7 =	vgt.f32 v52, v53;
	v30 =	vsel vm6, $0x1, v0;
	v32 =	vadd.s32 v33, v32  }
0xb5: {  	v56 =	vsel vm7, $0x1, v0;
	v55 =	vadd.s32 v30, v32  }
0xb6: {  	s2 =	sadd.f32 s2, s3;
	s20 =	smul.f32 $8.000000000e+01, s30;
	v30 =	vadd.s32 v54, v56;
	vm8 =	vgt.s32 v55, $0x0  }
0xb7: {  	v57 =	vadd.s32 $0xFFFFFFFF, v30;
	v29 =	vnsel vm8, $0x0, v55  }
0xb8: {  	s3 =	sadd.f32 s20, s2;
	vm9 =	vgt.s32 v57, $0x0  }
0xb9: {  	v58 =	vnsel vm9, $0x0, v57  }
0xba: {  	v59 =	vadd.f32 s3, v26;
	_ =	sdelay $0x1  }
0xbb: {  	v27 =	vadd.f32 v59, v27;
	[tilespmem:v29+s24+$0x0] =	vst.idx.add.s32.msk $0xffff, v6  }
0xbc: {  	[tilespmem:v10+s18+$0x0] =	vst.idx.msk $0xffff, v28  }
0xbd: {  	v27 =	vmul.f32 v27, v24;
	v32 =	vld.idx.msk [tilespmem:v58+s16+$0x0], $0xffff  }
0xbe: {  	v60 =	vld.idx.msk [tilespmem:v30+s16+$0x0], $0xffff  }
0xbf: {  	v27 =	vmin.f32 v27, $1.000000000e+00  }
0xc0: {  	v61 =	vmul.f32 $1.270000000e+02, v27;
	_ =	sdelay $0x1  }
0xc1: {  	v62 =	vtrunc.f32 v61;
	vm10 =	vlt.f32 v32, v28  }
0xc2: {  	v63 =	vcvt.f32.s32 v62;
	vm11 =	vlt.f32 v60, v28;
	v32 =	vsel vm10, $0x1, v0  }
0xc3: {  	vm12 =	vgt.f32 v61, v62;
	v29 =	vsel vm11, $0x1, v0;
	v31 =	vadd.s32 v32, v57  }
0xc4: {  	v35 =	vsel vm12, $0x1, v0;
	v34 =	vadd.s32 v29, v31  }
0xc5: {  	s21 =	smul.f32 $9.600000000e+01, s30;
	s2 =	sadd.f32 s31, s2;
	v29 =	vadd.s32 v63, v35;
	vm13 =	vgt.s32 v34, $0x0  }
0xc6: {  	v36 =	vadd.s32 $0xFFFFFFFF, v29;
	v28 =	vnsel vm13, $0x0, v34  }
0xc7: {  	s3 =	sadd.f32 s21, s2;
	vm14 =	vgt.s32 v36, $0x0  }
0xc8: {  	v37 =	vnsel vm14, $0x0, v36  }
0xc9: {  	v38 =	vadd.f32 s3, v26;
	_ =	sdelay $0x1  }
0xca: {  	v25 =	vadd.f32 v38, v25;
	[tilespmem:v28+s24+$0x0] =	vst.idx.add.s32.msk $0xffff, v6  }
0xcb: {  	[tilespmem:v11+s18+$0x0] =	vst.idx.msk $0xffff, v27  }
0xcc: {  	v25 =	vmul.f32 v25, v24;
	v31 =	vld.idx.msk [tilespmem:v37+s16+$0x0], $0xffff  }
0xcd: {  	v39 =	vld.idx.msk [tilespmem:v29+s16+$0x0], $0xffff  }
0xce: {  	v25 =	vmin.f32 v25, $1.000000000e+00  }
0xcf: {  	v40 =	vmul.f32 $1.270000000e+02, v25;
	_ =	sdelay $0x1  }
0xd0: {  	v41 =	vtrunc.f32 v40;
	vm15 =	vlt.f32 v31, v27  }
0xd1: {  	v42 =	vcvt.f32.s32 v41;
	vm4 =	vlt.f32 v39, v27;
	v31 =	vsel vm15, $0x1, v0  }
0xd2: {  	vm5 =	vgt.f32 v40, v41;
	v28 =	vsel vm4, $0x1, v0;
	v30 =	vadd.s32 v31, v36  }
0xd3: {  	v44 =	vsel vm5, $0x1, v0;
	v43 =	vadd.s32 v28, v30  }
0xd4: {  	s25 =	smul.f32 $1.120000000e+02, s30;
	s2 =	sadd.f32 s17, s2;
	v28 =	vadd.s32 v42, v44;
	vm6 =	vgt.s32 v43, $0x0  }
0xd5: {  	v45 =	vadd.s32 $0xFFFFFFFF, v28;
	v27 =	vnsel vm6, $0x0, v43  }
0xd6: {  	s2 =	sadd.f32 s25, s2;
	vm7 =	vgt.s32 v45, $0x0  }
0xd7: {  	v46 =	vnsel vm7, $0x0, v45  }
0xd8: {  	v26 =	vadd.f32 s2, v26;
	_ =	sdelay $0x1  }
0xd9: {  	v23 =	vadd.f32 v26, v23;
	[tilespmem:v27+s24+$0x0] =	vst.idx.add.s32.msk $0xffff, v6  }
0xda: {  	[tilespmem:v12+s18+$0x0] =	vst.idx.msk $0xffff, v25  }
0xdb: {  	v23 =	vmul.f32 v23, v24;
	v27 =	vld.idx.msk [tilespmem:v46+s16+$0x0], $0xffff  }
0xdc: {  	v47 =	vld.idx.msk [tilespmem:v28+s16+$0x0], $0xffff  }
0xdd: {  	v23 =	vmin.f32 v23, $1.000000000e+00  }
0xde: {  	v48 =	vmul.f32 $1.270000000e+02, v23;
	_ =	sdelay $0x1  }
0xdf: {  	v49 =	vtrunc.f32 v48;
	vm8 =	vlt.f32 v27, v25  }
0xe0: {  	v50 =	vcvt.f32.s32 v49;
	vm9 =	vlt.f32 v47, v25;
	v27 =	vsel vm8, $0x1, v0  }
0xe1: {  	vm10 =	vgt.f32 v48, v49;
	v26 =	vsel vm9, $0x1, v0;
	v27 =	vadd.s32 v27, v45  }
0xe2: {  	v25 =	vsel vm10, $0x1, v0;
	v51 =	vadd.s32 v26, v27  }
0xe3: {  	v25 =	vadd.s32 v50, v25;
	vm11 =	vgt.s32 v51, $0x0  }
0xe4: {  	v52 =	vadd.s32 $0xFFFFFFFF, v25;
	v24 =	vnsel vm11, $0x0, v51  }
0xe5: {  	vm12 =	vgt.s32 v52, $0x0  }
0xe6: {  	v53 =	vnsel vm12, $0x0, v52;
	_ =	sdelay $0x2  }
0xe7: {  	[tilespmem:v24+s24+$0x0] =	vst.idx.add.s32.msk $0xffff, v6  }
0xe8: {  	[tilespmem:v13+s18+$0x0] =	vst.idx.msk $0xffff, v23  }
0xe9: {  	v24 =	vld.idx.msk [tilespmem:v53+s16+$0x0], $0xffff  }
0xea: {  	v25 =	vld.idx.msk [tilespmem:v25+s16+$0x0], $0xffff;
	_ =	sdelay $0x3  }
0xeb: {  	vm13 =	vlt.f32 v24, v23  }
0xec: {  	vm14 =	vlt.f32 v25, v23;
	v24 =	vsel vm13, $0x1, v0  }
0xed: {  	v54 =	vsel vm14, $0x1, v0;
	v23 =	vadd.s32 v24, v52  }
0xee: {  	v23 =	vadd.s32 v54, v23  }
0xef: {  	vm15 =	vgt.s32 v23, $0x0  }
0xf0: {  	v23 =	vnsel vm15, $0x0, v23;
	_ =	sdelay $0x4  }
0xf1: {  	[tilespmem:v23+s24+$0x0] =	vst.idx.add.s32.msk $0x7fff, v6  }
0xf2: {  	v23 =	vld [tilespmem:$0x10180]  }
0xf3: {  	v55 =	vld [tilespmem:$0x10190];
	_ =	sdelay $0x3  }
0xf4: {  	(xrf0) =	vadd.scan.msk.s32 $0xffff, v23  }
0xf5: {  	(xrf0) =	vadd.scan.msk.s32 $0xffff, v55  }
0xf6: {  	v23 =	vld [tilespmem:$0x101A0];
	_ =	sdelay $0x3  }
0xf7: {  	v56, _, _ =	vpop (xrf0)  }
0xf8: {  	(v2sf) =	vpush v56, $0xF;
	v57, _, _ =	vpop (xrf0);
	(xrf0) =	vadd.scan.msk.s32 $0xffff, v23;
	v23 =	vld [tilespmem:$0x101B0]  }
0xf9: {  	v58 =	vadd.s32 $0xFFFFFFFF, v56;
	vm5 =	vlt.s32 v56, $0x7F;
	(v2sf) =	vpush v57, $0xF  }
0xfa: {  	v59 =	vld [tilespmem:$0x101C0];
	vm4 =	vgt.s32 v58, $0x0;
	v61 =	vnsel vm5, $0x7F, v56  }
0xfb: {  	v26 =	vnsel vm4, $0x0, v58;
	_ =	sdelay $0x1  }
0xfc: {  	v62 =	vld [tilespmem:$0x101D0];
	v24 =	vbroadcast v56, $0xF;
	(xrf0) =	vadd.scan.msk.s32 $0xffff, v23  }
0xfd: {  	v23 =	vld [tilespmem:$0x101E0];
	v60, _, _ =	vpop (xrf0)  }
0xfe: {  	v24 =	vadd.s32 v24, v57;
	v37 =	vand.u32 $0xFFFFFF80, v61;
	(xrf0) =	vadd.scan.msk.s32 $0xffff, v59;
	v43 =	vld.idx.msk [tilespmem:v61+s18+$0x0], $0xffff;
	(v2sf) =	vpush v60, $0xF  }
0xff: {  	s0 =	sshll.u32 s15, $0x7;
	v29 =	vand.u32 $0x7F, v61;
	v45 =	vadd.s32 $0xFFFFFFFF, v24;
	vm7 =	vlt.s32 v24, $0x7F;
	v63 =	vld.idx.msk [tilespmem:v26+s18+$0x0], $0xffff  }
0x100: {  	v53 =	vand.u32 $0x7FFFFF80, v26;
	v37 =	vadd.s32 s0, v37;
	v24 =	vnsel vm7, $0x7F, v24  }
0x101: {  	v36 =	vadd.s32 s0, v53;
	v29 =	vor.u32 v29, v37;
	v26 =	vand.u32 $0x7F, v26  }
0x102: {  	vm6 =	vgt.s32 v45, $0x0;
	v36 =	vor.u32 v26, v36;
	v44, _, _ =	vpop (xrf0)  }
0x103: {  	v47 =	vnsel vm6, $0x0, v45;
	(xrf0) =	vadd.scan.msk.s32 $0xffff, v62;
	(v2sf) =	vpush v44, $0xF  }
0x104: {  	v46, _, _ =	vpop (xrf0);
	(xrf0) =	vadd.scan.msk.s32 $0xffff, v23;
	v23 =	vsub.f32 v43, v63  }
0x105: {  	v52 =	vld.idx.msk [tilespmem:v24+s18+$0x0], $0xffff  }
0x106: {  	v29 =	vld.idx.msk [tilespmem:v29+s19+$0x0], $0xffff;
	vm8 =	vlt.f32 v23, $9.999999740e-06;
	s29 =	spop (v2sf);
	(v2sf) =	vpush v46, $0xF  }
0x107: {  	v36 =	vld.idx.msk [tilespmem:v36+s19+$0x0], $0xffff;
	v23 =	vsel vm8, $0x3F800000, v23;
	s30 =	spop (v2sf)  }
0x108: {  	(erf) = vrcp.f32 v23;
	v23 =	vld.idx.msk [tilespmem:v47+s18+$0x0], $0xffff;
	s2 =	sadd.s32 s29, s30  }
0x109: {  	v56 =	vand.u32 $0x7FFFFF80, v47;
	v31 =	vand.u32 $0x7F, v47;
	v28 =	vadd.s32 s2, v60  }
0x10a: {  	v27 =	vadd.s32 s0, v56;
	v49, _, _ =	vpop (xrf0);
	v48 =	vadd.s32 $0xFFFFFFFF, v28;
	vm10 =	vlt.s32 v28, $0x7F  }
0x10b: {  	(v2sf) =	vpush v49, $0xF;
	vm9 =	vgt.s32 v48, $0x0;
	v50 =	vnsel vm10, $0x7F, v28  }
0x10c: {  	v31 =	vor.u32 v31, v27;
	v55 =	vsub.f32 v15, v63;
	v32 =	vnsel vm9, $0x0, v48  }
0x10d: {  	v51, _, _ =	vpop (xrf0);
	v29 =	vsub.f32 v29, v36;
	v40 =	vsub.f32 v52, v23;
	v60 =	vand.u32 $0xFFFFFF80, v50;
	s31 =	spop (v2sf)  }
0x10e: {  	v34 =	vand.u32 $0x7F, v50;
	v23 =	vsub.f32 v16, v23;
	(v2sf) =	vpush v51, $0xF;
	s3 =	sadd.s32 s31, s2  }
0x10f: {  	v59 =	vand.u32 $0x7FFFFF80, v32;
	vm13 =	vlt.f32 v40, $9.999999740e-06;
	v38 =	vadd.s32 s3, v44  }
0x110: {  	v58 =	vsel vm13, $0x3F800000, v40;
	v40 =	vadd.s32 s0, v60;
	v39 =	vadd.s32 $0xFFFFFFFF, v38;
	v54 =	vld.idx.msk [tilespmem:v50+s18+$0x0], $0xffff  }
0x111: {  	vm12 =	vlt.s32 v38, $0x7F;
	v57 =	vpop (erf);
	(erf) = vrcp.f32 v58;
	v34 =	vor.u32 v34, v40;
	v25 =	vld.idx.msk [tilespmem:v32+s18+$0x0], $0xffff  }
0x112: {  	vm11 =	vgt.s32 v39, $0x0;
	v28 =	vnsel vm12, $0x7F, v38;
	v26 =	vmul.f32 v57, v55;
	s20 =	spop (v2sf)  }
0x113: {  	v32 =	vand.u32 $0x7F, v32;
	v38 =	vadd.s32 s0, v59;
	v39 =	vnsel vm11, $0x0, v39;
	s3 =	sadd.s32 s20, s3  }
0x114: {  	v32 =	vor.u32 v32, v38;
	v50 =	vand.u32 $0x7FFFFF80, v39;
	v30 =	vadd.s32 s3, v46  }
0x115: {  	v41 =	vld [tilespmem:$0x101F0];
	v26 =	vmul.f32 v26, v29;
	s21 =	spop (v2sf);
	v43 =	vadd.s32 $0xFFFFFFFF, v30;
	vm4 =	vlt.s32 v30, $0x7F  }
0x116: {  	v37 =	vsub.f32 v54, v25;
	s3 =	sadd.s32 s21, s3;
	vm15 =	vgt.s32 v43, $0x0;
	v30 =	vnsel vm4, $0x7F, v30  }
0x117: {  	v25 =	vsub.f32 v17, v25;
	v33 =	vadd.s32 s3, v49;
	v61 =	vnsel vm15, $0x0, v43  }
0x118: {  	v27 =	vld.idx.msk [tilespmem:v39+s18+$0x0], $0xffff;
	v39 =	vand.u32 $0x7F, v39;
	v54 =	vand.u32 $0xFFFFFF80, v30;
	vm14 =	vlt.f32 v37, $9.999999740e-06  }
0x119: {  	v62 =	vadd.s32 $0xFFFFFFFF, v33;
	vm6 =	vlt.s32 v33, $0x7F;
	v52 =	vand.u32 $0x7FFFFF80, v61  }
0x11a: {  	(xrf0) =	vadd.scan.msk.s32 $0xffff, v41;
	v42 =	vld.idx.msk [tilespmem:v28+s18+$0x0], $0xffff;
	s25 =	spop (v2sf);
	v41 =	vand.u32 $0x7F, v61;
	v37 =	vsel vm14, $0x3F800000, v37;
	vm5 =	vgt.s32 v62, $0x0  }
0x11b: {  	s3 =	sadd.s32 s25, s3;
	v33 =	vnsel vm6, $0x7F, v33;
	v63 =	vnsel vm5, $0x0, v62;
	(erf) = vrcp.f32 v37  }
0x11c: {  	v35 =	vadd.s32 s3, v51;
	v37 =	vadd.s32 s0, v50;
	v62 =	vand.u32 $0xFFFFFF80, v24  }
0x11d: {  	v24 =	vand.u32 $0x7F, v24;
	v51 =	vadd.s32 $0xFFFFFFFF, v35;
	vm9 =	vlt.s32 v35, $0x7F  }
0x11e: {  	v37 =	vor.u32 v39, v37;
	v39 =	vadd.s32 s0, v52;
	v56 =	vand.u32 $0x7FFFFF80, v63  }
0x11f: {  	v38 =	vand.u32 $0x7F, v63;
	v42 =	vsub.f32 v42, v27;
	vm8 =	vgt.s32 v51, $0x0  }
0x120: {  	v45 =	vld.idx.msk [tilespmem:v30+s18+$0x0], $0xffff;
	s29 =	spop (v2sf);
	v35 =	vnsel vm9, $0x7F, v35;
	v39 =	vor.u32 v41, v39;
	v41 =	vadd.s32 s0, v56  }
0x121: {  	v44, _, _ =	vpop (xrf0);
	v30 =	vand.u32 $0x7F, v30;
	v40 =	vld.idx.msk [tilespmem:v61+s18+$0x0], $0xffff;
	s3 =	sadd.s32 s29, s3;
	v43 =	vnsel vm8, $0x0, v51;
	v38 =	vor.u32 v38, v41  }
0x122: {  	v59 =	vand.u32 $0xFFFFFF80, v35;
	vm7 =	vlt.f32 v42, $9.999999740e-06;
	v44 =	vadd.s32 s3, v44  }
0x123: {  	v47 =	vld.idx.msk [tilespmem:v33+s18+$0x0], $0xffff;
	v58 =	vand.u32 $0x7FFFFF80, v43;
	v48 =	vadd.s32 $0xFFFFFFFF, v44;
	vm11 =	vlt.s32 v44, $0x7F  }
0x124: {  	v42 =	vsel vm7, $0x3F800000, v42;
	v46 =	vld.idx.msk [tilespmem:v63+s18+$0x0], $0xffff;
	vm10 =	vgt.s32 v48, $0x0;
	v44 =	vnsel vm11, $0x7F, v44  }
0x125: {  	v41 =	vadd.s32 s0, v58;
	(erf) = vrcp.f32 v42;
	v53 =	vnsel vm10, $0x0, v48;
	v50 =	vld.idx.msk [tilespmem:v35+s18+$0x0], $0xffff  }
0x126: {  	v45 =	vsub.f32 v45, v40;
	v48 =	vadd.s32 s0, v54;
	v35 =	vand.u32 $0x7F, v35;
	v49 =	vld.idx.msk [tilespmem:v43+s18+$0x0], $0xffff  }
0x127: {  	v52 =	vand.u32 $0xFFFFFF80, v44;
	v54 =	vand.u32 $0xFFFFFF80, v28;
	v28 =	vand.u32 $0x7F, v28  }
0x128: {  	v30 =	vor.u32 v30, v48;
	v43 =	vand.u32 $0x7F, v43;
	v61 =	vand.u32 $0x7FFFFF80, v53  }
0x129: {  	v42 =	vand.u32 $0x7F, v53;
	vm12 =	vlt.f32 v45, $9.999999740e-06;
	v47 =	vsub.f32 v47, v46;
	v57 =	vld.idx.msk [tilespmem:v44+s18+$0x0], $0xffff  }
0x12a: {  	v41 =	vor.u32 v43, v41;
	v43 =	vadd.s32 s0, v62;
	v55 =	vsel vm12, $0x3F800000, v45;
	v45 =	vld.idx.msk [tilespmem:v53+s18+$0x0], $0xffff  }
0x12b: {  	v31 =	vld.idx.msk [tilespmem:v31+s19+$0x0], $0xffff;
	v24 =	vor.u32 v24, v43;
	vm13 =	vlt.f32 v47, $9.999999740e-06;
	v50 =	vsub.f32 v50, v49  }
0x12c: {  	v34 =	vld.idx.msk [tilespmem:v34+s19+$0x0], $0xffff;
	(erf) = vrcp.f32 v55;
	v44 =	vand.u32 $0x7F, v44;
	v47 =	vsel vm13, $0x3F800000, v47  }
0x12d: {  	v32 =	vld.idx.msk [tilespmem:v32+s19+$0x0], $0xffff;
	(erf) = vrcp.f32 v47;
	v47 =	vadd.s32 s0, v59;
	vm14 =	vlt.f32 v50, $9.999999740e-06  }
0x12e: {  	v37 =	vld.idx.msk [tilespmem:v37+s19+$0x0], $0xffff;
	v35 =	vor.u32 v35, v47;
	v47 =	vadd.s32 s0, v61;
	v60 =	vsel vm14, $0x3F800000, v50  }
0x12f: {  	v39 =	vld.idx.msk [tilespmem:v39+s19+$0x0], $0xffff;
	v55 =	vpop (erf);
	v42 =	vor.u32 v42, v47;
	v47 =	vadd.s32 s0, v54;
	v48 =	vsub.f32 v57, v45  }
0x130: {  	v53 =	vand.u32 $0xFFFFFF80, v33;
	v56 =	vpop (erf);
	v24 =	vld.idx.msk [tilespmem:v24+s19+$0x0], $0xffff;
	(erf) = vrcp.f32 v60;
	v28 =	vor.u32 v28, v47  }
0x131: {  	v38 =	vld.idx.msk [tilespmem:v38+s19+$0x0], $0xffff;
	v33 =	vand.u32 $0x7F, v33;
	v25 =	vmul.f32 v56, v25;
	vm15 =	vlt.f32 v48, $9.999999740e-06  }
0x132: {  	v30 =	vld.idx.msk [tilespmem:v30+s19+$0x0], $0xffff;
	v57 =	vsub.f32 v34, v32;
	v63 =	vsel vm15, $0x3F800000, v48;
	v48 =	vadd.s32 s0, v52  }
0x133: {  	v41 =	vld.idx.msk [tilespmem:v41+s19+$0x0], $0xffff;
	v44 =	vor.u32 v44, v48;
	(erf) = vrcp.f32 v63;
	v48 =	vadd.s32 s0, v53  }
0x134: {  	v26 =	vadd.f32 v26, v36;
	v23 =	vmul.f32 v55, v23;
	v35 =	vld.idx.msk [tilespmem:v35+s19+$0x0], $0xffff;
	v33 =	vor.u32 v33, v48  }
0x135: {  	v59 =	vpop (erf);
	v25 =	vmul.f32 v25, v57;
	v24 =	vsub.f32 v24, v31;
	v28 =	vld.idx.msk [tilespmem:v28+s19+$0x0], $0xffff;
	v48 =	vsub.f32 v19, v40  }
0x136: {  	v26 =	vperm.xlane v26, v14;
	v27 =	vsub.f32 v18, v27;
	v49 =	vsub.f32 v21, v49;
	v61 =	vpop (erf);
	v58 =	vld.idx.msk [tilespmem:v42+s19+$0x0], $0xffff  }
0x137: {  	v25 =	vadd.f32 v25, v32;
	v23 =	vmul.f32 v23, v24;
	v36 =	vmul.f32 v61, v48;
	v61 =	vld [tilespmem:s10+$0x10]  }
0x138: {  	v27 =	vmul.f32 v59, v27;
	v30 =	vsub.f32 v30, v39;
	v52 =	vsub.f32 v20, v46;
	v63 =	vpop (erf);
	v60 =	vld.idx.msk [tilespmem:v44+s19+$0x0], $0xffff  }
0x139: {  	v25 =	vperm.xlane v25, v14;
	v23 =	vadd.f32 v23, v31;
	v35 =	vsub.f32 v35, v41;
	v50 =	vpop (erf);
	v62 =	vld.idx.msk [tilespmem:v33+s19+$0x0], $0xffff  }
0x13a: {  	v40 =	vmul.f32 v50, v49;
	v33 =	vmul.f32 v63, v52;
	v28 =	vsub.f32 v28, v37;
	v63 =	vld [tilespmem:s10+$0x30]  }
0x13b: {  	v51 =	vsub.f32 v22, v45;
	v30 =	vmul.f32 v36, v30;
	v23 =	vperm.xlane v23, v14  }
0x13c: {  	v35 =	vmul.f32 v40, v35;
	v27 =	vmul.f32 v27, v28;
	v53 =	vpop (erf)  }
0x13d: {  	v55 =	vld [tilespmem:s10+$0xFFFFFFD0];
	v47 =	vmin.f32 v61, v25;
	v32 =	vmul.f32 v53, v51;
	v43 =	vsub.f32 v60, v58  }
0x13e: {  	v25 =	vmax.f32 v61, v25;
	v56 =	vadd.f32 v35, v41;
	v60 =	vld [tilespmem:s10+$0x0];
	v29 =	vsub.f32 v62, v38  }
0x13f: {  	v27 =	vadd.f32 v27, v37;
	v49 =	vmin.f32 v63, v26;
	v32 =	vmul.f32 v32, v43  }
0x140: {  	v62 =	vld [tilespmem:s10+$0x20];
	v26 =	vmax.f32 v63, v26;
	v28 =	vperm.xlane v56, v14;
	v29 =	vmul.f32 v33, v29  }
0x141: {  	v54 =	vld [tilespmem:s10+$0xFFFFFFC0];
	v27 =	vperm.xlane v27, v14;
	v32 =	vadd.f32 v32, v58;
	v58 =	vadd.f32 v30, v39  }
0x142: {  	v59 =	vld [tilespmem:s10+$0xFFFFFFF0];
	v43 =	vmin.f32 v55, v28;
	v28 =	vmax.f32 v55, v28;
	v29 =	vadd.f32 v29, v38  }
0x143: {  	v57 =	vld [tilespmem:s10+$0xFFFFFFE0];
	v46 =	vmin.f32 v60, v27;
	v27 =	vmax.f32 v60, v27;
	v51 =	vmin.f32 v43, v47  }
0x144: {  	v35 =	vmax.f32 v43, v47;
	v55 =	vmin.f32 v28, v25;
	v32 =	vperm.xlane v32, v14  }
0x145: {  	v25 =	vmax.f32 v28, v25;
	v24 =	vperm.xlane v58, v14;
	v48 =	vmin.f32 v62, v23  }
0x146: {  	v23 =	vmax.f32 v62, v23;
	v29 =	vperm.xlane v29, v14;
	v42 =	vmin.f32 v54, v32  }
0x147: {  	v32 =	vmax.f32 v54, v32;
	v45 =	vmin.f32 v59, v24;
	v24 =	vmax.f32 v59, v24  }
0x148: {  	v44 =	vmin.f32 v57, v29;
	v29 =	vmax.f32 v57, v29;
	v50 =	vmin.f32 v42, v46  }
0x149: {  	v30 =	vmax.f32 v42, v46;
	v53 =	vmin.f32 v45, v49;
	v34 =	vmax.f32 v45, v49  }
0x14a: {  	v54 =	vmin.f32 v32, v27;
	v27 =	vmax.f32 v32, v27;
	v57 =	vmin.f32 v24, v26  }
0x14b: {  	v24 =	vmax.f32 v24, v26;
	v52 =	vmin.f32 v44, v48;
	v31 =	vmax.f32 v44, v48  }
0x14c: {  	v56 =	vmin.f32 v29, v23;
	v59 =	vmin.f32 v51, v53;
	v58 =	vmin.f32 v50, v52  }
0x14d: {  	v23 =	vmax.f32 v29, v23;
	v33 =	vmax.f32 v51, v53;
	v61 =	vmin.f32 v58, v59  }
0x14e: {  	v60 =	vmax.f32 v50, v52;
	v62 =	vmax.f32 v58, v59;
	(xrf1) =	vsort.ascd.msk.f32 $0xffff, v61, v61  }
0x14f: {  	v41 =	vmin.f32 v35, v34;
	v39 =	vmin.f32 v60, v33;
	(xrf1) =	vsort.ascd.msk.f32 $0xffff, v62, v62  }
0x150: {  	v63 =	vmin.f32 v30, v31;
	v26 =	vmax.f32 v60, v33;
	(xrf1) =	vsort.ascd.msk.f32 $0xffff, v39, v39  }
0x151: {  	v43 =	vmax.f32 v35, v34;
	v42 =	vmin.f32 v63, v41;
	(xrf1) =	vsort.ascd.msk.f32 $0xffff, v26, v26  }
0x152: {  	v30 =	vmax.f32 v30, v31;
	v44 =	vmax.f32 v63, v41;
	(xrf1) =	vsort.ascd.msk.f32 $0xffff, v42, v42  }
0x153: {  	v46 =	vmin.f32 v55, v57;
	v34 =	vmin.f32 v30, v43;
	(xrf1) =	vsort.ascd.msk.f32 $0xffff, v44, v44  }
0x154: {  	v45 =	vmin.f32 v54, v56;
	v26 =	vmax.f32 v30, v43;
	(xrf1) =	vsort.ascd.msk.f32 $0xffff, v34, v34  }
0x155: {  	v48 =	vmax.f32 v55, v57;
	v47 =	vmin.f32 v45, v46;
	(xrf1) =	vsort.ascd.msk.f32 $0xffff, v26, v26  }
0x156: {  	v28 =	vmax.f32 v54, v56;
	v49 =	vmax.f32 v45, v46;
	(xrf1) =	vsort.ascd.msk.f32 $0xffff, v47, v47  }
0x157: {  	v50 =	vmin.f32 v27, v23;
	v51 =	vmin.f32 v28, v48;
	(xrf1) =	vsort.ascd.msk.f32 $0xffff, v49, v49  }
0x158: {  	v52 =	vmin.f32 v25, v24;
	v26 =	vmax.f32 v28, v48;
	(xrf1) =	vsort.ascd.msk.f32 $0xffff, v51, v51  }
0x159: {  	v23 =	vmax.f32 v27, v23;
	v53 =	vmin.f32 v50, v52;
	(xrf1) =	vsort.ascd.msk.f32 $0xffff, v26, v26  }
0x15a: {  	v24 =	vmax.f32 v25, v24;
	v54 =	vmax.f32 v50, v52;
	(xrf1) =	vsort.ascd.msk.f32 $0xffff, v53, v53  }
0x15b: {  	s30 =	sand.u32 $0x3800, s11;
	s31 =	sand.u32 $0x380, s8;
	v55 =	vmin.f32 v23, v24;
	v23 =	vmax.f32 v23, v24;
	(xrf1) =	vsort.ascd.msk.f32 $0xffff, v54, v54  }
0x15c: {  	s2 =	sor.u32 s31, s30;
	v56, _, _ =	vpop (xrf1);
	(xrf1) =	vsort.ascd.msk.f32 $0xffff, v55, v55  }
0x15d: {  	[tilespmem:s2+$0x8000] =	vst v56;
	v57, _, _ =	vpop (xrf1);
	(xrf1) =	vsort.ascd.msk.f32 $0xffff, v23, v23  }
0x15e: {  	v23, _, _ =	vpop (xrf1);
	[tilespmem:s2+$0x8010] =	vst v57  }
0x15f: {  	v58, _, _ =	vpop (xrf1);
	[tilespmem:s2+$0x8020] =	vst v23  }
0x160: {  	v23, _, _ =	vpop (xrf1);
	[tilespmem:s2+$0x8030] =	vst v58  }
0x161: {  	v59, _, _ =	vpop (xrf1);
	[tilespmem:s2+$0x8040] =	vst v23  }
0x162: {  	v23, _, _ =	vpop (xrf1);
	[tilespmem:s2+$0x8050] =	vst v59  }
0x163: {  	v60, _, _ =	vpop (xrf1);
	[tilespmem:s2+$0x8060] =	vst v23  }
0x164: {  	v23, _, _ =	vpop (xrf1);
	[tilespmem:s2+$0x8070] =	vst v60  }
0x165: {  	v61, _, _ =	vpop (xrf1);
	[tilespmem:s2+$0x8400] =	vst v23  }
0x166: {  	v23, _, _ =	vpop (xrf1);
	[tilespmem:s2+$0x8410] =	vst v61  }
0x167: {  	p1 =	sne.s32 s15, $0x3F;
	v62, _, _ =	vpop (xrf1);
	[tilespmem:s2+$0x8420] =	vst v23  }
.Ltmp2:
0x168: {  	v23, _, _ =	vpop (xrf1);
	[tilespmem:s2+$0x8430] =	vst v62;
	(pc) =	sbr.rel @p1 .LBB2_3-.Ltmp2, $4  }
0x169: {  	v63, _, _ =	vpop (xrf1);
	[tilespmem:s2+$0x8440] =	vst v23  }
0x16a: {  	v23, _, _ =	vpop (xrf1);
	[tilespmem:s2+$0x8450] =	vst v63  }
0x16b: {  	s9 =	sadd.s32 $0x80, s9;
	s15 =	sadd.s32 $0x1, s15;
	[tilespmem:s2+$0x8460] =	vst v23;
	v23, _, _ =	vpop (xrf1)  }
0x16c: {  	s11 =	sadd.s32 $0x100, s11;
	s8 =	sadd.s32 $0x80, s8;
	s10 =	sadd.s32 $0x80, s10;
	[tilespmem:s2+$0x8470] =	vst v23  }
0x16d: {  	s2 =	sshll.u32 s4, $0xC  }
0x16e: {  	s0 =	simm.s32 $0x8000;
	p1 =	seq.s32 s4, $0x1F;
	s2 =	sadd.s32 s2, s12  }
0x16f: {  	[hbm4b:s2+s5] =	stream.linear.scatter [tilespmem:s0], [sflag:$0x5], $0x4000, $0x38;
	[tilespmem:$0x10280] =	vst v63  }
0x170: {  	s2 =	sadd.s32 @!p1 s7, s13  }
0x171: {  	s2 =	sshll.u32 @!p1 s2, $0x4  }
0x172: {  	s8 =	simm.s32 @!p1 $0x0;
	s3 =	sadd.s32 @!p1 s1, s2  }
0x173: {  	[tilespmem:s8], [sflag:$0x1] =	stream.linear.gather @!p1 [hbm4b:s3+s8], $0x2000, $0x38;
	[tilespmem:$0x10280] =	vst v63  }
0x174: {  	s2 =	sadd.s32 @!p1 s14, s2;
	s3 =	simm.s32 @!p1 $0x4000  }
0x175: {  	[tilespmem:s3], [sflag:$0x3] =	stream.linear.gather @!p1 [hbm4b:s2+s8], $0x2000, $0x38;
	[tilespmem:$0x10280] =	vst v63  }
0x176: {  	_ =	swait.ge [sflag:s26], $0x2000  }
0x177: {  	[sflag:s26] =	ssyncset.done $0x0  }
0x178: {  	[sflag:s26] =	ssyncadd.s32 $0xFFFFE000  }
0x179: {  	_ =	swait.ge [sflag:s28], $0x2000  }
0x17a: {  	[sflag:s28] =	ssyncset.done $0x0  }
0x17b: {  	s31 =	sadd.s32 s7, s6;
	s2 =	simm.s32 @!p0 $0x6;
	[sflag:s28] =	ssyncadd.s32 $0xFFFFE000  }
0x17c: {  	s9 =	simm.s32 $0x0;
	s10 =	simm.s32 $0x2070;
	_ =	swait.ge @!p0 [sflag:s2], $0x4000  }
0x17d: {  	s11 =	simm.s32 $0x6070;
	s15 =	simm.s32 $0x0;
	[sflag:s2] =	ssyncset.done @!p0 $0x0  }
0x17e: {  	s17 =	simm.s32 $0x0;
	s8 =	sadd.s32 $0x40, s31;
	[sflag:s2] =	ssyncadd.s32 @!p0 $0xFFFFC000  }
.LBB2_5:
0x17f: {  	v23 =	vld [tilespmem:s10+$0xFFFFFF90]  }
0x180: {  	v24 =	vld [tilespmem:s10+$0xFFFFFFA0];
	_ =	sdelay $0x1  }
0x181: {  	v25 =	vld [tilespmem:s10+$0xFFFFFFB0];
	_ =	sdelay $0x1  }
0x182: {  	v26 =	vld [tilespmem:s10+$0xFFFFFFC0];
	(xrf2) =	vadd.scan.msk.f32 $0xffff, v23  }
0x183: {  	(xrf2) =	vadd.scan.msk.f32 $0xffff, v24  }
0x184: {  	v23 =	vld [tilespmem:s10+$0xFFFFFFD0]  }
0x185: {  	(xrf2) =	vadd.scan.msk.f32 $0xffff, v25  }
0x186: {  	v53 =	vld [tilespmem:s10+$0xFFFFFFE0]  }
0x187: {  	(xrf2) =	vadd.scan.msk.f32 $0xffff, v26  }
0x188: {  	v54 =	vld [tilespmem:s10+$0xFFFFFFF0]  }
0x189: {  	v55 =	vld [tilespmem:s10+$0x0];
	(xrf2) =	vadd.scan.msk.f32 $0xffff, v23;
	_ =	sdelay $0x1  }
0x18a: {  	(xrf2) =	vadd.scan.msk.f32 $0xffff, v53  }
0x18b: {  	v56, _, _ =	vpop (xrf2)  }
0x18c: {  	vm0 =	veq.s32 v2, $0xF;
	(xrf2) =	vadd.scan.msk.f32 $0xffff, v54;
	(v2sf) =	vpush v56, $0xF;
	v29, _, _ =	vpop (xrf2)  }
0x18d: {  	v23 =	vsel vm0, $0x0, v55;
	(v2sf) =	vpush v29, $0xF  }
0x18e: {  	(xrf2) =	vadd.scan.msk.f32 $0xffff, v23;
	v30, _, _ =	vpop (xrf2)  }
0x18f: {  	(v2sf) =	vpush v30, $0xF  }
0x190: {  	v31, _, _ =	vpop (xrf2)  }
0x191: {  	(v2sf) =	vpush v31, $0xF  }
0x192: {  	v28, _, _ =	vpop (xrf2)  }
0x193: {  	(v2sf) =	vpush v28, $0xF  }
0x194: {  	v27, _, _ =	vpop (xrf2)  }
0x195: {  	(v2sf) =	vpush v27, $0xF  }
0x196: {  	v25, _, _ =	vpop (xrf2)  }
0x197: {  	(v2sf) =	vpush v25, $0xF  }
0x198: {  	v23, _, _ =	vpop (xrf2)  }
0x199: {  	(v2sf) =	vpush v23, $0xF;
	_ =	sdelay $0x1  }
0x19a: {  	s29 =	spop (v2sf)  }
0x19b: {  	s25 =	spop (v2sf)  }
0x19c: {  	s2 =	sadd.f32 s25, s29  }
0x19d: {  	s21 =	spop (v2sf)  }
0x19e: {  	s2 =	sadd.f32 s21, s2  }
0x19f: {  	s20 =	spop (v2sf)  }
0x1a0: {  	s2 =	sadd.f32 s20, s2  }
0x1a1: {  	s3 =	spop (v2sf)  }
0x1a2: {  	s30 =	sadd.f32 s3, s2  }
0x1a3: {  	s2 =	spop (v2sf)  }
0x1a4: {  	s31 =	sadd.f32 s2, s30  }
0x1a5: {  	s30 =	spop (v2sf)  }
0x1a6: {  	s31 =	sadd.f32 s30, s31  }
0x1a7: {  	s0 =	spop (v2sf)  }
0x1a8: {  	s0 =	sadd.f32 s0, s31;
	_ =	sdelay $0x1  }
0x1a9: {  	s31 =	ssub.f32 $9.999999740e-06, s0;
	_ =	sdelay $0x1  }
0x1aa: {  	s31 =	smax.f32 s31, $0.0e+00  }
0x1ab: {  	s0 =	sadd.f32 s31, s0;
	_ =	sdelay $0x1  }
0x1ac: {  	v57 =	vmov s0  }
0x1ad: {  	(erf) = vrcp.f32 v57;
	_ =	sdelay $0x1  }
0x1ae: {  	s31 =	smul.f32 $7.874015710e-03, s31;
	_ =	sdelay $0x1  }
0x1af: {  	v26 =	vmul.f32 s31, v4;
	s0 =	smul.f32 $0.0e+00, s31;
	_ =	sdelay $0x1  }
0x1b0: {  	v32 =	vadd.f32 s0, v26;
	_ =	sdelay $0x1  }
0x1b1: {  	v32 =	vadd.f32 v32, v56  }
0x1b2: {  	v24 =	vpop (erf)  }
0x1b3: {  	v32 =	vmul.f32 v32, v24;
	_ =	sdelay $0x1  }
0x1b4: {  	v32 =	vmin.f32 v32, $1.000000000e+00  }
0x1b5: {  	v33 =	vmul.f32 $1.270000000e+02, v32;
	_ =	sdelay $0x1  }
0x1b6: {  	[tilespmem:$0x10180] =	vst v1;
	v34 =	vtrunc.f32 v33  }
0x1b7: {  	[tilespmem:$0x10190] =	vst v0;
	v35 =	vcvt.f32.s32 v34;
	vm13 =	vgt.f32 v33, v34  }
0x1b8: {  	[tilespmem:$0x101A0] =	vst v0;
	v33 =	vsel vm13, $0x1, v0  }
0x1b9: {  	[tilespmem:$0x101B0] =	vst v0;
	v33 =	vadd.s32 v35, v33  }
0x1ba: {  	[tilespmem:$0x101C0] =	vst v0;
	s0 =	sadd.f32 $0.0e+00, s29;
	s29 =	smul.f32 $1.600000000e+01, s31;
	v58 =	vadd.s32 $0xFFFFFFFF, v33  }
0x1bb: {  	[tilespmem:$0x101D0] =	vst v0;
	vm14 =	vgt.s32 v58, $0x0  }
0x1bc: {  	[tilespmem:$0x101E0] =	vst v0;
	s29 =	sadd.f32 s29, s0;
	v59 =	vnsel vm14, $0x0, v58  }
0x1bd: {  	[tilespmem:$0x101F0] =	vst v0  }
0x1be: {  	[tilespmem:$0x10200] =	vst v0;
	v36 =	vadd.f32 s29, v26  }
0x1bf: {  	[tilespmem:v5+s18+$0x0] =	vst.idx.msk $0xffff, v32  }
0x1c0: {  	v29 =	vadd.f32 v36, v29;
	v33 =	vld.idx.msk [tilespmem:v33+s16+$0x0], $0xffff  }
0x1c1: {  	v35 =	vld.idx.msk [tilespmem:v59+s16+$0x0], $0xffff  }
0x1c2: {  	v29 =	vmul.f32 v29, v24;
	_ =	sdelay $0x1  }
0x1c3: {  	v29 =	vmin.f32 v29, $1.000000000e+00  }
0x1c4: {  	v60 =	vmul.f32 $1.270000000e+02, v29  }
0x1c5: {  	vm1 =	vlt.f32 v33, v32;
	vm15 =	vlt.f32 v35, v32  }
0x1c6: {  	v62 =	vtrunc.f32 v60;
	v33 =	vsel vm1, $0x1, v0;
	v61 =	vsel vm15, $0x1, v0  }
0x1c7: {  	v63 =	vcvt.f32.s32 v62;
	vm4 =	vgt.f32 v60, v62;
	v32 =	vadd.s32 v61, v33  }
0x1c8: {  	v36 =	vsel vm4, $0x1, v0;
	v32 =	vadd.s32 v58, v32  }
0x1c9: {  	v33 =	vadd.s32 v63, v36;
	vm5 =	vgt.s32 v32, $0x0  }
0x1ca: {  	v34 =	vadd.s32 $0xFFFFFFFF, v33;
	v32 =	vnsel vm5, $0x0, v32  }
0x1cb: {  	s0 =	sadd.f32 s25, s0;
	s29 =	smul.f32 $3.200000000e+01, s31;
	vm6 =	vgt.s32 v34, $0x0  }
0x1cc: {  	v37 =	vnsel vm6, $0x0, v34  }
0x1cd: {  	s25 =	sadd.f32 s29, s0;
	_ =	sdelay $0x1  }
0x1ce: {  	v38 =	vadd.f32 s25, v26;
	[tilespmem:v32+s24+$0x0] =	vst.idx.add.s32.msk $0xffff, v6  }
0x1cf: {  	[tilespmem:v7+s18+$0x0] =	vst.idx.msk $0xffff, v29  }
0x1d0: {  	v30 =	vadd.f32 v38, v30;
	v35 =	vld.idx.msk [tilespmem:v37+s16+$0x0], $0xffff  }
0x1d1: {  	v39 =	vld.idx.msk [tilespmem:v33+s16+$0x0], $0xffff  }
0x1d2: {  	v30 =	vmul.f32 v30, v24;
	_ =	sdelay $0x1  }
0x1d3: {  	v30 =	vmin.f32 v30, $1.000000000e+00  }
0x1d4: {  	v40 =	vmul.f32 $1.270000000e+02, v30  }
0x1d5: {  	vm7 =	vlt.f32 v35, v29;
	vm8 =	vlt.f32 v39, v29  }
0x1d6: {  	v42 =	vtrunc.f32 v40;
	v41 =	vsel vm7, $0x1, v0;
	v32 =	vsel vm8, $0x1, v0  }
0x1d7: {  	v43 =	vcvt.f32.s32 v42;
	vm9 =	vgt.f32 v40, v42;
	v29 =	vadd.s32 v41, v32  }
0x1d8: {  	v33 =	vsel vm9, $0x1, v0;
	v29 =	vadd.s32 v34, v29  }
0x1d9: {  	v32 =	vadd.s32 v43, v33;
	vm10 =	vgt.s32 v29, $0x0  }
0x1da: {  	v33 =	vadd.s32 $0xFFFFFFFF, v32;
	v29 =	vnsel vm10, $0x0, v29  }
0x1db: {  	s0 =	sadd.f32 s21, s0;
	s25 =	smul.f32 $4.800000000e+01, s31;
	vm11 =	vgt.s32 v33, $0x0  }
0x1dc: {  	v44 =	vnsel vm11, $0x0, v33  }
0x1dd: {  	s21 =	sadd.f32 s25, s0;
	_ =	sdelay $0x1  }
0x1de: {  	v45 =	vadd.f32 s21, v26;
	[tilespmem:v29+s24+$0x0] =	vst.idx.add.s32.msk $0xffff, v6  }
0x1df: {  	[tilespmem:v8+s18+$0x0] =	vst.idx.msk $0xffff, v30  }
0x1e0: {  	v29 =	vadd.f32 v45, v31;
	v34 =	vld.idx.msk [tilespmem:v44+s16+$0x0], $0xffff  }
0x1e1: {  	v46 =	vld.idx.msk [tilespmem:v32+s16+$0x0], $0xffff  }
0x1e2: {  	v29 =	vmul.f32 v29, v24;
	_ =	sdelay $0x1  }
0x1e3: {  	v29 =	vmin.f32 v29, $1.000000000e+00  }
0x1e4: {  	v47 =	vmul.f32 $1.270000000e+02, v29  }
0x1e5: {  	vm12 =	vlt.f32 v34, v30;
	vm13 =	vlt.f32 v46, v30  }
0x1e6: {  	v49 =	vtrunc.f32 v47;
	v48 =	vsel vm12, $0x1, v0;
	v31 =	vsel vm13, $0x1, v0  }
0x1e7: {  	v50 =	vcvt.f32.s32 v49;
	vm14 =	vgt.f32 v47, v49;
	v30 =	vadd.s32 v48, v31  }
0x1e8: {  	v32 =	vsel vm14, $0x1, v0;
	v30 =	vadd.s32 v33, v30  }
0x1e9: {  	s29 =	smul.f32 $6.400000000e+01, s31;
	s0 =	sadd.f32 s20, s0;
	v31 =	vadd.s32 v50, v32;
	vm15 =	vgt.s32 v30, $0x0  }
0x1ea: {  	v32 =	vadd.s32 $0xFFFFFFFF, v31;
	v30 =	vnsel vm15, $0x0, v30  }
0x1eb: {  	s20 =	sadd.f32 s29, s0;
	vm4 =	vgt.s32 v32, $0x0  }
0x1ec: {  	v51 =	vnsel vm4, $0x0, v32  }
0x1ed: {  	v52 =	vadd.f32 s20, v26;
	_ =	sdelay $0x1  }
0x1ee: {  	v28 =	vadd.f32 v52, v28;
	[tilespmem:v30+s24+$0x0] =	vst.idx.add.s32.msk $0xffff, v6  }
0x1ef: {  	[tilespmem:v9+s18+$0x0] =	vst.idx.msk $0xffff, v29  }
0x1f0: {  	v28 =	vmul.f32 v28, v24;
	v33 =	vld.idx.msk [tilespmem:v51+s16+$0x0], $0xffff  }
0x1f1: {  	v53 =	vld.idx.msk [tilespmem:v31+s16+$0x0], $0xffff  }
0x1f2: {  	v28 =	vmin.f32 v28, $1.000000000e+00  }
0x1f3: {  	v54 =	vmul.f32 $1.270000000e+02, v28;
	_ =	sdelay $0x1  }
0x1f4: {  	v55 =	vtrunc.f32 v54;
	vm5 =	vlt.f32 v33, v29  }
0x1f5: {  	v56 =	vcvt.f32.s32 v55;
	vm6 =	vlt.f32 v53, v29;
	v33 =	vsel vm5, $0x1, v0  }
0x1f6: {  	vm7 =	vgt.f32 v54, v55;
	v30 =	vsel vm6, $0x1, v0;
	v32 =	vadd.s32 v33, v32  }
0x1f7: {  	v58 =	vsel vm7, $0x1, v0;
	v57 =	vadd.s32 v30, v32  }
0x1f8: {  	s0 =	sadd.f32 s3, s0;
	s20 =	smul.f32 $8.000000000e+01, s31;
	v30 =	vadd.s32 v56, v58;
	vm8 =	vgt.s32 v57, $0x0  }
0x1f9: {  	v59 =	vadd.s32 $0xFFFFFFFF, v30;
	v29 =	vnsel vm8, $0x0, v57  }
0x1fa: {  	s3 =	sadd.f32 s20, s0;
	vm9 =	vgt.s32 v59, $0x0  }
0x1fb: {  	v60 =	vnsel vm9, $0x0, v59  }
0x1fc: {  	v61 =	vadd.f32 s3, v26;
	_ =	sdelay $0x1  }
0x1fd: {  	v27 =	vadd.f32 v61, v27;
	[tilespmem:v29+s24+$0x0] =	vst.idx.add.s32.msk $0xffff, v6  }
0x1fe: {  	[tilespmem:v10+s18+$0x0] =	vst.idx.msk $0xffff, v28  }
0x1ff: {  	v27 =	vmul.f32 v27, v24;
	v32 =	vld.idx.msk [tilespmem:v60+s16+$0x0], $0xffff  }
0x200: {  	v62 =	vld.idx.msk [tilespmem:v30+s16+$0x0], $0xffff  }
0x201: {  	v27 =	vmin.f32 v27, $1.000000000e+00  }
0x202: {  	v63 =	vmul.f32 $1.270000000e+02, v27;
	_ =	sdelay $0x1  }
0x203: {  	v36 =	vtrunc.f32 v63;
	vm10 =	vlt.f32 v32, v28  }
0x204: {  	v37 =	vcvt.f32.s32 v36;
	vm11 =	vlt.f32 v62, v28;
	v32 =	vsel vm10, $0x1, v0  }
0x205: {  	vm12 =	vgt.f32 v63, v36;
	v29 =	vsel vm11, $0x1, v0;
	v31 =	vadd.s32 v32, v59  }
0x206: {  	v39 =	vsel vm12, $0x1, v0;
	v38 =	vadd.s32 v29, v31  }
0x207: {  	s21 =	smul.f32 $9.600000000e+01, s31;
	s0 =	sadd.f32 s2, s0;
	v29 =	vadd.s32 v37, v39;
	vm13 =	vgt.s32 v38, $0x0  }
0x208: {  	v40 =	vadd.s32 $0xFFFFFFFF, v29;
	v28 =	vnsel vm13, $0x0, v38  }
0x209: {  	s2 =	sadd.f32 s21, s0;
	vm14 =	vgt.s32 v40, $0x0  }
0x20a: {  	v41 =	vnsel vm14, $0x0, v40  }
0x20b: {  	v42 =	vadd.f32 s2, v26;
	_ =	sdelay $0x1  }
0x20c: {  	v25 =	vadd.f32 v42, v25;
	[tilespmem:v28+s24+$0x0] =	vst.idx.add.s32.msk $0xffff, v6  }
0x20d: {  	[tilespmem:v11+s18+$0x0] =	vst.idx.msk $0xffff, v27  }
0x20e: {  	v25 =	vmul.f32 v25, v24;
	v31 =	vld.idx.msk [tilespmem:v41+s16+$0x0], $0xffff  }
0x20f: {  	v43 =	vld.idx.msk [tilespmem:v29+s16+$0x0], $0xffff  }
0x210: {  	v25 =	vmin.f32 v25, $1.000000000e+00  }
0x211: {  	v44 =	vmul.f32 $1.270000000e+02, v25;
	_ =	sdelay $0x1  }
0x212: {  	v45 =	vtrunc.f32 v44;
	vm15 =	vlt.f32 v31, v27  }
0x213: {  	v46 =	vcvt.f32.s32 v45;
	vm4 =	vlt.f32 v43, v27;
	v31 =	vsel vm15, $0x1, v0  }
0x214: {  	vm5 =	vgt.f32 v44, v45;
	v28 =	vsel vm4, $0x1, v0;
	v30 =	vadd.s32 v31, v40  }
0x215: {  	v48 =	vsel vm5, $0x1, v0;
	v47 =	vadd.s32 v28, v30  }
0x216: {  	s25 =	smul.f32 $1.120000000e+02, s31;
	s0 =	sadd.f32 s30, s0;
	v28 =	vadd.s32 v46, v48;
	vm6 =	vgt.s32 v47, $0x0  }
0x217: {  	v49 =	vadd.s32 $0xFFFFFFFF, v28;
	v27 =	vnsel vm6, $0x0, v47  }
0x218: {  	s0 =	sadd.f32 s25, s0;
	vm7 =	vgt.s32 v49, $0x0  }
0x219: {  	v50 =	vnsel vm7, $0x0, v49  }
0x21a: {  	v26 =	vadd.f32 s0, v26;
	_ =	sdelay $0x1  }
0x21b: {  	v23 =	vadd.f32 v26, v23;
	[tilespmem:v27+s24+$0x0] =	vst.idx.add.s32.msk $0xffff, v6  }
0x21c: {  	[tilespmem:v12+s18+$0x0] =	vst.idx.msk $0xffff, v25  }
0x21d: {  	v23 =	vmul.f32 v23, v24;
	v27 =	vld.idx.msk [tilespmem:v50+s16+$0x0], $0xffff  }
0x21e: {  	v51 =	vld.idx.msk [tilespmem:v28+s16+$0x0], $0xffff  }
0x21f: {  	v23 =	vmin.f32 v23, $1.000000000e+00  }
0x220: {  	v52 =	vmul.f32 $1.270000000e+02, v23;
	_ =	sdelay $0x1  }
0x221: {  	v53 =	vtrunc.f32 v52;
	vm8 =	vlt.f32 v27, v25  }
0x222: {  	v54 =	vcvt.f32.s32 v53;
	vm9 =	vlt.f32 v51, v25;
	v27 =	vsel vm8, $0x1, v0  }
0x223: {  	vm10 =	vgt.f32 v52, v53;
	v26 =	vsel vm9, $0x1, v0;
	v27 =	vadd.s32 v27, v49  }
0x224: {  	v25 =	vsel vm10, $0x1, v0;
	v55 =	vadd.s32 v26, v27  }
0x225: {  	v25 =	vadd.s32 v54, v25;
	vm11 =	vgt.s32 v55, $0x0  }
0x226: {  	v56 =	vadd.s32 $0xFFFFFFFF, v25;
	v24 =	vnsel vm11, $0x0, v55  }
0x227: {  	vm12 =	vgt.s32 v56, $0x0  }
0x228: {  	v57 =	vnsel vm12, $0x0, v56;
	_ =	sdelay $0x2  }
0x229: {  	[tilespmem:v24+s24+$0x0] =	vst.idx.add.s32.msk $0xffff, v6  }
0x22a: {  	[tilespmem:v13+s18+$0x0] =	vst.idx.msk $0xffff, v23  }
0x22b: {  	v24 =	vld.idx.msk [tilespmem:v57+s16+$0x0], $0xffff  }
0x22c: {  	v25 =	vld.idx.msk [tilespmem:v25+s16+$0x0], $0xffff;
	_ =	sdelay $0x3  }
0x22d: {  	vm13 =	vlt.f32 v24, v23  }
0x22e: {  	vm14 =	vlt.f32 v25, v23;
	v24 =	vsel vm13, $0x1, v0  }
0x22f: {  	v58 =	vsel vm14, $0x1, v0;
	v23 =	vadd.s32 v24, v56  }
0x230: {  	v23 =	vadd.s32 v58, v23  }
0x231: {  	vm15 =	vgt.s32 v23, $0x0  }
0x232: {  	v23 =	vnsel vm15, $0x0, v23;
	_ =	sdelay $0x4  }
0x233: {  	[tilespmem:v23+s24+$0x0] =	vst.idx.add.s32.msk $0x7fff, v6  }
0x234: {  	v23 =	vld [tilespmem:$0x10180]  }
0x235: {  	v59 =	vld [tilespmem:$0x10190];
	_ =	sdelay $0x3  }
0x236: {  	(xrf0) =	vadd.scan.msk.s32 $0xffff, v23  }
0x237: {  	(xrf0) =	vadd.scan.msk.s32 $0xffff, v59  }
0x238: {  	v23 =	vld [tilespmem:$0x101A0];
	_ =	sdelay $0x3  }
0x239: {  	v60, _, _ =	vpop (xrf0)  }
0x23a: {  	v61 =	vadd.s32 $0xFFFFFFFF, v60;
	(v2sf) =	vpush v60, $0xF;
	v62, _, _ =	vpop (xrf0);
	(xrf0) =	vadd.scan.msk.s32 $0xffff, v23;
	vm5 =	vlt.s32 v60, $0x7F;
	v23 =	vld [tilespmem:$0x101B0]  }
0x23b: {  	vm4 =	vgt.s32 v61, $0x0;
	(v2sf) =	vpush v62, $0xF;
	v63 =	vnsel vm5, $0x7F, v60  }
0x23c: {  	v25 =	vnsel vm4, $0x0, v61;
	_ =	sdelay $0x1  }
0x23d: {  	v39 =	vld [tilespmem:$0x101C0]  }
0x23e: {  	(xrf0) =	vadd.scan.msk.s32 $0xffff, v23;
	v23 =	vld [tilespmem:$0x101D0]  }
0x23f: {  	v42 =	vld.idx.msk [tilespmem:v63+s18+$0x0], $0xffff  }
0x240: {  	v41, _, _ =	vpop (xrf0);
	v40 =	vld.idx.msk [tilespmem:v25+s18+$0x0], $0xffff  }
0x241: {  	v24 =	vbroadcast v60, $0xF;
	(v2sf) =	vpush v41, $0xF  }
0x242: {  	(xrf0) =	vadd.scan.msk.s32 $0xffff, v39  }
0x243: {  	v24 =	vadd.s32 v24, v62  }
0x244: {  	v43 =	vld [tilespmem:$0x101E0];
	v38 =	vand.u32 $0xFFFFFF80, v63;
	v26 =	vadd.s32 $0xFFFFFFFF, v24;
	vm8 =	vlt.s32 v24, $0x7F  }
0x245: {  	vm7 =	vgt.s32 v26, $0x0;
	v24 =	vnsel vm8, $0x7F, v24;
	(xrf0) =	vadd.scan.msk.s32 $0xffff, v23;
	v45, _, _ =	vpop (xrf0);
	v44 =	vsub.f32 v42, v40  }
0x246: {  	v27 =	vand.u32 $0x7F, v63;
	v46 =	vnsel vm7, $0x0, v26;
	(v2sf) =	vpush v45, $0xF  }
0x247: {  	v54 =	vand.u32 $0x7FFFFF80, v25;
	v59 =	vand.u32 $0xFFFFFF80, v24;
	vm6 =	vlt.f32 v44, $9.999999740e-06  }
0x248: {  	s31 =	sshll.u32 s17, $0x7;
	v28 =	vand.u32 $0x7F, v46;
	v25 =	vand.u32 $0x7F, v25;
	v47, _, _ =	vpop (xrf0);
	s29 =	spop (v2sf);
	v23 =	vsel vm6, $0x3F800000, v44  }
0x249: {  	(xrf0) =	vadd.scan.msk.s32 $0xffff, v43;
	(v2sf) =	vpush v47, $0xF;
	s30 =	spop (v2sf);
	(erf) = vrcp.f32 v23;
	v23 =	vmov s31  }
0x24a: {  	v53 =	vld.idx.msk [tilespmem:v24+s18+$0x0], $0xffff;
	v24 =	vand.u32 $0x7F, v24;
	v29 =	vsub.f32 v15, v40;
	s0 =	sadd.s32 s29, s30;
	v50 =	vadd.s32 $0x2000, v23  }
0x24b: {  	v40 =	vand.u32 $0x7FFFFF80, v46;
	v49, _, _ =	vpop (xrf0);
	v23 =	vld.idx.msk [tilespmem:v46+s18+$0x0], $0xffff;
	v30 =	vadd.s32 s0, v41;
	v26 =	vbroadcast v50, $0x0  }
0x24c: {  	(v2sf) =	vpush v49, $0xF;
	v48 =	vadd.s32 $0xFFFFFFFF, v30;
	vm10 =	vlt.s32 v30, $0x7F  }
0x24d: {  	vm9 =	vgt.s32 v48, $0x0;
	v37 =	vnsel vm10, $0x7F, v30;
	v30 =	vadd.s32 v26, v54  }
0x24e: {  	v38 =	vadd.s32 v26, v38;
	v40 =	vadd.s32 v26, v40;
	v51 =	vnsel vm9, $0x0, v48  }
0x24f: {  	v52, _, _ =	vpop (xrf0);
	v39 =	vor.u32 v25, v30;
	v38 =	vor.u32 v27, v38;
	v40 =	vor.u32 v28, v40  }
0x250: {  	v43 =	vand.u32 $0xFFFFFF80, v37;
	s3 =	spop (v2sf);
	(v2sf) =	vpush v52, $0xF;
	v57 =	vsub.f32 v53, v23  }
0x251: {  	v61 =	vand.u32 $0x7FFFFF80, v51;
	v35 =	vand.u32 $0x7F, v51;
	v62 =	vadd.s32 v26, v43;
	s0 =	sadd.s32 s3, s0  }
0x252: {  	v23 =	vsub.f32 v16, v23;
	v31 =	vadd.s32 s0, v45;
	vm13 =	vlt.f32 v57, $9.999999740e-06;
	v58 =	vld.idx.msk [tilespmem:v37+s18+$0x0], $0xffff  }
0x253: {  	v55 =	vpop (erf);
	v56 =	vadd.s32 $0xFFFFFFFF, v31;
	vm12 =	vlt.s32 v31, $0x7F;
	v42 =	vsel vm13, $0x3F800000, v57;
	v27 =	vld.idx.msk [tilespmem:v51+s18+$0x0], $0xffff  }
0x254: {  	v37 =	vand.u32 $0x7F, v37;
	v25 =	vmul.f32 v55, v29;
	vm11 =	vgt.s32 v56, $0x0;
	v39 =	vld.idx.msk [tilespmem:v39+s19+$0x0], $0xffff  }
0x255: {  	v30 =	vnsel vm12, $0x7F, v31;
	(erf) = vrcp.f32 v42;
	v42 =	vadd.s32 v26, v61;
	v38 =	vld.idx.msk [tilespmem:v38+s19+$0x0], $0xffff;
	s20 =	spop (v2sf)  }
0x256: {  	v29 =	vadd.s32 v26, v59;
	v41 =	vnsel vm11, $0x0, v56;
	v31 =	vor.u32 v35, v42;
	s0 =	sadd.s32 s20, s0  }
0x257: {  	v35 =	vor.u32 v37, v62;
	v24 =	vor.u32 v24, v29;
	v32 =	vadd.s32 s0, v47  }
0x258: {  	v54 =	vand.u32 $0x7FFFFF80, v41;
	s21 =	spop (v2sf);
	v45 =	vadd.s32 $0xFFFFFFFF, v32;
	vm4 =	vlt.s32 v32, $0x7F  }
0x259: {  	v34 =	vsub.f32 v58, v27;
	s0 =	sadd.s32 s21, s0;
	vm15 =	vgt.s32 v45, $0x0;
	v32 =	vnsel vm4, $0x7F, v32  }
0x25a: {  	v60 =	vld [tilespmem:$0x101F0];
	v38 =	vsub.f32 v38, v39;
	v27 =	vsub.f32 v17, v27;
	v33 =	vadd.s32 s0, v49  }
0x25b: {  	v28 =	vld.idx.msk [tilespmem:v41+s18+$0x0], $0xffff;
	v45 =	vnsel vm15, $0x0, v45;
	v41 =	vand.u32 $0x7F, v41;
	v50 =	vand.u32 $0xFFFFFF80, v32  }
0x25c: {  	vm14 =	vlt.f32 v34, $9.999999740e-06;
	v46 =	vadd.s32 $0xFFFFFFFF, v33;
	vm6 =	vlt.s32 v33, $0x7F  }
0x25d: {  	s25 =	spop (v2sf);
	v48 =	vand.u32 $0x7FFFFF80, v45;
	v50 =	vadd.s32 v26, v50;
	v25 =	vmul.f32 v25, v38  }
0x25e: {  	s0 =	sadd.s32 s25, s0;
	v34 =	vsel vm14, $0x3F800000, v34;
	vm5 =	vgt.s32 v46, $0x0;
	v33 =	vnsel vm6, $0x7F, v33  }
0x25f: {  	v44 =	vld.idx.msk [tilespmem:v30+s18+$0x0], $0xffff;
	v36 =	vadd.s32 s0, v52;
	v48 =	vadd.s32 v26, v48;
	v52 =	vand.u32 $0xFFFFFF80, v30  }
0x260: {  	(xrf0) =	vadd.scan.msk.s32 $0xffff, v60;
	v30 =	vand.u32 $0x7F, v30;
	v63 =	vnsel vm5, $0x0, v46;
	(erf) = vrcp.f32 v34  }
0x261: {  	v55 =	vadd.s32 $0xFFFFFFFF, v36;
	v34 =	vadd.s32 v26, v54;
	vm9 =	vlt.s32 v36, $0x7F  }
0x262: {  	v52 =	vadd.s32 v26, v52;
	v62 =	vand.u32 $0xFFFFFF80, v33;
	v25 =	vadd.f32 v25, v39  }
0x263: {  	v56 =	vld.idx.msk [tilespmem:v32+s18+$0x0], $0xffff;
	vm8 =	vgt.s32 v55, $0x0;
	v34 =	vor.u32 v41, v34;
	v36 =	vnsel vm9, $0x7F, v36  }
0x264: {  	v32 =	vand.u32 $0x7F, v32;
	v53 =	vsub.f32 v44, v28;
	v43 =	vld.idx.msk [tilespmem:v45+s18+$0x0], $0xffff;
	v44 =	vnsel vm8, $0x0, v55  }
0x265: {  	v58 =	vand.u32 $0x7FFFFF80, v63;
	v42 =	vand.u32 $0x7F, v63;
	v30 =	vor.u32 v30, v52;
	s29 =	spop (v2sf)  }
0x266: {  	v47, _, _ =	vpop (xrf0);
	v45 =	vand.u32 $0x7F, v45;
	v32 =	vor.u32 v32, v50;
	v61 =	vand.u32 $0xFFFFFF80, v36;
	s0 =	sadd.s32 s29, s0;
	v57 =	vld.idx.msk [tilespmem:v33+s18+$0x0], $0xffff  }
0x267: {  	v45 =	vor.u32 v45, v48;
	vm7 =	vlt.f32 v53, $9.999999740e-06;
	v47 =	vadd.s32 s0, v47;
	v41 =	vld.idx.msk [tilespmem:v63+s18+$0x0], $0xffff  }
0x268: {  	v37 =	vsel vm7, $0x3F800000, v53;
	v49 =	vadd.s32 $0xFFFFFFFF, v47;
	vm11 =	vlt.s32 v47, $0x7F;
	v51 =	vld.idx.msk [tilespmem:v36+s18+$0x0], $0xffff  }
0x269: {  	vm10 =	vgt.s32 v49, $0x0;
	v47 =	vnsel vm11, $0x7F, v47;
	v46 =	vsub.f32 v56, v43;
	v48 =	vld.idx.msk [tilespmem:v44+s18+$0x0], $0xffff  }
0x26a: {  	v59 =	vand.u32 $0x7FFFFF80, v44;
	(erf) = vrcp.f32 v37;
	v49 =	vnsel vm10, $0x0, v49  }
0x26b: {  	v40 =	vld.idx.msk [tilespmem:v40+s19+$0x0], $0xffff;
	v36 =	vand.u32 $0x7F, v36;
	v44 =	vand.u32 $0x7F, v44;
	vm12 =	vlt.f32 v46, $9.999999740e-06  }
0x26c: {  	v31 =	vld.idx.msk [tilespmem:v31+s19+$0x0], $0xffff;
	v54 =	vand.u32 $0xFFFFFF80, v47;
	v37 =	vsub.f32 v57, v41;
	v46 =	vsel vm12, $0x3F800000, v46  }
0x26d: {  	v24 =	vld.idx.msk [tilespmem:v24+s19+$0x0], $0xffff;
	v63 =	vand.u32 $0x7FFFFF80, v49;
	(erf) = vrcp.f32 v46;
	v46 =	vadd.s32 v26, v58  }
0x26e: {  	v60 =	vld.idx.msk [tilespmem:v47+s18+$0x0], $0xffff;
	v47 =	vand.u32 $0x7F, v47;
	vm13 =	vlt.f32 v37, $9.999999740e-06;
	v51 =	vsub.f32 v51, v48  }
0x26f: {  	v50 =	vld.idx.msk [tilespmem:v49+s18+$0x0], $0xffff;
	v42 =	vor.u32 v42, v46;
	v49 =	vand.u32 $0x7F, v49;
	v37 =	vsel vm13, $0x3F800000, v37  }
0x270: {  	v35 =	vld.idx.msk [tilespmem:v35+s19+$0x0], $0xffff;
	(erf) = vrcp.f32 v37;
	v37 =	vadd.s32 v26, v59;
	vm14 =	vlt.f32 v51, $9.999999740e-06  }
0x271: {  	v34 =	vld.idx.msk [tilespmem:v34+s19+$0x0], $0xffff;
	v37 =	vor.u32 v44, v37;
	v44 =	vadd.s32 v26, v61;
	v51 =	vsel vm14, $0x3F800000, v51  }
0x272: {  	v30 =	vld.idx.msk [tilespmem:v30+s19+$0x0], $0xffff;
	v36 =	vor.u32 v36, v44;
	(erf) = vrcp.f32 v51;
	v51 =	vadd.s32 v26, v63  }
0x273: {  	v32 =	vld.idx.msk [tilespmem:v32+s19+$0x0], $0xffff;
	v44 =	vadd.s32 v26, v62;
	v26 =	vadd.s32 v26, v54;
	v49 =	vor.u32 v49, v51  }
0x274: {  	v24 =	vsub.f32 v24, v40;
	v55 =	vpop (erf);
	v33 =	vand.u32 $0x7F, v33;
	v45 =	vld.idx.msk [tilespmem:v45+s19+$0x0], $0xffff;
	v26 =	vor.u32 v47, v26  }
0x275: {  	v23 =	vmul.f32 v55, v23;
	v46 =	vsub.f32 v60, v50;
	v42 =	vld.idx.msk [tilespmem:v42+s19+$0x0], $0xffff;
	v33 =	vor.u32 v33, v44  }
0x276: {  	v35 =	vsub.f32 v35, v31;
	v28 =	vsub.f32 v18, v28;
	v25 =	vperm.xlane v25, v14;
	v56 =	vpop (erf);
	v37 =	vld.idx.msk [tilespmem:v37+s19+$0x0], $0xffff  }
0x277: {  	v23 =	vmul.f32 v23, v24;
	v27 =	vmul.f32 v56, v27;
	v59 =	vpop (erf);
	vm15 =	vlt.f32 v46, $9.999999740e-06;
	v57 =	vld.idx.msk [tilespmem:v36+s19+$0x0], $0xffff  }
0x278: {  	v30 =	vsub.f32 v30, v34;
	v28 =	vmul.f32 v59, v28;
	v46 =	vsel vm15, $0x3F800000, v46;
	v58 =	vld.idx.msk [tilespmem:v49+s19+$0x0], $0xffff  }
0x279: {  	v23 =	vadd.f32 v23, v40;
	v62 =	vsub.f32 v19, v43;
	(erf) = vrcp.f32 v46;
	v26 =	vld.idx.msk [tilespmem:v26+s19+$0x0], $0xffff  }
0x27a: {  	v27 =	vmul.f32 v27, v35;
	v32 =	vsub.f32 v32, v45;
	v28 =	vmul.f32 v28, v30;
	v60 =	vpop (erf);
	v33 =	vld.idx.msk [tilespmem:v33+s19+$0x0], $0xffff  }
0x27b: {  	v51 =	vsub.f32 v20, v41;
	v49 =	vsub.f32 v22, v50;
	v50 =	vmul.f32 v60, v62;
	v60 =	vld [tilespmem:s11+$0xFFFFFFD0]  }
0x27c: {  	v23 =	vperm.xlane v23, v14;
	v27 =	vadd.f32 v27, v31;
	v28 =	vadd.f32 v28, v34;
	v62 =	vld [tilespmem:s11+$0xFFFFFFF0];
	v61 =	vpop (erf)  }
0x27d: {  	v63 =	vsub.f32 v21, v48;
	v35 =	vmul.f32 v61, v51;
	v32 =	vmul.f32 v50, v32;
	v61 =	vld [tilespmem:s11+$0xFFFFFFE0]  }
0x27e: {  	v59 =	vld [tilespmem:s11+$0xFFFFFFC0];
	v27 =	vperm.xlane v27, v14;
	v28 =	vperm.xlane v28, v14;
	v48 =	vpop (erf);
	v29 =	vsub.f32 v57, v37  }
0x27f: {  	v52 =	vmul.f32 v48, v63;
	v57 =	vadd.f32 v32, v45;
	v63 =	vld [tilespmem:s11+$0x0];
	v26 =	vsub.f32 v26, v58  }
0x280: {  	v33 =	vsub.f32 v33, v42;
	v46 =	vmin.f32 v60, v28;
	v28 =	vmax.f32 v60, v28  }
0x281: {  	v48 =	vmin.f32 v62, v23;
	v23 =	vmax.f32 v62, v23;
	v29 =	vmul.f32 v52, v29  }
0x282: {  	v55 =	vld [tilespmem:s11+$0xFFFFFFA0];
	v24 =	vperm.xlane v57, v14;
	v33 =	vmul.f32 v35, v33;
	v47 =	vmin.f32 v61, v27;
	v53 =	vpop (erf)  }
0x283: {  	v27 =	vmax.f32 v61, v27;
	v29 =	vadd.f32 v29, v37;
	v31 =	vmul.f32 v53, v49  }
0x284: {  	v45 =	vmin.f32 v59, v24;
	v24 =	vmax.f32 v59, v24;
	v49 =	vmin.f32 v63, v25  }
0x285: {  	v56 =	vld [tilespmem:s11+$0xFFFFFFB0];
	v25 =	vmax.f32 v63, v25;
	v29 =	vperm.xlane v29, v14;
	v26 =	vmul.f32 v31, v26  }
0x286: {  	v54 =	vld [tilespmem:s11+$0xFFFFFF90];
	v53 =	vmin.f32 v45, v49;
	v57 =	vmin.f32 v24, v25;
	v24 =	vmax.f32 v24, v25  }
0x287: {  	v43 =	vmin.f32 v55, v29;
	v26 =	vadd.f32 v26, v58;
	v58 =	vadd.f32 v33, v42  }
0x288: {  	v29 =	vmax.f32 v55, v29;
	v51 =	vmin.f32 v43, v47;
	v31 =	vmax.f32 v43, v47  }
0x289: {  	v55 =	vmin.f32 v29, v27;
	v26 =	vperm.xlane v26, v14;
	v32 =	vperm.xlane v58, v14  }
0x28a: {  	v27 =	vmax.f32 v29, v27;
	v59 =	vmin.f32 v51, v53;
	v36 =	vmax.f32 v51, v53  }
0x28b: {  	v42 =	vmin.f32 v54, v26;
	v26 =	vmax.f32 v54, v26;
	v44 =	vmin.f32 v56, v32  }
0x28c: {  	v30 =	vmax.f32 v56, v32;
	v32 =	vmax.f32 v45, v49;
	v50 =	vmin.f32 v42, v46  }
0x28d: {  	v33 =	vmax.f32 v42, v46;
	v52 =	vmin.f32 v44, v48;
	v35 =	vmax.f32 v44, v48  }
0x28e: {  	v54 =	vmin.f32 v26, v28;
	v26 =	vmax.f32 v26, v28;
	v58 =	vmin.f32 v50, v52  }
0x28f: {  	v56 =	vmin.f32 v30, v23;
	v23 =	vmax.f32 v30, v23;
	v61 =	vmin.f32 v58, v59  }
0x290: {  	v60 =	vmax.f32 v50, v52;
	v62 =	vmax.f32 v58, v59;
	(xrf1) =	vsort.ascd.msk.f32 $0xffff, v61, v61  }
0x291: {  	v40 =	vmin.f32 v31, v32;
	v39 =	vmin.f32 v60, v36;
	(xrf1) =	vsort.ascd.msk.f32 $0xffff, v62, v62  }
0x292: {  	v63 =	vmin.f32 v33, v35;
	v25 =	vmax.f32 v60, v36;
	(xrf1) =	vsort.ascd.msk.f32 $0xffff, v39, v39  }
0x293: {  	v42 =	vmax.f32 v31, v32;
	v41 =	vmin.f32 v63, v40;
	(xrf1) =	vsort.ascd.msk.f32 $0xffff, v25, v25  }
0x294: {  	v33 =	vmax.f32 v33, v35;
	v43 =	vmax.f32 v63, v40;
	(xrf1) =	vsort.ascd.msk.f32 $0xffff, v41, v41  }
0x295: {  	v46 =	vmin.f32 v55, v57;
	v45 =	vmin.f32 v33, v42;
	(xrf1) =	vsort.ascd.msk.f32 $0xffff, v43, v43  }
0x296: {  	v44 =	vmin.f32 v54, v56;
	v25 =	vmax.f32 v33, v42;
	(xrf1) =	vsort.ascd.msk.f32 $0xffff, v45, v45  }
0x297: {  	v48 =	vmax.f32 v55, v57;
	v47 =	vmin.f32 v44, v46;
	(xrf1) =	vsort.ascd.msk.f32 $0xffff, v25, v25  }
0x298: {  	v29 =	vmax.f32 v54, v56;
	v49 =	vmax.f32 v44, v46;
	(xrf1) =	vsort.ascd.msk.f32 $0xffff, v47, v47  }
0x299: {  	v50 =	vmin.f32 v26, v23;
	v51 =	vmin.f32 v29, v48;
	(xrf1) =	vsort.ascd.msk.f32 $0xffff, v49, v49  }
0x29a: {  	v52 =	vmin.f32 v27, v24;
	v25 =	vmax.f32 v29, v48;
	(xrf1) =	vsort.ascd.msk.f32 $0xffff, v51, v51  }
0x29b: {  	v23 =	vmax.f32 v26, v23;
	v53 =	vmin.f32 v50, v52;
	(xrf1) =	vsort.ascd.msk.f32 $0xffff, v25, v25  }
0x29c: {  	v24 =	vmax.f32 v27, v24;
	v54 =	vmax.f32 v50, v52;
	(xrf1) =	vsort.ascd.msk.f32 $0xffff, v53, v53  }
0x29d: {  	s31 =	sand.u32 $0x380, s9;
	s30 =	sand.u32 $0x3800, s15;
	v55 =	vmin.f32 v23, v24;
	v23 =	vmax.f32 v23, v24;
	(xrf1) =	vsort.ascd.msk.f32 $0xffff, v54, v54  }
0x29e: {  	s0 =	sor.u32 s31, s30;
	v56, _, _ =	vpop (xrf1);
	(xrf1) =	vsort.ascd.msk.f32 $0xffff, v55, v55  }
0x29f: {  	[tilespmem:s0+$0xC000] =	vst v56;
	v57, _, _ =	vpop (xrf1);
	(xrf1) =	vsort.ascd.msk.f32 $0xffff, v23, v23  }
0x2a0: {  	v23, _, _ =	vpop (xrf1);
	[tilespmem:s0+$0xC010] =	vst v57  }
0x2a1: {  	v58, _, _ =	vpop (xrf1);
	[tilespmem:s0+$0xC020] =	vst v23  }
0x2a2: {  	v23, _, _ =	vpop (xrf1);
	[tilespmem:s0+$0xC030] =	vst v58  }
0x2a3: {  	v59, _, _ =	vpop (xrf1);
	[tilespmem:s0+$0xC040] =	vst v23  }
0x2a4: {  	v23, _, _ =	vpop (xrf1);
	[tilespmem:s0+$0xC050] =	vst v59  }
0x2a5: {  	v60, _, _ =	vpop (xrf1);
	[tilespmem:s0+$0xC060] =	vst v23  }
0x2a6: {  	v23, _, _ =	vpop (xrf1);
	[tilespmem:s0+$0xC070] =	vst v60  }
0x2a7: {  	v61, _, _ =	vpop (xrf1);
	[tilespmem:s0+$0xC400] =	vst v23  }
0x2a8: {  	v23, _, _ =	vpop (xrf1);
	[tilespmem:s0+$0xC410] =	vst v61  }
0x2a9: {  	p0 =	sne.s32 s17, $0x3F;
	v62, _, _ =	vpop (xrf1);
	[tilespmem:s0+$0xC420] =	vst v23  }
.Ltmp3:
0x2aa: {  	v23, _, _ =	vpop (xrf1);
	[tilespmem:s0+$0xC430] =	vst v62;
	(pc) =	sbr.rel @p0 .LBB2_5-.Ltmp3, $4  }
0x2ab: {  	v63, _, _ =	vpop (xrf1);
	[tilespmem:s0+$0xC440] =	vst v23  }
0x2ac: {  	v23, _, _ =	vpop (xrf1);
	[tilespmem:s0+$0xC450] =	vst v63  }
0x2ad: {  	s10 =	sadd.s32 $0x80, s10;
	s17 =	sadd.s32 $0x1, s17;
	[tilespmem:s0+$0xC460] =	vst v23;
	v23, _, _ =	vpop (xrf1)  }
0x2ae: {  	s9 =	sadd.s32 $0x80, s9;
	s15 =	sadd.s32 $0x100, s15;
	s11 =	sadd.s32 $0x80, s11;
	[tilespmem:s0+$0xC470] =	vst v23  }
.Ltmp4:
0x2af: {  	(pc) =	sbr.rel @p1 .LBB2_8-.Ltmp4, $4  }
0x2b0: {  	_ = 	snop  }
0x2b1: {  	s0 =	sshll.u32 s8, $0x5;
	s2 =	rddreg [dreg:$0x3]  }
0x2b2: {  	s31 =	simm.s32 $0xC000;
	s0 =	sadd.s32 s2, s0  }
0x2b3: {  	[hbm4b:s0+s5] =	stream.linear.scatter [tilespmem:s31], [sflag:$0x6], $0x4000, $0x38;
	[tilespmem:$0x10280] =	vst v63  }
0x2b4: {  	s0 =	rddreg [dreg:$0xa]  }
0x2b5: {  	s0 =	sadd.s32 s7, s0  }
.Ltmp5:
0x2b6: {  	s0 =	sshll.u32 s0, $0x4;
	(pc) =	sbr.rel .LBB2_2-.Ltmp5, $4  }
0x2b7: {  	s3 =	simm.s32 $0x2000;
	s2 =	sadd.s32 s1, s0  }
0x2b8: {  	[tilespmem:s3], [sflag:$0x2] =	stream.linear.gather [hbm4b:s2+s5], $0x2000, $0x38;
	[tilespmem:$0x10280] =	vst v63  }
0x2b9: {  	s31 =	simm.s32 $0x6000;
	s4 =	sadd.s32 $0x1, s4;
	s0 =	sadd.s32 s14, s0  }
0x2ba: {  	[tilespmem:s31], [sflag:$0x4] =	stream.linear.gather [hbm4b:s0+s5], $0x2000, $0x38;
	[tilespmem:$0x10280] =	vst v63  }
.LBB2_9:
0x2bb: {  	_ =	sfence.sel $0x180000  }
0x2bc: {  	[bflag:$0x0] =	sbarrier.arrive $0xFFFF  }
0x2bd: {  	_ =	strace $0x90000047  }
0x2be: {  	s0 =	stileid.u32;
	[bflag:$0x2] =	sbarrier.arrive $0xFFFF  }
0x2bf: {  	p0 =	sne.s32 s0, $0x0;
	s0 =	rddreg [dreg:$0x4]  }
0x2c0: {  	s0 =	sadd.s32 @!p0 $0x100000, s0  }
0x2c1: {  	[sflag:s0] =	ssyncadd.tile.s32 @!p0 $0x1;
	_ =	shalt  }
.Lfunc_end2:
_tile_overlayer_lowered:
.L_overlay_start_2:
0x2c2: {  	(tag) =	ssettag $0x2  }
0x2c3: {  	s0 =	rddreg [dreg:$0x0];
	s2 =	stileid.u32  }
0x2c4: {  	s1 =	rddreg [dreg:$0x1];
	p0 =	sne.s32 s2, $0x0  }
0x2c5: {  	s3 =	rddreg [dreg:$0x2];
	[bflag:$0x3] =	sbarrier.arrive $0xFFFF;
	s2 =	simm.s32 @!p0 $0x1C07  }
0x2c6: {  	[timem:s3], [sflag:s2] =	dma.local @!p0 [hbm:s0], s1  }
0x2c7: {  	s0 =	simm.s32 @!p0 $0x7  }
0x2c8: {  	_ =	swait.ge @!p0 [sflag:s0], s1  }
0x2c9: {  	s1 =	ssub.s32 @!p0 $0x0, s1;
	[sflag:s0] =	ssyncset.done @!p0 $0x0  }
0x2ca: {  	[sflag:s0] =	ssyncadd.s32 @!p0 s1  }
0x2cb: {  	[bflag:$0x3] =	sbarrier.arrive $0xFFFF  }
0x2cc: {  	_ =	shalt  }

</sc_bundles>
